<compile_context>
chip_gen: v7x
topology: tpu7x:2x2x1
jax: 0.10.2.dev20260603
libtpu: 0.0.44.dev20260713+nightly
codegen_flags: <defaults>
</compile_context>

<pallas_src>
import functools

import jax
import jax.numpy as jnp
from jax import lax
from jax.experimental import pallas as pl
from jax.experimental.pallas import tpu as pltpu
from jax.experimental.pallas import tpu_sc as plsc

_B = 4096
_K = 50
_T = 2.0
_VP = 1 << 20
_NC, _NS = 2, 16
_NW = _NC * _NS
_CH2 = _VP // _NS
_EP = (_B * _K) // _NW
_CHUNK = 128
_GRP = 10


def _gather_pairs(bidx_hbm, tidx_hbm, slog_hbm, ta_hbm, tb_hbm,
                  pos_hbm, sval_hbm,
                  bidx_v, tidx_v, pos_v, cpack_v, cbuf_v, sval_v, tbuf_v,
                  psem, vsem):
    cid = lax.axis_index("c")
    sid = lax.axis_index("s")
    wid = sid * _NC + cid
    base = pl.multiple_of(wid * _EP, 8)
    row0 = wid * (_B // _NW)
    lane = lax.iota(jnp.int32, 16)
    ngrp = _EP // (_CHUNK * _GRP)
    pltpu.sync_copy(tidx_hbm.at[pl.ds(base, _EP)], tidx_v)
    pltpu.sync_copy(bidx_hbm, bidx_v)

    neg1 = jnp.full((16,), -1, jnp.int32)
    half = _CH2 // 2
    for h in range(2):
        hbase = pl.multiple_of(sid * _CH2 + h * half, half)

        def memset(i, c):
            for b in range(8):
                tbuf_v[pl.ds((i * 8 + b) * 16, 16)] = neg1
            return c
        lax.fori_loop(0, half // 128, memset, 0)

        def scat(i, c):
            g = bidx_v[pl.ds(i * 16, 16)]
            m = (g >= hbase) & (g < hbase + half)
            plsc.store_scatter(tbuf_v, [g - hbase], lane + i * 16, mask=m)
            return c
        lax.fori_loop(0, _B // 16, scat, 0)

        @pl.when(cid == 0)
        def _():
            pltpu.sync_copy(tbuf_v, ta_hbm.at[pl.ds(hbase, half)])

        @pl.when(cid == 1)
        def _():
            pltpu.sync_copy(tbuf_v, tb_hbm.at[pl.ds(hbase, half)])

    plsc.subcore_barrier()

    def fire_pos(g):
        for b in range(_GRP):
            off = pl.multiple_of((g * _GRP + b) * _CHUNK, _CHUNK)

            @pl.when(cid == 0)
            def _():
                pltpu.async_copy(ta_hbm.at[tidx_v.at[pl.ds(off, _CHUNK)]],
                                 pos_v.at[pl.ds(off, _CHUNK)], psem)

            @pl.when(cid == 1)
            def _():
                pltpu.async_copy(tb_hbm.at[tidx_v.at[pl.ds(off, _CHUNK)]],
                                 pos_v.at[pl.ds(off, _CHUNK)], psem)

    def drain_pos(g):
        off = pl.multiple_of(g * _GRP * _CHUNK, _CHUNK)
        pltpu.make_async_copy(tidx_hbm.at[pl.ds(off, _GRP * _CHUNK)],
                              pos_v.at[pl.ds(0, _GRP * _CHUNK)],
                              psem).wait()

    def compact(g, nv):
        def body(i, nv):
            j = g * (_CHUNK * _GRP // 16) + i
            p = pos_v[pl.ds(j * 16, 16)]
            m = p >= 0
            packed = lax.shift_left(j * 16 + lane, 12) | jnp.maximum(p, 0)
            dst = nv + plsc.cumsum(m.astype(jnp.int32)) - 1
            plsc.store_scatter(cpack_v, [dst], packed, mask=m)
            n = plsc.all_reduce_population_count(m)
            return nv + n[0]
        return lax.fori_loop(0, _CHUNK * _GRP // 16, body, nv)

    fire_pos(0)
    nv = jnp.int32(0)
    for g in range(ngrp):
        if g + 1 < ngrp:
            fire_pos(g + 1)
        drain_pos(g)
        nv = compact(g, nv)

    def fetch_grp(g, nv):
        @pl.when(g * 16 < nv)
        def _():
            packed = cpack_v[pl.ds(g * 16, 16)]
            rl = lax.shift_right_logical(packed, 12) // _K
            pp = packed & (_B - 1)
            for b in range(16):
                j = g * 16 + b

                @pl.when(j < nv)
                def _():
                    pj = packed[b]
                    i_al = pl.multiple_of(
                        (row0 + lax.shift_right_logical(pj, 12) // _K) & ~7, 8)
                    p_al = pl.multiple_of(pj & 3968, 128)
                    pltpu.async_copy(
                        slog_hbm.at[pl.ds(i_al, 8), pl.ds(p_al, 128)],
                        cbuf_v.at[pl.ds(b * 8, 8), :], vsem)
            for b in range(16):
                j = g * 16 + b

                @pl.when(j < nv)
                def _():
                    pltpu.make_async_copy(
                        slog_hbm.at[pl.ds(0, 8), pl.ds(0, 128)],
                        cbuf_v.at[pl.ds(b * 8, 8), :], vsem).wait()
            m = (g * 16 + lane) < nv
            vals = plsc.load_gather(cbuf_v, [lane * 8 + (rl & 7), pp & 127])
            ent = lax.shift_right_logical(packed, 12)
            plsc.store_scatter(sval_v, [ent], vals, mask=m)
        return nv
    lax.fori_loop(0, _EP // 16, fetch_grp, nv)

    pltpu.sync_copy(pos_v, pos_hbm.at[pl.ds(base, _EP)])
    pltpu.sync_copy(sval_v, sval_hbm.at[pl.ds(base, _EP)])


@functools.lru_cache(maxsize=1)
def _sc_kernels():
    mesh = plsc.VectorSubcoreMesh(core_axis_name="c", subcore_axis_name="s",
                                  num_cores=_NC, num_subcores=_NS)
    params = pltpu.CompilerParams(needs_layout_passes=False)
    gather_pairs = pl.kernel(
        _gather_pairs, mesh=mesh, compiler_params=params,
        cost_estimate=pl.CostEstimate(flops=_B * _K * 4,
                                      bytes_accessed=_B * _K * 4 * 130,
                                      transcendentals=0),
        out_type=(jax.ShapeDtypeStruct((_VP,), jnp.int32),
                  jax.ShapeDtypeStruct((_VP,), jnp.int32),
                  jax.ShapeDtypeStruct((_B * _K,), jnp.int32),
                  jax.ShapeDtypeStruct((_B * _K,), jnp.float32)),
        scratch_types=[pltpu.VMEM((_B,), jnp.int32),
                       pltpu.VMEM((_EP,), jnp.int32),
                       pltpu.VMEM((_EP,), jnp.int32),
                       pltpu.VMEM((_EP + 16,), jnp.int32),
                       pltpu.VMEM((128, 128), jnp.float32),
                       pltpu.VMEM((_EP,), jnp.float32),
                       pltpu.VMEM((_CH2 // 2,), jnp.int32),
                       pltpu.SemaphoreType.DMA,
                       pltpu.SemaphoreType.DMA],
    )
    return gather_pairs


_R = 512


def _lse_body(x_ref, lse_ref, diag_ref):
    i = pl.program_id(0)
    x = x_ref[...]
    s = jnp.sum(jnp.exp(x * (1.0 / _T)), axis=1)
    lse_ref[0, 0, :] = jnp.log(s)
    xd = x_ref[:, pl.ds(i * _R, _R)]
    rr = lax.broadcasted_iota(jnp.int32, (_R, _R), 0)
    cc = lax.broadcasted_iota(jnp.int32, (_R, _R), 1)
    diag_ref[0, 0, :] = jnp.sum(jnp.where(rr == cc, xd, 0.0), axis=1)


def _loss_body(pos_ref, sc_ref, sv_ref, lse_ref, dg_ref, out_ref):
    pos = pos_ref[...]
    sc = sc_ref[...]
    sv = sv_ref[...]
    lse = lse_ref[...]
    dg = dg_ref[...]
    rows = lax.broadcasted_iota(jnp.int32, (_B, _K), 0)
    offd = (pos >= 0) & (pos != rows)
    w = jnp.where(offd, sc, 0.0)
    rs = 1.0 + jnp.sum(w, axis=1, keepdims=True)
    live = offd & (sc > 0)
    t_safe = jnp.where(live, sc, 1.0) / rs
    logp = sv * (1.0 / _T) - lse
    term = jnp.where(live, (w / rs) * (jnp.log(t_safe) - logp), 0.0)
    tii = 1.0 / rs
    term_ii = tii * (jnp.log(tii) - (dg * (1.0 / _T) - lse))
    total = jnp.sum(term) + jnp.sum(term_ii)
    out_ref[...] = jnp.full((1, 1), total * (_T * _T / _B), jnp.float32)


def kernel(student_logits, batch_indices, teacher_indices, teacher_scores):
    gather_pairs = _sc_kernels()
    bidx = batch_indices.astype(jnp.int32)
    tidx = teacher_indices.astype(jnp.int32).reshape(-1)

    lse3, dg3 = pl.pallas_call(
        _lse_body,
        grid=(_B // _R,),
        in_specs=[pl.BlockSpec((_R, _B), lambda i: (i, 0))],
        out_specs=[pl.BlockSpec((1, 1, _R), lambda i: (i, 0, 0)),
                   pl.BlockSpec((1, 1, _R), lambda i: (i, 0, 0))],
        out_shape=[jax.ShapeDtypeStruct((_B // _R, 1, _R), jnp.float32),
                   jax.ShapeDtypeStruct((_B // _R, 1, _R), jnp.float32)],
    )(student_logits)

    _, _, pos_f, sval_f = gather_pairs(bidx, tidx, student_logits)

    out = pl.pallas_call(
        _loss_body,
        out_shape=jax.ShapeDtypeStruct((1, 1), jnp.float32),
    )(pos_f.reshape(_B, _K), teacher_scores, sval_f.reshape(_B, _K),
      lse3.reshape(_B, 1), dg3.reshape(_B, 1))
    return out[0, 0]

# --- scband reference (transcript-rebuilt; emitter-appended) ---
"""Pipeline reference for scband-distillation-loss-79267916415457 (READ-ONLY COPY).

The authoritative reference and input builder live on the scoring server;
editing this copy changes nothing except your own understanding.
"""

import jax, jax.numpy as jnp
import numpy as np

ALPHA = 0.5
TEMPERATURE = 2.0
B = 4096
K = 50
V = 1000000


def setup_inputs(seed: int = 0) -> dict:
    key = jax.random.key(seed)
    k1, k2, k3, k4 = jax.random.split(key, 4)
    student_logits = jax.random.normal(k1, (B, B), dtype=jnp.float32)
    batch_indices = jax.random.randint(k2, (B,), 0, V)
    teacher_indices = jax.random.randint(k3, (B, K), 0, V)
    teacher_scores = jax.random.uniform(k4, (B, K), dtype=jnp.float32)
    return {
        "student_logits": student_logits,
        "batch_indices": batch_indices,
        "teacher_indices": teacher_indices,
        "teacher_scores": teacher_scores,
    }


def reference(student_logits, batch_indices, teacher_indices, teacher_scores):
    batch_size = student_logits.shape[0]
    max_global_idx = jnp.maximum(batch_indices.max(), teacher_indices.max()) + 1
    # global -> local mapping via scatter-overwrite (duplicates: last writer wins in torch; any winner ok)
    global_to_local = jnp.full((V,), -1, dtype=jnp.int32)
    global_to_local = global_to_local.at[batch_indices].set(
        jnp.arange(batch_size, dtype=jnp.int32)
    )
    clamped = jnp.clip(teacher_indices, 0, max_global_idx - 1)
    local_pos = global_to_local[clamped]  # [B, K] gather
    valid = local_pos >= 0
    rows = jnp.broadcast_to(jnp.arange(batch_size)[:, None], local_pos.shape)
    safe_pos = jnp.where(valid, local_pos, batch_size)  # out-of-bounds -> dropped
    target = jnp.zeros((batch_size, batch_size), dtype=jnp.float32)
    target = target.at[rows, safe_pos].set(
        jnp.where(valid, teacher_scores, 0.0), mode="drop"
    )
    diag = jnp.arange(batch_size)
    target = target.at[diag, diag].set(1.0)
    row_sums = jnp.clip(target.sum(axis=1, keepdims=True), 1e-8, None)
    target = target / row_sums
    log_probs = jax.nn.log_softmax(student_logits / TEMPERATURE, axis=1)
    # KLDivLoss(reduction='batchmean'): sum(target * (log(target) - log_probs)) / B, with 0*log(0)=0
    safe_t = jnp.where(target > 0, target, 1.0)
    kl = jnp.where(target > 0, target * (jnp.log(safe_t) - log_probs), 0.0)
    loss = kl.sum() / batch_size
    return loss * TEMPERATURE ** 2

if __name__ == "__main__":
    import jax
    _d = setup_inputs()
    print(jax.jit(kernel)(*tuple(_d.values())))

</pallas_src>

<mosaic_0001>
#map = affine_map<(d0, d1) -> (0)>
#map1 = affine_map<(d0, d1) -> (0, 0)>
module attributes {stable_mosaic.version = 14 : i64} {
  func.func @_gather_pairs(%arg0: i32, %arg1: i32, %arg2: memref<4096xi32, #tpu.memory_space<hbm>>, %arg3: memref<204800xi32, #tpu.memory_space<hbm>>, %arg4: memref<4096x4096xf32, #tpu.memory_space<hbm>>, %arg5: memref<1048576xi32, #tpu.memory_space<hbm>>, %arg6: memref<1048576xi32, #tpu.memory_space<hbm>>, %arg7: memref<204800xi32, #tpu.memory_space<hbm>>, %arg8: memref<204800xf32, #tpu.memory_space<hbm>>, %arg9: memref<4096xi32, #tpu.memory_space<vmem>>, %arg10: memref<6400xi32, #tpu.memory_space<vmem>>, %arg11: memref<6400xi32, #tpu.memory_space<vmem>>, %arg12: memref<6416xi32, #tpu.memory_space<vmem>>, %arg13: memref<128x128xf32, #tpu.memory_space<vmem>>, %arg14: memref<6400xf32, #tpu.memory_space<vmem>>, %arg15: memref<32768xi32, #tpu.memory_space<vmem>>, %arg16: memref<!tpu.dma_semaphore, #tpu.memory_space<semaphore_mem>>, %arg17: memref<!tpu.dma_semaphore, #tpu.memory_space<semaphore_mem>>) attributes {dimension_semantics = [#tpu.dimension_semantics<core_parallel>, #tpu.dimension_semantics<subcore_parallel>], iteration_bounds = array<i64: 2, 16>, scalar_prefetch = 0 : i64, scratch_operands = 9 : i64, tpu.core_type = #tpu.core_type<sc_vector_subcore>, window_params = [{transform_indices = #map}, {transform_indices = #map}, {transform_indices = #map1}, {transform_indices = #map}, {transform_indices = #map}, {transform_indices = #map}, {transform_indices = #map}]} {
    %mul3A = arith.constant 2 : i32
    %mul3A_0 = arith.muli %arg1, %mul3A : i32
    %add3A = arith.addi %mul3A_0, %arg0 : i32
    %mul3A_1 = arith.constant 6400 : i32
    %mul3A_2 = arith.muli %add3A, %mul3A_1 : i32
    %multiple_of3A = tpu.assume_multiple %mul3A_2, 8 : i32
    %mul3A_3 = arith.constant 128 : i32
    %mul3A_4 = arith.muli %add3A, %mul3A_3 : i32
    %iota3A = tpu.iota {dimensions = array<i32: 0>} : vector<16xi32>
    "tpu.region"() ({
      %run_scoped3A = tpu.sem_alloc : memref<!tpu.dma_semaphore, #tpu.memory_space<semaphore_mem>>
      %dma_start3A = tpu.memref_slice %arg3[%multiple_of3A] : memref<204800xi32, #tpu.memory_space<hbm>> -> memref<6400xi32, #tpu.memory_space<hbm>>
      %dma_start3A_731 = tpu.memref_slice %arg3[%multiple_of3A] : memref<204800xi32, #tpu.memory_space<hbm>> -> memref<6400xi32, #tpu.memory_space<hbm>>
      tpu.enqueue_dma source(%dma_start3A_731 : memref<6400xi32, #tpu.memory_space<hbm>>) target(%arg10 : memref<6400xi32, #tpu.memory_space<vmem>>) target_semaphore(%run_scoped3A : memref<!tpu.dma_semaphore, #tpu.memory_space<semaphore_mem>>)
      %dma_wait3A_732 = tpu.memref_slice %arg3[%multiple_of3A] : memref<204800xi32, #tpu.memory_space<hbm>> -> memref<6400xi32, #tpu.memory_space<hbm>>
      %dma_wait3A_733 = tpu.memref_slice %arg3[%multiple_of3A] : memref<204800xi32, #tpu.memory_space<hbm>> -> memref<6400xi32, #tpu.memory_space<hbm>>
      tpu.wait_dma2 semaphore(%run_scoped3A : memref<!tpu.dma_semaphore, #tpu.memory_space<semaphore_mem>>) src(%dma_wait3A_733 : memref<6400xi32, #tpu.memory_space<hbm>>) dst(%arg10 : memref<6400xi32, #tpu.memory_space<vmem>>)
      tpu.yield
    }) : () -> ()
    "tpu.region"() ({
      %run_scoped3A = tpu.sem_alloc : memref<!tpu.dma_semaphore, #tpu.memory_space<semaphore_mem>>
      tpu.enqueue_dma source(%arg2 : memref<4096xi32, #tpu.memory_space<hbm>>) target(%arg9 : memref<4096xi32, #tpu.memory_space<vmem>>) target_semaphore(%run_scoped3A : memref<!tpu.dma_semaphore, #tpu.memory_space<semaphore_mem>>)
      tpu.wait_dma2 semaphore(%run_scoped3A : memref<!tpu.dma_semaphore, #tpu.memory_space<semaphore_mem>>) src(%arg2 : memref<4096xi32, #tpu.memory_space<hbm>>) dst(%arg9 : memref<4096xi32, #tpu.memory_space<vmem>>)
      tpu.yield
    }) : () -> ()
    %broadcast_in_dim3A = arith.constant -1 : i32
    %broadcast_in_dim3A_5 = vector.broadcast %broadcast_in_dim3A : i32 to vector<16xi32>
    %mul3A_6 = arith.constant 65536 : i32
    %mul3A_7 = arith.muli %arg1, %mul3A_6 : i32
    %add3A_8 = arith.constant 0 : i32
    %add3A_9 = arith.addi %mul3A_7, %add3A_8 : i32
    %multiple_of3A_10 = tpu.assume_multiple %add3A_9, 32768 : i32
    %scan3A = arith.constant 0 : i32
    %scan3A_11 = arith.constant 0 : i32
    %scan3A_12 = arith.constant 256 : i32
    %scan3A_13 = arith.addi %scan3A_11, %scan3A_12 : i32
    %scan3A_14 = arith.constant 1 : i32
    scf.for %scan3A_731 = %scan3A_11 to %scan3A_13 step %scan3A_14  : i32 {
      %mul3A_732 = arith.constant 8 : i32
      %mul3A_733 = arith.muli %scan3A_731, %mul3A_732 : i32
      %add3A_734 = arith.constant 0 : i32
      %add3A_735 = arith.addi %mul3A_733, %add3A_734 : i32
      %mul3A_736 = arith.constant 16 : i32
      %mul3A_737 = arith.muli %add3A_735, %mul3A_736 : i32
      %swap3A = arith.index_cast %mul3A_737 : i32 to index
      %swap3A_738 = tpu.vector_load %arg15[%swap3A] {strides = array<i32>} : memref<32768xi32, #tpu.memory_space<vmem>>, vector<16xi32>,
      tpu.vector_store %arg15[%swap3A], %broadcast_in_dim3A_5 {strides = array<i32>} : memref<32768xi32, #tpu.memory_space<vmem>>, vector<16xi32>,
      %mul3A_739 = arith.constant 8 : i32
      %mul3A_740 = arith.muli %scan3A_731, %mul3A_739 : i32
      %add3A_741 = arith.constant 1 : i32
      %add3A_742 = arith.addi %mul3A_740, %add3A_741 : i32
      %mul3A_743 = arith.constant 16 : i32
      %mul3A_744 = arith.muli %add3A_742, %mul3A_743 : i32
      %swap3A_745 = arith.index_cast %mul3A_744 : i32 to index
      %swap3A_746 = tpu.vector_load %arg15[%swap3A_745] {strides = array<i32>} : memref<32768xi32, #tpu.memory_space<vmem>>, vector<16xi32>,
      tpu.vector_store %arg15[%swap3A_745], %broadcast_in_dim3A_5 {strides = array<i32>} : memref<32768xi32, #tpu.memory_space<vmem>>, vector<16xi32>,
      %mul3A_747 = arith.constant 8 : i32
      %mul3A_748 = arith.muli %scan3A_731, %mul3A_747 : i32
      %add3A_749 = arith.constant 2 : i32
      %add3A_750 = arith.addi %mul3A_748, %add3A_749 : i32
      %mul3A_751 = arith.constant 16 : i32
      %mul3A_752 = arith.muli %add3A_750, %mul3A_751 : i32
      %swap3A_753 = arith.index_cast %mul3A_752 : i32 to index
      %swap3A_754 = tpu.vector_load %arg15[%swap3A_753] {strides = array<i32>} : memref<32768xi32, #tpu.memory_space<vmem>>, vector<16xi32>,
      tpu.vector_store %arg15[%swap3A_753], %broadcast_in_dim3A_5 {strides = array<i32>} : memref<32768xi32, #tpu.memory_space<vmem>>, vector<16xi32>,
      %mul3A_755 = arith.constant 8 : i32
      %mul3A_756 = arith.muli %scan3A_731, %mul3A_755 : i32
      %add3A_757 = arith.constant 3 : i32
      %add3A_758 = arith.addi %mul3A_756, %add3A_757 : i32
      %mul3A_759 = arith.constant 16 : i32
      %mul3A_760 = arith.muli %add3A_758, %mul3A_759 : i32
      %swap3A_761 = arith.index_cast %mul3A_760 : i32 to index
      %swap3A_762 = tpu.vector_load %arg15[%swap3A_761] {strides = array<i32>} : memref<32768xi32, #tpu.memory_space<vmem>>, vector<16xi32>,
      tpu.vector_store %arg15[%swap3A_761], %broadcast_in_dim3A_5 {strides = array<i32>} : memref<32768xi32, #tpu.memory_space<vmem>>, vector<16xi32>,
      %mul3A_763 = arith.constant 8 : i32
      %mul3A_764 = arith.muli %scan3A_731, %mul3A_763 : i32
      %add3A_765 = arith.constant 4 : i32
      %add3A_766 = arith.addi %mul3A_764, %add3A_765 : i32
      %mul3A_767 = arith.constant 16 : i32
      %mul3A_768 = arith.muli %add3A_766, %mul3A_767 : i32
      %swap3A_769 = arith.index_cast %mul3A_768 : i32 to index
      %swap3A_770 = tpu.vector_load %arg15[%swap3A_769] {strides = array<i32>} : memref<32768xi32, #tpu.memory_space<vmem>>, vector<16xi32>,
      tpu.vector_store %arg15[%swap3A_769], %broadcast_in_dim3A_5 {strides = array<i32>} : memref<32768xi32, #tpu.memory_space<vmem>>, vector<16xi32>,
      %mul3A_771 = arith.constant 8 : i32
      %mul3A_772 = arith.muli %scan3A_731, %mul3A_771 : i32
      %add3A_773 = arith.constant 5 : i32
      %add3A_774 = arith.addi %mul3A_772, %add3A_773 : i32
      %mul3A_775 = arith.constant 16 : i32
      %mul3A_776 = arith.muli %add3A_774, %mul3A_775 : i32
      %swap3A_777 = arith.index_cast %mul3A_776 : i32 to index
      %swap3A_778 = tpu.vector_load %arg15[%swap3A_777] {strides = array<i32>} : memref<32768xi32, #tpu.memory_space<vmem>>, vector<16xi32>,
      tpu.vector_store %arg15[%swap3A_777], %broadcast_in_dim3A_5 {strides = array<i32>} : memref<32768xi32, #tpu.memory_space<vmem>>, vector<16xi32>,
      %mul3A_779 = arith.constant 8 : i32
      %mul3A_780 = arith.muli %scan3A_731, %mul3A_779 : i32
      %add3A_781 = arith.constant 6 : i32
      %add3A_782 = arith.addi %mul3A_780, %add3A_781 : i32
      %mul3A_783 = arith.constant 16 : i32
      %mul3A_784 = arith.muli %add3A_782, %mul3A_783 : i32
      %swap3A_785 = arith.index_cast %mul3A_784 : i32 to index
      %swap3A_786 = tpu.vector_load %arg15[%swap3A_785] {strides = array<i32>} : memref<32768xi32, #tpu.memory_space<vmem>>, vector<16xi32>,
      tpu.vector_store %arg15[%swap3A_785], %broadcast_in_dim3A_5 {strides = array<i32>} : memref<32768xi32, #tpu.memory_space<vmem>>, vector<16xi32>,
      %mul3A_787 = arith.constant 8 : i32
      %mul3A_788 = arith.muli %scan3A_731, %mul3A_787 : i32
      %add3A_789 = arith.constant 7 : i32
      %add3A_790 = arith.addi %mul3A_788, %add3A_789 : i32
      %mul3A_791 = arith.constant 16 : i32
      %mul3A_792 = arith.muli %add3A_790, %mul3A_791 : i32
      %swap3A_793 = arith.index_cast %mul3A_792 : i32 to index
      %swap3A_794 = tpu.vector_load %arg15[%swap3A_793] {strides = array<i32>} : memref<32768xi32, #tpu.memory_space<vmem>>, vector<16xi32>,
      tpu.vector_store %arg15[%swap3A_793], %broadcast_in_dim3A_5 {strides = array<i32>} : memref<32768xi32, #tpu.memory_space<vmem>>, vector<16xi32>,
    }
    %scan3A_15 = arith.constant 256 : i32
    %scan3A_16 = arith.constant 0 : i32
    %scan3A_17 = arith.constant 0 : i32
    %scan3A_18 = arith.constant 256 : i32
    %scan3A_19 = arith.addi %scan3A_17, %scan3A_18 : i32
    %scan3A_20 = arith.constant 1 : i32
    scf.for %scan3A_731 = %scan3A_17 to %scan3A_19 step %scan3A_20  : i32 {
      %mul3A_732 = arith.constant 16 : i32
      %mul3A_733 = arith.muli %scan3A_731, %mul3A_732 : i32
      %get3A = arith.index_cast %mul3A_733 : i32 to index
      %get3A_734 = tpu.vector_load %arg9[%get3A] {strides = array<i32>} : memref<4096xi32, #tpu.memory_space<vmem>>, vector<16xi32>,
      %ge3A = vector.broadcast %multiple_of3A_10 : i32 to vector<16xi32>
      %ge3A_735 = arith.cmpi sge, %get3A_734, %ge3A : vector<16xi32>
      %add3A_736 = arith.constant 32768 : i32
      %add3A_737 = arith.addi %multiple_of3A_10, %add3A_736 : i32
      %lt3A = vector.broadcast %add3A_737 : i32 to vector<16xi32>
      %lt3A_738 = arith.cmpi slt, %get3A_734, %lt3A : vector<16xi32>
      %and3A = arith.andi %ge3A_735, %lt3A_738 : vector<16xi1>
      %sub3A = vector.broadcast %multiple_of3A_10 : i32 to vector<16xi32>
      %sub3A_739 = arith.subi %get3A_734, %sub3A : vector<16xi32>
      %mul3A_740 = arith.constant 16 : i32
      %mul3A_741 = arith.muli %scan3A_731, %mul3A_740 : i32
      %add3A_742 = vector.broadcast %mul3A_741 : i32 to vector<16xi32>
      %add3A_743 = arith.addi %iota3A, %add3A_742 : vector<16xi32>
      tpu.vector_store_idx %arg15[%sub3A_739], %add3A_743 masked %and3A : memref<32768xi32, #tpu.memory_space<vmem>>[vector<16xi32>], vector<16xi32>, vector<16xi1>
    }
    %scan3A_21 = arith.constant 256 : i32
    %eq3A = arith.constant 0 : i32
    %eq3A_22 = arith.cmpi eq, %arg0, %eq3A : i32
    %convert_element_type3A = arith.extui %eq3A_22 : i1 to i32
    %cond3A = arith.constant 0 : i32
    %cond3A_23 = arith.cmpi ne, %convert_element_type3A, %cond3A : i32
    scf.if %cond3A_23 {
      "tpu.region"() ({
        %run_scoped3A = tpu.sem_alloc : memref<!tpu.dma_semaphore, #tpu.memory_space<semaphore_mem>>
        %dma_start3A = tpu.memref_slice %arg5[%multiple_of3A_10] : memref<1048576xi32, #tpu.memory_space<hbm>> -> memref<32768xi32, #tpu.memory_space<hbm>>
        %dma_start3A_731 = tpu.memref_slice %arg5[%multiple_of3A_10] : memref<1048576xi32, #tpu.memory_space<hbm>> -> memref<32768xi32, #tpu.memory_space<hbm>>
        tpu.enqueue_dma source(%arg15 : memref<32768xi32, #tpu.memory_space<vmem>>) target(%dma_start3A_731 : memref<32768xi32, #tpu.memory_space<hbm>>) target_semaphore(%run_scoped3A : memref<!tpu.dma_semaphore, #tpu.memory_space<semaphore_mem>>)
        %dma_wait3A_732 = tpu.memref_slice %arg5[%multiple_of3A_10] : memref<1048576xi32, #tpu.memory_space<hbm>> -> memref<32768xi32, #tpu.memory_space<hbm>>
        %dma_wait3A_733 = tpu.memref_slice %arg5[%multiple_of3A_10] : memref<1048576xi32, #tpu.memory_space<hbm>> -> memref<32768xi32, #tpu.memory_space<hbm>>
        tpu.wait_dma2 semaphore(%run_scoped3A : memref<!tpu.dma_semaphore, #tpu.memory_space<semaphore_mem>>) src(%arg15 : memref<32768xi32, #tpu.memory_space<vmem>>) dst(%dma_wait3A_733 : memref<32768xi32, #tpu.memory_space<hbm>>)
        tpu.yield
      }) : () -> ()
    } else {
    }
    %eq3A_24 = arith.constant 1 : i32
    %eq3A_25 = arith.cmpi eq, %arg0, %eq3A_24 : i32
    %convert_element_type3A_26 = arith.extui %eq3A_25 : i1 to i32
    %cond3A_27 = arith.constant 0 : i32
    %cond3A_28 = arith.cmpi ne, %convert_element_type3A_26, %cond3A_27 : i32
    scf.if %cond3A_28 {
      "tpu.region"() ({
        %run_scoped3A = tpu.sem_alloc : memref<!tpu.dma_semaphore, #tpu.memory_space<semaphore_mem>>
        %dma_start3A = tpu.memref_slice %arg6[%multiple_of3A_10] : memref<1048576xi32, #tpu.memory_space<hbm>> -> memref<32768xi32, #tpu.memory_space<hbm>>
        %dma_start3A_731 = tpu.memref_slice %arg6[%multiple_of3A_10] : memref<1048576xi32, #tpu.memory_space<hbm>> -> memref<32768xi32, #tpu.memory_space<hbm>>
        tpu.enqueue_dma source(%arg15 : memref<32768xi32, #tpu.memory_space<vmem>>) target(%dma_start3A_731 : memref<32768xi32, #tpu.memory_space<hbm>>) target_semaphore(%run_scoped3A : memref<!tpu.dma_semaphore, #tpu.memory_space<semaphore_mem>>)
        %dma_wait3A_732 = tpu.memref_slice %arg6[%multiple_of3A_10] : memref<1048576xi32, #tpu.memory_space<hbm>> -> memref<32768xi32, #tpu.memory_space<hbm>>
        %dma_wait3A_733 = tpu.memref_slice %arg6[%multiple_of3A_10] : memref<1048576xi32, #tpu.memory_space<hbm>> -> memref<32768xi32, #tpu.memory_space<hbm>>
        tpu.wait_dma2 semaphore(%run_scoped3A : memref<!tpu.dma_semaphore, #tpu.memory_space<semaphore_mem>>) src(%arg15 : memref<32768xi32, #tpu.memory_space<vmem>>) dst(%dma_wait3A_733 : memref<32768xi32, #tpu.memory_space<hbm>>)
        tpu.yield
      }) : () -> ()
    } else {
    }
    %mul3A_29 = arith.constant 65536 : i32
    %mul3A_30 = arith.muli %arg1, %mul3A_29 : i32
    %add3A_31 = arith.constant 32768 : i32
    %add3A_32 = arith.addi %mul3A_30, %add3A_31 : i32
    %multiple_of3A_33 = tpu.assume_multiple %add3A_32, 32768 : i32
    %scan3A_34 = arith.constant 0 : i32
    %scan3A_35 = arith.constant 0 : i32
    %scan3A_36 = arith.constant 256 : i32
    %scan3A_37 = arith.addi %scan3A_35, %scan3A_36 : i32
    %scan3A_38 = arith.constant 1 : i32
    scf.for %scan3A_731 = %scan3A_35 to %scan3A_37 step %scan3A_38  : i32 {
      %mul3A_732 = arith.constant 8 : i32
      %mul3A_733 = arith.muli %scan3A_731, %mul3A_732 : i32
      %add3A_734 = arith.constant 0 : i32
      %add3A_735 = arith.addi %mul3A_733, %add3A_734 : i32
      %mul3A_736 = arith.constant 16 : i32
      %mul3A_737 = arith.muli %add3A_735, %mul3A_736 : i32
      %swap3A = arith.index_cast %mul3A_737 : i32 to index
      %swap3A_738 = tpu.vector_load %arg15[%swap3A] {strides = array<i32>} : memref<32768xi32, #tpu.memory_space<vmem>>, vector<16xi32>,
      tpu.vector_store %arg15[%swap3A], %broadcast_in_dim3A_5 {strides = array<i32>} : memref<32768xi32, #tpu.memory_space<vmem>>, vector<16xi32>,
      %mul3A_739 = arith.constant 8 : i32
      %mul3A_740 = arith.muli %scan3A_731, %mul3A_739 : i32
      %add3A_741 = arith.constant 1 : i32
      %add3A_742 = arith.addi %mul3A_740, %add3A_741 : i32
      %mul3A_743 = arith.constant 16 : i32
      %mul3A_744 = arith.muli %add3A_742, %mul3A_743 : i32
      %swap3A_745 = arith.index_cast %mul3A_744 : i32 to index
      %swap3A_746 = tpu.vector_load %arg15[%swap3A_745] {strides = array<i32>} : memref<32768xi32, #tpu.memory_space<vmem>>, vector<16xi32>,
      tpu.vector_store %arg15[%swap3A_745], %broadcast_in_dim3A_5 {strides = array<i32>} : memref<32768xi32, #tpu.memory_space<vmem>>, vector<16xi32>,
      %mul3A_747 = arith.constant 8 : i32
      %mul3A_748 = arith.muli %scan3A_731, %mul3A_747 : i32
      %add3A_749 = arith.constant 2 : i32
      %add3A_750 = arith.addi %mul3A_748, %add3A_749 : i32
      %mul3A_751 = arith.constant 16 : i32
      %mul3A_752 = arith.muli %add3A_750, %mul3A_751 : i32
      %swap3A_753 = arith.index_cast %mul3A_752 : i32 to index
      %swap3A_754 = tpu.vector_load %arg15[%swap3A_753] {strides = array<i32>} : memref<32768xi32, #tpu.memory_space<vmem>>, vector<16xi32>,
      tpu.vector_store %arg15[%swap3A_753], %broadcast_in_dim3A_5 {strides = array<i32>} : memref<32768xi32, #tpu.memory_space<vmem>>, vector<16xi32>,
      %mul3A_755 = arith.constant 8 : i32
      %mul3A_756 = arith.muli %scan3A_731, %mul3A_755 : i32
      %add3A_757 = arith.constant 3 : i32
      %add3A_758 = arith.addi %mul3A_756, %add3A_757 : i32
      %mul3A_759 = arith.constant 16 : i32
      %mul3A_760 = arith.muli %add3A_758, %mul3A_759 : i32
      %swap3A_761 = arith.index_cast %mul3A_760 : i32 to index
      %swap3A_762 = tpu.vector_load %arg15[%swap3A_761] {strides = array<i32>} : memref<32768xi32, #tpu.memory_space<vmem>>, vector<16xi32>,
      tpu.vector_store %arg15[%swap3A_761], %broadcast_in_dim3A_5 {strides = array<i32>} : memref<32768xi32, #tpu.memory_space<vmem>>, vector<16xi32>,
      %mul3A_763 = arith.constant 8 : i32
      %mul3A_764 = arith.muli %scan3A_731, %mul3A_763 : i32
      %add3A_765 = arith.constant 4 : i32
      %add3A_766 = arith.addi %mul3A_764, %add3A_765 : i32
      %mul3A_767 = arith.constant 16 : i32
      %mul3A_768 = arith.muli %add3A_766, %mul3A_767 : i32
      %swap3A_769 = arith.index_cast %mul3A_768 : i32 to index
      %swap3A_770 = tpu.vector_load %arg15[%swap3A_769] {strides = array<i32>} : memref<32768xi32, #tpu.memory_space<vmem>>, vector<16xi32>,
      tpu.vector_store %arg15[%swap3A_769], %broadcast_in_dim3A_5 {strides = array<i32>} : memref<32768xi32, #tpu.memory_space<vmem>>, vector<16xi32>,
      %mul3A_771 = arith.constant 8 : i32
      %mul3A_772 = arith.muli %scan3A_731, %mul3A_771 : i32
      %add3A_773 = arith.constant 5 : i32
      %add3A_774 = arith.addi %mul3A_772, %add3A_773 : i32
      %mul3A_775 = arith.constant 16 : i32
      %mul3A_776 = arith.muli %add3A_774, %mul3A_775 : i32
      %swap3A_777 = arith.index_cast %mul3A_776 : i32 to index
      %swap3A_778 = tpu.vector_load %arg15[%swap3A_777] {strides = array<i32>} : memref<32768xi32, #tpu.memory_space<vmem>>, vector<16xi32>,
      tpu.vector_store %arg15[%swap3A_777], %broadcast_in_dim3A_5 {strides = array<i32>} : memref<32768xi32, #tpu.memory_space<vmem>>, vector<16xi32>,
      %mul3A_779 = arith.constant 8 : i32
      %mul3A_780 = arith.muli %scan3A_731, %mul3A_779 : i32
      %add3A_781 = arith.constant 6 : i32
      %add3A_782 = arith.addi %mul3A_780, %add3A_781 : i32
      %mul3A_783 = arith.constant 16 : i32
      %mul3A_784 = arith.muli %add3A_782, %mul3A_783 : i32
      %swap3A_785 = arith.index_cast %mul3A_784 : i32 to index
      %swap3A_786 = tpu.vector_load %arg15[%swap3A_785] {strides = array<i32>} : memref<32768xi32, #tpu.memory_space<vmem>>, vector<16xi32>,
      tpu.vector_store %arg15[%swap3A_785], %broadcast_in_dim3A_5 {strides = array<i32>} : memref<32768xi32, #tpu.memory_space<vmem>>, vector<16xi32>,
      %mul3A_787 = arith.constant 8 : i32
      %mul3A_788 = arith.muli %scan3A_731, %mul3A_787 : i32
      %add3A_789 = arith.constant 7 : i32
      %add3A_790 = arith.addi %mul3A_788, %add3A_789 : i32
      %mul3A_791 = arith.constant 16 : i32
      %mul3A_792 = arith.muli %add3A_790, %mul3A_791 : i32
      %swap3A_793 = arith.index_cast %mul3A_792 : i32 to index
      %swap3A_794 = tpu.vector_load %arg15[%swap3A_793] {strides = array<i32>} : memref<32768xi32, #tpu.memory_space<vmem>>, vector<16xi32>,
      tpu.vector_store %arg15[%swap3A_793], %broadcast_in_dim3A_5 {strides = array<i32>} : memref<32768xi32, #tpu.memory_space<vmem>>, vector<16xi32>,
    }
    %scan3A_39 = arith.constant 256 : i32
    %scan3A_40 = arith.constant 0 : i32
    %scan3A_41 = arith.constant 0 : i32
    %scan3A_42 = arith.constant 256 : i32
    %scan3A_43 = arith.addi %scan3A_41, %scan3A_42 : i32
    %scan3A_44 = arith.constant 1 : i32
    scf.for %scan3A_731 = %scan3A_41 to %scan3A_43 step %scan3A_44  : i32 {
      %mul3A_732 = arith.constant 16 : i32
      %mul3A_733 = arith.muli %scan3A_731, %mul3A_732 : i32
      %get3A = arith.index_cast %mul3A_733 : i32 to index
      %get3A_734 = tpu.vector_load %arg9[%get3A] {strides = array<i32>} : memref<4096xi32, #tpu.memory_space<vmem>>, vector<16xi32>,
      %ge3A = vector.broadcast %multiple_of3A_33 : i32 to vector<16xi32>
      %ge3A_735 = arith.cmpi sge, %get3A_734, %ge3A : vector<16xi32>
      %add3A_736 = arith.constant 32768 : i32
      %add3A_737 = arith.addi %multiple_of3A_33, %add3A_736 : i32
      %lt3A = vector.broadcast %add3A_737 : i32 to vector<16xi32>
      %lt3A_738 = arith.cmpi slt, %get3A_734, %lt3A : vector<16xi32>
      %and3A = arith.andi %ge3A_735, %lt3A_738 : vector<16xi1>
      %sub3A = vector.broadcast %multiple_of3A_33 : i32 to vector<16xi32>
      %sub3A_739 = arith.subi %get3A_734, %sub3A : vector<16xi32>
      %mul3A_740 = arith.constant 16 : i32
      %mul3A_741 = arith.muli %scan3A_731, %mul3A_740 : i32
      %add3A_742 = vector.broadcast %mul3A_741 : i32 to vector<16xi32>
      %add3A_743 = arith.addi %iota3A, %add3A_742 : vector<16xi32>
      tpu.vector_store_idx %arg15[%sub3A_739], %add3A_743 masked %and3A : memref<32768xi32, #tpu.memory_space<vmem>>[vector<16xi32>], vector<16xi32>, vector<16xi1>
    }
    %scan3A_45 = arith.constant 256 : i32
    %eq3A_46 = arith.constant 0 : i32
    %eq3A_47 = arith.cmpi eq, %arg0, %eq3A_46 : i32
    %convert_element_type3A_48 = arith.extui %eq3A_47 : i1 to i32
    %cond3A_49 = arith.constant 0 : i32
    %cond3A_50 = arith.cmpi ne, %convert_element_type3A_48, %cond3A_49 : i32
    scf.if %cond3A_50 {
      "tpu.region"() ({
        %run_scoped3A = tpu.sem_alloc : memref<!tpu.dma_semaphore, #tpu.memory_space<semaphore_mem>>
        %dma_start3A = tpu.memref_slice %arg5[%multiple_of3A_33] : memref<1048576xi32, #tpu.memory_space<hbm>> -> memref<32768xi32, #tpu.memory_space<hbm>>
        %dma_start3A_731 = tpu.memref_slice %arg5[%multiple_of3A_33] : memref<1048576xi32, #tpu.memory_space<hbm>> -> memref<32768xi32, #tpu.memory_space<hbm>>
        tpu.enqueue_dma source(%arg15 : memref<32768xi32, #tpu.memory_space<vmem>>) target(%dma_start3A_731 : memref<32768xi32, #tpu.memory_space<hbm>>) target_semaphore(%run_scoped3A : memref<!tpu.dma_semaphore, #tpu.memory_space<semaphore_mem>>)
        %dma_wait3A_732 = tpu.memref_slice %arg5[%multiple_of3A_33] : memref<1048576xi32, #tpu.memory_space<hbm>> -> memref<32768xi32, #tpu.memory_space<hbm>>
        %dma_wait3A_733 = tpu.memref_slice %arg5[%multiple_of3A_33] : memref<1048576xi32, #tpu.memory_space<hbm>> -> memref<32768xi32, #tpu.memory_space<hbm>>
        tpu.wait_dma2 semaphore(%run_scoped3A : memref<!tpu.dma_semaphore, #tpu.memory_space<semaphore_mem>>) src(%arg15 : memref<32768xi32, #tpu.memory_space<vmem>>) dst(%dma_wait3A_733 : memref<32768xi32, #tpu.memory_space<hbm>>)
        tpu.yield
      }) : () -> ()
    } else {
    }
    %eq3A_51 = arith.constant 1 : i32
    %eq3A_52 = arith.cmpi eq, %arg0, %eq3A_51 : i32
    %convert_element_type3A_53 = arith.extui %eq3A_52 : i1 to i32
    %cond3A_54 = arith.constant 0 : i32
    %cond3A_55 = arith.cmpi ne, %convert_element_type3A_53, %cond3A_54 : i32
    scf.if %cond3A_55 {
      "tpu.region"() ({
        %run_scoped3A = tpu.sem_alloc : memref<!tpu.dma_semaphore, #tpu.memory_space<semaphore_mem>>
        %dma_start3A = tpu.memref_slice %arg6[%multiple_of3A_33] : memref<1048576xi32, #tpu.memory_space<hbm>> -> memref<32768xi32, #tpu.memory_space<hbm>>
        %dma_start3A_731 = tpu.memref_slice %arg6[%multiple_of3A_33] : memref<1048576xi32, #tpu.memory_space<hbm>> -> memref<32768xi32, #tpu.memory_space<hbm>>
        tpu.enqueue_dma source(%arg15 : memref<32768xi32, #tpu.memory_space<vmem>>) target(%dma_start3A_731 : memref<32768xi32, #tpu.memory_space<hbm>>) target_semaphore(%run_scoped3A : memref<!tpu.dma_semaphore, #tpu.memory_space<semaphore_mem>>)
        %dma_wait3A_732 = tpu.memref_slice %arg6[%multiple_of3A_33] : memref<1048576xi32, #tpu.memory_space<hbm>> -> memref<32768xi32, #tpu.memory_space<hbm>>
        %dma_wait3A_733 = tpu.memref_slice %arg6[%multiple_of3A_33] : memref<1048576xi32, #tpu.memory_space<hbm>> -> memref<32768xi32, #tpu.memory_space<hbm>>
        tpu.wait_dma2 semaphore(%run_scoped3A : memref<!tpu.dma_semaphore, #tpu.memory_space<semaphore_mem>>) src(%arg15 : memref<32768xi32, #tpu.memory_space<vmem>>) dst(%dma_wait3A_733 : memref<32768xi32, #tpu.memory_space<hbm>>)
        tpu.yield
      }) : () -> ()
    } else {
    }
    %barrier3A = arith.constant 0 : index
    tpu.barrier barrier_id(%barrier3A)
    %multiple_of3A_56 = arith.constant 0 : i32
    %multiple_of3A_57 = tpu.assume_multiple %multiple_of3A_56, 128 : i32
    %eq3A_58 = arith.constant 0 : i32
    %eq3A_59 = arith.cmpi eq, %arg0, %eq3A_58 : i32
    %convert_element_type3A_60 = arith.extui %eq3A_59 : i1 to i32
    %cond3A_61 = arith.constant 0 : i32
    %cond3A_62 = arith.cmpi ne, %convert_element_type3A_60, %cond3A_61 : i32
    scf.if %cond3A_62 {
      %dma_start3A = tpu.memref_slice %arg11[%multiple_of3A_57] : memref<6400xi32, #tpu.memory_space<vmem>> -> memref<128xi32, #tpu.memory_space<vmem>>
      %dma_start3A_731 = tpu.memref_slice %arg10[%multiple_of3A_57] : memref<6400xi32, #tpu.memory_space<vmem>> -> memref<128xi32, #tpu.memory_space<vmem>>
      %dma_start3A_732 = arith.constant 0 : i32
      %dma_start3A_733 = tpu.memref_slice %arg5[%dma_start3A_732] : memref<1048576xi32, #tpu.memory_space<hbm>> -> memref<1048576xi32, #tpu.memory_space<hbm>>
      tpu.enqueue_indirect_dma source(%dma_start3A_733 : memref<1048576xi32, #tpu.memory_space<hbm>>) target(%dma_start3A : memref<128xi32, #tpu.memory_space<vmem>>) offsets(%dma_start3A_731 : memref<128xi32, #tpu.memory_space<vmem>>) semaphore(%arg16 : memref<!tpu.dma_semaphore, #tpu.memory_space<semaphore_mem>>)
    } else {
    }
    %eq3A_63 = arith.constant 1 : i32
    %eq3A_64 = arith.cmpi eq, %arg0, %eq3A_63 : i32
    %convert_element_type3A_65 = arith.extui %eq3A_64 : i1 to i32
    %cond3A_66 = arith.constant 0 : i32
    %cond3A_67 = arith.cmpi ne, %convert_element_type3A_65, %cond3A_66 : i32
    scf.if %cond3A_67 {
      %dma_start3A = tpu.memref_slice %arg11[%multiple_of3A_57] : memref<6400xi32, #tpu.memory_space<vmem>> -> memref<128xi32, #tpu.memory_space<vmem>>
      %dma_start3A_731 = tpu.memref_slice %arg10[%multiple_of3A_57] : memref<6400xi32, #tpu.memory_space<vmem>> -> memref<128xi32, #tpu.memory_space<vmem>>
      %dma_start3A_732 = arith.constant 0 : i32
      %dma_start3A_733 = tpu.memref_slice %arg6[%dma_start3A_732] : memref<1048576xi32, #tpu.memory_space<hbm>> -> memref<1048576xi32, #tpu.memory_space<hbm>>
      tpu.enqueue_indirect_dma source(%dma_start3A_733 : memref<1048576xi32, #tpu.memory_space<hbm>>) target(%dma_start3A : memref<128xi32, #tpu.memory_space<vmem>>) offsets(%dma_start3A_731 : memref<128xi32, #tpu.memory_space<vmem>>) semaphore(%arg16 : memref<!tpu.dma_semaphore, #tpu.memory_space<semaphore_mem>>)
    } else {
    }
    %multiple_of3A_68 = arith.constant 128 : i32
    %multiple_of3A_69 = tpu.assume_multiple %multiple_of3A_68, 128 : i32
    %eq3A_70 = arith.constant 0 : i32
    %eq3A_71 = arith.cmpi eq, %arg0, %eq3A_70 : i32
    %convert_element_type3A_72 = arith.extui %eq3A_71 : i1 to i32
    %cond3A_73 = arith.constant 0 : i32
    %cond3A_74 = arith.cmpi ne, %convert_element_type3A_72, %cond3A_73 : i32
    scf.if %cond3A_74 {
      %dma_start3A = tpu.memref_slice %arg11[%multiple_of3A_69] : memref<6400xi32, #tpu.memory_space<vmem>> -> memref<128xi32, #tpu.memory_space<vmem>>
      %dma_start3A_731 = tpu.memref_slice %arg10[%multiple_of3A_69] : memref<6400xi32, #tpu.memory_space<vmem>> -> memref<128xi32, #tpu.memory_space<vmem>>
      %dma_start3A_732 = arith.constant 0 : i32
      %dma_start3A_733 = tpu.memref_slice %arg5[%dma_start3A_732] : memref<1048576xi32, #tpu.memory_space<hbm>> -> memref<1048576xi32, #tpu.memory_space<hbm>>
      tpu.enqueue_indirect_dma source(%dma_start3A_733 : memref<1048576xi32, #tpu.memory_space<hbm>>) target(%dma_start3A : memref<128xi32, #tpu.memory_space<vmem>>) offsets(%dma_start3A_731 : memref<128xi32, #tpu.memory_space<vmem>>) semaphore(%arg16 : memref<!tpu.dma_semaphore, #tpu.memory_space<semaphore_mem>>)
    } else {
    }
    %eq3A_75 = arith.constant 1 : i32
    %eq3A_76 = arith.cmpi eq, %arg0, %eq3A_75 : i32
    %convert_element_type3A_77 = arith.extui %eq3A_76 : i1 to i32
    %cond3A_78 = arith.constant 0 : i32
    %cond3A_79 = arith.cmpi ne, %convert_element_type3A_77, %cond3A_78 : i32
    scf.if %cond3A_79 {
      %dma_start3A = tpu.memref_slice %arg11[%multiple_of3A_69] : memref<6400xi32, #tpu.memory_space<vmem>> -> memref<128xi32, #tpu.memory_space<vmem>>
      %dma_start3A_731 = tpu.memref_slice %arg10[%multiple_of3A_69] : memref<6400xi32, #tpu.memory_space<vmem>> -> memref<128xi32, #tpu.memory_space<vmem>>
      %dma_start3A_732 = arith.constant 0 : i32
      %dma_start3A_733 = tpu.memref_slice %arg6[%dma_start3A_732] : memref<1048576xi32, #tpu.memory_space<hbm>> -> memref<1048576xi32, #tpu.memory_space<hbm>>
      tpu.enqueue_indirect_dma source(%dma_start3A_733 : memref<1048576xi32, #tpu.memory_space<hbm>>) target(%dma_start3A : memref<128xi32, #tpu.memory_space<vmem>>) offsets(%dma_start3A_731 : memref<128xi32, #tpu.memory_space<vmem>>) semaphore(%arg16 : memref<!tpu.dma_semaphore, #tpu.memory_space<semaphore_mem>>)
    } else {
    }
    %multiple_of3A_80 = arith.constant 256 : i32
    %multiple_of3A_81 = tpu.assume_multiple %multiple_of3A_80, 128 : i32
    %eq3A_82 = arith.constant 0 : i32
    %eq3A_83 = arith.cmpi eq, %arg0, %eq3A_82 : i32
    %convert_element_type3A_84 = arith.extui %eq3A_83 : i1 to i32
    %cond3A_85 = arith.constant 0 : i32
    %cond3A_86 = arith.cmpi ne, %convert_element_type3A_84, %cond3A_85 : i32
    scf.if %cond3A_86 {
      %dma_start3A = tpu.memref_slice %arg11[%multiple_of3A_81] : memref<6400xi32, #tpu.memory_space<vmem>> -> memref<128xi32, #tpu.memory_space<vmem>>
      %dma_start3A_731 = tpu.memref_slice %arg10[%multiple_of3A_81] : memref<6400xi32, #tpu.memory_space<vmem>> -> memref<128xi32, #tpu.memory_space<vmem>>
      %dma_start3A_732 = arith.constant 0 : i32
      %dma_start3A_733 = tpu.memref_slice %arg5[%dma_start3A_732] : memref<1048576xi32, #tpu.memory_space<hbm>> -> memref<1048576xi32, #tpu.memory_space<hbm>>
      tpu.enqueue_indirect_dma source(%dma_start3A_733 : memref<1048576xi32, #tpu.memory_space<hbm>>) target(%dma_start3A : memref<128xi32, #tpu.memory_space<vmem>>) offsets(%dma_start3A_731 : memref<128xi32, #tpu.memory_space<vmem>>) semaphore(%arg16 : memref<!tpu.dma_semaphore, #tpu.memory_space<semaphore_mem>>)
    } else {
    }
    %eq3A_87 = arith.constant 1 : i32
    %eq3A_88 = arith.cmpi eq, %arg0, %eq3A_87 : i32
    %convert_element_type3A_89 = arith.extui %eq3A_88 : i1 to i32
    %cond3A_90 = arith.constant 0 : i32
    %cond3A_91 = arith.cmpi ne, %convert_element_type3A_89, %cond3A_90 : i32
    scf.if %cond3A_91 {
      %dma_start3A = tpu.memref_slice %arg11[%multiple_of3A_81] : memref<6400xi32, #tpu.memory_space<vmem>> -> memref<128xi32, #tpu.memory_space<vmem>>
      %dma_start3A_731 = tpu.memref_slice %arg10[%multiple_of3A_81] : memref<6400xi32, #tpu.memory_space<vmem>> -> memref<128xi32, #tpu.memory_space<vmem>>
      %dma_start3A_732 = arith.constant 0 : i32
      %dma_start3A_733 = tpu.memref_slice %arg6[%dma_start3A_732] : memref<1048576xi32, #tpu.memory_space<hbm>> -> memref<1048576xi32, #tpu.memory_space<hbm>>
      tpu.enqueue_indirect_dma source(%dma_start3A_733 : memref<1048576xi32, #tpu.memory_space<hbm>>) target(%dma_start3A : memref<128xi32, #tpu.memory_space<vmem>>) offsets(%dma_start3A_731 : memref<128xi32, #tpu.memory_space<vmem>>) semaphore(%arg16 : memref<!tpu.dma_semaphore, #tpu.memory_space<semaphore_mem>>)
    } else {
    }
    %multiple_of3A_92 = arith.constant 384 : i32
    %multiple_of3A_93 = tpu.assume_multiple %multiple_of3A_92, 128 : i32
    %eq3A_94 = arith.constant 0 : i32
    %eq3A_95 = arith.cmpi eq, %arg0, %eq3A_94 : i32
    %convert_element_type3A_96 = arith.extui %eq3A_95 : i1 to i32
    %cond3A_97 = arith.constant 0 : i32
    %cond3A_98 = arith.cmpi ne, %convert_element_type3A_96, %cond3A_97 : i32
    scf.if %cond3A_98 {
      %dma_start3A = tpu.memref_slice %arg11[%multiple_of3A_93] : memref<6400xi32, #tpu.memory_space<vmem>> -> memref<128xi32, #tpu.memory_space<vmem>>
      %dma_start3A_731 = tpu.memref_slice %arg10[%multiple_of3A_93] : memref<6400xi32, #tpu.memory_space<vmem>> -> memref<128xi32, #tpu.memory_space<vmem>>
      %dma_start3A_732 = arith.constant 0 : i32
      %dma_start3A_733 = tpu.memref_slice %arg5[%dma_start3A_732] : memref<1048576xi32, #tpu.memory_space<hbm>> -> memref<1048576xi32, #tpu.memory_space<hbm>>
      tpu.enqueue_indirect_dma source(%dma_start3A_733 : memref<1048576xi32, #tpu.memory_space<hbm>>) target(%dma_start3A : memref<128xi32, #tpu.memory_space<vmem>>) offsets(%dma_start3A_731 : memref<128xi32, #tpu.memory_space<vmem>>) semaphore(%arg16 : memref<!tpu.dma_semaphore, #tpu.memory_space<semaphore_mem>>)
    } else {
    }
    %eq3A_99 = arith.constant 1 : i32
    %eq3A_100 = arith.cmpi eq, %arg0, %eq3A_99 : i32
    %convert_element_type3A_101 = arith.extui %eq3A_100 : i1 to i32
    %cond3A_102 = arith.constant 0 : i32
    %cond3A_103 = arith.cmpi ne, %convert_element_type3A_101, %cond3A_102 : i32
    scf.if %cond3A_103 {
      %dma_start3A = tpu.memref_slice %arg11[%multiple_of3A_93] : memref<6400xi32, #tpu.memory_space<vmem>> -> memref<128xi32, #tpu.memory_space<vmem>>
      %dma_start3A_731 = tpu.memref_slice %arg10[%multiple_of3A_93] : memref<6400xi32, #tpu.memory_space<vmem>> -> memref<128xi32, #tpu.memory_space<vmem>>
      %dma_start3A_732 = arith.constant 0 : i32
      %dma_start3A_733 = tpu.memref_slice %arg6[%dma_start3A_732] : memref<1048576xi32, #tpu.memory_space<hbm>> -> memref<1048576xi32, #tpu.memory_space<hbm>>
      tpu.enqueue_indirect_dma source(%dma_start3A_733 : memref<1048576xi32, #tpu.memory_space<hbm>>) target(%dma_start3A : memref<128xi32, #tpu.memory_space<vmem>>) offsets(%dma_start3A_731 : memref<128xi32, #tpu.memory_space<vmem>>) semaphore(%arg16 : memref<!tpu.dma_semaphore, #tpu.memory_space<semaphore_mem>>)
    } else {
    }
    %multiple_of3A_104 = arith.constant 512 : i32
    %multiple_of3A_105 = tpu.assume_multiple %multiple_of3A_104, 128 : i32
    %eq3A_106 = arith.constant 0 : i32
    %eq3A_107 = arith.cmpi eq, %arg0, %eq3A_106 : i32
    %convert_element_type3A_108 = arith.extui %eq3A_107 : i1 to i32
    %cond3A_109 = arith.constant 0 : i32
    %cond3A_110 = arith.cmpi ne, %convert_element_type3A_108, %cond3A_109 : i32
    scf.if %cond3A_110 {
      %dma_start3A = tpu.memref_slice %arg11[%multiple_of3A_105] : memref<6400xi32, #tpu.memory_space<vmem>> -> memref<128xi32, #tpu.memory_space<vmem>>
      %dma_start3A_731 = tpu.memref_slice %arg10[%multiple_of3A_105] : memref<6400xi32, #tpu.memory_space<vmem>> -> memref<128xi32, #tpu.memory_space<vmem>>
      %dma_start3A_732 = arith.constant 0 : i32
      %dma_start3A_733 = tpu.memref_slice %arg5[%dma_start3A_732] : memref<1048576xi32, #tpu.memory_space<hbm>> -> memref<1048576xi32, #tpu.memory_space<hbm>>
      tpu.enqueue_indirect_dma source(%dma_start3A_733 : memref<1048576xi32, #tpu.memory_space<hbm>>) target(%dma_start3A : memref<128xi32, #tpu.memory_space<vmem>>) offsets(%dma_start3A_731 : memref<128xi32, #tpu.memory_space<vmem>>) semaphore(%arg16 : memref<!tpu.dma_semaphore, #tpu.memory_space<semaphore_mem>>)
    } else {
    }
    %eq3A_111 = arith.constant 1 : i32
    %eq3A_112 = arith.cmpi eq, %arg0, %eq3A_111 : i32
    %convert_element_type3A_113 = arith.extui %eq3A_112 : i1 to i32
    %cond3A_114 = arith.constant 0 : i32
    %cond3A_115 = arith.cmpi ne, %convert_element_type3A_113, %cond3A_114 : i32
    scf.if %cond3A_115 {
      %dma_start3A = tpu.memref_slice %arg11[%multiple_of3A_105] : memref<6400xi32, #tpu.memory_space<vmem>> -> memref<128xi32, #tpu.memory_space<vmem>>
      %dma_start3A_731 = tpu.memref_slice %arg10[%multiple_of3A_105] : memref<6400xi32, #tpu.memory_space<vmem>> -> memref<128xi32, #tpu.memory_space<vmem>>
      %dma_start3A_732 = arith.constant 0 : i32
      %dma_start3A_733 = tpu.memref_slice %arg6[%dma_start3A_732] : memref<1048576xi32, #tpu.memory_space<hbm>> -> memref<1048576xi32, #tpu.memory_space<hbm>>
      tpu.enqueue_indirect_dma source(%dma_start3A_733 : memref<1048576xi32, #tpu.memory_space<hbm>>) target(%dma_start3A : memref<128xi32, #tpu.memory_space<vmem>>) offsets(%dma_start3A_731 : memref<128xi32, #tpu.memory_space<vmem>>) semaphore(%arg16 : memref<!tpu.dma_semaphore, #tpu.memory_space<semaphore_mem>>)
    } else {
    }
    %multiple_of3A_116 = arith.constant 640 : i32
    %multiple_of3A_117 = tpu.assume_multiple %multiple_of3A_116, 128 : i32
    %eq3A_118 = arith.constant 0 : i32
    %eq3A_119 = arith.cmpi eq, %arg0, %eq3A_118 : i32
    %convert_element_type3A_120 = arith.extui %eq3A_119 : i1 to i32
    %cond3A_121 = arith.constant 0 : i32
    %cond3A_122 = arith.cmpi ne, %convert_element_type3A_120, %cond3A_121 : i32
    scf.if %cond3A_122 {
      %dma_start3A = tpu.memref_slice %arg11[%multiple_of3A_117] : memref<6400xi32, #tpu.memory_space<vmem>> -> memref<128xi32, #tpu.memory_space<vmem>>
      %dma_start3A_731 = tpu.memref_slice %arg10[%multiple_of3A_117] : memref<6400xi32, #tpu.memory_space<vmem>> -> memref<128xi32, #tpu.memory_space<vmem>>
      %dma_start3A_732 = arith.constant 0 : i32
      %dma_start3A_733 = tpu.memref_slice %arg5[%dma_start3A_732] : memref<1048576xi32, #tpu.memory_space<hbm>> -> memref<1048576xi32, #tpu.memory_space<hbm>>
      tpu.enqueue_indirect_dma source(%dma_start3A_733 : memref<1048576xi32, #tpu.memory_space<hbm>>) target(%dma_start3A : memref<128xi32, #tpu.memory_space<vmem>>) offsets(%dma_start3A_731 : memref<128xi32, #tpu.memory_space<vmem>>) semaphore(%arg16 : memref<!tpu.dma_semaphore, #tpu.memory_space<semaphore_mem>>)
    } else {
    }
    %eq3A_123 = arith.constant 1 : i32
    %eq3A_124 = arith.cmpi eq, %arg0, %eq3A_123 : i32
    %convert_element_type3A_125 = arith.extui %eq3A_124 : i1 to i32
    %cond3A_126 = arith.constant 0 : i32
    %cond3A_127 = arith.cmpi ne, %convert_element_type3A_125, %cond3A_126 : i32
    scf.if %cond3A_127 {
      %dma_start3A = tpu.memref_slice %arg11[%multiple_of3A_117] : memref<6400xi32, #tpu.memory_space<vmem>> -> memref<128xi32, #tpu.memory_space<vmem>>
      %dma_start3A_731 = tpu.memref_slice %arg10[%multiple_of3A_117] : memref<6400xi32, #tpu.memory_space<vmem>> -> memref<128xi32, #tpu.memory_space<vmem>>
      %dma_start3A_732 = arith.constant 0 : i32
      %dma_start3A_733 = tpu.memref_slice %arg6[%dma_start3A_732] : memref<1048576xi32, #tpu.memory_space<hbm>> -> memref<1048576xi32, #tpu.memory_space<hbm>>
      tpu.enqueue_indirect_dma source(%dma_start3A_733 : memref<1048576xi32, #tpu.memory_space<hbm>>) target(%dma_start3A : memref<128xi32, #tpu.memory_space<vmem>>) offsets(%dma_start3A_731 : memref<128xi32, #tpu.memory_space<vmem>>) semaphore(%arg16 : memref<!tpu.dma_semaphore, #tpu.memory_space<semaphore_mem>>)
    } else {
    }
    %multiple_of3A_128 = arith.constant 768 : i32
    %multiple_of3A_129 = tpu.assume_multiple %multiple_of3A_128, 128 : i32
    %eq3A_130 = arith.constant 0 : i32
    %eq3A_131 = arith.cmpi eq, %arg0, %eq3A_130 : i32
    %convert_element_type3A_132 = arith.extui %eq3A_131 : i1 to i32
    %cond3A_133 = arith.constant 0 : i32
    %cond3A_134 = arith.cmpi ne, %convert_element_type3A_132, %cond3A_133 : i32
    scf.if %cond3A_134 {
      %dma_start3A = tpu.memref_slice %arg11[%multiple_of3A_129] : memref<6400xi32, #tpu.memory_space<vmem>> -> memref<128xi32, #tpu.memory_space<vmem>>
      %dma_start3A_731 = tpu.memref_slice %arg10[%multiple_of3A_129] : memref<6400xi32, #tpu.memory_space<vmem>> -> memref<128xi32, #tpu.memory_space<vmem>>
      %dma_start3A_732 = arith.constant 0 : i32
      %dma_start3A_733 = tpu.memref_slice %arg5[%dma_start3A_732] : memref<1048576xi32, #tpu.memory_space<hbm>> -> memref<1048576xi32, #tpu.memory_space<hbm>>
      tpu.enqueue_indirect_dma source(%dma_start3A_733 : memref<1048576xi32, #tpu.memory_space<hbm>>) target(%dma_start3A : memref<128xi32, #tpu.memory_space<vmem>>) offsets(%dma_start3A_731 : memref<128xi32, #tpu.memory_space<vmem>>) semaphore(%arg16 : memref<!tpu.dma_semaphore, #tpu.memory_space<semaphore_mem>>)
    } else {
    }
    %eq3A_135 = arith.constant 1 : i32
    %eq3A_136 = arith.cmpi eq, %arg0, %eq3A_135 : i32
    %convert_element_type3A_137 = arith.extui %eq3A_136 : i1 to i32
    %cond3A_138 = arith.constant 0 : i32
    %cond3A_139 = arith.cmpi ne, %convert_element_type3A_137, %cond3A_138 : i32
    scf.if %cond3A_139 {
      %dma_start3A = tpu.memref_slice %arg11[%multiple_of3A_129] : memref<6400xi32, #tpu.memory_space<vmem>> -> memref<128xi32, #tpu.memory_space<vmem>>
      %dma_start3A_731 = tpu.memref_slice %arg10[%multiple_of3A_129] : memref<6400xi32, #tpu.memory_space<vmem>> -> memref<128xi32, #tpu.memory_space<vmem>>
      %dma_start3A_732 = arith.constant 0 : i32
      %dma_start3A_733 = tpu.memref_slice %arg6[%dma_start3A_732] : memref<1048576xi32, #tpu.memory_space<hbm>> -> memref<1048576xi32, #tpu.memory_space<hbm>>
      tpu.enqueue_indirect_dma source(%dma_start3A_733 : memref<1048576xi32, #tpu.memory_space<hbm>>) target(%dma_start3A : memref<128xi32, #tpu.memory_space<vmem>>) offsets(%dma_start3A_731 : memref<128xi32, #tpu.memory_space<vmem>>) semaphore(%arg16 : memref<!tpu.dma_semaphore, #tpu.memory_space<semaphore_mem>>)
    } else {
    }
    %multiple_of3A_140 = arith.constant 896 : i32
    %multiple_of3A_141 = tpu.assume_multiple %multiple_of3A_140, 128 : i32
    %eq3A_142 = arith.constant 0 : i32
    %eq3A_143 = arith.cmpi eq, %arg0, %eq3A_142 : i32
    %convert_element_type3A_144 = arith.extui %eq3A_143 : i1 to i32
    %cond3A_145 = arith.constant 0 : i32
    %cond3A_146 = arith.cmpi ne, %convert_element_type3A_144, %cond3A_145 : i32
    scf.if %cond3A_146 {
      %dma_start3A = tpu.memref_slice %arg11[%multiple_of3A_141] : memref<6400xi32, #tpu.memory_space<vmem>> -> memref<128xi32, #tpu.memory_space<vmem>>
      %dma_start3A_731 = tpu.memref_slice %arg10[%multiple_of3A_141] : memref<6400xi32, #tpu.memory_space<vmem>> -> memref<128xi32, #tpu.memory_space<vmem>>
      %dma_start3A_732 = arith.constant 0 : i32
      %dma_start3A_733 = tpu.memref_slice %arg5[%dma_start3A_732] : memref<1048576xi32, #tpu.memory_space<hbm>> -> memref<1048576xi32, #tpu.memory_space<hbm>>
      tpu.enqueue_indirect_dma source(%dma_start3A_733 : memref<1048576xi32, #tpu.memory_space<hbm>>) target(%dma_start3A : memref<128xi32, #tpu.memory_space<vmem>>) offsets(%dma_start3A_731 : memref<128xi32, #tpu.memory_space<vmem>>) semaphore(%arg16 : memref<!tpu.dma_semaphore, #tpu.memory_space<semaphore_mem>>)
    } else {
    }
    %eq3A_147 = arith.constant 1 : i32
    %eq3A_148 = arith.cmpi eq, %arg0, %eq3A_147 : i32
    %convert_element_type3A_149 = arith.extui %eq3A_148 : i1 to i32
    %cond3A_150 = arith.constant 0 : i32
    %cond3A_151 = arith.cmpi ne, %convert_element_type3A_149, %cond3A_150 : i32
    scf.if %cond3A_151 {
      %dma_start3A = tpu.memref_slice %arg11[%multiple_of3A_141] : memref<6400xi32, #tpu.memory_space<vmem>> -> memref<128xi32, #tpu.memory_space<vmem>>
      %dma_start3A_731 = tpu.memref_slice %arg10[%multiple_of3A_141] : memref<6400xi32, #tpu.memory_space<vmem>> -> memref<128xi32, #tpu.memory_space<vmem>>
      %dma_start3A_732 = arith.constant 0 : i32
      %dma_start3A_733 = tpu.memref_slice %arg6[%dma_start3A_732] : memref<1048576xi32, #tpu.memory_space<hbm>> -> memref<1048576xi32, #tpu.memory_space<hbm>>
      tpu.enqueue_indirect_dma source(%dma_start3A_733 : memref<1048576xi32, #tpu.memory_space<hbm>>) target(%dma_start3A : memref<128xi32, #tpu.memory_space<vmem>>) offsets(%dma_start3A_731 : memref<128xi32, #tpu.memory_space<vmem>>) semaphore(%arg16 : memref<!tpu.dma_semaphore, #tpu.memory_space<semaphore_mem>>)
    } else {
    }
    %multiple_of3A_152 = arith.constant 1024 : i32
    %multiple_of3A_153 = tpu.assume_multiple %multiple_of3A_152, 128 : i32
    %eq3A_154 = arith.constant 0 : i32
    %eq3A_155 = arith.cmpi eq, %arg0, %eq3A_154 : i32
    %convert_element_type3A_156 = arith.extui %eq3A_155 : i1 to i32
    %cond3A_157 = arith.constant 0 : i32
    %cond3A_158 = arith.cmpi ne, %convert_element_type3A_156, %cond3A_157 : i32
    scf.if %cond3A_158 {
      %dma_start3A = tpu.memref_slice %arg11[%multiple_of3A_153] : memref<6400xi32, #tpu.memory_space<vmem>> -> memref<128xi32, #tpu.memory_space<vmem>>
      %dma_start3A_731 = tpu.memref_slice %arg10[%multiple_of3A_153] : memref<6400xi32, #tpu.memory_space<vmem>> -> memref<128xi32, #tpu.memory_space<vmem>>
      %dma_start3A_732 = arith.constant 0 : i32
      %dma_start3A_733 = tpu.memref_slice %arg5[%dma_start3A_732] : memref<1048576xi32, #tpu.memory_space<hbm>> -> memref<1048576xi32, #tpu.memory_space<hbm>>
      tpu.enqueue_indirect_dma source(%dma_start3A_733 : memref<1048576xi32, #tpu.memory_space<hbm>>) target(%dma_start3A : memref<128xi32, #tpu.memory_space<vmem>>) offsets(%dma_start3A_731 : memref<128xi32, #tpu.memory_space<vmem>>) semaphore(%arg16 : memref<!tpu.dma_semaphore, #tpu.memory_space<semaphore_mem>>)
    } else {
    }
    %eq3A_159 = arith.constant 1 : i32
    %eq3A_160 = arith.cmpi eq, %arg0, %eq3A_159 : i32
    %convert_element_type3A_161 = arith.extui %eq3A_160 : i1 to i32
    %cond3A_162 = arith.constant 0 : i32
    %cond3A_163 = arith.cmpi ne, %convert_element_type3A_161, %cond3A_162 : i32
    scf.if %cond3A_163 {
      %dma_start3A = tpu.memref_slice %arg11[%multiple_of3A_153] : memref<6400xi32, #tpu.memory_space<vmem>> -> memref<128xi32, #tpu.memory_space<vmem>>
      %dma_start3A_731 = tpu.memref_slice %arg10[%multiple_of3A_153] : memref<6400xi32, #tpu.memory_space<vmem>> -> memref<128xi32, #tpu.memory_space<vmem>>
      %dma_start3A_732 = arith.constant 0 : i32
      %dma_start3A_733 = tpu.memref_slice %arg6[%dma_start3A_732] : memref<1048576xi32, #tpu.memory_space<hbm>> -> memref<1048576xi32, #tpu.memory_space<hbm>>
      tpu.enqueue_indirect_dma source(%dma_start3A_733 : memref<1048576xi32, #tpu.memory_space<hbm>>) target(%dma_start3A : memref<128xi32, #tpu.memory_space<vmem>>) offsets(%dma_start3A_731 : memref<128xi32, #tpu.memory_space<vmem>>) semaphore(%arg16 : memref<!tpu.dma_semaphore, #tpu.memory_space<semaphore_mem>>)
    } else {
    }
    %multiple_of3A_164 = arith.constant 1152 : i32
    %multiple_of3A_165 = tpu.assume_multiple %multiple_of3A_164, 128 : i32
    %eq3A_166 = arith.constant 0 : i32
    %eq3A_167 = arith.cmpi eq, %arg0, %eq3A_166 : i32
    %convert_element_type3A_168 = arith.extui %eq3A_167 : i1 to i32
    %cond3A_169 = arith.constant 0 : i32
    %cond3A_170 = arith.cmpi ne, %convert_element_type3A_168, %cond3A_169 : i32
    scf.if %cond3A_170 {
      %dma_start3A = tpu.memref_slice %arg11[%multiple_of3A_165] : memref<6400xi32, #tpu.memory_space<vmem>> -> memref<128xi32, #tpu.memory_space<vmem>>
      %dma_start3A_731 = tpu.memref_slice %arg10[%multiple_of3A_165] : memref<6400xi32, #tpu.memory_space<vmem>> -> memref<128xi32, #tpu.memory_space<vmem>>
      %dma_start3A_732 = arith.constant 0 : i32
      %dma_start3A_733 = tpu.memref_slice %arg5[%dma_start3A_732] : memref<1048576xi32, #tpu.memory_space<hbm>> -> memref<1048576xi32, #tpu.memory_space<hbm>>
      tpu.enqueue_indirect_dma source(%dma_start3A_733 : memref<1048576xi32, #tpu.memory_space<hbm>>) target(%dma_start3A : memref<128xi32, #tpu.memory_space<vmem>>) offsets(%dma_start3A_731 : memref<128xi32, #tpu.memory_space<vmem>>) semaphore(%arg16 : memref<!tpu.dma_semaphore, #tpu.memory_space<semaphore_mem>>)
    } else {
    }
    %eq3A_171 = arith.constant 1 : i32
    %eq3A_172 = arith.cmpi eq, %arg0, %eq3A_171 : i32
    %convert_element_type3A_173 = arith.extui %eq3A_172 : i1 to i32
    %cond3A_174 = arith.constant 0 : i32
    %cond3A_175 = arith.cmpi ne, %convert_element_type3A_173, %cond3A_174 : i32
    scf.if %cond3A_175 {
      %dma_start3A = tpu.memref_slice %arg11[%multiple_of3A_165] : memref<6400xi32, #tpu.memory_space<vmem>> -> memref<128xi32, #tpu.memory_space<vmem>>
      %dma_start3A_731 = tpu.memref_slice %arg10[%multiple_of3A_165] : memref<6400xi32, #tpu.memory_space<vmem>> -> memref<128xi32, #tpu.memory_space<vmem>>
      %dma_start3A_732 = arith.constant 0 : i32
      %dma_start3A_733 = tpu.memref_slice %arg6[%dma_start3A_732] : memref<1048576xi32, #tpu.memory_space<hbm>> -> memref<1048576xi32, #tpu.memory_space<hbm>>
      tpu.enqueue_indirect_dma source(%dma_start3A_733 : memref<1048576xi32, #tpu.memory_space<hbm>>) target(%dma_start3A : memref<128xi32, #tpu.memory_space<vmem>>) offsets(%dma_start3A_731 : memref<128xi32, #tpu.memory_space<vmem>>) semaphore(%arg16 : memref<!tpu.dma_semaphore, #tpu.memory_space<semaphore_mem>>)
    } else {
    }
    %multiple_of3A_176 = arith.constant 1280 : i32
    %multiple_of3A_177 = tpu.assume_multiple %multiple_of3A_176, 128 : i32
    %eq3A_178 = arith.constant 0 : i32
    %eq3A_179 = arith.cmpi eq, %arg0, %eq3A_178 : i32
    %convert_element_type3A_180 = arith.extui %eq3A_179 : i1 to i32
    %cond3A_181 = arith.constant 0 : i32
    %cond3A_182 = arith.cmpi ne, %convert_element_type3A_180, %cond3A_181 : i32
    scf.if %cond3A_182 {
      %dma_start3A = tpu.memref_slice %arg11[%multiple_of3A_177] : memref<6400xi32, #tpu.memory_space<vmem>> -> memref<128xi32, #tpu.memory_space<vmem>>
      %dma_start3A_731 = tpu.memref_slice %arg10[%multiple_of3A_177] : memref<6400xi32, #tpu.memory_space<vmem>> -> memref<128xi32, #tpu.memory_space<vmem>>
      %dma_start3A_732 = arith.constant 0 : i32
      %dma_start3A_733 = tpu.memref_slice %arg5[%dma_start3A_732] : memref<1048576xi32, #tpu.memory_space<hbm>> -> memref<1048576xi32, #tpu.memory_space<hbm>>
      tpu.enqueue_indirect_dma source(%dma_start3A_733 : memref<1048576xi32, #tpu.memory_space<hbm>>) target(%dma_start3A : memref<128xi32, #tpu.memory_space<vmem>>) offsets(%dma_start3A_731 : memref<128xi32, #tpu.memory_space<vmem>>) semaphore(%arg16 : memref<!tpu.dma_semaphore, #tpu.memory_space<semaphore_mem>>)
    } else {
    }
    %eq3A_183 = arith.constant 1 : i32
    %eq3A_184 = arith.cmpi eq, %arg0, %eq3A_183 : i32
    %convert_element_type3A_185 = arith.extui %eq3A_184 : i1 to i32
    %cond3A_186 = arith.constant 0 : i32
    %cond3A_187 = arith.cmpi ne, %convert_element_type3A_185, %cond3A_186 : i32
    scf.if %cond3A_187 {
      %dma_start3A = tpu.memref_slice %arg11[%multiple_of3A_177] : memref<6400xi32, #tpu.memory_space<vmem>> -> memref<128xi32, #tpu.memory_space<vmem>>
      %dma_start3A_731 = tpu.memref_slice %arg10[%multiple_of3A_177] : memref<6400xi32, #tpu.memory_space<vmem>> -> memref<128xi32, #tpu.memory_space<vmem>>
      %dma_start3A_732 = arith.constant 0 : i32
      %dma_start3A_733 = tpu.memref_slice %arg6[%dma_start3A_732] : memref<1048576xi32, #tpu.memory_space<hbm>> -> memref<1048576xi32, #tpu.memory_space<hbm>>
      tpu.enqueue_indirect_dma source(%dma_start3A_733 : memref<1048576xi32, #tpu.memory_space<hbm>>) target(%dma_start3A : memref<128xi32, #tpu.memory_space<vmem>>) offsets(%dma_start3A_731 : memref<128xi32, #tpu.memory_space<vmem>>) semaphore(%arg16 : memref<!tpu.dma_semaphore, #tpu.memory_space<semaphore_mem>>)
    } else {
    }
    %multiple_of3A_188 = arith.constant 1408 : i32
    %multiple_of3A_189 = tpu.assume_multiple %multiple_of3A_188, 128 : i32
    %eq3A_190 = arith.constant 0 : i32
    %eq3A_191 = arith.cmpi eq, %arg0, %eq3A_190 : i32
    %convert_element_type3A_192 = arith.extui %eq3A_191 : i1 to i32
    %cond3A_193 = arith.constant 0 : i32
    %cond3A_194 = arith.cmpi ne, %convert_element_type3A_192, %cond3A_193 : i32
    scf.if %cond3A_194 {
      %dma_start3A = tpu.memref_slice %arg11[%multiple_of3A_189] : memref<6400xi32, #tpu.memory_space<vmem>> -> memref<128xi32, #tpu.memory_space<vmem>>
      %dma_start3A_731 = tpu.memref_slice %arg10[%multiple_of3A_189] : memref<6400xi32, #tpu.memory_space<vmem>> -> memref<128xi32, #tpu.memory_space<vmem>>
      %dma_start3A_732 = arith.constant 0 : i32
      %dma_start3A_733 = tpu.memref_slice %arg5[%dma_start3A_732] : memref<1048576xi32, #tpu.memory_space<hbm>> -> memref<1048576xi32, #tpu.memory_space<hbm>>
      tpu.enqueue_indirect_dma source(%dma_start3A_733 : memref<1048576xi32, #tpu.memory_space<hbm>>) target(%dma_start3A : memref<128xi32, #tpu.memory_space<vmem>>) offsets(%dma_start3A_731 : memref<128xi32, #tpu.memory_space<vmem>>) semaphore(%arg16 : memref<!tpu.dma_semaphore, #tpu.memory_space<semaphore_mem>>)
    } else {
    }
    %eq3A_195 = arith.constant 1 : i32
    %eq3A_196 = arith.cmpi eq, %arg0, %eq3A_195 : i32
    %convert_element_type3A_197 = arith.extui %eq3A_196 : i1 to i32
    %cond3A_198 = arith.constant 0 : i32
    %cond3A_199 = arith.cmpi ne, %convert_element_type3A_197, %cond3A_198 : i32
    scf.if %cond3A_199 {
      %dma_start3A = tpu.memref_slice %arg11[%multiple_of3A_189] : memref<6400xi32, #tpu.memory_space<vmem>> -> memref<128xi32, #tpu.memory_space<vmem>>
      %dma_start3A_731 = tpu.memref_slice %arg10[%multiple_of3A_189] : memref<6400xi32, #tpu.memory_space<vmem>> -> memref<128xi32, #tpu.memory_space<vmem>>
      %dma_start3A_732 = arith.constant 0 : i32
      %dma_start3A_733 = tpu.memref_slice %arg6[%dma_start3A_732] : memref<1048576xi32, #tpu.memory_space<hbm>> -> memref<1048576xi32, #tpu.memory_space<hbm>>
      tpu.enqueue_indirect_dma source(%dma_start3A_733 : memref<1048576xi32, #tpu.memory_space<hbm>>) target(%dma_start3A : memref<128xi32, #tpu.memory_space<vmem>>) offsets(%dma_start3A_731 : memref<128xi32, #tpu.memory_space<vmem>>) semaphore(%arg16 : memref<!tpu.dma_semaphore, #tpu.memory_space<semaphore_mem>>)
    } else {
    }
    %multiple_of3A_200 = arith.constant 1536 : i32
    %multiple_of3A_201 = tpu.assume_multiple %multiple_of3A_200, 128 : i32
    %eq3A_202 = arith.constant 0 : i32
    %eq3A_203 = arith.cmpi eq, %arg0, %eq3A_202 : i32
    %convert_element_type3A_204 = arith.extui %eq3A_203 : i1 to i32
    %cond3A_205 = arith.constant 0 : i32
    %cond3A_206 = arith.cmpi ne, %convert_element_type3A_204, %cond3A_205 : i32
    scf.if %cond3A_206 {
      %dma_start3A = tpu.memref_slice %arg11[%multiple_of3A_201] : memref<6400xi32, #tpu.memory_space<vmem>> -> memref<128xi32, #tpu.memory_space<vmem>>
      %dma_start3A_731 = tpu.memref_slice %arg10[%multiple_of3A_201] : memref<6400xi32, #tpu.memory_space<vmem>> -> memref<128xi32, #tpu.memory_space<vmem>>
      %dma_start3A_732 = arith.constant 0 : i32
      %dma_start3A_733 = tpu.memref_slice %arg5[%dma_start3A_732] : memref<1048576xi32, #tpu.memory_space<hbm>> -> memref<1048576xi32, #tpu.memory_space<hbm>>
      tpu.enqueue_indirect_dma source(%dma_start3A_733 : memref<1048576xi32, #tpu.memory_space<hbm>>) target(%dma_start3A : memref<128xi32, #tpu.memory_space<vmem>>) offsets(%dma_start3A_731 : memref<128xi32, #tpu.memory_space<vmem>>) semaphore(%arg16 : memref<!tpu.dma_semaphore, #tpu.memory_space<semaphore_mem>>)
    } else {
    }
    %eq3A_207 = arith.constant 1 : i32
    %eq3A_208 = arith.cmpi eq, %arg0, %eq3A_207 : i32
    %convert_element_type3A_209 = arith.extui %eq3A_208 : i1 to i32
    %cond3A_210 = arith.constant 0 : i32
    %cond3A_211 = arith.cmpi ne, %convert_element_type3A_209, %cond3A_210 : i32
    scf.if %cond3A_211 {
      %dma_start3A = tpu.memref_slice %arg11[%multiple_of3A_201] : memref<6400xi32, #tpu.memory_space<vmem>> -> memref<128xi32, #tpu.memory_space<vmem>>
      %dma_start3A_731 = tpu.memref_slice %arg10[%multiple_of3A_201] : memref<6400xi32, #tpu.memory_space<vmem>> -> memref<128xi32, #tpu.memory_space<vmem>>
      %dma_start3A_732 = arith.constant 0 : i32
      %dma_start3A_733 = tpu.memref_slice %arg6[%dma_start3A_732] : memref<1048576xi32, #tpu.memory_space<hbm>> -> memref<1048576xi32, #tpu.memory_space<hbm>>
      tpu.enqueue_indirect_dma source(%dma_start3A_733 : memref<1048576xi32, #tpu.memory_space<hbm>>) target(%dma_start3A : memref<128xi32, #tpu.memory_space<vmem>>) offsets(%dma_start3A_731 : memref<128xi32, #tpu.memory_space<vmem>>) semaphore(%arg16 : memref<!tpu.dma_semaphore, #tpu.memory_space<semaphore_mem>>)
    } else {
    }
    %multiple_of3A_212 = arith.constant 1664 : i32
    %multiple_of3A_213 = tpu.assume_multiple %multiple_of3A_212, 128 : i32
    %eq3A_214 = arith.constant 0 : i32
    %eq3A_215 = arith.cmpi eq, %arg0, %eq3A_214 : i32
    %convert_element_type3A_216 = arith.extui %eq3A_215 : i1 to i32
    %cond3A_217 = arith.constant 0 : i32
    %cond3A_218 = arith.cmpi ne, %convert_element_type3A_216, %cond3A_217 : i32
    scf.if %cond3A_218 {
      %dma_start3A = tpu.memref_slice %arg11[%multiple_of3A_213] : memref<6400xi32, #tpu.memory_space<vmem>> -> memref<128xi32, #tpu.memory_space<vmem>>
      %dma_start3A_731 = tpu.memref_slice %arg10[%multiple_of3A_213] : memref<6400xi32, #tpu.memory_space<vmem>> -> memref<128xi32, #tpu.memory_space<vmem>>
      %dma_start3A_732 = arith.constant 0 : i32
      %dma_start3A_733 = tpu.memref_slice %arg5[%dma_start3A_732] : memref<1048576xi32, #tpu.memory_space<hbm>> -> memref<1048576xi32, #tpu.memory_space<hbm>>
      tpu.enqueue_indirect_dma source(%dma_start3A_733 : memref<1048576xi32, #tpu.memory_space<hbm>>) target(%dma_start3A : memref<128xi32, #tpu.memory_space<vmem>>) offsets(%dma_start3A_731 : memref<128xi32, #tpu.memory_space<vmem>>) semaphore(%arg16 : memref<!tpu.dma_semaphore, #tpu.memory_space<semaphore_mem>>)
    } else {
    }
    %eq3A_219 = arith.constant 1 : i32
    %eq3A_220 = arith.cmpi eq, %arg0, %eq3A_219 : i32
    %convert_element_type3A_221 = arith.extui %eq3A_220 : i1 to i32
    %cond3A_222 = arith.constant 0 : i32
    %cond3A_223 = arith.cmpi ne, %convert_element_type3A_221, %cond3A_222 : i32
    scf.if %cond3A_223 {
      %dma_start3A = tpu.memref_slice %arg11[%multiple_of3A_213] : memref<6400xi32, #tpu.memory_space<vmem>> -> memref<128xi32, #tpu.memory_space<vmem>>
      %dma_start3A_731 = tpu.memref_slice %arg10[%multiple_of3A_213] : memref<6400xi32, #tpu.memory_space<vmem>> -> memref<128xi32, #tpu.memory_space<vmem>>
      %dma_start3A_732 = arith.constant 0 : i32
      %dma_start3A_733 = tpu.memref_slice %arg6[%dma_start3A_732] : memref<1048576xi32, #tpu.memory_space<hbm>> -> memref<1048576xi32, #tpu.memory_space<hbm>>
      tpu.enqueue_indirect_dma source(%dma_start3A_733 : memref<1048576xi32, #tpu.memory_space<hbm>>) target(%dma_start3A : memref<128xi32, #tpu.memory_space<vmem>>) offsets(%dma_start3A_731 : memref<128xi32, #tpu.memory_space<vmem>>) semaphore(%arg16 : memref<!tpu.dma_semaphore, #tpu.memory_space<semaphore_mem>>)
    } else {
    }
    %multiple_of3A_224 = arith.constant 1792 : i32
    %multiple_of3A_225 = tpu.assume_multiple %multiple_of3A_224, 128 : i32
    %eq3A_226 = arith.constant 0 : i32
    %eq3A_227 = arith.cmpi eq, %arg0, %eq3A_226 : i32
    %convert_element_type3A_228 = arith.extui %eq3A_227 : i1 to i32
    %cond3A_229 = arith.constant 0 : i32
    %cond3A_230 = arith.cmpi ne, %convert_element_type3A_228, %cond3A_229 : i32
    scf.if %cond3A_230 {
      %dma_start3A = tpu.memref_slice %arg11[%multiple_of3A_225] : memref<6400xi32, #tpu.memory_space<vmem>> -> memref<128xi32, #tpu.memory_space<vmem>>
      %dma_start3A_731 = tpu.memref_slice %arg10[%multiple_of3A_225] : memref<6400xi32, #tpu.memory_space<vmem>> -> memref<128xi32, #tpu.memory_space<vmem>>
      %dma_start3A_732 = arith.constant 0 : i32
      %dma_start3A_733 = tpu.memref_slice %arg5[%dma_start3A_732] : memref<1048576xi32, #tpu.memory_space<hbm>> -> memref<1048576xi32, #tpu.memory_space<hbm>>
      tpu.enqueue_indirect_dma source(%dma_start3A_733 : memref<1048576xi32, #tpu.memory_space<hbm>>) target(%dma_start3A : memref<128xi32, #tpu.memory_space<vmem>>) offsets(%dma_start3A_731 : memref<128xi32, #tpu.memory_space<vmem>>) semaphore(%arg16 : memref<!tpu.dma_semaphore, #tpu.memory_space<semaphore_mem>>)
    } else {
    }
    %eq3A_231 = arith.constant 1 : i32
    %eq3A_232 = arith.cmpi eq, %arg0, %eq3A_231 : i32
    %convert_element_type3A_233 = arith.extui %eq3A_232 : i1 to i32
    %cond3A_234 = arith.constant 0 : i32
    %cond3A_235 = arith.cmpi ne, %convert_element_type3A_233, %cond3A_234 : i32
    scf.if %cond3A_235 {
      %dma_start3A = tpu.memref_slice %arg11[%multiple_of3A_225] : memref<6400xi32, #tpu.memory_space<vmem>> -> memref<128xi32, #tpu.memory_space<vmem>>
      %dma_start3A_731 = tpu.memref_slice %arg10[%multiple_of3A_225] : memref<6400xi32, #tpu.memory_space<vmem>> -> memref<128xi32, #tpu.memory_space<vmem>>
      %dma_start3A_732 = arith.constant 0 : i32
      %dma_start3A_733 = tpu.memref_slice %arg6[%dma_start3A_732] : memref<1048576xi32, #tpu.memory_space<hbm>> -> memref<1048576xi32, #tpu.memory_space<hbm>>
      tpu.enqueue_indirect_dma source(%dma_start3A_733 : memref<1048576xi32, #tpu.memory_space<hbm>>) target(%dma_start3A : memref<128xi32, #tpu.memory_space<vmem>>) offsets(%dma_start3A_731 : memref<128xi32, #tpu.memory_space<vmem>>) semaphore(%arg16 : memref<!tpu.dma_semaphore, #tpu.memory_space<semaphore_mem>>)
    } else {
    }
    %multiple_of3A_236 = arith.constant 1920 : i32
    %multiple_of3A_237 = tpu.assume_multiple %multiple_of3A_236, 128 : i32
    %eq3A_238 = arith.constant 0 : i32
    %eq3A_239 = arith.cmpi eq, %arg0, %eq3A_238 : i32
    %convert_element_type3A_240 = arith.extui %eq3A_239 : i1 to i32
    %cond3A_241 = arith.constant 0 : i32
    %cond3A_242 = arith.cmpi ne, %convert_element_type3A_240, %cond3A_241 : i32
    scf.if %cond3A_242 {
      %dma_start3A = tpu.memref_slice %arg11[%multiple_of3A_237] : memref<6400xi32, #tpu.memory_space<vmem>> -> memref<128xi32, #tpu.memory_space<vmem>>
      %dma_start3A_731 = tpu.memref_slice %arg10[%multiple_of3A_237] : memref<6400xi32, #tpu.memory_space<vmem>> -> memref<128xi32, #tpu.memory_space<vmem>>
      %dma_start3A_732 = arith.constant 0 : i32
      %dma_start3A_733 = tpu.memref_slice %arg5[%dma_start3A_732] : memref<1048576xi32, #tpu.memory_space<hbm>> -> memref<1048576xi32, #tpu.memory_space<hbm>>
      tpu.enqueue_indirect_dma source(%dma_start3A_733 : memref<1048576xi32, #tpu.memory_space<hbm>>) target(%dma_start3A : memref<128xi32, #tpu.memory_space<vmem>>) offsets(%dma_start3A_731 : memref<128xi32, #tpu.memory_space<vmem>>) semaphore(%arg16 : memref<!tpu.dma_semaphore, #tpu.memory_space<semaphore_mem>>)
    } else {
    }
    %eq3A_243 = arith.constant 1 : i32
    %eq3A_244 = arith.cmpi eq, %arg0, %eq3A_243 : i32
    %convert_element_type3A_245 = arith.extui %eq3A_244 : i1 to i32
    %cond3A_246 = arith.constant 0 : i32
    %cond3A_247 = arith.cmpi ne, %convert_element_type3A_245, %cond3A_246 : i32
    scf.if %cond3A_247 {
      %dma_start3A = tpu.memref_slice %arg11[%multiple_of3A_237] : memref<6400xi32, #tpu.memory_space<vmem>> -> memref<128xi32, #tpu.memory_space<vmem>>
      %dma_start3A_731 = tpu.memref_slice %arg10[%multiple_of3A_237] : memref<6400xi32, #tpu.memory_space<vmem>> -> memref<128xi32, #tpu.memory_space<vmem>>
      %dma_start3A_732 = arith.constant 0 : i32
      %dma_start3A_733 = tpu.memref_slice %arg6[%dma_start3A_732] : memref<1048576xi32, #tpu.memory_space<hbm>> -> memref<1048576xi32, #tpu.memory_space<hbm>>
      tpu.enqueue_indirect_dma source(%dma_start3A_733 : memref<1048576xi32, #tpu.memory_space<hbm>>) target(%dma_start3A : memref<128xi32, #tpu.memory_space<vmem>>) offsets(%dma_start3A_731 : memref<128xi32, #tpu.memory_space<vmem>>) semaphore(%arg16 : memref<!tpu.dma_semaphore, #tpu.memory_space<semaphore_mem>>)
    } else {
    }
    %multiple_of3A_248 = arith.constant 2048 : i32
    %multiple_of3A_249 = tpu.assume_multiple %multiple_of3A_248, 128 : i32
    %eq3A_250 = arith.constant 0 : i32
    %eq3A_251 = arith.cmpi eq, %arg0, %eq3A_250 : i32
    %convert_element_type3A_252 = arith.extui %eq3A_251 : i1 to i32
    %cond3A_253 = arith.constant 0 : i32
    %cond3A_254 = arith.cmpi ne, %convert_element_type3A_252, %cond3A_253 : i32
    scf.if %cond3A_254 {
      %dma_start3A = tpu.memref_slice %arg11[%multiple_of3A_249] : memref<6400xi32, #tpu.memory_space<vmem>> -> memref<128xi32, #tpu.memory_space<vmem>>
      %dma_start3A_731 = tpu.memref_slice %arg10[%multiple_of3A_249] : memref<6400xi32, #tpu.memory_space<vmem>> -> memref<128xi32, #tpu.memory_space<vmem>>
      %dma_start3A_732 = arith.constant 0 : i32
      %dma_start3A_733 = tpu.memref_slice %arg5[%dma_start3A_732] : memref<1048576xi32, #tpu.memory_space<hbm>> -> memref<1048576xi32, #tpu.memory_space<hbm>>
      tpu.enqueue_indirect_dma source(%dma_start3A_733 : memref<1048576xi32, #tpu.memory_space<hbm>>) target(%dma_start3A : memref<128xi32, #tpu.memory_space<vmem>>) offsets(%dma_start3A_731 : memref<128xi32, #tpu.memory_space<vmem>>) semaphore(%arg16 : memref<!tpu.dma_semaphore, #tpu.memory_space<semaphore_mem>>)
    } else {
    }
    %eq3A_255 = arith.constant 1 : i32
    %eq3A_256 = arith.cmpi eq, %arg0, %eq3A_255 : i32
    %convert_element_type3A_257 = arith.extui %eq3A_256 : i1 to i32
    %cond3A_258 = arith.constant 0 : i32
    %cond3A_259 = arith.cmpi ne, %convert_element_type3A_257, %cond3A_258 : i32
    scf.if %cond3A_259 {
      %dma_start3A = tpu.memref_slice %arg11[%multiple_of3A_249] : memref<6400xi32, #tpu.memory_space<vmem>> -> memref<128xi32, #tpu.memory_space<vmem>>
      %dma_start3A_731 = tpu.memref_slice %arg10[%multiple_of3A_249] : memref<6400xi32, #tpu.memory_space<vmem>> -> memref<128xi32, #tpu.memory_space<vmem>>
      %dma_start3A_732 = arith.constant 0 : i32
      %dma_start3A_733 = tpu.memref_slice %arg6[%dma_start3A_732] : memref<1048576xi32, #tpu.memory_space<hbm>> -> memref<1048576xi32, #tpu.memory_space<hbm>>
      tpu.enqueue_indirect_dma source(%dma_start3A_733 : memref<1048576xi32, #tpu.memory_space<hbm>>) target(%dma_start3A : memref<128xi32, #tpu.memory_space<vmem>>) offsets(%dma_start3A_731 : memref<128xi32, #tpu.memory_space<vmem>>) semaphore(%arg16 : memref<!tpu.dma_semaphore, #tpu.memory_space<semaphore_mem>>)
    } else {
    }
    %multiple_of3A_260 = arith.constant 2176 : i32
    %multiple_of3A_261 = tpu.assume_multiple %multiple_of3A_260, 128 : i32
    %eq3A_262 = arith.constant 0 : i32
    %eq3A_263 = arith.cmpi eq, %arg0, %eq3A_262 : i32
    %convert_element_type3A_264 = arith.extui %eq3A_263 : i1 to i32
    %cond3A_265 = arith.constant 0 : i32
    %cond3A_266 = arith.cmpi ne, %convert_element_type3A_264, %cond3A_265 : i32
    scf.if %cond3A_266 {
      %dma_start3A = tpu.memref_slice %arg11[%multiple_of3A_261] : memref<6400xi32, #tpu.memory_space<vmem>> -> memref<128xi32, #tpu.memory_space<vmem>>
      %dma_start3A_731 = tpu.memref_slice %arg10[%multiple_of3A_261] : memref<6400xi32, #tpu.memory_space<vmem>> -> memref<128xi32, #tpu.memory_space<vmem>>
      %dma_start3A_732 = arith.constant 0 : i32
      %dma_start3A_733 = tpu.memref_slice %arg5[%dma_start3A_732] : memref<1048576xi32, #tpu.memory_space<hbm>> -> memref<1048576xi32, #tpu.memory_space<hbm>>
      tpu.enqueue_indirect_dma source(%dma_start3A_733 : memref<1048576xi32, #tpu.memory_space<hbm>>) target(%dma_start3A : memref<128xi32, #tpu.memory_space<vmem>>) offsets(%dma_start3A_731 : memref<128xi32, #tpu.memory_space<vmem>>) semaphore(%arg16 : memref<!tpu.dma_semaphore, #tpu.memory_space<semaphore_mem>>)
    } else {
    }
    %eq3A_267 = arith.constant 1 : i32
    %eq3A_268 = arith.cmpi eq, %arg0, %eq3A_267 : i32
    %convert_element_type3A_269 = arith.extui %eq3A_268 : i1 to i32
    %cond3A_270 = arith.constant 0 : i32
    %cond3A_271 = arith.cmpi ne, %convert_element_type3A_269, %cond3A_270 : i32
    scf.if %cond3A_271 {
      %dma_start3A = tpu.memref_slice %arg11[%multiple_of3A_261] : memref<6400xi32, #tpu.memory_space<vmem>> -> memref<128xi32, #tpu.memory_space<vmem>>
      %dma_start3A_731 = tpu.memref_slice %arg10[%multiple_of3A_261] : memref<6400xi32, #tpu.memory_space<vmem>> -> memref<128xi32, #tpu.memory_space<vmem>>
      %dma_start3A_732 = arith.constant 0 : i32
      %dma_start3A_733 = tpu.memref_slice %arg6[%dma_start3A_732] : memref<1048576xi32, #tpu.memory_space<hbm>> -> memref<1048576xi32, #tpu.memory_space<hbm>>
      tpu.enqueue_indirect_dma source(%dma_start3A_733 : memref<1048576xi32, #tpu.memory_space<hbm>>) target(%dma_start3A : memref<128xi32, #tpu.memory_space<vmem>>) offsets(%dma_start3A_731 : memref<128xi32, #tpu.memory_space<vmem>>) semaphore(%arg16 : memref<!tpu.dma_semaphore, #tpu.memory_space<semaphore_mem>>)
    } else {
    }
    %multiple_of3A_272 = arith.constant 2304 : i32
    %multiple_of3A_273 = tpu.assume_multiple %multiple_of3A_272, 128 : i32
    %eq3A_274 = arith.constant 0 : i32
    %eq3A_275 = arith.cmpi eq, %arg0, %eq3A_274 : i32
    %convert_element_type3A_276 = arith.extui %eq3A_275 : i1 to i32
    %cond3A_277 = arith.constant 0 : i32
    %cond3A_278 = arith.cmpi ne, %convert_element_type3A_276, %cond3A_277 : i32
    scf.if %cond3A_278 {
      %dma_start3A = tpu.memref_slice %arg11[%multiple_of3A_273] : memref<6400xi32, #tpu.memory_space<vmem>> -> memref<128xi32, #tpu.memory_space<vmem>>
      %dma_start3A_731 = tpu.memref_slice %arg10[%multiple_of3A_273] : memref<6400xi32, #tpu.memory_space<vmem>> -> memref<128xi32, #tpu.memory_space<vmem>>
      %dma_start3A_732 = arith.constant 0 : i32
      %dma_start3A_733 = tpu.memref_slice %arg5[%dma_start3A_732] : memref<1048576xi32, #tpu.memory_space<hbm>> -> memref<1048576xi32, #tpu.memory_space<hbm>>
      tpu.enqueue_indirect_dma source(%dma_start3A_733 : memref<1048576xi32, #tpu.memory_space<hbm>>) target(%dma_start3A : memref<128xi32, #tpu.memory_space<vmem>>) offsets(%dma_start3A_731 : memref<128xi32, #tpu.memory_space<vmem>>) semaphore(%arg16 : memref<!tpu.dma_semaphore, #tpu.memory_space<semaphore_mem>>)
    } else {
    }
    %eq3A_279 = arith.constant 1 : i32
    %eq3A_280 = arith.cmpi eq, %arg0, %eq3A_279 : i32
    %convert_element_type3A_281 = arith.extui %eq3A_280 : i1 to i32
    %cond3A_282 = arith.constant 0 : i32
    %cond3A_283 = arith.cmpi ne, %convert_element_type3A_281, %cond3A_282 : i32
    scf.if %cond3A_283 {
      %dma_start3A = tpu.memref_slice %arg11[%multiple_of3A_273] : memref<6400xi32, #tpu.memory_space<vmem>> -> memref<128xi32, #tpu.memory_space<vmem>>
      %dma_start3A_731 = tpu.memref_slice %arg10[%multiple_of3A_273] : memref<6400xi32, #tpu.memory_space<vmem>> -> memref<128xi32, #tpu.memory_space<vmem>>
      %dma_start3A_732 = arith.constant 0 : i32
      %dma_start3A_733 = tpu.memref_slice %arg6[%dma_start3A_732] : memref<1048576xi32, #tpu.memory_space<hbm>> -> memref<1048576xi32, #tpu.memory_space<hbm>>
      tpu.enqueue_indirect_dma source(%dma_start3A_733 : memref<1048576xi32, #tpu.memory_space<hbm>>) target(%dma_start3A : memref<128xi32, #tpu.memory_space<vmem>>) offsets(%dma_start3A_731 : memref<128xi32, #tpu.memory_space<vmem>>) semaphore(%arg16 : memref<!tpu.dma_semaphore, #tpu.memory_space<semaphore_mem>>)
    } else {
    }
    %multiple_of3A_284 = arith.constant 2432 : i32
    %multiple_of3A_285 = tpu.assume_multiple %multiple_of3A_284, 128 : i32
    %eq3A_286 = arith.constant 0 : i32
    %eq3A_287 = arith.cmpi eq, %arg0, %eq3A_286 : i32
    %convert_element_type3A_288 = arith.extui %eq3A_287 : i1 to i32
    %cond3A_289 = arith.constant 0 : i32
    %cond3A_290 = arith.cmpi ne, %convert_element_type3A_288, %cond3A_289 : i32
    scf.if %cond3A_290 {
      %dma_start3A = tpu.memref_slice %arg11[%multiple_of3A_285] : memref<6400xi32, #tpu.memory_space<vmem>> -> memref<128xi32, #tpu.memory_space<vmem>>
      %dma_start3A_731 = tpu.memref_slice %arg10[%multiple_of3A_285] : memref<6400xi32, #tpu.memory_space<vmem>> -> memref<128xi32, #tpu.memory_space<vmem>>
      %dma_start3A_732 = arith.constant 0 : i32
      %dma_start3A_733 = tpu.memref_slice %arg5[%dma_start3A_732] : memref<1048576xi32, #tpu.memory_space<hbm>> -> memref<1048576xi32, #tpu.memory_space<hbm>>
      tpu.enqueue_indirect_dma source(%dma_start3A_733 : memref<1048576xi32, #tpu.memory_space<hbm>>) target(%dma_start3A : memref<128xi32, #tpu.memory_space<vmem>>) offsets(%dma_start3A_731 : memref<128xi32, #tpu.memory_space<vmem>>) semaphore(%arg16 : memref<!tpu.dma_semaphore, #tpu.memory_space<semaphore_mem>>)
    } else {
    }
    %eq3A_291 = arith.constant 1 : i32
    %eq3A_292 = arith.cmpi eq, %arg0, %eq3A_291 : i32
    %convert_element_type3A_293 = arith.extui %eq3A_292 : i1 to i32
    %cond3A_294 = arith.constant 0 : i32
    %cond3A_295 = arith.cmpi ne, %convert_element_type3A_293, %cond3A_294 : i32
    scf.if %cond3A_295 {
      %dma_start3A = tpu.memref_slice %arg11[%multiple_of3A_285] : memref<6400xi32, #tpu.memory_space<vmem>> -> memref<128xi32, #tpu.memory_space<vmem>>
      %dma_start3A_731 = tpu.memref_slice %arg10[%multiple_of3A_285] : memref<6400xi32, #tpu.memory_space<vmem>> -> memref<128xi32, #tpu.memory_space<vmem>>
      %dma_start3A_732 = arith.constant 0 : i32
      %dma_start3A_733 = tpu.memref_slice %arg6[%dma_start3A_732] : memref<1048576xi32, #tpu.memory_space<hbm>> -> memref<1048576xi32, #tpu.memory_space<hbm>>
      tpu.enqueue_indirect_dma source(%dma_start3A_733 : memref<1048576xi32, #tpu.memory_space<hbm>>) target(%dma_start3A : memref<128xi32, #tpu.memory_space<vmem>>) offsets(%dma_start3A_731 : memref<128xi32, #tpu.memory_space<vmem>>) semaphore(%arg16 : memref<!tpu.dma_semaphore, #tpu.memory_space<semaphore_mem>>)
    } else {
    }
    %multiple_of3A_296 = arith.constant 0 : i32
    %multiple_of3A_297 = tpu.assume_multiple %multiple_of3A_296, 128 : i32
    %dma_wait3A = arith.constant 0 : i32
    %dma_wait3A_298 = tpu.memref_slice %arg11[%dma_wait3A] : memref<6400xi32, #tpu.memory_space<vmem>> -> memref<1280xi32, #tpu.memory_space<vmem>>
    %dma_wait3A_299 = tpu.memref_slice %arg3[%multiple_of3A_297] : memref<204800xi32, #tpu.memory_space<hbm>> -> memref<1280xi32, #tpu.memory_space<hbm>>
    %dma_wait3A_300 = arith.constant 0 : i32
    %dma_wait3A_301 = tpu.memref_slice %arg11[%dma_wait3A_300] : memref<6400xi32, #tpu.memory_space<vmem>> -> memref<1280xi32, #tpu.memory_space<vmem>>
    %dma_wait3A_302 = tpu.memref_slice %arg3[%multiple_of3A_297] : memref<204800xi32, #tpu.memory_space<hbm>> -> memref<1280xi32, #tpu.memory_space<hbm>>
    tpu.wait_dma2 semaphore(%arg16 : memref<!tpu.dma_semaphore, #tpu.memory_space<semaphore_mem>>) src(%dma_wait3A_302 : memref<1280xi32, #tpu.memory_space<hbm>>) dst(%dma_wait3A_301 : memref<1280xi32, #tpu.memory_space<vmem>>)
    %scan3A_303 = arith.constant 0 : i32
    %scan3A_304 = arith.constant 0 : i32
    %scan3A_305 = arith.constant 80 : i32
    %scan3A_306 = arith.addi %scan3A_304, %scan3A_305 : i32
    %scan3A_307 = arith.constant 1 : i32
    %scan3A_308 = scf.for %scan3A_731 = %scan3A_304 to %scan3A_306 step %scan3A_307 iter_args(%scan3A_732 = %scan3A_303) -> (i32)  : i32 {
      %add3A_733 = arith.constant 0 : i32
      %add3A_734 = arith.addi %add3A_733, %scan3A_731 : i32
      %mul3A_735 = arith.constant 16 : i32
      %mul3A_736 = arith.muli %add3A_734, %mul3A_735 : i32
      %get3A = arith.index_cast %mul3A_736 : i32 to index
      %get3A_737 = tpu.vector_load %arg11[%get3A] {strides = array<i32>} : memref<6400xi32, #tpu.memory_space<vmem>>, vector<16xi32>,
      %ge3A = arith.constant 0 : i32
      %ge3A_738 = vector.broadcast %ge3A : i32 to vector<16xi32>
      %ge3A_739 = arith.cmpi sge, %get3A_737, %ge3A_738 : vector<16xi32>
      %mul3A_740 = arith.constant 16 : i32
      %mul3A_741 = arith.muli %add3A_734, %mul3A_740 : i32
      %add3A_742 = vector.broadcast %mul3A_741 : i32 to vector<16xi32>
      %add3A_743 = arith.addi %add3A_742, %iota3A : vector<16xi32>
      %shift_left3A = arith.constant 12 : i32
      %shift_left3A_744 = vector.broadcast %shift_left3A : i32 to vector<16xi32>
      %shift_left3A_745 = arith.shli %add3A_743, %shift_left3A_744 : vector<16xi32>
      %max3A = arith.constant 0 : i32
      %max3A_746 = vector.broadcast %max3A : i32 to vector<16xi32>
      %max3A_747 = arith.maxsi %get3A_737, %max3A_746 : vector<16xi32>
      %or3A = arith.ori %shift_left3A_745, %max3A_747 : vector<16xi32>
      %convert_element_type3A_748 = arith.extui %ge3A_739 : vector<16xi1> to vector<16xi32>
      %broadcast_in_dim3A_749 = arith.constant true
      %broadcast_in_dim3A_750 = vector.broadcast %broadcast_in_dim3A_749 : i1 to vector<16xi1>
      %masked_cumsum3A = tpu.scan <sum>, %convert_element_type3A_748 masked %broadcast_in_dim3A_750 : vector<16xi32>, vector<16xi1> -> vector<16xi32>
      %add3A_751 = vector.broadcast %scan3A_732 : i32 to vector<16xi32>
      %add3A_752 = arith.addi %add3A_751, %masked_cumsum3A : vector<16xi32>
      %sub3A = arith.constant 1 : i32
      %sub3A_753 = vector.broadcast %sub3A : i32 to vector<16xi32>
      %sub3A_754 = arith.subi %add3A_752, %sub3A_753 : vector<16xi32>
      tpu.vector_store_idx %arg12[%sub3A_754], %or3A masked %ge3A_739 : memref<6416xi32, #tpu.memory_space<vmem>>[vector<16xi32>], vector<16xi32>, vector<16xi1>
      %all_reduce_population_count3A = tpu.all_reduce %ge3A_739 {dim = 0 : i64, kind = #tpu.reduction_kind<sum>} : vector<16xi1> -> vector<16xi32>
      %slice3A = vector.extract_strided_slice %all_reduce_population_count3A {offsets = [0], sizes = [1], strides = [1]} : vector<16xi32> to vector<1xi32>
      %squeeze3A = vector.extract %slice3A[0] : i32 from vector<1xi32>
      %add3A_755 = arith.addi %scan3A_732, %squeeze3A : i32
      scf.yield %add3A_755 : i32
    }
    %scan3A_309 = arith.constant 80 : i32
    %multiple_of3A_310 = arith.constant 2560 : i32
    %multiple_of3A_311 = tpu.assume_multiple %multiple_of3A_310, 128 : i32
    %eq3A_312 = arith.constant 0 : i32
    %eq3A_313 = arith.cmpi eq, %arg0, %eq3A_312 : i32
    %convert_element_type3A_314 = arith.extui %eq3A_313 : i1 to i32
    %cond3A_315 = arith.constant 0 : i32
    %cond3A_316 = arith.cmpi ne, %convert_element_type3A_314, %cond3A_315 : i32
    scf.if %cond3A_316 {
      %dma_start3A = tpu.memref_slice %arg11[%multiple_of3A_311] : memref<6400xi32, #tpu.memory_space<vmem>> -> memref<128xi32, #tpu.memory_space<vmem>>
      %dma_start3A_731 = tpu.memref_slice %arg10[%multiple_of3A_311] : memref<6400xi32, #tpu.memory_space<vmem>> -> memref<128xi32, #tpu.memory_space<vmem>>
      %dma_start3A_732 = arith.constant 0 : i32
      %dma_start3A_733 = tpu.memref_slice %arg5[%dma_start3A_732] : memref<1048576xi32, #tpu.memory_space<hbm>> -> memref<1048576xi32, #tpu.memory_space<hbm>>
      tpu.enqueue_indirect_dma source(%dma_start3A_733 : memref<1048576xi32, #tpu.memory_space<hbm>>) target(%dma_start3A : memref<128xi32, #tpu.memory_space<vmem>>) offsets(%dma_start3A_731 : memref<128xi32, #tpu.memory_space<vmem>>) semaphore(%arg16 : memref<!tpu.dma_semaphore, #tpu.memory_space<semaphore_mem>>)
    } else {
    }
    %eq3A_317 = arith.constant 1 : i32
    %eq3A_318 = arith.cmpi eq, %arg0, %eq3A_317 : i32
    %convert_element_type3A_319 = arith.extui %eq3A_318 : i1 to i32
    %cond3A_320 = arith.constant 0 : i32
    %cond3A_321 = arith.cmpi ne, %convert_element_type3A_319, %cond3A_320 : i32
    scf.if %cond3A_321 {
      %dma_start3A = tpu.memref_slice %arg11[%multiple_of3A_311] : memref<6400xi32, #tpu.memory_space<vmem>> -> memref<128xi32, #tpu.memory_space<vmem>>
      %dma_start3A_731 = tpu.memref_slice %arg10[%multiple_of3A_311] : memref<6400xi32, #tpu.memory_space<vmem>> -> memref<128xi32, #tpu.memory_space<vmem>>
      %dma_start3A_732 = arith.constant 0 : i32
      %dma_start3A_733 = tpu.memref_slice %arg6[%dma_start3A_732] : memref<1048576xi32, #tpu.memory_space<hbm>> -> memref<1048576xi32, #tpu.memory_space<hbm>>
      tpu.enqueue_indirect_dma source(%dma_start3A_733 : memref<1048576xi32, #tpu.memory_space<hbm>>) target(%dma_start3A : memref<128xi32, #tpu.memory_space<vmem>>) offsets(%dma_start3A_731 : memref<128xi32, #tpu.memory_space<vmem>>) semaphore(%arg16 : memref<!tpu.dma_semaphore, #tpu.memory_space<semaphore_mem>>)
    } else {
    }
    %multiple_of3A_322 = arith.constant 2688 : i32
    %multiple_of3A_323 = tpu.assume_multiple %multiple_of3A_322, 128 : i32
    %eq3A_324 = arith.constant 0 : i32
    %eq3A_325 = arith.cmpi eq, %arg0, %eq3A_324 : i32
    %convert_element_type3A_326 = arith.extui %eq3A_325 : i1 to i32
    %cond3A_327 = arith.constant 0 : i32
    %cond3A_328 = arith.cmpi ne, %convert_element_type3A_326, %cond3A_327 : i32
    scf.if %cond3A_328 {
      %dma_start3A = tpu.memref_slice %arg11[%multiple_of3A_323] : memref<6400xi32, #tpu.memory_space<vmem>> -> memref<128xi32, #tpu.memory_space<vmem>>
      %dma_start3A_731 = tpu.memref_slice %arg10[%multiple_of3A_323] : memref<6400xi32, #tpu.memory_space<vmem>> -> memref<128xi32, #tpu.memory_space<vmem>>
      %dma_start3A_732 = arith.constant 0 : i32
      %dma_start3A_733 = tpu.memref_slice %arg5[%dma_start3A_732] : memref<1048576xi32, #tpu.memory_space<hbm>> -> memref<1048576xi32, #tpu.memory_space<hbm>>
      tpu.enqueue_indirect_dma source(%dma_start3A_733 : memref<1048576xi32, #tpu.memory_space<hbm>>) target(%dma_start3A : memref<128xi32, #tpu.memory_space<vmem>>) offsets(%dma_start3A_731 : memref<128xi32, #tpu.memory_space<vmem>>) semaphore(%arg16 : memref<!tpu.dma_semaphore, #tpu.memory_space<semaphore_mem>>)
    } else {
    }
    %eq3A_329 = arith.constant 1 : i32
    %eq3A_330 = arith.cmpi eq, %arg0, %eq3A_329 : i32
    %convert_element_type3A_331 = arith.extui %eq3A_330 : i1 to i32
    %cond3A_332 = arith.constant 0 : i32
    %cond3A_333 = arith.cmpi ne, %convert_element_type3A_331, %cond3A_332 : i32
    scf.if %cond3A_333 {
      %dma_start3A = tpu.memref_slice %arg11[%multiple_of3A_323] : memref<6400xi32, #tpu.memory_space<vmem>> -> memref<128xi32, #tpu.memory_space<vmem>>
      %dma_start3A_731 = tpu.memref_slice %arg10[%multiple_of3A_323] : memref<6400xi32, #tpu.memory_space<vmem>> -> memref<128xi32, #tpu.memory_space<vmem>>
      %dma_start3A_732 = arith.constant 0 : i32
      %dma_start3A_733 = tpu.memref_slice %arg6[%dma_start3A_732] : memref<1048576xi32, #tpu.memory_space<hbm>> -> memref<1048576xi32, #tpu.memory_space<hbm>>
      tpu.enqueue_indirect_dma source(%dma_start3A_733 : memref<1048576xi32, #tpu.memory_space<hbm>>) target(%dma_start3A : memref<128xi32, #tpu.memory_space<vmem>>) offsets(%dma_start3A_731 : memref<128xi32, #tpu.memory_space<vmem>>) semaphore(%arg16 : memref<!tpu.dma_semaphore, #tpu.memory_space<semaphore_mem>>)
    } else {
    }
    %multiple_of3A_334 = arith.constant 2816 : i32
    %multiple_of3A_335 = tpu.assume_multiple %multiple_of3A_334, 128 : i32
    %eq3A_336 = arith.constant 0 : i32
    %eq3A_337 = arith.cmpi eq, %arg0, %eq3A_336 : i32
    %convert_element_type3A_338 = arith.extui %eq3A_337 : i1 to i32
    %cond3A_339 = arith.constant 0 : i32
    %cond3A_340 = arith.cmpi ne, %convert_element_type3A_338, %cond3A_339 : i32
    scf.if %cond3A_340 {
      %dma_start3A = tpu.memref_slice %arg11[%multiple_of3A_335] : memref<6400xi32, #tpu.memory_space<vmem>> -> memref<128xi32, #tpu.memory_space<vmem>>
      %dma_start3A_731 = tpu.memref_slice %arg10[%multiple_of3A_335] : memref<6400xi32, #tpu.memory_space<vmem>> -> memref<128xi32, #tpu.memory_space<vmem>>
      %dma_start3A_732 = arith.constant 0 : i32
      %dma_start3A_733 = tpu.memref_slice %arg5[%dma_start3A_732] : memref<1048576xi32, #tpu.memory_space<hbm>> -> memref<1048576xi32, #tpu.memory_space<hbm>>
      tpu.enqueue_indirect_dma source(%dma_start3A_733 : memref<1048576xi32, #tpu.memory_space<hbm>>) target(%dma_start3A : memref<128xi32, #tpu.memory_space<vmem>>) offsets(%dma_start3A_731 : memref<128xi32, #tpu.memory_space<vmem>>) semaphore(%arg16 : memref<!tpu.dma_semaphore, #tpu.memory_space<semaphore_mem>>)
    } else {
    }
    %eq3A_341 = arith.constant 1 : i32
    %eq3A_342 = arith.cmpi eq, %arg0, %eq3A_341 : i32
    %convert_element_type3A_343 = arith.extui %eq3A_342 : i1 to i32
    %cond3A_344 = arith.constant 0 : i32
    %cond3A_345 = arith.cmpi ne, %convert_element_type3A_343, %cond3A_344 : i32
    scf.if %cond3A_345 {
      %dma_start3A = tpu.memref_slice %arg11[%multiple_of3A_335] : memref<6400xi32, #tpu.memory_space<vmem>> -> memref<128xi32, #tpu.memory_space<vmem>>
      %dma_start3A_731 = tpu.memref_slice %arg10[%multiple_of3A_335] : memref<6400xi32, #tpu.memory_space<vmem>> -> memref<128xi32, #tpu.memory_space<vmem>>
      %dma_start3A_732 = arith.constant 0 : i32
      %dma_start3A_733 = tpu.memref_slice %arg6[%dma_start3A_732] : memref<1048576xi32, #tpu.memory_space<hbm>> -> memref<1048576xi32, #tpu.memory_space<hbm>>
      tpu.enqueue_indirect_dma source(%dma_start3A_733 : memref<1048576xi32, #tpu.memory_space<hbm>>) target(%dma_start3A : memref<128xi32, #tpu.memory_space<vmem>>) offsets(%dma_start3A_731 : memref<128xi32, #tpu.memory_space<vmem>>) semaphore(%arg16 : memref<!tpu.dma_semaphore, #tpu.memory_space<semaphore_mem>>)
    } else {
    }
    %multiple_of3A_346 = arith.constant 2944 : i32
    %multiple_of3A_347 = tpu.assume_multiple %multiple_of3A_346, 128 : i32
    %eq3A_348 = arith.constant 0 : i32
    %eq3A_349 = arith.cmpi eq, %arg0, %eq3A_348 : i32
    %convert_element_type3A_350 = arith.extui %eq3A_349 : i1 to i32
    %cond3A_351 = arith.constant 0 : i32
    %cond3A_352 = arith.cmpi ne, %convert_element_type3A_350, %cond3A_351 : i32
    scf.if %cond3A_352 {
      %dma_start3A = tpu.memref_slice %arg11[%multiple_of3A_347] : memref<6400xi32, #tpu.memory_space<vmem>> -> memref<128xi32, #tpu.memory_space<vmem>>
      %dma_start3A_731 = tpu.memref_slice %arg10[%multiple_of3A_347] : memref<6400xi32, #tpu.memory_space<vmem>> -> memref<128xi32, #tpu.memory_space<vmem>>
      %dma_start3A_732 = arith.constant 0 : i32
      %dma_start3A_733 = tpu.memref_slice %arg5[%dma_start3A_732] : memref<1048576xi32, #tpu.memory_space<hbm>> -> memref<1048576xi32, #tpu.memory_space<hbm>>
      tpu.enqueue_indirect_dma source(%dma_start3A_733 : memref<1048576xi32, #tpu.memory_space<hbm>>) target(%dma_start3A : memref<128xi32, #tpu.memory_space<vmem>>) offsets(%dma_start3A_731 : memref<128xi32, #tpu.memory_space<vmem>>) semaphore(%arg16 : memref<!tpu.dma_semaphore, #tpu.memory_space<semaphore_mem>>)
    } else {
    }
    %eq3A_353 = arith.constant 1 : i32
    %eq3A_354 = arith.cmpi eq, %arg0, %eq3A_353 : i32
    %convert_element_type3A_355 = arith.extui %eq3A_354 : i1 to i32
    %cond3A_356 = arith.constant 0 : i32
    %cond3A_357 = arith.cmpi ne, %convert_element_type3A_355, %cond3A_356 : i32
    scf.if %cond3A_357 {
      %dma_start3A = tpu.memref_slice %arg11[%multiple_of3A_347] : memref<6400xi32, #tpu.memory_space<vmem>> -> memref<128xi32, #tpu.memory_space<vmem>>
      %dma_start3A_731 = tpu.memref_slice %arg10[%multiple_of3A_347] : memref<6400xi32, #tpu.memory_space<vmem>> -> memref<128xi32, #tpu.memory_space<vmem>>
      %dma_start3A_732 = arith.constant 0 : i32
      %dma_start3A_733 = tpu.memref_slice %arg6[%dma_start3A_732] : memref<1048576xi32, #tpu.memory_space<hbm>> -> memref<1048576xi32, #tpu.memory_space<hbm>>
      tpu.enqueue_indirect_dma source(%dma_start3A_733 : memref<1048576xi32, #tpu.memory_space<hbm>>) target(%dma_start3A : memref<128xi32, #tpu.memory_space<vmem>>) offsets(%dma_start3A_731 : memref<128xi32, #tpu.memory_space<vmem>>) semaphore(%arg16 : memref<!tpu.dma_semaphore, #tpu.memory_space<semaphore_mem>>)
    } else {
    }
    %multiple_of3A_358 = arith.constant 3072 : i32
    %multiple_of3A_359 = tpu.assume_multiple %multiple_of3A_358, 128 : i32
    %eq3A_360 = arith.constant 0 : i32
    %eq3A_361 = arith.cmpi eq, %arg0, %eq3A_360 : i32
    %convert_element_type3A_362 = arith.extui %eq3A_361 : i1 to i32
    %cond3A_363 = arith.constant 0 : i32
    %cond3A_364 = arith.cmpi ne, %convert_element_type3A_362, %cond3A_363 : i32
    scf.if %cond3A_364 {
      %dma_start3A = tpu.memref_slice %arg11[%multiple_of3A_359] : memref<6400xi32, #tpu.memory_space<vmem>> -> memref<128xi32, #tpu.memory_space<vmem>>
      %dma_start3A_731 = tpu.memref_slice %arg10[%multiple_of3A_359] : memref<6400xi32, #tpu.memory_space<vmem>> -> memref<128xi32, #tpu.memory_space<vmem>>
      %dma_start3A_732 = arith.constant 0 : i32
      %dma_start3A_733 = tpu.memref_slice %arg5[%dma_start3A_732] : memref<1048576xi32, #tpu.memory_space<hbm>> -> memref<1048576xi32, #tpu.memory_space<hbm>>
      tpu.enqueue_indirect_dma source(%dma_start3A_733 : memref<1048576xi32, #tpu.memory_space<hbm>>) target(%dma_start3A : memref<128xi32, #tpu.memory_space<vmem>>) offsets(%dma_start3A_731 : memref<128xi32, #tpu.memory_space<vmem>>) semaphore(%arg16 : memref<!tpu.dma_semaphore, #tpu.memory_space<semaphore_mem>>)
    } else {
    }
    %eq3A_365 = arith.constant 1 : i32
    %eq3A_366 = arith.cmpi eq, %arg0, %eq3A_365 : i32
    %convert_element_type3A_367 = arith.extui %eq3A_366 : i1 to i32
    %cond3A_368 = arith.constant 0 : i32
    %cond3A_369 = arith.cmpi ne, %convert_element_type3A_367, %cond3A_368 : i32
    scf.if %cond3A_369 {
      %dma_start3A = tpu.memref_slice %arg11[%multiple_of3A_359] : memref<6400xi32, #tpu.memory_space<vmem>> -> memref<128xi32, #tpu.memory_space<vmem>>
      %dma_start3A_731 = tpu.memref_slice %arg10[%multiple_of3A_359] : memref<6400xi32, #tpu.memory_space<vmem>> -> memref<128xi32, #tpu.memory_space<vmem>>
      %dma_start3A_732 = arith.constant 0 : i32
      %dma_start3A_733 = tpu.memref_slice %arg6[%dma_start3A_732] : memref<1048576xi32, #tpu.memory_space<hbm>> -> memref<1048576xi32, #tpu.memory_space<hbm>>
      tpu.enqueue_indirect_dma source(%dma_start3A_733 : memref<1048576xi32, #tpu.memory_space<hbm>>) target(%dma_start3A : memref<128xi32, #tpu.memory_space<vmem>>) offsets(%dma_start3A_731 : memref<128xi32, #tpu.memory_space<vmem>>) semaphore(%arg16 : memref<!tpu.dma_semaphore, #tpu.memory_space<semaphore_mem>>)
    } else {
    }
    %multiple_of3A_370 = arith.constant 3200 : i32
    %multiple_of3A_371 = tpu.assume_multiple %multiple_of3A_370, 128 : i32
    %eq3A_372 = arith.constant 0 : i32
    %eq3A_373 = arith.cmpi eq, %arg0, %eq3A_372 : i32
    %convert_element_type3A_374 = arith.extui %eq3A_373 : i1 to i32
    %cond3A_375 = arith.constant 0 : i32
    %cond3A_376 = arith.cmpi ne, %convert_element_type3A_374, %cond3A_375 : i32
    scf.if %cond3A_376 {
      %dma_start3A = tpu.memref_slice %arg11[%multiple_of3A_371] : memref<6400xi32, #tpu.memory_space<vmem>> -> memref<128xi32, #tpu.memory_space<vmem>>
      %dma_start3A_731 = tpu.memref_slice %arg10[%multiple_of3A_371] : memref<6400xi32, #tpu.memory_space<vmem>> -> memref<128xi32, #tpu.memory_space<vmem>>
      %dma_start3A_732 = arith.constant 0 : i32
      %dma_start3A_733 = tpu.memref_slice %arg5[%dma_start3A_732] : memref<1048576xi32, #tpu.memory_space<hbm>> -> memref<1048576xi32, #tpu.memory_space<hbm>>
      tpu.enqueue_indirect_dma source(%dma_start3A_733 : memref<1048576xi32, #tpu.memory_space<hbm>>) target(%dma_start3A : memref<128xi32, #tpu.memory_space<vmem>>) offsets(%dma_start3A_731 : memref<128xi32, #tpu.memory_space<vmem>>) semaphore(%arg16 : memref<!tpu.dma_semaphore, #tpu.memory_space<semaphore_mem>>)
    } else {
    }
    %eq3A_377 = arith.constant 1 : i32
    %eq3A_378 = arith.cmpi eq, %arg0, %eq3A_377 : i32
    %convert_element_type3A_379 = arith.extui %eq3A_378 : i1 to i32
    %cond3A_380 = arith.constant 0 : i32
    %cond3A_381 = arith.cmpi ne, %convert_element_type3A_379, %cond3A_380 : i32
    scf.if %cond3A_381 {
      %dma_start3A = tpu.memref_slice %arg11[%multiple_of3A_371] : memref<6400xi32, #tpu.memory_space<vmem>> -> memref<128xi32, #tpu.memory_space<vmem>>
      %dma_start3A_731 = tpu.memref_slice %arg10[%multiple_of3A_371] : memref<6400xi32, #tpu.memory_space<vmem>> -> memref<128xi32, #tpu.memory_space<vmem>>
      %dma_start3A_732 = arith.constant 0 : i32
      %dma_start3A_733 = tpu.memref_slice %arg6[%dma_start3A_732] : memref<1048576xi32, #tpu.memory_space<hbm>> -> memref<1048576xi32, #tpu.memory_space<hbm>>
      tpu.enqueue_indirect_dma source(%dma_start3A_733 : memref<1048576xi32, #tpu.memory_space<hbm>>) target(%dma_start3A : memref<128xi32, #tpu.memory_space<vmem>>) offsets(%dma_start3A_731 : memref<128xi32, #tpu.memory_space<vmem>>) semaphore(%arg16 : memref<!tpu.dma_semaphore, #tpu.memory_space<semaphore_mem>>)
    } else {
    }
    %multiple_of3A_382 = arith.constant 3328 : i32
    %multiple_of3A_383 = tpu.assume_multiple %multiple_of3A_382, 128 : i32
    %eq3A_384 = arith.constant 0 : i32
    %eq3A_385 = arith.cmpi eq, %arg0, %eq3A_384 : i32
    %convert_element_type3A_386 = arith.extui %eq3A_385 : i1 to i32
    %cond3A_387 = arith.constant 0 : i32
    %cond3A_388 = arith.cmpi ne, %convert_element_type3A_386, %cond3A_387 : i32
    scf.if %cond3A_388 {
      %dma_start3A = tpu.memref_slice %arg11[%multiple_of3A_383] : memref<6400xi32, #tpu.memory_space<vmem>> -> memref<128xi32, #tpu.memory_space<vmem>>
      %dma_start3A_731 = tpu.memref_slice %arg10[%multiple_of3A_383] : memref<6400xi32, #tpu.memory_space<vmem>> -> memref<128xi32, #tpu.memory_space<vmem>>
      %dma_start3A_732 = arith.constant 0 : i32
      %dma_start3A_733 = tpu.memref_slice %arg5[%dma_start3A_732] : memref<1048576xi32, #tpu.memory_space<hbm>> -> memref<1048576xi32, #tpu.memory_space<hbm>>
      tpu.enqueue_indirect_dma source(%dma_start3A_733 : memref<1048576xi32, #tpu.memory_space<hbm>>) target(%dma_start3A : memref<128xi32, #tpu.memory_space<vmem>>) offsets(%dma_start3A_731 : memref<128xi32, #tpu.memory_space<vmem>>) semaphore(%arg16 : memref<!tpu.dma_semaphore, #tpu.memory_space<semaphore_mem>>)
    } else {
    }
    %eq3A_389 = arith.constant 1 : i32
    %eq3A_390 = arith.cmpi eq, %arg0, %eq3A_389 : i32
    %convert_element_type3A_391 = arith.extui %eq3A_390 : i1 to i32
    %cond3A_392 = arith.constant 0 : i32
    %cond3A_393 = arith.cmpi ne, %convert_element_type3A_391, %cond3A_392 : i32
    scf.if %cond3A_393 {
      %dma_start3A = tpu.memref_slice %arg11[%multiple_of3A_383] : memref<6400xi32, #tpu.memory_space<vmem>> -> memref<128xi32, #tpu.memory_space<vmem>>
      %dma_start3A_731 = tpu.memref_slice %arg10[%multiple_of3A_383] : memref<6400xi32, #tpu.memory_space<vmem>> -> memref<128xi32, #tpu.memory_space<vmem>>
      %dma_start3A_732 = arith.constant 0 : i32
      %dma_start3A_733 = tpu.memref_slice %arg6[%dma_start3A_732] : memref<1048576xi32, #tpu.memory_space<hbm>> -> memref<1048576xi32, #tpu.memory_space<hbm>>
      tpu.enqueue_indirect_dma source(%dma_start3A_733 : memref<1048576xi32, #tpu.memory_space<hbm>>) target(%dma_start3A : memref<128xi32, #tpu.memory_space<vmem>>) offsets(%dma_start3A_731 : memref<128xi32, #tpu.memory_space<vmem>>) semaphore(%arg16 : memref<!tpu.dma_semaphore, #tpu.memory_space<semaphore_mem>>)
    } else {
    }
    %multiple_of3A_394 = arith.constant 3456 : i32
    %multiple_of3A_395 = tpu.assume_multiple %multiple_of3A_394, 128 : i32
    %eq3A_396 = arith.constant 0 : i32
    %eq3A_397 = arith.cmpi eq, %arg0, %eq3A_396 : i32
    %convert_element_type3A_398 = arith.extui %eq3A_397 : i1 to i32
    %cond3A_399 = arith.constant 0 : i32
    %cond3A_400 = arith.cmpi ne, %convert_element_type3A_398, %cond3A_399 : i32
    scf.if %cond3A_400 {
      %dma_start3A = tpu.memref_slice %arg11[%multiple_of3A_395] : memref<6400xi32, #tpu.memory_space<vmem>> -> memref<128xi32, #tpu.memory_space<vmem>>
      %dma_start3A_731 = tpu.memref_slice %arg10[%multiple_of3A_395] : memref<6400xi32, #tpu.memory_space<vmem>> -> memref<128xi32, #tpu.memory_space<vmem>>
      %dma_start3A_732 = arith.constant 0 : i32
      %dma_start3A_733 = tpu.memref_slice %arg5[%dma_start3A_732] : memref<1048576xi32, #tpu.memory_space<hbm>> -> memref<1048576xi32, #tpu.memory_space<hbm>>
      tpu.enqueue_indirect_dma source(%dma_start3A_733 : memref<1048576xi32, #tpu.memory_space<hbm>>) target(%dma_start3A : memref<128xi32, #tpu.memory_space<vmem>>) offsets(%dma_start3A_731 : memref<128xi32, #tpu.memory_space<vmem>>) semaphore(%arg16 : memref<!tpu.dma_semaphore, #tpu.memory_space<semaphore_mem>>)
    } else {
    }
    %eq3A_401 = arith.constant 1 : i32
    %eq3A_402 = arith.cmpi eq, %arg0, %eq3A_401 : i32
    %convert_element_type3A_403 = arith.extui %eq3A_402 : i1 to i32
    %cond3A_404 = arith.constant 0 : i32
    %cond3A_405 = arith.cmpi ne, %convert_element_type3A_403, %cond3A_404 : i32
    scf.if %cond3A_405 {
      %dma_start3A = tpu.memref_slice %arg11[%multiple_of3A_395] : memref<6400xi32, #tpu.memory_space<vmem>> -> memref<128xi32, #tpu.memory_space<vmem>>
      %dma_start3A_731 = tpu.memref_slice %arg10[%multiple_of3A_395] : memref<6400xi32, #tpu.memory_space<vmem>> -> memref<128xi32, #tpu.memory_space<vmem>>
      %dma_start3A_732 = arith.constant 0 : i32
      %dma_start3A_733 = tpu.memref_slice %arg6[%dma_start3A_732] : memref<1048576xi32, #tpu.memory_space<hbm>> -> memref<1048576xi32, #tpu.memory_space<hbm>>
      tpu.enqueue_indirect_dma source(%dma_start3A_733 : memref<1048576xi32, #tpu.memory_space<hbm>>) target(%dma_start3A : memref<128xi32, #tpu.memory_space<vmem>>) offsets(%dma_start3A_731 : memref<128xi32, #tpu.memory_space<vmem>>) semaphore(%arg16 : memref<!tpu.dma_semaphore, #tpu.memory_space<semaphore_mem>>)
    } else {
    }
    %multiple_of3A_406 = arith.constant 3584 : i32
    %multiple_of3A_407 = tpu.assume_multiple %multiple_of3A_406, 128 : i32
    %eq3A_408 = arith.constant 0 : i32
    %eq3A_409 = arith.cmpi eq, %arg0, %eq3A_408 : i32
    %convert_element_type3A_410 = arith.extui %eq3A_409 : i1 to i32
    %cond3A_411 = arith.constant 0 : i32
    %cond3A_412 = arith.cmpi ne, %convert_element_type3A_410, %cond3A_411 : i32
    scf.if %cond3A_412 {
      %dma_start3A = tpu.memref_slice %arg11[%multiple_of3A_407] : memref<6400xi32, #tpu.memory_space<vmem>> -> memref<128xi32, #tpu.memory_space<vmem>>
      %dma_start3A_731 = tpu.memref_slice %arg10[%multiple_of3A_407] : memref<6400xi32, #tpu.memory_space<vmem>> -> memref<128xi32, #tpu.memory_space<vmem>>
      %dma_start3A_732 = arith.constant 0 : i32
      %dma_start3A_733 = tpu.memref_slice %arg5[%dma_start3A_732] : memref<1048576xi32, #tpu.memory_space<hbm>> -> memref<1048576xi32, #tpu.memory_space<hbm>>
      tpu.enqueue_indirect_dma source(%dma_start3A_733 : memref<1048576xi32, #tpu.memory_space<hbm>>) target(%dma_start3A : memref<128xi32, #tpu.memory_space<vmem>>) offsets(%dma_start3A_731 : memref<128xi32, #tpu.memory_space<vmem>>) semaphore(%arg16 : memref<!tpu.dma_semaphore, #tpu.memory_space<semaphore_mem>>)
    } else {
    }
    %eq3A_413 = arith.constant 1 : i32
    %eq3A_414 = arith.cmpi eq, %arg0, %eq3A_413 : i32
    %convert_element_type3A_415 = arith.extui %eq3A_414 : i1 to i32
    %cond3A_416 = arith.constant 0 : i32
    %cond3A_417 = arith.cmpi ne, %convert_element_type3A_415, %cond3A_416 : i32
    scf.if %cond3A_417 {
      %dma_start3A = tpu.memref_slice %arg11[%multiple_of3A_407] : memref<6400xi32, #tpu.memory_space<vmem>> -> memref<128xi32, #tpu.memory_space<vmem>>
      %dma_start3A_731 = tpu.memref_slice %arg10[%multiple_of3A_407] : memref<6400xi32, #tpu.memory_space<vmem>> -> memref<128xi32, #tpu.memory_space<vmem>>
      %dma_start3A_732 = arith.constant 0 : i32
      %dma_start3A_733 = tpu.memref_slice %arg6[%dma_start3A_732] : memref<1048576xi32, #tpu.memory_space<hbm>> -> memref<1048576xi32, #tpu.memory_space<hbm>>
      tpu.enqueue_indirect_dma source(%dma_start3A_733 : memref<1048576xi32, #tpu.memory_space<hbm>>) target(%dma_start3A : memref<128xi32, #tpu.memory_space<vmem>>) offsets(%dma_start3A_731 : memref<128xi32, #tpu.memory_space<vmem>>) semaphore(%arg16 : memref<!tpu.dma_semaphore, #tpu.memory_space<semaphore_mem>>)
    } else {
    }
    %multiple_of3A_418 = arith.constant 3712 : i32
    %multiple_of3A_419 = tpu.assume_multiple %multiple_of3A_418, 128 : i32
    %eq3A_420 = arith.constant 0 : i32
    %eq3A_421 = arith.cmpi eq, %arg0, %eq3A_420 : i32
    %convert_element_type3A_422 = arith.extui %eq3A_421 : i1 to i32
    %cond3A_423 = arith.constant 0 : i32
    %cond3A_424 = arith.cmpi ne, %convert_element_type3A_422, %cond3A_423 : i32
    scf.if %cond3A_424 {
      %dma_start3A = tpu.memref_slice %arg11[%multiple_of3A_419] : memref<6400xi32, #tpu.memory_space<vmem>> -> memref<128xi32, #tpu.memory_space<vmem>>
      %dma_start3A_731 = tpu.memref_slice %arg10[%multiple_of3A_419] : memref<6400xi32, #tpu.memory_space<vmem>> -> memref<128xi32, #tpu.memory_space<vmem>>
      %dma_start3A_732 = arith.constant 0 : i32
      %dma_start3A_733 = tpu.memref_slice %arg5[%dma_start3A_732] : memref<1048576xi32, #tpu.memory_space<hbm>> -> memref<1048576xi32, #tpu.memory_space<hbm>>
      tpu.enqueue_indirect_dma source(%dma_start3A_733 : memref<1048576xi32, #tpu.memory_space<hbm>>) target(%dma_start3A : memref<128xi32, #tpu.memory_space<vmem>>) offsets(%dma_start3A_731 : memref<128xi32, #tpu.memory_space<vmem>>) semaphore(%arg16 : memref<!tpu.dma_semaphore, #tpu.memory_space<semaphore_mem>>)
    } else {
    }
    %eq3A_425 = arith.constant 1 : i32
    %eq3A_426 = arith.cmpi eq, %arg0, %eq3A_425 : i32
    %convert_element_type3A_427 = arith.extui %eq3A_426 : i1 to i32
    %cond3A_428 = arith.constant 0 : i32
    %cond3A_429 = arith.cmpi ne, %convert_element_type3A_427, %cond3A_428 : i32
    scf.if %cond3A_429 {
      %dma_start3A = tpu.memref_slice %arg11[%multiple_of3A_419] : memref<6400xi32, #tpu.memory_space<vmem>> -> memref<128xi32, #tpu.memory_space<vmem>>
      %dma_start3A_731 = tpu.memref_slice %arg10[%multiple_of3A_419] : memref<6400xi32, #tpu.memory_space<vmem>> -> memref<128xi32, #tpu.memory_space<vmem>>
      %dma_start3A_732 = arith.constant 0 : i32
      %dma_start3A_733 = tpu.memref_slice %arg6[%dma_start3A_732] : memref<1048576xi32, #tpu.memory_space<hbm>> -> memref<1048576xi32, #tpu.memory_space<hbm>>
      tpu.enqueue_indirect_dma source(%dma_start3A_733 : memref<1048576xi32, #tpu.memory_space<hbm>>) target(%dma_start3A : memref<128xi32, #tpu.memory_space<vmem>>) offsets(%dma_start3A_731 : memref<128xi32, #tpu.memory_space<vmem>>) semaphore(%arg16 : memref<!tpu.dma_semaphore, #tpu.memory_space<semaphore_mem>>)
    } else {
    }
    %multiple_of3A_430 = arith.constant 1280 : i32
    %multiple_of3A_431 = tpu.assume_multiple %multiple_of3A_430, 128 : i32
    %dma_wait3A_432 = arith.constant 0 : i32
    %dma_wait3A_433 = tpu.memref_slice %arg11[%dma_wait3A_432] : memref<6400xi32, #tpu.memory_space<vmem>> -> memref<1280xi32, #tpu.memory_space<vmem>>
    %dma_wait3A_434 = tpu.memref_slice %arg3[%multiple_of3A_431] : memref<204800xi32, #tpu.memory_space<hbm>> -> memref<1280xi32, #tpu.memory_space<hbm>>
    %dma_wait3A_435 = arith.constant 0 : i32
    %dma_wait3A_436 = tpu.memref_slice %arg11[%dma_wait3A_435] : memref<6400xi32, #tpu.memory_space<vmem>> -> memref<1280xi32, #tpu.memory_space<vmem>>
    %dma_wait3A_437 = tpu.memref_slice %arg3[%multiple_of3A_431] : memref<204800xi32, #tpu.memory_space<hbm>> -> memref<1280xi32, #tpu.memory_space<hbm>>
    tpu.wait_dma2 semaphore(%arg16 : memref<!tpu.dma_semaphore, #tpu.memory_space<semaphore_mem>>) src(%dma_wait3A_437 : memref<1280xi32, #tpu.memory_space<hbm>>) dst(%dma_wait3A_436 : memref<1280xi32, #tpu.memory_space<vmem>>)
    %scan3A_438 = arith.constant 0 : i32
    %scan3A_439 = arith.constant 80 : i32
    %scan3A_440 = arith.addi %scan3A_438, %scan3A_439 : i32
    %scan3A_441 = arith.constant 1 : i32
    %scan3A_442 = scf.for %scan3A_731 = %scan3A_438 to %scan3A_440 step %scan3A_441 iter_args(%scan3A_732 = %scan3A_308) -> (i32)  : i32 {
      %add3A_733 = arith.constant 80 : i32
      %add3A_734 = arith.addi %add3A_733, %scan3A_731 : i32
      %mul3A_735 = arith.constant 16 : i32
      %mul3A_736 = arith.muli %add3A_734, %mul3A_735 : i32
      %get3A = arith.index_cast %mul3A_736 : i32 to index
      %get3A_737 = tpu.vector_load %arg11[%get3A] {strides = array<i32>} : memref<6400xi32, #tpu.memory_space<vmem>>, vector<16xi32>,
      %ge3A = arith.constant 0 : i32
      %ge3A_738 = vector.broadcast %ge3A : i32 to vector<16xi32>
      %ge3A_739 = arith.cmpi sge, %get3A_737, %ge3A_738 : vector<16xi32>
      %mul3A_740 = arith.constant 16 : i32
      %mul3A_741 = arith.muli %add3A_734, %mul3A_740 : i32
      %add3A_742 = vector.broadcast %mul3A_741 : i32 to vector<16xi32>
      %add3A_743 = arith.addi %add3A_742, %iota3A : vector<16xi32>
      %shift_left3A = arith.constant 12 : i32
      %shift_left3A_744 = vector.broadcast %shift_left3A : i32 to vector<16xi32>
      %shift_left3A_745 = arith.shli %add3A_743, %shift_left3A_744 : vector<16xi32>
      %max3A = arith.constant 0 : i32
      %max3A_746 = vector.broadcast %max3A : i32 to vector<16xi32>
      %max3A_747 = arith.maxsi %get3A_737, %max3A_746 : vector<16xi32>
      %or3A = arith.ori %shift_left3A_745, %max3A_747 : vector<16xi32>
      %convert_element_type3A_748 = arith.extui %ge3A_739 : vector<16xi1> to vector<16xi32>
      %broadcast_in_dim3A_749 = arith.constant true
      %broadcast_in_dim3A_750 = vector.broadcast %broadcast_in_dim3A_749 : i1 to vector<16xi1>
      %masked_cumsum3A = tpu.scan <sum>, %convert_element_type3A_748 masked %broadcast_in_dim3A_750 : vector<16xi32>, vector<16xi1> -> vector<16xi32>
      %add3A_751 = vector.broadcast %scan3A_732 : i32 to vector<16xi32>
      %add3A_752 = arith.addi %add3A_751, %masked_cumsum3A : vector<16xi32>
      %sub3A = arith.constant 1 : i32
      %sub3A_753 = vector.broadcast %sub3A : i32 to vector<16xi32>
      %sub3A_754 = arith.subi %add3A_752, %sub3A_753 : vector<16xi32>
      tpu.vector_store_idx %arg12[%sub3A_754], %or3A masked %ge3A_739 : memref<6416xi32, #tpu.memory_space<vmem>>[vector<16xi32>], vector<16xi32>, vector<16xi1>
      %all_reduce_population_count3A = tpu.all_reduce %ge3A_739 {dim = 0 : i64, kind = #tpu.reduction_kind<sum>} : vector<16xi1> -> vector<16xi32>
      %slice3A = vector.extract_strided_slice %all_reduce_population_count3A {offsets = [0], sizes = [1], strides = [1]} : vector<16xi32> to vector<1xi32>
      %squeeze3A = vector.extract %slice3A[0] : i32 from vector<1xi32>
      %add3A_755 = arith.addi %scan3A_732, %squeeze3A : i32
      scf.yield %add3A_755 : i32
    }
    %scan3A_443 = arith.constant 80 : i32
    %multiple_of3A_444 = arith.constant 3840 : i32
    %multiple_of3A_445 = tpu.assume_multiple %multiple_of3A_444, 128 : i32
    %eq3A_446 = arith.constant 0 : i32
    %eq3A_447 = arith.cmpi eq, %arg0, %eq3A_446 : i32
    %convert_element_type3A_448 = arith.extui %eq3A_447 : i1 to i32
    %cond3A_449 = arith.constant 0 : i32
    %cond3A_450 = arith.cmpi ne, %convert_element_type3A_448, %cond3A_449 : i32
    scf.if %cond3A_450 {
      %dma_start3A = tpu.memref_slice %arg11[%multiple_of3A_445] : memref<6400xi32, #tpu.memory_space<vmem>> -> memref<128xi32, #tpu.memory_space<vmem>>
      %dma_start3A_731 = tpu.memref_slice %arg10[%multiple_of3A_445] : memref<6400xi32, #tpu.memory_space<vmem>> -> memref<128xi32, #tpu.memory_space<vmem>>
      %dma_start3A_732 = arith.constant 0 : i32
      %dma_start3A_733 = tpu.memref_slice %arg5[%dma_start3A_732] : memref<1048576xi32, #tpu.memory_space<hbm>> -> memref<1048576xi32, #tpu.memory_space<hbm>>
      tpu.enqueue_indirect_dma source(%dma_start3A_733 : memref<1048576xi32, #tpu.memory_space<hbm>>) target(%dma_start3A : memref<128xi32, #tpu.memory_space<vmem>>) offsets(%dma_start3A_731 : memref<128xi32, #tpu.memory_space<vmem>>) semaphore(%arg16 : memref<!tpu.dma_semaphore, #tpu.memory_space<semaphore_mem>>)
    } else {
    }
    %eq3A_451 = arith.constant 1 : i32
    %eq3A_452 = arith.cmpi eq, %arg0, %eq3A_451 : i32
    %convert_element_type3A_453 = arith.extui %eq3A_452 : i1 to i32
    %cond3A_454 = arith.constant 0 : i32
    %cond3A_455 = arith.cmpi ne, %convert_element_type3A_453, %cond3A_454 : i32
    scf.if %cond3A_455 {
      %dma_start3A = tpu.memref_slice %arg11[%multiple_of3A_445] : memref<6400xi32, #tpu.memory_space<vmem>> -> memref<128xi32, #tpu.memory_space<vmem>>
      %dma_start3A_731 = tpu.memref_slice %arg10[%multiple_of3A_445] : memref<6400xi32, #tpu.memory_space<vmem>> -> memref<128xi32, #tpu.memory_space<vmem>>
      %dma_start3A_732 = arith.constant 0 : i32
      %dma_start3A_733 = tpu.memref_slice %arg6[%dma_start3A_732] : memref<1048576xi32, #tpu.memory_space<hbm>> -> memref<1048576xi32, #tpu.memory_space<hbm>>
      tpu.enqueue_indirect_dma source(%dma_start3A_733 : memref<1048576xi32, #tpu.memory_space<hbm>>) target(%dma_start3A : memref<128xi32, #tpu.memory_space<vmem>>) offsets(%dma_start3A_731 : memref<128xi32, #tpu.memory_space<vmem>>) semaphore(%arg16 : memref<!tpu.dma_semaphore, #tpu.memory_space<semaphore_mem>>)
    } else {
    }
    %multiple_of3A_456 = arith.constant 3968 : i32
    %multiple_of3A_457 = tpu.assume_multiple %multiple_of3A_456, 128 : i32
    %eq3A_458 = arith.constant 0 : i32
    %eq3A_459 = arith.cmpi eq, %arg0, %eq3A_458 : i32
    %convert_element_type3A_460 = arith.extui %eq3A_459 : i1 to i32
    %cond3A_461 = arith.constant 0 : i32
    %cond3A_462 = arith.cmpi ne, %convert_element_type3A_460, %cond3A_461 : i32
    scf.if %cond3A_462 {
      %dma_start3A = tpu.memref_slice %arg11[%multiple_of3A_457] : memref<6400xi32, #tpu.memory_space<vmem>> -> memref<128xi32, #tpu.memory_space<vmem>>
      %dma_start3A_731 = tpu.memref_slice %arg10[%multiple_of3A_457] : memref<6400xi32, #tpu.memory_space<vmem>> -> memref<128xi32, #tpu.memory_space<vmem>>
      %dma_start3A_732 = arith.constant 0 : i32
      %dma_start3A_733 = tpu.memref_slice %arg5[%dma_start3A_732] : memref<1048576xi32, #tpu.memory_space<hbm>> -> memref<1048576xi32, #tpu.memory_space<hbm>>
      tpu.enqueue_indirect_dma source(%dma_start3A_733 : memref<1048576xi32, #tpu.memory_space<hbm>>) target(%dma_start3A : memref<128xi32, #tpu.memory_space<vmem>>) offsets(%dma_start3A_731 : memref<128xi32, #tpu.memory_space<vmem>>) semaphore(%arg16 : memref<!tpu.dma_semaphore, #tpu.memory_space<semaphore_mem>>)
    } else {
    }
    %eq3A_463 = arith.constant 1 : i32
    %eq3A_464 = arith.cmpi eq, %arg0, %eq3A_463 : i32
    %convert_element_type3A_465 = arith.extui %eq3A_464 : i1 to i32
    %cond3A_466 = arith.constant 0 : i32
    %cond3A_467 = arith.cmpi ne, %convert_element_type3A_465, %cond3A_466 : i32
    scf.if %cond3A_467 {
      %dma_start3A = tpu.memref_slice %arg11[%multiple_of3A_457] : memref<6400xi32, #tpu.memory_space<vmem>> -> memref<128xi32, #tpu.memory_space<vmem>>
      %dma_start3A_731 = tpu.memref_slice %arg10[%multiple_of3A_457] : memref<6400xi32, #tpu.memory_space<vmem>> -> memref<128xi32, #tpu.memory_space<vmem>>
      %dma_start3A_732 = arith.constant 0 : i32
      %dma_start3A_733 = tpu.memref_slice %arg6[%dma_start3A_732] : memref<1048576xi32, #tpu.memory_space<hbm>> -> memref<1048576xi32, #tpu.memory_space<hbm>>
      tpu.enqueue_indirect_dma source(%dma_start3A_733 : memref<1048576xi32, #tpu.memory_space<hbm>>) target(%dma_start3A : memref<128xi32, #tpu.memory_space<vmem>>) offsets(%dma_start3A_731 : memref<128xi32, #tpu.memory_space<vmem>>) semaphore(%arg16 : memref<!tpu.dma_semaphore, #tpu.memory_space<semaphore_mem>>)
    } else {
    }
    %multiple_of3A_468 = arith.constant 4096 : i32
    %multiple_of3A_469 = tpu.assume_multiple %multiple_of3A_468, 128 : i32
    %eq3A_470 = arith.constant 0 : i32
    %eq3A_471 = arith.cmpi eq, %arg0, %eq3A_470 : i32
    %convert_element_type3A_472 = arith.extui %eq3A_471 : i1 to i32
    %cond3A_473 = arith.constant 0 : i32
    %cond3A_474 = arith.cmpi ne, %convert_element_type3A_472, %cond3A_473 : i32
    scf.if %cond3A_474 {
      %dma_start3A = tpu.memref_slice %arg11[%multiple_of3A_469] : memref<6400xi32, #tpu.memory_space<vmem>> -> memref<128xi32, #tpu.memory_space<vmem>>
      %dma_start3A_731 = tpu.memref_slice %arg10[%multiple_of3A_469] : memref<6400xi32, #tpu.memory_space<vmem>> -> memref<128xi32, #tpu.memory_space<vmem>>
      %dma_start3A_732 = arith.constant 0 : i32
      %dma_start3A_733 = tpu.memref_slice %arg5[%dma_start3A_732] : memref<1048576xi32, #tpu.memory_space<hbm>> -> memref<1048576xi32, #tpu.memory_space<hbm>>
      tpu.enqueue_indirect_dma source(%dma_start3A_733 : memref<1048576xi32, #tpu.memory_space<hbm>>) target(%dma_start3A : memref<128xi32, #tpu.memory_space<vmem>>) offsets(%dma_start3A_731 : memref<128xi32, #tpu.memory_space<vmem>>) semaphore(%arg16 : memref<!tpu.dma_semaphore, #tpu.memory_space<semaphore_mem>>)
    } else {
    }
    %eq3A_475 = arith.constant 1 : i32
    %eq3A_476 = arith.cmpi eq, %arg0, %eq3A_475 : i32
    %convert_element_type3A_477 = arith.extui %eq3A_476 : i1 to i32
    %cond3A_478 = arith.constant 0 : i32
    %cond3A_479 = arith.cmpi ne, %convert_element_type3A_477, %cond3A_478 : i32
    scf.if %cond3A_479 {
      %dma_start3A = tpu.memref_slice %arg11[%multiple_of3A_469] : memref<6400xi32, #tpu.memory_space<vmem>> -> memref<128xi32, #tpu.memory_space<vmem>>
      %dma_start3A_731 = tpu.memref_slice %arg10[%multiple_of3A_469] : memref<6400xi32, #tpu.memory_space<vmem>> -> memref<128xi32, #tpu.memory_space<vmem>>
      %dma_start3A_732 = arith.constant 0 : i32
      %dma_start3A_733 = tpu.memref_slice %arg6[%dma_start3A_732] : memref<1048576xi32, #tpu.memory_space<hbm>> -> memref<1048576xi32, #tpu.memory_space<hbm>>
      tpu.enqueue_indirect_dma source(%dma_start3A_733 : memref<1048576xi32, #tpu.memory_space<hbm>>) target(%dma_start3A : memref<128xi32, #tpu.memory_space<vmem>>) offsets(%dma_start3A_731 : memref<128xi32, #tpu.memory_space<vmem>>) semaphore(%arg16 : memref<!tpu.dma_semaphore, #tpu.memory_space<semaphore_mem>>)
    } else {
    }
    %multiple_of3A_480 = arith.constant 4224 : i32
    %multiple_of3A_481 = tpu.assume_multiple %multiple_of3A_480, 128 : i32
    %eq3A_482 = arith.constant 0 : i32
    %eq3A_483 = arith.cmpi eq, %arg0, %eq3A_482 : i32
    %convert_element_type3A_484 = arith.extui %eq3A_483 : i1 to i32
    %cond3A_485 = arith.constant 0 : i32
    %cond3A_486 = arith.cmpi ne, %convert_element_type3A_484, %cond3A_485 : i32
    scf.if %cond3A_486 {
      %dma_start3A = tpu.memref_slice %arg11[%multiple_of3A_481] : memref<6400xi32, #tpu.memory_space<vmem>> -> memref<128xi32, #tpu.memory_space<vmem>>
      %dma_start3A_731 = tpu.memref_slice %arg10[%multiple_of3A_481] : memref<6400xi32, #tpu.memory_space<vmem>> -> memref<128xi32, #tpu.memory_space<vmem>>
      %dma_start3A_732 = arith.constant 0 : i32
      %dma_start3A_733 = tpu.memref_slice %arg5[%dma_start3A_732] : memref<1048576xi32, #tpu.memory_space<hbm>> -> memref<1048576xi32, #tpu.memory_space<hbm>>
      tpu.enqueue_indirect_dma source(%dma_start3A_733 : memref<1048576xi32, #tpu.memory_space<hbm>>) target(%dma_start3A : memref<128xi32, #tpu.memory_space<vmem>>) offsets(%dma_start3A_731 : memref<128xi32, #tpu.memory_space<vmem>>) semaphore(%arg16 : memref<!tpu.dma_semaphore, #tpu.memory_space<semaphore_mem>>)
    } else {
    }
    %eq3A_487 = arith.constant 1 : i32
    %eq3A_488 = arith.cmpi eq, %arg0, %eq3A_487 : i32
    %convert_element_type3A_489 = arith.extui %eq3A_488 : i1 to i32
    %cond3A_490 = arith.constant 0 : i32
    %cond3A_491 = arith.cmpi ne, %convert_element_type3A_489, %cond3A_490 : i32
    scf.if %cond3A_491 {
      %dma_start3A = tpu.memref_slice %arg11[%multiple_of3A_481] : memref<6400xi32, #tpu.memory_space<vmem>> -> memref<128xi32, #tpu.memory_space<vmem>>
      %dma_start3A_731 = tpu.memref_slice %arg10[%multiple_of3A_481] : memref<6400xi32, #tpu.memory_space<vmem>> -> memref<128xi32, #tpu.memory_space<vmem>>
      %dma_start3A_732 = arith.constant 0 : i32
      %dma_start3A_733 = tpu.memref_slice %arg6[%dma_start3A_732] : memref<1048576xi32, #tpu.memory_space<hbm>> -> memref<1048576xi32, #tpu.memory_space<hbm>>
      tpu.enqueue_indirect_dma source(%dma_start3A_733 : memref<1048576xi32, #tpu.memory_space<hbm>>) target(%dma_start3A : memref<128xi32, #tpu.memory_space<vmem>>) offsets(%dma_start3A_731 : memref<128xi32, #tpu.memory_space<vmem>>) semaphore(%arg16 : memref<!tpu.dma_semaphore, #tpu.memory_space<semaphore_mem>>)
    } else {
    }
    %multiple_of3A_492 = arith.constant 4352 : i32
    %multiple_of3A_493 = tpu.assume_multiple %multiple_of3A_492, 128 : i32
    %eq3A_494 = arith.constant 0 : i32
    %eq3A_495 = arith.cmpi eq, %arg0, %eq3A_494 : i32
    %convert_element_type3A_496 = arith.extui %eq3A_495 : i1 to i32
    %cond3A_497 = arith.constant 0 : i32
    %cond3A_498 = arith.cmpi ne, %convert_element_type3A_496, %cond3A_497 : i32
    scf.if %cond3A_498 {
      %dma_start3A = tpu.memref_slice %arg11[%multiple_of3A_493] : memref<6400xi32, #tpu.memory_space<vmem>> -> memref<128xi32, #tpu.memory_space<vmem>>
      %dma_start3A_731 = tpu.memref_slice %arg10[%multiple_of3A_493] : memref<6400xi32, #tpu.memory_space<vmem>> -> memref<128xi32, #tpu.memory_space<vmem>>
      %dma_start3A_732 = arith.constant 0 : i32
      %dma_start3A_733 = tpu.memref_slice %arg5[%dma_start3A_732] : memref<1048576xi32, #tpu.memory_space<hbm>> -> memref<1048576xi32, #tpu.memory_space<hbm>>
      tpu.enqueue_indirect_dma source(%dma_start3A_733 : memref<1048576xi32, #tpu.memory_space<hbm>>) target(%dma_start3A : memref<128xi32, #tpu.memory_space<vmem>>) offsets(%dma_start3A_731 : memref<128xi32, #tpu.memory_space<vmem>>) semaphore(%arg16 : memref<!tpu.dma_semaphore, #tpu.memory_space<semaphore_mem>>)
    } else {
    }
    %eq3A_499 = arith.constant 1 : i32
    %eq3A_500 = arith.cmpi eq, %arg0, %eq3A_499 : i32
    %convert_element_type3A_501 = arith.extui %eq3A_500 : i1 to i32
    %cond3A_502 = arith.constant 0 : i32
    %cond3A_503 = arith.cmpi ne, %convert_element_type3A_501, %cond3A_502 : i32
    scf.if %cond3A_503 {
      %dma_start3A = tpu.memref_slice %arg11[%multiple_of3A_493] : memref<6400xi32, #tpu.memory_space<vmem>> -> memref<128xi32, #tpu.memory_space<vmem>>
      %dma_start3A_731 = tpu.memref_slice %arg10[%multiple_of3A_493] : memref<6400xi32, #tpu.memory_space<vmem>> -> memref<128xi32, #tpu.memory_space<vmem>>
      %dma_start3A_732 = arith.constant 0 : i32
      %dma_start3A_733 = tpu.memref_slice %arg6[%dma_start3A_732] : memref<1048576xi32, #tpu.memory_space<hbm>> -> memref<1048576xi32, #tpu.memory_space<hbm>>
      tpu.enqueue_indirect_dma source(%dma_start3A_733 : memref<1048576xi32, #tpu.memory_space<hbm>>) target(%dma_start3A : memref<128xi32, #tpu.memory_space<vmem>>) offsets(%dma_start3A_731 : memref<128xi32, #tpu.memory_space<vmem>>) semaphore(%arg16 : memref<!tpu.dma_semaphore, #tpu.memory_space<semaphore_mem>>)
    } else {
    }
    %multiple_of3A_504 = arith.constant 4480 : i32
    %multiple_of3A_505 = tpu.assume_multiple %multiple_of3A_504, 128 : i32
    %eq3A_506 = arith.constant 0 : i32
    %eq3A_507 = arith.cmpi eq, %arg0, %eq3A_506 : i32
    %convert_element_type3A_508 = arith.extui %eq3A_507 : i1 to i32
    %cond3A_509 = arith.constant 0 : i32
    %cond3A_510 = arith.cmpi ne, %convert_element_type3A_508, %cond3A_509 : i32
    scf.if %cond3A_510 {
      %dma_start3A = tpu.memref_slice %arg11[%multiple_of3A_505] : memref<6400xi32, #tpu.memory_space<vmem>> -> memref<128xi32, #tpu.memory_space<vmem>>
      %dma_start3A_731 = tpu.memref_slice %arg10[%multiple_of3A_505] : memref<6400xi32, #tpu.memory_space<vmem>> -> memref<128xi32, #tpu.memory_space<vmem>>
      %dma_start3A_732 = arith.constant 0 : i32
      %dma_start3A_733 = tpu.memref_slice %arg5[%dma_start3A_732] : memref<1048576xi32, #tpu.memory_space<hbm>> -> memref<1048576xi32, #tpu.memory_space<hbm>>
      tpu.enqueue_indirect_dma source(%dma_start3A_733 : memref<1048576xi32, #tpu.memory_space<hbm>>) target(%dma_start3A : memref<128xi32, #tpu.memory_space<vmem>>) offsets(%dma_start3A_731 : memref<128xi32, #tpu.memory_space<vmem>>) semaphore(%arg16 : memref<!tpu.dma_semaphore, #tpu.memory_space<semaphore_mem>>)
    } else {
    }
    %eq3A_511 = arith.constant 1 : i32
    %eq3A_512 = arith.cmpi eq, %arg0, %eq3A_511 : i32
    %convert_element_type3A_513 = arith.extui %eq3A_512 : i1 to i32
    %cond3A_514 = arith.constant 0 : i32
    %cond3A_515 = arith.cmpi ne, %convert_element_type3A_513, %cond3A_514 : i32
    scf.if %cond3A_515 {
      %dma_start3A = tpu.memref_slice %arg11[%multiple_of3A_505] : memref<6400xi32, #tpu.memory_space<vmem>> -> memref<128xi32, #tpu.memory_space<vmem>>
      %dma_start3A_731 = tpu.memref_slice %arg10[%multiple_of3A_505] : memref<6400xi32, #tpu.memory_space<vmem>> -> memref<128xi32, #tpu.memory_space<vmem>>
      %dma_start3A_732 = arith.constant 0 : i32
      %dma_start3A_733 = tpu.memref_slice %arg6[%dma_start3A_732] : memref<1048576xi32, #tpu.memory_space<hbm>> -> memref<1048576xi32, #tpu.memory_space<hbm>>
      tpu.enqueue_indirect_dma source(%dma_start3A_733 : memref<1048576xi32, #tpu.memory_space<hbm>>) target(%dma_start3A : memref<128xi32, #tpu.memory_space<vmem>>) offsets(%dma_start3A_731 : memref<128xi32, #tpu.memory_space<vmem>>) semaphore(%arg16 : memref<!tpu.dma_semaphore, #tpu.memory_space<semaphore_mem>>)
    } else {
    }
    %multiple_of3A_516 = arith.constant 4608 : i32
    %multiple_of3A_517 = tpu.assume_multiple %multiple_of3A_516, 128 : i32
    %eq3A_518 = arith.constant 0 : i32
    %eq3A_519 = arith.cmpi eq, %arg0, %eq3A_518 : i32
    %convert_element_type3A_520 = arith.extui %eq3A_519 : i1 to i32
    %cond3A_521 = arith.constant 0 : i32
    %cond3A_522 = arith.cmpi ne, %convert_element_type3A_520, %cond3A_521 : i32
    scf.if %cond3A_522 {
      %dma_start3A = tpu.memref_slice %arg11[%multiple_of3A_517] : memref<6400xi32, #tpu.memory_space<vmem>> -> memref<128xi32, #tpu.memory_space<vmem>>
      %dma_start3A_731 = tpu.memref_slice %arg10[%multiple_of3A_517] : memref<6400xi32, #tpu.memory_space<vmem>> -> memref<128xi32, #tpu.memory_space<vmem>>
      %dma_start3A_732 = arith.constant 0 : i32
      %dma_start3A_733 = tpu.memref_slice %arg5[%dma_start3A_732] : memref<1048576xi32, #tpu.memory_space<hbm>> -> memref<1048576xi32, #tpu.memory_space<hbm>>
      tpu.enqueue_indirect_dma source(%dma_start3A_733 : memref<1048576xi32, #tpu.memory_space<hbm>>) target(%dma_start3A : memref<128xi32, #tpu.memory_space<vmem>>) offsets(%dma_start3A_731 : memref<128xi32, #tpu.memory_space<vmem>>) semaphore(%arg16 : memref<!tpu.dma_semaphore, #tpu.memory_space<semaphore_mem>>)
    } else {
    }
    %eq3A_523 = arith.constant 1 : i32
    %eq3A_524 = arith.cmpi eq, %arg0, %eq3A_523 : i32
    %convert_element_type3A_525 = arith.extui %eq3A_524 : i1 to i32
    %cond3A_526 = arith.constant 0 : i32
    %cond3A_527 = arith.cmpi ne, %convert_element_type3A_525, %cond3A_526 : i32
    scf.if %cond3A_527 {
      %dma_start3A = tpu.memref_slice %arg11[%multiple_of3A_517] : memref<6400xi32, #tpu.memory_space<vmem>> -> memref<128xi32, #tpu.memory_space<vmem>>
      %dma_start3A_731 = tpu.memref_slice %arg10[%multiple_of3A_517] : memref<6400xi32, #tpu.memory_space<vmem>> -> memref<128xi32, #tpu.memory_space<vmem>>
      %dma_start3A_732 = arith.constant 0 : i32
      %dma_start3A_733 = tpu.memref_slice %arg6[%dma_start3A_732] : memref<1048576xi32, #tpu.memory_space<hbm>> -> memref<1048576xi32, #tpu.memory_space<hbm>>
      tpu.enqueue_indirect_dma source(%dma_start3A_733 : memref<1048576xi32, #tpu.memory_space<hbm>>) target(%dma_start3A : memref<128xi32, #tpu.memory_space<vmem>>) offsets(%dma_start3A_731 : memref<128xi32, #tpu.memory_space<vmem>>) semaphore(%arg16 : memref<!tpu.dma_semaphore, #tpu.memory_space<semaphore_mem>>)
    } else {
    }
    %multiple_of3A_528 = arith.constant 4736 : i32
    %multiple_of3A_529 = tpu.assume_multiple %multiple_of3A_528, 128 : i32
    %eq3A_530 = arith.constant 0 : i32
    %eq3A_531 = arith.cmpi eq, %arg0, %eq3A_530 : i32
    %convert_element_type3A_532 = arith.extui %eq3A_531 : i1 to i32
    %cond3A_533 = arith.constant 0 : i32
    %cond3A_534 = arith.cmpi ne, %convert_element_type3A_532, %cond3A_533 : i32
    scf.if %cond3A_534 {
      %dma_start3A = tpu.memref_slice %arg11[%multiple_of3A_529] : memref<6400xi32, #tpu.memory_space<vmem>> -> memref<128xi32, #tpu.memory_space<vmem>>
      %dma_start3A_731 = tpu.memref_slice %arg10[%multiple_of3A_529] : memref<6400xi32, #tpu.memory_space<vmem>> -> memref<128xi32, #tpu.memory_space<vmem>>
      %dma_start3A_732 = arith.constant 0 : i32
      %dma_start3A_733 = tpu.memref_slice %arg5[%dma_start3A_732] : memref<1048576xi32, #tpu.memory_space<hbm>> -> memref<1048576xi32, #tpu.memory_space<hbm>>
      tpu.enqueue_indirect_dma source(%dma_start3A_733 : memref<1048576xi32, #tpu.memory_space<hbm>>) target(%dma_start3A : memref<128xi32, #tpu.memory_space<vmem>>) offsets(%dma_start3A_731 : memref<128xi32, #tpu.memory_space<vmem>>) semaphore(%arg16 : memref<!tpu.dma_semaphore, #tpu.memory_space<semaphore_mem>>)
    } else {
    }
    %eq3A_535 = arith.constant 1 : i32
    %eq3A_536 = arith.cmpi eq, %arg0, %eq3A_535 : i32
    %convert_element_type3A_537 = arith.extui %eq3A_536 : i1 to i32
    %cond3A_538 = arith.constant 0 : i32
    %cond3A_539 = arith.cmpi ne, %convert_element_type3A_537, %cond3A_538 : i32
    scf.if %cond3A_539 {
      %dma_start3A = tpu.memref_slice %arg11[%multiple_of3A_529] : memref<6400xi32, #tpu.memory_space<vmem>> -> memref<128xi32, #tpu.memory_space<vmem>>
      %dma_start3A_731 = tpu.memref_slice %arg10[%multiple_of3A_529] : memref<6400xi32, #tpu.memory_space<vmem>> -> memref<128xi32, #tpu.memory_space<vmem>>
      %dma_start3A_732 = arith.constant 0 : i32
      %dma_start3A_733 = tpu.memref_slice %arg6[%dma_start3A_732] : memref<1048576xi32, #tpu.memory_space<hbm>> -> memref<1048576xi32, #tpu.memory_space<hbm>>
      tpu.enqueue_indirect_dma source(%dma_start3A_733 : memref<1048576xi32, #tpu.memory_space<hbm>>) target(%dma_start3A : memref<128xi32, #tpu.memory_space<vmem>>) offsets(%dma_start3A_731 : memref<128xi32, #tpu.memory_space<vmem>>) semaphore(%arg16 : memref<!tpu.dma_semaphore, #tpu.memory_space<semaphore_mem>>)
    } else {
    }
    %multiple_of3A_540 = arith.constant 4864 : i32
    %multiple_of3A_541 = tpu.assume_multiple %multiple_of3A_540, 128 : i32
    %eq3A_542 = arith.constant 0 : i32
    %eq3A_543 = arith.cmpi eq, %arg0, %eq3A_542 : i32
    %convert_element_type3A_544 = arith.extui %eq3A_543 : i1 to i32
    %cond3A_545 = arith.constant 0 : i32
    %cond3A_546 = arith.cmpi ne, %convert_element_type3A_544, %cond3A_545 : i32
    scf.if %cond3A_546 {
      %dma_start3A = tpu.memref_slice %arg11[%multiple_of3A_541] : memref<6400xi32, #tpu.memory_space<vmem>> -> memref<128xi32, #tpu.memory_space<vmem>>
      %dma_start3A_731 = tpu.memref_slice %arg10[%multiple_of3A_541] : memref<6400xi32, #tpu.memory_space<vmem>> -> memref<128xi32, #tpu.memory_space<vmem>>
      %dma_start3A_732 = arith.constant 0 : i32
      %dma_start3A_733 = tpu.memref_slice %arg5[%dma_start3A_732] : memref<1048576xi32, #tpu.memory_space<hbm>> -> memref<1048576xi32, #tpu.memory_space<hbm>>
      tpu.enqueue_indirect_dma source(%dma_start3A_733 : memref<1048576xi32, #tpu.memory_space<hbm>>) target(%dma_start3A : memref<128xi32, #tpu.memory_space<vmem>>) offsets(%dma_start3A_731 : memref<128xi32, #tpu.memory_space<vmem>>) semaphore(%arg16 : memref<!tpu.dma_semaphore, #tpu.memory_space<semaphore_mem>>)
    } else {
    }
    %eq3A_547 = arith.constant 1 : i32
    %eq3A_548 = arith.cmpi eq, %arg0, %eq3A_547 : i32
    %convert_element_type3A_549 = arith.extui %eq3A_548 : i1 to i32
    %cond3A_550 = arith.constant 0 : i32
    %cond3A_551 = arith.cmpi ne, %convert_element_type3A_549, %cond3A_550 : i32
    scf.if %cond3A_551 {
      %dma_start3A = tpu.memref_slice %arg11[%multiple_of3A_541] : memref<6400xi32, #tpu.memory_space<vmem>> -> memref<128xi32, #tpu.memory_space<vmem>>
      %dma_start3A_731 = tpu.memref_slice %arg10[%multiple_of3A_541] : memref<6400xi32, #tpu.memory_space<vmem>> -> memref<128xi32, #tpu.memory_space<vmem>>
      %dma_start3A_732 = arith.constant 0 : i32
      %dma_start3A_733 = tpu.memref_slice %arg6[%dma_start3A_732] : memref<1048576xi32, #tpu.memory_space<hbm>> -> memref<1048576xi32, #tpu.memory_space<hbm>>
      tpu.enqueue_indirect_dma source(%dma_start3A_733 : memref<1048576xi32, #tpu.memory_space<hbm>>) target(%dma_start3A : memref<128xi32, #tpu.memory_space<vmem>>) offsets(%dma_start3A_731 : memref<128xi32, #tpu.memory_space<vmem>>) semaphore(%arg16 : memref<!tpu.dma_semaphore, #tpu.memory_space<semaphore_mem>>)
    } else {
    }
    %multiple_of3A_552 = arith.constant 4992 : i32
    %multiple_of3A_553 = tpu.assume_multiple %multiple_of3A_552, 128 : i32
    %eq3A_554 = arith.constant 0 : i32
    %eq3A_555 = arith.cmpi eq, %arg0, %eq3A_554 : i32
    %convert_element_type3A_556 = arith.extui %eq3A_555 : i1 to i32
    %cond3A_557 = arith.constant 0 : i32
    %cond3A_558 = arith.cmpi ne, %convert_element_type3A_556, %cond3A_557 : i32
    scf.if %cond3A_558 {
      %dma_start3A = tpu.memref_slice %arg11[%multiple_of3A_553] : memref<6400xi32, #tpu.memory_space<vmem>> -> memref<128xi32, #tpu.memory_space<vmem>>
      %dma_start3A_731 = tpu.memref_slice %arg10[%multiple_of3A_553] : memref<6400xi32, #tpu.memory_space<vmem>> -> memref<128xi32, #tpu.memory_space<vmem>>
      %dma_start3A_732 = arith.constant 0 : i32
      %dma_start3A_733 = tpu.memref_slice %arg5[%dma_start3A_732] : memref<1048576xi32, #tpu.memory_space<hbm>> -> memref<1048576xi32, #tpu.memory_space<hbm>>
      tpu.enqueue_indirect_dma source(%dma_start3A_733 : memref<1048576xi32, #tpu.memory_space<hbm>>) target(%dma_start3A : memref<128xi32, #tpu.memory_space<vmem>>) offsets(%dma_start3A_731 : memref<128xi32, #tpu.memory_space<vmem>>) semaphore(%arg16 : memref<!tpu.dma_semaphore, #tpu.memory_space<semaphore_mem>>)
    } else {
    }
    %eq3A_559 = arith.constant 1 : i32
    %eq3A_560 = arith.cmpi eq, %arg0, %eq3A_559 : i32
    %convert_element_type3A_561 = arith.extui %eq3A_560 : i1 to i32
    %cond3A_562 = arith.constant 0 : i32
    %cond3A_563 = arith.cmpi ne, %convert_element_type3A_561, %cond3A_562 : i32
    scf.if %cond3A_563 {
      %dma_start3A = tpu.memref_slice %arg11[%multiple_of3A_553] : memref<6400xi32, #tpu.memory_space<vmem>> -> memref<128xi32, #tpu.memory_space<vmem>>
      %dma_start3A_731 = tpu.memref_slice %arg10[%multiple_of3A_553] : memref<6400xi32, #tpu.memory_space<vmem>> -> memref<128xi32, #tpu.memory_space<vmem>>
      %dma_start3A_732 = arith.constant 0 : i32
      %dma_start3A_733 = tpu.memref_slice %arg6[%dma_start3A_732] : memref<1048576xi32, #tpu.memory_space<hbm>> -> memref<1048576xi32, #tpu.memory_space<hbm>>
      tpu.enqueue_indirect_dma source(%dma_start3A_733 : memref<1048576xi32, #tpu.memory_space<hbm>>) target(%dma_start3A : memref<128xi32, #tpu.memory_space<vmem>>) offsets(%dma_start3A_731 : memref<128xi32, #tpu.memory_space<vmem>>) semaphore(%arg16 : memref<!tpu.dma_semaphore, #tpu.memory_space<semaphore_mem>>)
    } else {
    }
    %multiple_of3A_564 = arith.constant 2560 : i32
    %multiple_of3A_565 = tpu.assume_multiple %multiple_of3A_564, 128 : i32
    %dma_wait3A_566 = arith.constant 0 : i32
    %dma_wait3A_567 = tpu.memref_slice %arg11[%dma_wait3A_566] : memref<6400xi32, #tpu.memory_space<vmem>> -> memref<1280xi32, #tpu.memory_space<vmem>>
    %dma_wait3A_568 = tpu.memref_slice %arg3[%multiple_of3A_565] : memref<204800xi32, #tpu.memory_space<hbm>> -> memref<1280xi32, #tpu.memory_space<hbm>>
    %dma_wait3A_569 = arith.constant 0 : i32
    %dma_wait3A_570 = tpu.memref_slice %arg11[%dma_wait3A_569] : memref<6400xi32, #tpu.memory_space<vmem>> -> memref<1280xi32, #tpu.memory_space<vmem>>
    %dma_wait3A_571 = tpu.memref_slice %arg3[%multiple_of3A_565] : memref<204800xi32, #tpu.memory_space<hbm>> -> memref<1280xi32, #tpu.memory_space<hbm>>
    tpu.wait_dma2 semaphore(%arg16 : memref<!tpu.dma_semaphore, #tpu.memory_space<semaphore_mem>>) src(%dma_wait3A_571 : memref<1280xi32, #tpu.memory_space<hbm>>) dst(%dma_wait3A_570 : memref<1280xi32, #tpu.memory_space<vmem>>)
    %scan3A_572 = arith.constant 0 : i32
    %scan3A_573 = arith.constant 80 : i32
    %scan3A_574 = arith.addi %scan3A_572, %scan3A_573 : i32
    %scan3A_575 = arith.constant 1 : i32
    %scan3A_576 = scf.for %scan3A_731 = %scan3A_572 to %scan3A_574 step %scan3A_575 iter_args(%scan3A_732 = %scan3A_442) -> (i32)  : i32 {
      %add3A_733 = arith.constant 160 : i32
      %add3A_734 = arith.addi %add3A_733, %scan3A_731 : i32
      %mul3A_735 = arith.constant 16 : i32
      %mul3A_736 = arith.muli %add3A_734, %mul3A_735 : i32
      %get3A = arith.index_cast %mul3A_736 : i32 to index
      %get3A_737 = tpu.vector_load %arg11[%get3A] {strides = array<i32>} : memref<6400xi32, #tpu.memory_space<vmem>>, vector<16xi32>,
      %ge3A = arith.constant 0 : i32
      %ge3A_738 = vector.broadcast %ge3A : i32 to vector<16xi32>
      %ge3A_739 = arith.cmpi sge, %get3A_737, %ge3A_738 : vector<16xi32>
      %mul3A_740 = arith.constant 16 : i32
      %mul3A_741 = arith.muli %add3A_734, %mul3A_740 : i32
      %add3A_742 = vector.broadcast %mul3A_741 : i32 to vector<16xi32>
      %add3A_743 = arith.addi %add3A_742, %iota3A : vector<16xi32>
      %shift_left3A = arith.constant 12 : i32
      %shift_left3A_744 = vector.broadcast %shift_left3A : i32 to vector<16xi32>
      %shift_left3A_745 = arith.shli %add3A_743, %shift_left3A_744 : vector<16xi32>
      %max3A = arith.constant 0 : i32
      %max3A_746 = vector.broadcast %max3A : i32 to vector<16xi32>
      %max3A_747 = arith.maxsi %get3A_737, %max3A_746 : vector<16xi32>
      %or3A = arith.ori %shift_left3A_745, %max3A_747 : vector<16xi32>
      %convert_element_type3A_748 = arith.extui %ge3A_739 : vector<16xi1> to vector<16xi32>
      %broadcast_in_dim3A_749 = arith.constant true
      %broadcast_in_dim3A_750 = vector.broadcast %broadcast_in_dim3A_749 : i1 to vector<16xi1>
      %masked_cumsum3A = tpu.scan <sum>, %convert_element_type3A_748 masked %broadcast_in_dim3A_750 : vector<16xi32>, vector<16xi1> -> vector<16xi32>
      %add3A_751 = vector.broadcast %scan3A_732 : i32 to vector<16xi32>
      %add3A_752 = arith.addi %add3A_751, %masked_cumsum3A : vector<16xi32>
      %sub3A = arith.constant 1 : i32
      %sub3A_753 = vector.broadcast %sub3A : i32 to vector<16xi32>
      %sub3A_754 = arith.subi %add3A_752, %sub3A_753 : vector<16xi32>
      tpu.vector_store_idx %arg12[%sub3A_754], %or3A masked %ge3A_739 : memref<6416xi32, #tpu.memory_space<vmem>>[vector<16xi32>], vector<16xi32>, vector<16xi1>
      %all_reduce_population_count3A = tpu.all_reduce %ge3A_739 {dim = 0 : i64, kind = #tpu.reduction_kind<sum>} : vector<16xi1> -> vector<16xi32>
      %slice3A = vector.extract_strided_slice %all_reduce_population_count3A {offsets = [0], sizes = [1], strides = [1]} : vector<16xi32> to vector<1xi32>
      %squeeze3A = vector.extract %slice3A[0] : i32 from vector<1xi32>
      %add3A_755 = arith.addi %scan3A_732, %squeeze3A : i32
      scf.yield %add3A_755 : i32
    }
    %scan3A_577 = arith.constant 80 : i32
    %multiple_of3A_578 = arith.constant 5120 : i32
    %multiple_of3A_579 = tpu.assume_multiple %multiple_of3A_578, 128 : i32
    %eq3A_580 = arith.constant 0 : i32
    %eq3A_581 = arith.cmpi eq, %arg0, %eq3A_580 : i32
    %convert_element_type3A_582 = arith.extui %eq3A_581 : i1 to i32
    %cond3A_583 = arith.constant 0 : i32
    %cond3A_584 = arith.cmpi ne, %convert_element_type3A_582, %cond3A_583 : i32
    scf.if %cond3A_584 {
      %dma_start3A = tpu.memref_slice %arg11[%multiple_of3A_579] : memref<6400xi32, #tpu.memory_space<vmem>> -> memref<128xi32, #tpu.memory_space<vmem>>
      %dma_start3A_731 = tpu.memref_slice %arg10[%multiple_of3A_579] : memref<6400xi32, #tpu.memory_space<vmem>> -> memref<128xi32, #tpu.memory_space<vmem>>
      %dma_start3A_732 = arith.constant 0 : i32
      %dma_start3A_733 = tpu.memref_slice %arg5[%dma_start3A_732] : memref<1048576xi32, #tpu.memory_space<hbm>> -> memref<1048576xi32, #tpu.memory_space<hbm>>
      tpu.enqueue_indirect_dma source(%dma_start3A_733 : memref<1048576xi32, #tpu.memory_space<hbm>>) target(%dma_start3A : memref<128xi32, #tpu.memory_space<vmem>>) offsets(%dma_start3A_731 : memref<128xi32, #tpu.memory_space<vmem>>) semaphore(%arg16 : memref<!tpu.dma_semaphore, #tpu.memory_space<semaphore_mem>>)
    } else {
    }
    %eq3A_585 = arith.constant 1 : i32
    %eq3A_586 = arith.cmpi eq, %arg0, %eq3A_585 : i32
    %convert_element_type3A_587 = arith.extui %eq3A_586 : i1 to i32
    %cond3A_588 = arith.constant 0 : i32
    %cond3A_589 = arith.cmpi ne, %convert_element_type3A_587, %cond3A_588 : i32
    scf.if %cond3A_589 {
      %dma_start3A = tpu.memref_slice %arg11[%multiple_of3A_579] : memref<6400xi32, #tpu.memory_space<vmem>> -> memref<128xi32, #tpu.memory_space<vmem>>
      %dma_start3A_731 = tpu.memref_slice %arg10[%multiple_of3A_579] : memref<6400xi32, #tpu.memory_space<vmem>> -> memref<128xi32, #tpu.memory_space<vmem>>
      %dma_start3A_732 = arith.constant 0 : i32
      %dma_start3A_733 = tpu.memref_slice %arg6[%dma_start3A_732] : memref<1048576xi32, #tpu.memory_space<hbm>> -> memref<1048576xi32, #tpu.memory_space<hbm>>
      tpu.enqueue_indirect_dma source(%dma_start3A_733 : memref<1048576xi32, #tpu.memory_space<hbm>>) target(%dma_start3A : memref<128xi32, #tpu.memory_space<vmem>>) offsets(%dma_start3A_731 : memref<128xi32, #tpu.memory_space<vmem>>) semaphore(%arg16 : memref<!tpu.dma_semaphore, #tpu.memory_space<semaphore_mem>>)
    } else {
    }
    %multiple_of3A_590 = arith.constant 5248 : i32
    %multiple_of3A_591 = tpu.assume_multiple %multiple_of3A_590, 128 : i32
    %eq3A_592 = arith.constant 0 : i32
    %eq3A_593 = arith.cmpi eq, %arg0, %eq3A_592 : i32
    %convert_element_type3A_594 = arith.extui %eq3A_593 : i1 to i32
    %cond3A_595 = arith.constant 0 : i32
    %cond3A_596 = arith.cmpi ne, %convert_element_type3A_594, %cond3A_595 : i32
    scf.if %cond3A_596 {
      %dma_start3A = tpu.memref_slice %arg11[%multiple_of3A_591] : memref<6400xi32, #tpu.memory_space<vmem>> -> memref<128xi32, #tpu.memory_space<vmem>>
      %dma_start3A_731 = tpu.memref_slice %arg10[%multiple_of3A_591] : memref<6400xi32, #tpu.memory_space<vmem>> -> memref<128xi32, #tpu.memory_space<vmem>>
      %dma_start3A_732 = arith.constant 0 : i32
      %dma_start3A_733 = tpu.memref_slice %arg5[%dma_start3A_732] : memref<1048576xi32, #tpu.memory_space<hbm>> -> memref<1048576xi32, #tpu.memory_space<hbm>>
      tpu.enqueue_indirect_dma source(%dma_start3A_733 : memref<1048576xi32, #tpu.memory_space<hbm>>) target(%dma_start3A : memref<128xi32, #tpu.memory_space<vmem>>) offsets(%dma_start3A_731 : memref<128xi32, #tpu.memory_space<vmem>>) semaphore(%arg16 : memref<!tpu.dma_semaphore, #tpu.memory_space<semaphore_mem>>)
    } else {
    }
    %eq3A_597 = arith.constant 1 : i32
    %eq3A_598 = arith.cmpi eq, %arg0, %eq3A_597 : i32
    %convert_element_type3A_599 = arith.extui %eq3A_598 : i1 to i32
    %cond3A_600 = arith.constant 0 : i32
    %cond3A_601 = arith.cmpi ne, %convert_element_type3A_599, %cond3A_600 : i32
    scf.if %cond3A_601 {
      %dma_start3A = tpu.memref_slice %arg11[%multiple_of3A_591] : memref<6400xi32, #tpu.memory_space<vmem>> -> memref<128xi32, #tpu.memory_space<vmem>>
      %dma_start3A_731 = tpu.memref_slice %arg10[%multiple_of3A_591] : memref<6400xi32, #tpu.memory_space<vmem>> -> memref<128xi32, #tpu.memory_space<vmem>>
      %dma_start3A_732 = arith.constant 0 : i32
      %dma_start3A_733 = tpu.memref_slice %arg6[%dma_start3A_732] : memref<1048576xi32, #tpu.memory_space<hbm>> -> memref<1048576xi32, #tpu.memory_space<hbm>>
      tpu.enqueue_indirect_dma source(%dma_start3A_733 : memref<1048576xi32, #tpu.memory_space<hbm>>) target(%dma_start3A : memref<128xi32, #tpu.memory_space<vmem>>) offsets(%dma_start3A_731 : memref<128xi32, #tpu.memory_space<vmem>>) semaphore(%arg16 : memref<!tpu.dma_semaphore, #tpu.memory_space<semaphore_mem>>)
    } else {
    }
    %multiple_of3A_602 = arith.constant 5376 : i32
    %multiple_of3A_603 = tpu.assume_multiple %multiple_of3A_602, 128 : i32
    %eq3A_604 = arith.constant 0 : i32
    %eq3A_605 = arith.cmpi eq, %arg0, %eq3A_604 : i32
    %convert_element_type3A_606 = arith.extui %eq3A_605 : i1 to i32
    %cond3A_607 = arith.constant 0 : i32
    %cond3A_608 = arith.cmpi ne, %convert_element_type3A_606, %cond3A_607 : i32
    scf.if %cond3A_608 {
      %dma_start3A = tpu.memref_slice %arg11[%multiple_of3A_603] : memref<6400xi32, #tpu.memory_space<vmem>> -> memref<128xi32, #tpu.memory_space<vmem>>
      %dma_start3A_731 = tpu.memref_slice %arg10[%multiple_of3A_603] : memref<6400xi32, #tpu.memory_space<vmem>> -> memref<128xi32, #tpu.memory_space<vmem>>
      %dma_start3A_732 = arith.constant 0 : i32
      %dma_start3A_733 = tpu.memref_slice %arg5[%dma_start3A_732] : memref<1048576xi32, #tpu.memory_space<hbm>> -> memref<1048576xi32, #tpu.memory_space<hbm>>
      tpu.enqueue_indirect_dma source(%dma_start3A_733 : memref<1048576xi32, #tpu.memory_space<hbm>>) target(%dma_start3A : memref<128xi32, #tpu.memory_space<vmem>>) offsets(%dma_start3A_731 : memref<128xi32, #tpu.memory_space<vmem>>) semaphore(%arg16 : memref<!tpu.dma_semaphore, #tpu.memory_space<semaphore_mem>>)
    } else {
    }
    %eq3A_609 = arith.constant 1 : i32
    %eq3A_610 = arith.cmpi eq, %arg0, %eq3A_609 : i32
    %convert_element_type3A_611 = arith.extui %eq3A_610 : i1 to i32
    %cond3A_612 = arith.constant 0 : i32
    %cond3A_613 = arith.cmpi ne, %convert_element_type3A_611, %cond3A_612 : i32
    scf.if %cond3A_613 {
      %dma_start3A = tpu.memref_slice %arg11[%multiple_of3A_603] : memref<6400xi32, #tpu.memory_space<vmem>> -> memref<128xi32, #tpu.memory_space<vmem>>
      %dma_start3A_731 = tpu.memref_slice %arg10[%multiple_of3A_603] : memref<6400xi32, #tpu.memory_space<vmem>> -> memref<128xi32, #tpu.memory_space<vmem>>
      %dma_start3A_732 = arith.constant 0 : i32
      %dma_start3A_733 = tpu.memref_slice %arg6[%dma_start3A_732] : memref<1048576xi32, #tpu.memory_space<hbm>> -> memref<1048576xi32, #tpu.memory_space<hbm>>
      tpu.enqueue_indirect_dma source(%dma_start3A_733 : memref<1048576xi32, #tpu.memory_space<hbm>>) target(%dma_start3A : memref<128xi32, #tpu.memory_space<vmem>>) offsets(%dma_start3A_731 : memref<128xi32, #tpu.memory_space<vmem>>) semaphore(%arg16 : memref<!tpu.dma_semaphore, #tpu.memory_space<semaphore_mem>>)
    } else {
    }
    %multiple_of3A_614 = arith.constant 5504 : i32
    %multiple_of3A_615 = tpu.assume_multiple %multiple_of3A_614, 128 : i32
    %eq3A_616 = arith.constant 0 : i32
    %eq3A_617 = arith.cmpi eq, %arg0, %eq3A_616 : i32
    %convert_element_type3A_618 = arith.extui %eq3A_617 : i1 to i32
    %cond3A_619 = arith.constant 0 : i32
    %cond3A_620 = arith.cmpi ne, %convert_element_type3A_618, %cond3A_619 : i32
    scf.if %cond3A_620 {
      %dma_start3A = tpu.memref_slice %arg11[%multiple_of3A_615] : memref<6400xi32, #tpu.memory_space<vmem>> -> memref<128xi32, #tpu.memory_space<vmem>>
      %dma_start3A_731 = tpu.memref_slice %arg10[%multiple_of3A_615] : memref<6400xi32, #tpu.memory_space<vmem>> -> memref<128xi32, #tpu.memory_space<vmem>>
      %dma_start3A_732 = arith.constant 0 : i32
      %dma_start3A_733 = tpu.memref_slice %arg5[%dma_start3A_732] : memref<1048576xi32, #tpu.memory_space<hbm>> -> memref<1048576xi32, #tpu.memory_space<hbm>>
      tpu.enqueue_indirect_dma source(%dma_start3A_733 : memref<1048576xi32, #tpu.memory_space<hbm>>) target(%dma_start3A : memref<128xi32, #tpu.memory_space<vmem>>) offsets(%dma_start3A_731 : memref<128xi32, #tpu.memory_space<vmem>>) semaphore(%arg16 : memref<!tpu.dma_semaphore, #tpu.memory_space<semaphore_mem>>)
    } else {
    }
    %eq3A_621 = arith.constant 1 : i32
    %eq3A_622 = arith.cmpi eq, %arg0, %eq3A_621 : i32
    %convert_element_type3A_623 = arith.extui %eq3A_622 : i1 to i32
    %cond3A_624 = arith.constant 0 : i32
    %cond3A_625 = arith.cmpi ne, %convert_element_type3A_623, %cond3A_624 : i32
    scf.if %cond3A_625 {
      %dma_start3A = tpu.memref_slice %arg11[%multiple_of3A_615] : memref<6400xi32, #tpu.memory_space<vmem>> -> memref<128xi32, #tpu.memory_space<vmem>>
      %dma_start3A_731 = tpu.memref_slice %arg10[%multiple_of3A_615] : memref<6400xi32, #tpu.memory_space<vmem>> -> memref<128xi32, #tpu.memory_space<vmem>>
      %dma_start3A_732 = arith.constant 0 : i32
      %dma_start3A_733 = tpu.memref_slice %arg6[%dma_start3A_732] : memref<1048576xi32, #tpu.memory_space<hbm>> -> memref<1048576xi32, #tpu.memory_space<hbm>>
      tpu.enqueue_indirect_dma source(%dma_start3A_733 : memref<1048576xi32, #tpu.memory_space<hbm>>) target(%dma_start3A : memref<128xi32, #tpu.memory_space<vmem>>) offsets(%dma_start3A_731 : memref<128xi32, #tpu.memory_space<vmem>>) semaphore(%arg16 : memref<!tpu.dma_semaphore, #tpu.memory_space<semaphore_mem>>)
    } else {
    }
    %multiple_of3A_626 = arith.constant 5632 : i32
    %multiple_of3A_627 = tpu.assume_multiple %multiple_of3A_626, 128 : i32
    %eq3A_628 = arith.constant 0 : i32
    %eq3A_629 = arith.cmpi eq, %arg0, %eq3A_628 : i32
    %convert_element_type3A_630 = arith.extui %eq3A_629 : i1 to i32
    %cond3A_631 = arith.constant 0 : i32
    %cond3A_632 = arith.cmpi ne, %convert_element_type3A_630, %cond3A_631 : i32
    scf.if %cond3A_632 {
      %dma_start3A = tpu.memref_slice %arg11[%multiple_of3A_627] : memref<6400xi32, #tpu.memory_space<vmem>> -> memref<128xi32, #tpu.memory_space<vmem>>
      %dma_start3A_731 = tpu.memref_slice %arg10[%multiple_of3A_627] : memref<6400xi32, #tpu.memory_space<vmem>> -> memref<128xi32, #tpu.memory_space<vmem>>
      %dma_start3A_732 = arith.constant 0 : i32
      %dma_start3A_733 = tpu.memref_slice %arg5[%dma_start3A_732] : memref<1048576xi32, #tpu.memory_space<hbm>> -> memref<1048576xi32, #tpu.memory_space<hbm>>
      tpu.enqueue_indirect_dma source(%dma_start3A_733 : memref<1048576xi32, #tpu.memory_space<hbm>>) target(%dma_start3A : memref<128xi32, #tpu.memory_space<vmem>>) offsets(%dma_start3A_731 : memref<128xi32, #tpu.memory_space<vmem>>) semaphore(%arg16 : memref<!tpu.dma_semaphore, #tpu.memory_space<semaphore_mem>>)
    } else {
    }
    %eq3A_633 = arith.constant 1 : i32
    %eq3A_634 = arith.cmpi eq, %arg0, %eq3A_633 : i32
    %convert_element_type3A_635 = arith.extui %eq3A_634 : i1 to i32
    %cond3A_636 = arith.constant 0 : i32
    %cond3A_637 = arith.cmpi ne, %convert_element_type3A_635, %cond3A_636 : i32
    scf.if %cond3A_637 {
      %dma_start3A = tpu.memref_slice %arg11[%multiple_of3A_627] : memref<6400xi32, #tpu.memory_space<vmem>> -> memref<128xi32, #tpu.memory_space<vmem>>
      %dma_start3A_731 = tpu.memref_slice %arg10[%multiple_of3A_627] : memref<6400xi32, #tpu.memory_space<vmem>> -> memref<128xi32, #tpu.memory_space<vmem>>
      %dma_start3A_732 = arith.constant 0 : i32
      %dma_start3A_733 = tpu.memref_slice %arg6[%dma_start3A_732] : memref<1048576xi32, #tpu.memory_space<hbm>> -> memref<1048576xi32, #tpu.memory_space<hbm>>
      tpu.enqueue_indirect_dma source(%dma_start3A_733 : memref<1048576xi32, #tpu.memory_space<hbm>>) target(%dma_start3A : memref<128xi32, #tpu.memory_space<vmem>>) offsets(%dma_start3A_731 : memref<128xi32, #tpu.memory_space<vmem>>) semaphore(%arg16 : memref<!tpu.dma_semaphore, #tpu.memory_space<semaphore_mem>>)
    } else {
    }
    %multiple_of3A_638 = arith.constant 5760 : i32
    %multiple_of3A_639 = tpu.assume_multiple %multiple_of3A_638, 128 : i32
    %eq3A_640 = arith.constant 0 : i32
    %eq3A_641 = arith.cmpi eq, %arg0, %eq3A_640 : i32
    %convert_element_type3A_642 = arith.extui %eq3A_641 : i1 to i32
    %cond3A_643 = arith.constant 0 : i32
    %cond3A_644 = arith.cmpi ne, %convert_element_type3A_642, %cond3A_643 : i32
    scf.if %cond3A_644 {
      %dma_start3A = tpu.memref_slice %arg11[%multiple_of3A_639] : memref<6400xi32, #tpu.memory_space<vmem>> -> memref<128xi32, #tpu.memory_space<vmem>>
      %dma_start3A_731 = tpu.memref_slice %arg10[%multiple_of3A_639] : memref<6400xi32, #tpu.memory_space<vmem>> -> memref<128xi32, #tpu.memory_space<vmem>>
      %dma_start3A_732 = arith.constant 0 : i32
      %dma_start3A_733 = tpu.memref_slice %arg5[%dma_start3A_732] : memref<1048576xi32, #tpu.memory_space<hbm>> -> memref<1048576xi32, #tpu.memory_space<hbm>>
      tpu.enqueue_indirect_dma source(%dma_start3A_733 : memref<1048576xi32, #tpu.memory_space<hbm>>) target(%dma_start3A : memref<128xi32, #tpu.memory_space<vmem>>) offsets(%dma_start3A_731 : memref<128xi32, #tpu.memory_space<vmem>>) semaphore(%arg16 : memref<!tpu.dma_semaphore, #tpu.memory_space<semaphore_mem>>)
    } else {
    }
    %eq3A_645 = arith.constant 1 : i32
    %eq3A_646 = arith.cmpi eq, %arg0, %eq3A_645 : i32
    %convert_element_type3A_647 = arith.extui %eq3A_646 : i1 to i32
    %cond3A_648 = arith.constant 0 : i32
    %cond3A_649 = arith.cmpi ne, %convert_element_type3A_647, %cond3A_648 : i32
    scf.if %cond3A_649 {
      %dma_start3A = tpu.memref_slice %arg11[%multiple_of3A_639] : memref<6400xi32, #tpu.memory_space<vmem>> -> memref<128xi32, #tpu.memory_space<vmem>>
      %dma_start3A_731 = tpu.memref_slice %arg10[%multiple_of3A_639] : memref<6400xi32, #tpu.memory_space<vmem>> -> memref<128xi32, #tpu.memory_space<vmem>>
      %dma_start3A_732 = arith.constant 0 : i32
      %dma_start3A_733 = tpu.memref_slice %arg6[%dma_start3A_732] : memref<1048576xi32, #tpu.memory_space<hbm>> -> memref<1048576xi32, #tpu.memory_space<hbm>>
      tpu.enqueue_indirect_dma source(%dma_start3A_733 : memref<1048576xi32, #tpu.memory_space<hbm>>) target(%dma_start3A : memref<128xi32, #tpu.memory_space<vmem>>) offsets(%dma_start3A_731 : memref<128xi32, #tpu.memory_space<vmem>>) semaphore(%arg16 : memref<!tpu.dma_semaphore, #tpu.memory_space<semaphore_mem>>)
    } else {
    }
    %multiple_of3A_650 = arith.constant 5888 : i32
    %multiple_of3A_651 = tpu.assume_multiple %multiple_of3A_650, 128 : i32
    %eq3A_652 = arith.constant 0 : i32
    %eq3A_653 = arith.cmpi eq, %arg0, %eq3A_652 : i32
    %convert_element_type3A_654 = arith.extui %eq3A_653 : i1 to i32
    %cond3A_655 = arith.constant 0 : i32
    %cond3A_656 = arith.cmpi ne, %convert_element_type3A_654, %cond3A_655 : i32
    scf.if %cond3A_656 {
      %dma_start3A = tpu.memref_slice %arg11[%multiple_of3A_651] : memref<6400xi32, #tpu.memory_space<vmem>> -> memref<128xi32, #tpu.memory_space<vmem>>
      %dma_start3A_731 = tpu.memref_slice %arg10[%multiple_of3A_651] : memref<6400xi32, #tpu.memory_space<vmem>> -> memref<128xi32, #tpu.memory_space<vmem>>
      %dma_start3A_732 = arith.constant 0 : i32
      %dma_start3A_733 = tpu.memref_slice %arg5[%dma_start3A_732] : memref<1048576xi32, #tpu.memory_space<hbm>> -> memref<1048576xi32, #tpu.memory_space<hbm>>
      tpu.enqueue_indirect_dma source(%dma_start3A_733 : memref<1048576xi32, #tpu.memory_space<hbm>>) target(%dma_start3A : memref<128xi32, #tpu.memory_space<vmem>>) offsets(%dma_start3A_731 : memref<128xi32, #tpu.memory_space<vmem>>) semaphore(%arg16 : memref<!tpu.dma_semaphore, #tpu.memory_space<semaphore_mem>>)
    } else {
    }
    %eq3A_657 = arith.constant 1 : i32
    %eq3A_658 = arith.cmpi eq, %arg0, %eq3A_657 : i32
    %convert_element_type3A_659 = arith.extui %eq3A_658 : i1 to i32
    %cond3A_660 = arith.constant 0 : i32
    %cond3A_661 = arith.cmpi ne, %convert_element_type3A_659, %cond3A_660 : i32
    scf.if %cond3A_661 {
      %dma_start3A = tpu.memref_slice %arg11[%multiple_of3A_651] : memref<6400xi32, #tpu.memory_space<vmem>> -> memref<128xi32, #tpu.memory_space<vmem>>
      %dma_start3A_731 = tpu.memref_slice %arg10[%multiple_of3A_651] : memref<6400xi32, #tpu.memory_space<vmem>> -> memref<128xi32, #tpu.memory_space<vmem>>
      %dma_start3A_732 = arith.constant 0 : i32
      %dma_start3A_733 = tpu.memref_slice %arg6[%dma_start3A_732] : memref<1048576xi32, #tpu.memory_space<hbm>> -> memref<1048576xi32, #tpu.memory_space<hbm>>
      tpu.enqueue_indirect_dma source(%dma_start3A_733 : memref<1048576xi32, #tpu.memory_space<hbm>>) target(%dma_start3A : memref<128xi32, #tpu.memory_space<vmem>>) offsets(%dma_start3A_731 : memref<128xi32, #tpu.memory_space<vmem>>) semaphore(%arg16 : memref<!tpu.dma_semaphore, #tpu.memory_space<semaphore_mem>>)
    } else {
    }
    %multiple_of3A_662 = arith.constant 6016 : i32
    %multiple_of3A_663 = tpu.assume_multiple %multiple_of3A_662, 128 : i32
    %eq3A_664 = arith.constant 0 : i32
    %eq3A_665 = arith.cmpi eq, %arg0, %eq3A_664 : i32
    %convert_element_type3A_666 = arith.extui %eq3A_665 : i1 to i32
    %cond3A_667 = arith.constant 0 : i32
    %cond3A_668 = arith.cmpi ne, %convert_element_type3A_666, %cond3A_667 : i32
    scf.if %cond3A_668 {
      %dma_start3A = tpu.memref_slice %arg11[%multiple_of3A_663] : memref<6400xi32, #tpu.memory_space<vmem>> -> memref<128xi32, #tpu.memory_space<vmem>>
      %dma_start3A_731 = tpu.memref_slice %arg10[%multiple_of3A_663] : memref<6400xi32, #tpu.memory_space<vmem>> -> memref<128xi32, #tpu.memory_space<vmem>>
      %dma_start3A_732 = arith.constant 0 : i32
      %dma_start3A_733 = tpu.memref_slice %arg5[%dma_start3A_732] : memref<1048576xi32, #tpu.memory_space<hbm>> -> memref<1048576xi32, #tpu.memory_space<hbm>>
      tpu.enqueue_indirect_dma source(%dma_start3A_733 : memref<1048576xi32, #tpu.memory_space<hbm>>) target(%dma_start3A : memref<128xi32, #tpu.memory_space<vmem>>) offsets(%dma_start3A_731 : memref<128xi32, #tpu.memory_space<vmem>>) semaphore(%arg16 : memref<!tpu.dma_semaphore, #tpu.memory_space<semaphore_mem>>)
    } else {
    }
    %eq3A_669 = arith.constant 1 : i32
    %eq3A_670 = arith.cmpi eq, %arg0, %eq3A_669 : i32
    %convert_element_type3A_671 = arith.extui %eq3A_670 : i1 to i32
    %cond3A_672 = arith.constant 0 : i32
    %cond3A_673 = arith.cmpi ne, %convert_element_type3A_671, %cond3A_672 : i32
    scf.if %cond3A_673 {
      %dma_start3A = tpu.memref_slice %arg11[%multiple_of3A_663] : memref<6400xi32, #tpu.memory_space<vmem>> -> memref<128xi32, #tpu.memory_space<vmem>>
      %dma_start3A_731 = tpu.memref_slice %arg10[%multiple_of3A_663] : memref<6400xi32, #tpu.memory_space<vmem>> -> memref<128xi32, #tpu.memory_space<vmem>>
      %dma_start3A_732 = arith.constant 0 : i32
      %dma_start3A_733 = tpu.memref_slice %arg6[%dma_start3A_732] : memref<1048576xi32, #tpu.memory_space<hbm>> -> memref<1048576xi32, #tpu.memory_space<hbm>>
      tpu.enqueue_indirect_dma source(%dma_start3A_733 : memref<1048576xi32, #tpu.memory_space<hbm>>) target(%dma_start3A : memref<128xi32, #tpu.memory_space<vmem>>) offsets(%dma_start3A_731 : memref<128xi32, #tpu.memory_space<vmem>>) semaphore(%arg16 : memref<!tpu.dma_semaphore, #tpu.memory_space<semaphore_mem>>)
    } else {
    }
    %multiple_of3A_674 = arith.constant 6144 : i32
    %multiple_of3A_675 = tpu.assume_multiple %multiple_of3A_674, 128 : i32
    %eq3A_676 = arith.constant 0 : i32
    %eq3A_677 = arith.cmpi eq, %arg0, %eq3A_676 : i32
    %convert_element_type3A_678 = arith.extui %eq3A_677 : i1 to i32
    %cond3A_679 = arith.constant 0 : i32
    %cond3A_680 = arith.cmpi ne, %convert_element_type3A_678, %cond3A_679 : i32
    scf.if %cond3A_680 {
      %dma_start3A = tpu.memref_slice %arg11[%multiple_of3A_675] : memref<6400xi32, #tpu.memory_space<vmem>> -> memref<128xi32, #tpu.memory_space<vmem>>
      %dma_start3A_731 = tpu.memref_slice %arg10[%multiple_of3A_675] : memref<6400xi32, #tpu.memory_space<vmem>> -> memref<128xi32, #tpu.memory_space<vmem>>
      %dma_start3A_732 = arith.constant 0 : i32
      %dma_start3A_733 = tpu.memref_slice %arg5[%dma_start3A_732] : memref<1048576xi32, #tpu.memory_space<hbm>> -> memref<1048576xi32, #tpu.memory_space<hbm>>
      tpu.enqueue_indirect_dma source(%dma_start3A_733 : memref<1048576xi32, #tpu.memory_space<hbm>>) target(%dma_start3A : memref<128xi32, #tpu.memory_space<vmem>>) offsets(%dma_start3A_731 : memref<128xi32, #tpu.memory_space<vmem>>) semaphore(%arg16 : memref<!tpu.dma_semaphore, #tpu.memory_space<semaphore_mem>>)
    } else {
    }
    %eq3A_681 = arith.constant 1 : i32
    %eq3A_682 = arith.cmpi eq, %arg0, %eq3A_681 : i32
    %convert_element_type3A_683 = arith.extui %eq3A_682 : i1 to i32
    %cond3A_684 = arith.constant 0 : i32
    %cond3A_685 = arith.cmpi ne, %convert_element_type3A_683, %cond3A_684 : i32
    scf.if %cond3A_685 {
      %dma_start3A = tpu.memref_slice %arg11[%multiple_of3A_675] : memref<6400xi32, #tpu.memory_space<vmem>> -> memref<128xi32, #tpu.memory_space<vmem>>
      %dma_start3A_731 = tpu.memref_slice %arg10[%multiple_of3A_675] : memref<6400xi32, #tpu.memory_space<vmem>> -> memref<128xi32, #tpu.memory_space<vmem>>
      %dma_start3A_732 = arith.constant 0 : i32
      %dma_start3A_733 = tpu.memref_slice %arg6[%dma_start3A_732] : memref<1048576xi32, #tpu.memory_space<hbm>> -> memref<1048576xi32, #tpu.memory_space<hbm>>
      tpu.enqueue_indirect_dma source(%dma_start3A_733 : memref<1048576xi32, #tpu.memory_space<hbm>>) target(%dma_start3A : memref<128xi32, #tpu.memory_space<vmem>>) offsets(%dma_start3A_731 : memref<128xi32, #tpu.memory_space<vmem>>) semaphore(%arg16 : memref<!tpu.dma_semaphore, #tpu.memory_space<semaphore_mem>>)
    } else {
    }
    %multiple_of3A_686 = arith.constant 6272 : i32
    %multiple_of3A_687 = tpu.assume_multiple %multiple_of3A_686, 128 : i32
    %eq3A_688 = arith.constant 0 : i32
    %eq3A_689 = arith.cmpi eq, %arg0, %eq3A_688 : i32
    %convert_element_type3A_690 = arith.extui %eq3A_689 : i1 to i32
    %cond3A_691 = arith.constant 0 : i32
    %cond3A_692 = arith.cmpi ne, %convert_element_type3A_690, %cond3A_691 : i32
    scf.if %cond3A_692 {
      %dma_start3A = tpu.memref_slice %arg11[%multiple_of3A_687] : memref<6400xi32, #tpu.memory_space<vmem>> -> memref<128xi32, #tpu.memory_space<vmem>>
      %dma_start3A_731 = tpu.memref_slice %arg10[%multiple_of3A_687] : memref<6400xi32, #tpu.memory_space<vmem>> -> memref<128xi32, #tpu.memory_space<vmem>>
      %dma_start3A_732 = arith.constant 0 : i32
      %dma_start3A_733 = tpu.memref_slice %arg5[%dma_start3A_732] : memref<1048576xi32, #tpu.memory_space<hbm>> -> memref<1048576xi32, #tpu.memory_space<hbm>>
      tpu.enqueue_indirect_dma source(%dma_start3A_733 : memref<1048576xi32, #tpu.memory_space<hbm>>) target(%dma_start3A : memref<128xi32, #tpu.memory_space<vmem>>) offsets(%dma_start3A_731 : memref<128xi32, #tpu.memory_space<vmem>>) semaphore(%arg16 : memref<!tpu.dma_semaphore, #tpu.memory_space<semaphore_mem>>)
    } else {
    }
    %eq3A_693 = arith.constant 1 : i32
    %eq3A_694 = arith.cmpi eq, %arg0, %eq3A_693 : i32
    %convert_element_type3A_695 = arith.extui %eq3A_694 : i1 to i32
    %cond3A_696 = arith.constant 0 : i32
    %cond3A_697 = arith.cmpi ne, %convert_element_type3A_695, %cond3A_696 : i32
    scf.if %cond3A_697 {
      %dma_start3A = tpu.memref_slice %arg11[%multiple_of3A_687] : memref<6400xi32, #tpu.memory_space<vmem>> -> memref<128xi32, #tpu.memory_space<vmem>>
      %dma_start3A_731 = tpu.memref_slice %arg10[%multiple_of3A_687] : memref<6400xi32, #tpu.memory_space<vmem>> -> memref<128xi32, #tpu.memory_space<vmem>>
      %dma_start3A_732 = arith.constant 0 : i32
      %dma_start3A_733 = tpu.memref_slice %arg6[%dma_start3A_732] : memref<1048576xi32, #tpu.memory_space<hbm>> -> memref<1048576xi32, #tpu.memory_space<hbm>>
      tpu.enqueue_indirect_dma source(%dma_start3A_733 : memref<1048576xi32, #tpu.memory_space<hbm>>) target(%dma_start3A : memref<128xi32, #tpu.memory_space<vmem>>) offsets(%dma_start3A_731 : memref<128xi32, #tpu.memory_space<vmem>>) semaphore(%arg16 : memref<!tpu.dma_semaphore, #tpu.memory_space<semaphore_mem>>)
    } else {
    }
    %multiple_of3A_698 = arith.constant 3840 : i32
    %multiple_of3A_699 = tpu.assume_multiple %multiple_of3A_698, 128 : i32
    %dma_wait3A_700 = arith.constant 0 : i32
    %dma_wait3A_701 = tpu.memref_slice %arg11[%dma_wait3A_700] : memref<6400xi32, #tpu.memory_space<vmem>> -> memref<1280xi32, #tpu.memory_space<vmem>>
    %dma_wait3A_702 = tpu.memref_slice %arg3[%multiple_of3A_699] : memref<204800xi32, #tpu.memory_space<hbm>> -> memref<1280xi32, #tpu.memory_space<hbm>>
    %dma_wait3A_703 = arith.constant 0 : i32
    %dma_wait3A_704 = tpu.memref_slice %arg11[%dma_wait3A_703] : memref<6400xi32, #tpu.memory_space<vmem>> -> memref<1280xi32, #tpu.memory_space<vmem>>
    %dma_wait3A_705 = tpu.memref_slice %arg3[%multiple_of3A_699] : memref<204800xi32, #tpu.memory_space<hbm>> -> memref<1280xi32, #tpu.memory_space<hbm>>
    tpu.wait_dma2 semaphore(%arg16 : memref<!tpu.dma_semaphore, #tpu.memory_space<semaphore_mem>>) src(%dma_wait3A_705 : memref<1280xi32, #tpu.memory_space<hbm>>) dst(%dma_wait3A_704 : memref<1280xi32, #tpu.memory_space<vmem>>)
    %scan3A_706 = arith.constant 0 : i32
    %scan3A_707 = arith.constant 80 : i32
    %scan3A_708 = arith.addi %scan3A_706, %scan3A_707 : i32
    %scan3A_709 = arith.constant 1 : i32
    %scan3A_710 = scf.for %scan3A_731 = %scan3A_706 to %scan3A_708 step %scan3A_709 iter_args(%scan3A_732 = %scan3A_576) -> (i32)  : i32 {
      %add3A_733 = arith.constant 240 : i32
      %add3A_734 = arith.addi %add3A_733, %scan3A_731 : i32
      %mul3A_735 = arith.constant 16 : i32
      %mul3A_736 = arith.muli %add3A_734, %mul3A_735 : i32
      %get3A = arith.index_cast %mul3A_736 : i32 to index
      %get3A_737 = tpu.vector_load %arg11[%get3A] {strides = array<i32>} : memref<6400xi32, #tpu.memory_space<vmem>>, vector<16xi32>,
      %ge3A = arith.constant 0 : i32
      %ge3A_738 = vector.broadcast %ge3A : i32 to vector<16xi32>
      %ge3A_739 = arith.cmpi sge, %get3A_737, %ge3A_738 : vector<16xi32>
      %mul3A_740 = arith.constant 16 : i32
      %mul3A_741 = arith.muli %add3A_734, %mul3A_740 : i32
      %add3A_742 = vector.broadcast %mul3A_741 : i32 to vector<16xi32>
      %add3A_743 = arith.addi %add3A_742, %iota3A : vector<16xi32>
      %shift_left3A = arith.constant 12 : i32
      %shift_left3A_744 = vector.broadcast %shift_left3A : i32 to vector<16xi32>
      %shift_left3A_745 = arith.shli %add3A_743, %shift_left3A_744 : vector<16xi32>
      %max3A = arith.constant 0 : i32
      %max3A_746 = vector.broadcast %max3A : i32 to vector<16xi32>
      %max3A_747 = arith.maxsi %get3A_737, %max3A_746 : vector<16xi32>
      %or3A = arith.ori %shift_left3A_745, %max3A_747 : vector<16xi32>
      %convert_element_type3A_748 = arith.extui %ge3A_739 : vector<16xi1> to vector<16xi32>
      %broadcast_in_dim3A_749 = arith.constant true
      %broadcast_in_dim3A_750 = vector.broadcast %broadcast_in_dim3A_749 : i1 to vector<16xi1>
      %masked_cumsum3A = tpu.scan <sum>, %convert_element_type3A_748 masked %broadcast_in_dim3A_750 : vector<16xi32>, vector<16xi1> -> vector<16xi32>
      %add3A_751 = vector.broadcast %scan3A_732 : i32 to vector<16xi32>
      %add3A_752 = arith.addi %add3A_751, %masked_cumsum3A : vector<16xi32>
      %sub3A = arith.constant 1 : i32
      %sub3A_753 = vector.broadcast %sub3A : i32 to vector<16xi32>
      %sub3A_754 = arith.subi %add3A_752, %sub3A_753 : vector<16xi32>
      tpu.vector_store_idx %arg12[%sub3A_754], %or3A masked %ge3A_739 : memref<6416xi32, #tpu.memory_space<vmem>>[vector<16xi32>], vector<16xi32>, vector<16xi1>
      %all_reduce_population_count3A = tpu.all_reduce %ge3A_739 {dim = 0 : i64, kind = #tpu.reduction_kind<sum>} : vector<16xi1> -> vector<16xi32>
      %slice3A = vector.extract_strided_slice %all_reduce_population_count3A {offsets = [0], sizes = [1], strides = [1]} : vector<16xi32> to vector<1xi32>
      %squeeze3A = vector.extract %slice3A[0] : i32 from vector<1xi32>
      %add3A_755 = arith.addi %scan3A_732, %squeeze3A : i32
      scf.yield %add3A_755 : i32
    }
    %scan3A_711 = arith.constant 80 : i32
    %multiple_of3A_712 = arith.constant 5120 : i32
    %multiple_of3A_713 = tpu.assume_multiple %multiple_of3A_712, 128 : i32
    %dma_wait3A_714 = arith.constant 0 : i32
    %dma_wait3A_715 = tpu.memref_slice %arg11[%dma_wait3A_714] : memref<6400xi32, #tpu.memory_space<vmem>> -> memref<1280xi32, #tpu.memory_space<vmem>>
    %dma_wait3A_716 = tpu.memref_slice %arg3[%multiple_of3A_713] : memref<204800xi32, #tpu.memory_space<hbm>> -> memref<1280xi32, #tpu.memory_space<hbm>>
    %dma_wait3A_717 = arith.constant 0 : i32
    %dma_wait3A_718 = tpu.memref_slice %arg11[%dma_wait3A_717] : memref<6400xi32, #tpu.memory_space<vmem>> -> memref<1280xi32, #tpu.memory_space<vmem>>
    %dma_wait3A_719 = tpu.memref_slice %arg3[%multiple_of3A_713] : memref<204800xi32, #tpu.memory_space<hbm>> -> memref<1280xi32, #tpu.memory_space<hbm>>
    tpu.wait_dma2 semaphore(%arg16 : memref<!tpu.dma_semaphore, #tpu.memory_space<semaphore_mem>>) src(%dma_wait3A_719 : memref<1280xi32, #tpu.memory_space<hbm>>) dst(%dma_wait3A_718 : memref<1280xi32, #tpu.memory_space<vmem>>)
    %scan3A_720 = arith.constant 0 : i32
    %scan3A_721 = arith.constant 80 : i32
    %scan3A_722 = arith.addi %scan3A_720, %scan3A_721 : i32
    %scan3A_723 = arith.constant 1 : i32
    %scan3A_724 = scf.for %scan3A_731 = %scan3A_720 to %scan3A_722 step %scan3A_723 iter_args(%scan3A_732 = %scan3A_710) -> (i32)  : i32 {
      %add3A_733 = arith.constant 320 : i32
      %add3A_734 = arith.addi %add3A_733, %scan3A_731 : i32
      %mul3A_735 = arith.constant 16 : i32
      %mul3A_736 = arith.muli %add3A_734, %mul3A_735 : i32
      %get3A = arith.index_cast %mul3A_736 : i32 to index
      %get3A_737 = tpu.vector_load %arg11[%get3A] {strides = array<i32>} : memref<6400xi32, #tpu.memory_space<vmem>>, vector<16xi32>,
      %ge3A = arith.constant 0 : i32
      %ge3A_738 = vector.broadcast %ge3A : i32 to vector<16xi32>
      %ge3A_739 = arith.cmpi sge, %get3A_737, %ge3A_738 : vector<16xi32>
      %mul3A_740 = arith.constant 16 : i32
      %mul3A_741 = arith.muli %add3A_734, %mul3A_740 : i32
      %add3A_742 = vector.broadcast %mul3A_741 : i32 to vector<16xi32>
      %add3A_743 = arith.addi %add3A_742, %iota3A : vector<16xi32>
      %shift_left3A = arith.constant 12 : i32
      %shift_left3A_744 = vector.broadcast %shift_left3A : i32 to vector<16xi32>
      %shift_left3A_745 = arith.shli %add3A_743, %shift_left3A_744 : vector<16xi32>
      %max3A = arith.constant 0 : i32
      %max3A_746 = vector.broadcast %max3A : i32 to vector<16xi32>
      %max3A_747 = arith.maxsi %get3A_737, %max3A_746 : vector<16xi32>
      %or3A = arith.ori %shift_left3A_745, %max3A_747 : vector<16xi32>
      %convert_element_type3A_748 = arith.extui %ge3A_739 : vector<16xi1> to vector<16xi32>
      %broadcast_in_dim3A_749 = arith.constant true
      %broadcast_in_dim3A_750 = vector.broadcast %broadcast_in_dim3A_749 : i1 to vector<16xi1>
      %masked_cumsum3A = tpu.scan <sum>, %convert_element_type3A_748 masked %broadcast_in_dim3A_750 : vector<16xi32>, vector<16xi1> -> vector<16xi32>
      %add3A_751 = vector.broadcast %scan3A_732 : i32 to vector<16xi32>
      %add3A_752 = arith.addi %add3A_751, %masked_cumsum3A : vector<16xi32>
      %sub3A = arith.constant 1 : i32
      %sub3A_753 = vector.broadcast %sub3A : i32 to vector<16xi32>
      %sub3A_754 = arith.subi %add3A_752, %sub3A_753 : vector<16xi32>
      tpu.vector_store_idx %arg12[%sub3A_754], %or3A masked %ge3A_739 : memref<6416xi32, #tpu.memory_space<vmem>>[vector<16xi32>], vector<16xi32>, vector<16xi1>
      %all_reduce_population_count3A = tpu.all_reduce %ge3A_739 {dim = 0 : i64, kind = #tpu.reduction_kind<sum>} : vector<16xi1> -> vector<16xi32>
      %slice3A = vector.extract_strided_slice %all_reduce_population_count3A {offsets = [0], sizes = [1], strides = [1]} : vector<16xi32> to vector<1xi32>
      %squeeze3A = vector.extract %slice3A[0] : i32 from vector<1xi32>
      %add3A_755 = arith.addi %scan3A_732, %squeeze3A : i32
      scf.yield %add3A_755 : i32
    }
    %scan3A_725 = arith.constant 80 : i32
    %scan3A_726 = arith.constant 0 : i32
    %scan3A_727 = arith.constant 400 : i32
    %scan3A_728 = arith.addi %scan3A_726, %scan3A_727 : i32
    %scan3A_729 = arith.constant 1 : i32
    scf.for %scan3A_731 = %scan3A_726 to %scan3A_728 step %scan3A_729  : i32 {
      %mul3A_732 = arith.constant 16 : i32
      %mul3A_733 = arith.muli %scan3A_731, %mul3A_732 : i32
      %lt3A = arith.cmpi slt, %mul3A_733, %scan3A_724 : i32
      %convert_element_type3A_734 = arith.extui %lt3A : i1 to i32
      %cond3A_735 = arith.constant 0 : i32
      %cond3A_736 = arith.cmpi ne, %convert_element_type3A_734, %cond3A_735 : i32
      scf.if %cond3A_736 {
        %mul3A_737 = arith.constant 16 : i32
        %mul3A_738 = arith.muli %scan3A_731, %mul3A_737 : i32
        %get3A = arith.index_cast %mul3A_738 : i32 to index
        %get3A_739 = tpu.vector_load %arg12[%get3A] {strides = array<i32>} : memref<6416xi32, #tpu.memory_space<vmem>>, vector<16xi32>,
        %shift_right_logical3A = arith.constant 12 : i32
        %shift_right_logical3A_740 = vector.broadcast %shift_right_logical3A : i32 to vector<16xi32>
        %shift_right_logical3A_741 = arith.shrui %get3A_739, %shift_right_logical3A_740 : vector<16xi32>
        %jit3A = arith.constant 50 : i32
        %div3A = vector.broadcast %jit3A : i32 to vector<16xi32>
        %div3A_742 = arith.divsi %shift_right_logical3A_741, %div3A : vector<16xi32>
        %sign3A = arith.constant 0 : i32
        %sign3A_743 = vector.broadcast %sign3A : i32 to vector<16xi32>
        %sign3A_744 = arith.cmpi sgt, %shift_right_logical3A_741, %sign3A_743 : vector<16xi32>
        %sign3A_745 = arith.extui %sign3A_744 : vector<16xi1> to vector<16xi32>
        %sign3A_746 = arith.constant 0 : i32
        %sign3A_747 = vector.broadcast %sign3A_746 : i32 to vector<16xi32>
        %sign3A_748 = arith.cmpi slt, %shift_right_logical3A_741, %sign3A_747 : vector<16xi32>
        %sign3A_749 = arith.extui %sign3A_748 : vector<16xi1> to vector<16xi32>
        %sign3A_750 = arith.subi %sign3A_745, %sign3A_749 : vector<16xi32>
        %sign3A_751 = arith.constant 0 : i32
        %sign3A_752 = arith.cmpi sgt, %jit3A, %sign3A_751 : i32
        %sign3A_753 = arith.extui %sign3A_752 : i1 to i32
        %sign3A_754 = arith.constant 0 : i32
        %sign3A_755 = arith.cmpi slt, %jit3A, %sign3A_754 : i32
        %sign3A_756 = arith.extui %sign3A_755 : i1 to i32
        %sign3A_757 = arith.subi %sign3A_753, %sign3A_756 : i32
        %ne3A = vector.broadcast %sign3A_757 : i32 to vector<16xi32>
        %ne3A_758 = arith.cmpi ne, %sign3A_750, %ne3A : vector<16xi32>
        %rem3A = vector.broadcast %jit3A : i32 to vector<16xi32>
        %rem3A_759 = arith.remsi %shift_right_logical3A_741, %rem3A : vector<16xi32>
        %ne3A_760 = arith.constant 0 : i32
        %ne3A_761 = vector.broadcast %ne3A_760 : i32 to vector<16xi32>
        %ne3A_762 = arith.cmpi ne, %rem3A_759, %ne3A_761 : vector<16xi32>
        %and3A = arith.andi %ne3A_758, %ne3A_762 : vector<16xi1>
        %sub3A = arith.constant 1 : i32
        %sub3A_763 = vector.broadcast %sub3A : i32 to vector<16xi32>
        %sub3A_764 = arith.subi %div3A_742, %sub3A_763 : vector<16xi32>
        %select_n3A = arith.select %and3A, %sub3A_764, %div3A_742 : vector<16xi1>, vector<16xi32>
        %and3A_765 = arith.constant 4095 : i32
        %and3A_766 = vector.broadcast %and3A_765 : i32 to vector<16xi32>
        %and3A_767 = arith.andi %get3A_739, %and3A_766 : vector<16xi32>
        %mul3A_768 = arith.constant 16 : i32
        %mul3A_769 = arith.muli %scan3A_731, %mul3A_768 : i32
        %add3A_770 = arith.constant 0 : i32
        %add3A_771 = arith.addi %mul3A_769, %add3A_770 : i32
        %lt3A_772 = arith.cmpi slt, %add3A_771, %scan3A_724 : i32
        %convert_element_type3A_773 = arith.extui %lt3A_772 : i1 to i32
        %cond3A_774 = arith.constant 0 : i32
        %cond3A_775 = arith.cmpi ne, %convert_element_type3A_773, %cond3A_774 : i32
        scf.if %cond3A_775 {
          %slice3A = vector.extract_strided_slice %get3A_739 {offsets = [0], sizes = [1], strides = [1]} : vector<16xi32> to vector<1xi32>
          %squeeze3A = vector.extract %slice3A[0] : i32 from vector<1xi32>
          %shift_right_logical3A_1043 = arith.constant 12 : i32
          %shift_right_logical3A_1044 = arith.shrui %squeeze3A, %shift_right_logical3A_1043 : i32
          %jit3A_1045 = arith.constant 50 : i32
          %div3A_1046 = arith.divsi %shift_right_logical3A_1044, %jit3A_1045 : i32
          %sign3A_1047 = arith.constant 0 : i32
          %sign3A_1048 = arith.cmpi sgt, %shift_right_logical3A_1044, %sign3A_1047 : i32
          %sign3A_1049 = arith.extui %sign3A_1048 : i1 to i32
          %sign3A_1050 = arith.constant 0 : i32
          %sign3A_1051 = arith.cmpi slt, %shift_right_logical3A_1044, %sign3A_1050 : i32
          %sign3A_1052 = arith.extui %sign3A_1051 : i1 to i32
          %sign3A_1053 = arith.subi %sign3A_1049, %sign3A_1052 : i32
          %sign3A_1054 = arith.constant 0 : i32
          %sign3A_1055 = arith.cmpi sgt, %jit3A_1045, %sign3A_1054 : i32
          %sign3A_1056 = arith.extui %sign3A_1055 : i1 to i32
          %sign3A_1057 = arith.constant 0 : i32
          %sign3A_1058 = arith.cmpi slt, %jit3A_1045, %sign3A_1057 : i32
          %sign3A_1059 = arith.extui %sign3A_1058 : i1 to i32
          %sign3A_1060 = arith.subi %sign3A_1056, %sign3A_1059 : i32
          %ne3A_1061 = arith.cmpi ne, %sign3A_1053, %sign3A_1060 : i32
          %rem3A_1062 = arith.remsi %shift_right_logical3A_1044, %jit3A_1045 : i32
          %ne3A_1063 = arith.constant 0 : i32
          %ne3A_1064 = arith.cmpi ne, %rem3A_1062, %ne3A_1063 : i32
          %and3A_1065 = arith.andi %ne3A_1061, %ne3A_1064 : i1
          %sub3A_1066 = arith.constant 1 : i32
          %sub3A_1067 = arith.subi %div3A_1046, %sub3A_1066 : i32
          %select_n3A_1068 = arith.select %and3A_1065, %sub3A_1067, %div3A_1046 : i32
          %add3A_1069 = arith.addi %mul3A_4, %select_n3A_1068 : i32
          %and3A_1070 = arith.constant -8 : i32
          %and3A_1071 = arith.andi %add3A_1069, %and3A_1070 : i32
          %multiple_of3A_1072 = tpu.assume_multiple %and3A_1071, 8 : i32
          %and3A_1073 = arith.constant 3968 : i32
          %and3A_1074 = arith.andi %squeeze3A, %and3A_1073 : i32
          %multiple_of3A_1075 = tpu.assume_multiple %and3A_1074, 128 : i32
          %dma_start3A = arith.constant 0 : i32
          %dma_start3A_1076 = arith.constant 0 : i32
          %dma_start3A_1077 = tpu.memref_slice %arg13[%dma_start3A, %dma_start3A_1076] : memref<128x128xf32, #tpu.memory_space<vmem>> -> memref<8x128xf32, #tpu.memory_space<vmem>>
          %dma_start3A_1078 = tpu.memref_slice %arg4[%multiple_of3A_1072, %multiple_of3A_1075] : memref<4096x4096xf32, #tpu.memory_space<hbm>> -> memref<8x128xf32, #tpu.memory_space<hbm>>
          %dma_start3A_1079 = arith.constant 0 : i32
          %dma_start3A_1080 = arith.constant 0 : i32
          %dma_start3A_1081 = tpu.memref_slice %arg13[%dma_start3A_1079, %dma_start3A_1080] : memref<128x128xf32, #tpu.memory_space<vmem>> -> memref<8x128xf32, #tpu.memory_space<vmem>>
          %dma_start3A_1082 = tpu.memref_slice %arg4[%multiple_of3A_1072, %multiple_of3A_1075] : memref<4096x4096xf32, #tpu.memory_space<hbm>> -> memref<8x128xf32, #tpu.memory_space<hbm>>
          tpu.enqueue_dma source(%dma_start3A_1082 : memref<8x128xf32, #tpu.memory_space<hbm>>) target(%dma_start3A_1081 : memref<8x128xf32, #tpu.memory_space<vmem>>) target_semaphore(%arg17 : memref<!tpu.dma_semaphore, #tpu.memory_space<semaphore_mem>>)
        } else {
        }
        %mul3A_776 = arith.constant 16 : i32
        %mul3A_777 = arith.muli %scan3A_731, %mul3A_776 : i32
        %add3A_778 = arith.constant 1 : i32
        %add3A_779 = arith.addi %mul3A_777, %add3A_778 : i32
        %lt3A_780 = arith.cmpi slt, %add3A_779, %scan3A_724 : i32
        %convert_element_type3A_781 = arith.extui %lt3A_780 : i1 to i32
        %cond3A_782 = arith.constant 0 : i32
        %cond3A_783 = arith.cmpi ne, %convert_element_type3A_781, %cond3A_782 : i32
        scf.if %cond3A_783 {
          %slice3A = vector.extract_strided_slice %get3A_739 {offsets = [1], sizes = [1], strides = [1]} : vector<16xi32> to vector<1xi32>
          %squeeze3A = vector.extract %slice3A[0] : i32 from vector<1xi32>
          %shift_right_logical3A_1043 = arith.constant 12 : i32
          %shift_right_logical3A_1044 = arith.shrui %squeeze3A, %shift_right_logical3A_1043 : i32
          %jit3A_1045 = arith.constant 50 : i32
          %div3A_1046 = arith.divsi %shift_right_logical3A_1044, %jit3A_1045 : i32
          %sign3A_1047 = arith.constant 0 : i32
          %sign3A_1048 = arith.cmpi sgt, %shift_right_logical3A_1044, %sign3A_1047 : i32
          %sign3A_1049 = arith.extui %sign3A_1048 : i1 to i32
          %sign3A_1050 = arith.constant 0 : i32
          %sign3A_1051 = arith.cmpi slt, %shift_right_logical3A_1044, %sign3A_1050 : i32
          %sign3A_1052 = arith.extui %sign3A_1051 : i1 to i32
          %sign3A_1053 = arith.subi %sign3A_1049, %sign3A_1052 : i32
          %sign3A_1054 = arith.constant 0 : i32
          %sign3A_1055 = arith.cmpi sgt, %jit3A_1045, %sign3A_1054 : i32
          %sign3A_1056 = arith.extui %sign3A_1055 : i1 to i32
          %sign3A_1057 = arith.constant 0 : i32
          %sign3A_1058 = arith.cmpi slt, %jit3A_1045, %sign3A_1057 : i32
          %sign3A_1059 = arith.extui %sign3A_1058 : i1 to i32
          %sign3A_1060 = arith.subi %sign3A_1056, %sign3A_1059 : i32
          %ne3A_1061 = arith.cmpi ne, %sign3A_1053, %sign3A_1060 : i32
          %rem3A_1062 = arith.remsi %shift_right_logical3A_1044, %jit3A_1045 : i32
          %ne3A_1063 = arith.constant 0 : i32
          %ne3A_1064 = arith.cmpi ne, %rem3A_1062, %ne3A_1063 : i32
          %and3A_1065 = arith.andi %ne3A_1061, %ne3A_1064 : i1
          %sub3A_1066 = arith.constant 1 : i32
          %sub3A_1067 = arith.subi %div3A_1046, %sub3A_1066 : i32
          %select_n3A_1068 = arith.select %and3A_1065, %sub3A_1067, %div3A_1046 : i32
          %add3A_1069 = arith.addi %mul3A_4, %select_n3A_1068 : i32
          %and3A_1070 = arith.constant -8 : i32
          %and3A_1071 = arith.andi %add3A_1069, %and3A_1070 : i32
          %multiple_of3A_1072 = tpu.assume_multiple %and3A_1071, 8 : i32
          %and3A_1073 = arith.constant 3968 : i32
          %and3A_1074 = arith.andi %squeeze3A, %and3A_1073 : i32
          %multiple_of3A_1075 = tpu.assume_multiple %and3A_1074, 128 : i32
          %dma_start3A = arith.constant 8 : i32
          %dma_start3A_1076 = arith.constant 0 : i32
          %dma_start3A_1077 = tpu.memref_slice %arg13[%dma_start3A, %dma_start3A_1076] : memref<128x128xf32, #tpu.memory_space<vmem>> -> memref<8x128xf32, #tpu.memory_space<vmem>>
          %dma_start3A_1078 = tpu.memref_slice %arg4[%multiple_of3A_1072, %multiple_of3A_1075] : memref<4096x4096xf32, #tpu.memory_space<hbm>> -> memref<8x128xf32, #tpu.memory_space<hbm>>
          %dma_start3A_1079 = arith.constant 8 : i32
          %dma_start3A_1080 = arith.constant 0 : i32
          %dma_start3A_1081 = tpu.memref_slice %arg13[%dma_start3A_1079, %dma_start3A_1080] : memref<128x128xf32, #tpu.memory_space<vmem>> -> memref<8x128xf32, #tpu.memory_space<vmem>>
          %dma_start3A_1082 = tpu.memref_slice %arg4[%multiple_of3A_1072, %multiple_of3A_1075] : memref<4096x4096xf32, #tpu.memory_space<hbm>> -> memref<8x128xf32, #tpu.memory_space<hbm>>
          tpu.enqueue_dma source(%dma_start3A_1082 : memref<8x128xf32, #tpu.memory_space<hbm>>) target(%dma_start3A_1081 : memref<8x128xf32, #tpu.memory_space<vmem>>) target_semaphore(%arg17 : memref<!tpu.dma_semaphore, #tpu.memory_space<semaphore_mem>>)
        } else {
        }
        %mul3A_784 = arith.constant 16 : i32
        %mul3A_785 = arith.muli %scan3A_731, %mul3A_784 : i32
        %add3A_786 = arith.constant 2 : i32
        %add3A_787 = arith.addi %mul3A_785, %add3A_786 : i32
        %lt3A_788 = arith.cmpi slt, %add3A_787, %scan3A_724 : i32
        %convert_element_type3A_789 = arith.extui %lt3A_788 : i1 to i32
        %cond3A_790 = arith.constant 0 : i32
        %cond3A_791 = arith.cmpi ne, %convert_element_type3A_789, %cond3A_790 : i32
        scf.if %cond3A_791 {
          %slice3A = vector.extract_strided_slice %get3A_739 {offsets = [2], sizes = [1], strides = [1]} : vector<16xi32> to vector<1xi32>
          %squeeze3A = vector.extract %slice3A[0] : i32 from vector<1xi32>
          %shift_right_logical3A_1043 = arith.constant 12 : i32
          %shift_right_logical3A_1044 = arith.shrui %squeeze3A, %shift_right_logical3A_1043 : i32
          %jit3A_1045 = arith.constant 50 : i32
          %div3A_1046 = arith.divsi %shift_right_logical3A_1044, %jit3A_1045 : i32
          %sign3A_1047 = arith.constant 0 : i32
          %sign3A_1048 = arith.cmpi sgt, %shift_right_logical3A_1044, %sign3A_1047 : i32
          %sign3A_1049 = arith.extui %sign3A_1048 : i1 to i32
          %sign3A_1050 = arith.constant 0 : i32
          %sign3A_1051 = arith.cmpi slt, %shift_right_logical3A_1044, %sign3A_1050 : i32
          %sign3A_1052 = arith.extui %sign3A_1051 : i1 to i32
          %sign3A_1053 = arith.subi %sign3A_1049, %sign3A_1052 : i32
          %sign3A_1054 = arith.constant 0 : i32
          %sign3A_1055 = arith.cmpi sgt, %jit3A_1045, %sign3A_1054 : i32
          %sign3A_1056 = arith.extui %sign3A_1055 : i1 to i32
          %sign3A_1057 = arith.constant 0 : i32
          %sign3A_1058 = arith.cmpi slt, %jit3A_1045, %sign3A_1057 : i32
          %sign3A_1059 = arith.extui %sign3A_1058 : i1 to i32
          %sign3A_1060 = arith.subi %sign3A_1056, %sign3A_1059 : i32
          %ne3A_1061 = arith.cmpi ne, %sign3A_1053, %sign3A_1060 : i32
          %rem3A_1062 = arith.remsi %shift_right_logical3A_1044, %jit3A_1045 : i32
          %ne3A_1063 = arith.constant 0 : i32
          %ne3A_1064 = arith.cmpi ne, %rem3A_1062, %ne3A_1063 : i32
          %and3A_1065 = arith.andi %ne3A_1061, %ne3A_1064 : i1
          %sub3A_1066 = arith.constant 1 : i32
          %sub3A_1067 = arith.subi %div3A_1046, %sub3A_1066 : i32
          %select_n3A_1068 = arith.select %and3A_1065, %sub3A_1067, %div3A_1046 : i32
          %add3A_1069 = arith.addi %mul3A_4, %select_n3A_1068 : i32
          %and3A_1070 = arith.constant -8 : i32
          %and3A_1071 = arith.andi %add3A_1069, %and3A_1070 : i32
          %multiple_of3A_1072 = tpu.assume_multiple %and3A_1071, 8 : i32
          %and3A_1073 = arith.constant 3968 : i32
          %and3A_1074 = arith.andi %squeeze3A, %and3A_1073 : i32
          %multiple_of3A_1075 = tpu.assume_multiple %and3A_1074, 128 : i32
          %dma_start3A = arith.constant 16 : i32
          %dma_start3A_1076 = arith.constant 0 : i32
          %dma_start3A_1077 = tpu.memref_slice %arg13[%dma_start3A, %dma_start3A_1076] : memref<128x128xf32, #tpu.memory_space<vmem>> -> memref<8x128xf32, #tpu.memory_space<vmem>>
          %dma_start3A_1078 = tpu.memref_slice %arg4[%multiple_of3A_1072, %multiple_of3A_1075] : memref<4096x4096xf32, #tpu.memory_space<hbm>> -> memref<8x128xf32, #tpu.memory_space<hbm>>
          %dma_start3A_1079 = arith.constant 16 : i32
          %dma_start3A_1080 = arith.constant 0 : i32
          %dma_start3A_1081 = tpu.memref_slice %arg13[%dma_start3A_1079, %dma_start3A_1080] : memref<128x128xf32, #tpu.memory_space<vmem>> -> memref<8x128xf32, #tpu.memory_space<vmem>>
          %dma_start3A_1082 = tpu.memref_slice %arg4[%multiple_of3A_1072, %multiple_of3A_1075] : memref<4096x4096xf32, #tpu.memory_space<hbm>> -> memref<8x128xf32, #tpu.memory_space<hbm>>
          tpu.enqueue_dma source(%dma_start3A_1082 : memref<8x128xf32, #tpu.memory_space<hbm>>) target(%dma_start3A_1081 : memref<8x128xf32, #tpu.memory_space<vmem>>) target_semaphore(%arg17 : memref<!tpu.dma_semaphore, #tpu.memory_space<semaphore_mem>>)
        } else {
        }
        %mul3A_792 = arith.constant 16 : i32
        %mul3A_793 = arith.muli %scan3A_731, %mul3A_792 : i32
        %add3A_794 = arith.constant 3 : i32
        %add3A_795 = arith.addi %mul3A_793, %add3A_794 : i32
        %lt3A_796 = arith.cmpi slt, %add3A_795, %scan3A_724 : i32
        %convert_element_type3A_797 = arith.extui %lt3A_796 : i1 to i32
        %cond3A_798 = arith.constant 0 : i32
        %cond3A_799 = arith.cmpi ne, %convert_element_type3A_797, %cond3A_798 : i32
        scf.if %cond3A_799 {
          %slice3A = vector.extract_strided_slice %get3A_739 {offsets = [3], sizes = [1], strides = [1]} : vector<16xi32> to vector<1xi32>
          %squeeze3A = vector.extract %slice3A[0] : i32 from vector<1xi32>
          %shift_right_logical3A_1043 = arith.constant 12 : i32
          %shift_right_logical3A_1044 = arith.shrui %squeeze3A, %shift_right_logical3A_1043 : i32
          %jit3A_1045 = arith.constant 50 : i32
          %div3A_1046 = arith.divsi %shift_right_logical3A_1044, %jit3A_1045 : i32
          %sign3A_1047 = arith.constant 0 : i32
          %sign3A_1048 = arith.cmpi sgt, %shift_right_logical3A_1044, %sign3A_1047 : i32
          %sign3A_1049 = arith.extui %sign3A_1048 : i1 to i32
          %sign3A_1050 = arith.constant 0 : i32
          %sign3A_1051 = arith.cmpi slt, %shift_right_logical3A_1044, %sign3A_1050 : i32
          %sign3A_1052 = arith.extui %sign3A_1051 : i1 to i32
          %sign3A_1053 = arith.subi %sign3A_1049, %sign3A_1052 : i32
          %sign3A_1054 = arith.constant 0 : i32
          %sign3A_1055 = arith.cmpi sgt, %jit3A_1045, %sign3A_1054 : i32
          %sign3A_1056 = arith.extui %sign3A_1055 : i1 to i32
          %sign3A_1057 = arith.constant 0 : i32
          %sign3A_1058 = arith.cmpi slt, %jit3A_1045, %sign3A_1057 : i32
          %sign3A_1059 = arith.extui %sign3A_1058 : i1 to i32
          %sign3A_1060 = arith.subi %sign3A_1056, %sign3A_1059 : i32
          %ne3A_1061 = arith.cmpi ne, %sign3A_1053, %sign3A_1060 : i32
          %rem3A_1062 = arith.remsi %shift_right_logical3A_1044, %jit3A_1045 : i32
          %ne3A_1063 = arith.constant 0 : i32
          %ne3A_1064 = arith.cmpi ne, %rem3A_1062, %ne3A_1063 : i32
          %and3A_1065 = arith.andi %ne3A_1061, %ne3A_1064 : i1
          %sub3A_1066 = arith.constant 1 : i32
          %sub3A_1067 = arith.subi %div3A_1046, %sub3A_1066 : i32
          %select_n3A_1068 = arith.select %and3A_1065, %sub3A_1067, %div3A_1046 : i32
          %add3A_1069 = arith.addi %mul3A_4, %select_n3A_1068 : i32
          %and3A_1070 = arith.constant -8 : i32
          %and3A_1071 = arith.andi %add3A_1069, %and3A_1070 : i32
          %multiple_of3A_1072 = tpu.assume_multiple %and3A_1071, 8 : i32
          %and3A_1073 = arith.constant 3968 : i32
          %and3A_1074 = arith.andi %squeeze3A, %and3A_1073 : i32
          %multiple_of3A_1075 = tpu.assume_multiple %and3A_1074, 128 : i32
          %dma_start3A = arith.constant 24 : i32
          %dma_start3A_1076 = arith.constant 0 : i32
          %dma_start3A_1077 = tpu.memref_slice %arg13[%dma_start3A, %dma_start3A_1076] : memref<128x128xf32, #tpu.memory_space<vmem>> -> memref<8x128xf32, #tpu.memory_space<vmem>>
          %dma_start3A_1078 = tpu.memref_slice %arg4[%multiple_of3A_1072, %multiple_of3A_1075] : memref<4096x4096xf32, #tpu.memory_space<hbm>> -> memref<8x128xf32, #tpu.memory_space<hbm>>
          %dma_start3A_1079 = arith.constant 24 : i32
          %dma_start3A_1080 = arith.constant 0 : i32
          %dma_start3A_1081 = tpu.memref_slice %arg13[%dma_start3A_1079, %dma_start3A_1080] : memref<128x128xf32, #tpu.memory_space<vmem>> -> memref<8x128xf32, #tpu.memory_space<vmem>>
          %dma_start3A_1082 = tpu.memref_slice %arg4[%multiple_of3A_1072, %multiple_of3A_1075] : memref<4096x4096xf32, #tpu.memory_space<hbm>> -> memref<8x128xf32, #tpu.memory_space<hbm>>
          tpu.enqueue_dma source(%dma_start3A_1082 : memref<8x128xf32, #tpu.memory_space<hbm>>) target(%dma_start3A_1081 : memref<8x128xf32, #tpu.memory_space<vmem>>) target_semaphore(%arg17 : memref<!tpu.dma_semaphore, #tpu.memory_space<semaphore_mem>>)
        } else {
        }
        %mul3A_800 = arith.constant 16 : i32
        %mul3A_801 = arith.muli %scan3A_731, %mul3A_800 : i32
        %add3A_802 = arith.constant 4 : i32
        %add3A_803 = arith.addi %mul3A_801, %add3A_802 : i32
        %lt3A_804 = arith.cmpi slt, %add3A_803, %scan3A_724 : i32
        %convert_element_type3A_805 = arith.extui %lt3A_804 : i1 to i32
        %cond3A_806 = arith.constant 0 : i32
        %cond3A_807 = arith.cmpi ne, %convert_element_type3A_805, %cond3A_806 : i32
        scf.if %cond3A_807 {
          %slice3A = vector.extract_strided_slice %get3A_739 {offsets = [4], sizes = [1], strides = [1]} : vector<16xi32> to vector<1xi32>
          %squeeze3A = vector.extract %slice3A[0] : i32 from vector<1xi32>
          %shift_right_logical3A_1043 = arith.constant 12 : i32
          %shift_right_logical3A_1044 = arith.shrui %squeeze3A, %shift_right_logical3A_1043 : i32
          %jit3A_1045 = arith.constant 50 : i32
          %div3A_1046 = arith.divsi %shift_right_logical3A_1044, %jit3A_1045 : i32
          %sign3A_1047 = arith.constant 0 : i32
          %sign3A_1048 = arith.cmpi sgt, %shift_right_logical3A_1044, %sign3A_1047 : i32
          %sign3A_1049 = arith.extui %sign3A_1048 : i1 to i32
          %sign3A_1050 = arith.constant 0 : i32
          %sign3A_1051 = arith.cmpi slt, %shift_right_logical3A_1044, %sign3A_1050 : i32
          %sign3A_1052 = arith.extui %sign3A_1051 : i1 to i32
          %sign3A_1053 = arith.subi %sign3A_1049, %sign3A_1052 : i32
          %sign3A_1054 = arith.constant 0 : i32
          %sign3A_1055 = arith.cmpi sgt, %jit3A_1045, %sign3A_1054 : i32
          %sign3A_1056 = arith.extui %sign3A_1055 : i1 to i32
          %sign3A_1057 = arith.constant 0 : i32
          %sign3A_1058 = arith.cmpi slt, %jit3A_1045, %sign3A_1057 : i32
          %sign3A_1059 = arith.extui %sign3A_1058 : i1 to i32
          %sign3A_1060 = arith.subi %sign3A_1056, %sign3A_1059 : i32
          %ne3A_1061 = arith.cmpi ne, %sign3A_1053, %sign3A_1060 : i32
          %rem3A_1062 = arith.remsi %shift_right_logical3A_1044, %jit3A_1045 : i32
          %ne3A_1063 = arith.constant 0 : i32
          %ne3A_1064 = arith.cmpi ne, %rem3A_1062, %ne3A_1063 : i32
          %and3A_1065 = arith.andi %ne3A_1061, %ne3A_1064 : i1
          %sub3A_1066 = arith.constant 1 : i32
          %sub3A_1067 = arith.subi %div3A_1046, %sub3A_1066 : i32
          %select_n3A_1068 = arith.select %and3A_1065, %sub3A_1067, %div3A_1046 : i32
          %add3A_1069 = arith.addi %mul3A_4, %select_n3A_1068 : i32
          %and3A_1070 = arith.constant -8 : i32
          %and3A_1071 = arith.andi %add3A_1069, %and3A_1070 : i32
          %multiple_of3A_1072 = tpu.assume_multiple %and3A_1071, 8 : i32
          %and3A_1073 = arith.constant 3968 : i32
          %and3A_1074 = arith.andi %squeeze3A, %and3A_1073 : i32
          %multiple_of3A_1075 = tpu.assume_multiple %and3A_1074, 128 : i32
          %dma_start3A = arith.constant 32 : i32
          %dma_start3A_1076 = arith.constant 0 : i32
          %dma_start3A_1077 = tpu.memref_slice %arg13[%dma_start3A, %dma_start3A_1076] : memref<128x128xf32, #tpu.memory_space<vmem>> -> memref<8x128xf32, #tpu.memory_space<vmem>>
          %dma_start3A_1078 = tpu.memref_slice %arg4[%multiple_of3A_1072, %multiple_of3A_1075] : memref<4096x4096xf32, #tpu.memory_space<hbm>> -> memref<8x128xf32, #tpu.memory_space<hbm>>
          %dma_start3A_1079 = arith.constant 32 : i32
          %dma_start3A_1080 = arith.constant 0 : i32
          %dma_start3A_1081 = tpu.memref_slice %arg13[%dma_start3A_1079, %dma_start3A_1080] : memref<128x128xf32, #tpu.memory_space<vmem>> -> memref<8x128xf32, #tpu.memory_space<vmem>>
          %dma_start3A_1082 = tpu.memref_slice %arg4[%multiple_of3A_1072, %multiple_of3A_1075] : memref<4096x4096xf32, #tpu.memory_space<hbm>> -> memref<8x128xf32, #tpu.memory_space<hbm>>
          tpu.enqueue_dma source(%dma_start3A_1082 : memref<8x128xf32, #tpu.memory_space<hbm>>) target(%dma_start3A_1081 : memref<8x128xf32, #tpu.memory_space<vmem>>) target_semaphore(%arg17 : memref<!tpu.dma_semaphore, #tpu.memory_space<semaphore_mem>>)
        } else {
        }
        %mul3A_808 = arith.constant 16 : i32
        %mul3A_809 = arith.muli %scan3A_731, %mul3A_808 : i32
        %add3A_810 = arith.constant 5 : i32
        %add3A_811 = arith.addi %mul3A_809, %add3A_810 : i32
        %lt3A_812 = arith.cmpi slt, %add3A_811, %scan3A_724 : i32
        %convert_element_type3A_813 = arith.extui %lt3A_812 : i1 to i32
        %cond3A_814 = arith.constant 0 : i32
        %cond3A_815 = arith.cmpi ne, %convert_element_type3A_813, %cond3A_814 : i32
        scf.if %cond3A_815 {
          %slice3A = vector.extract_strided_slice %get3A_739 {offsets = [5], sizes = [1], strides = [1]} : vector<16xi32> to vector<1xi32>
          %squeeze3A = vector.extract %slice3A[0] : i32 from vector<1xi32>
          %shift_right_logical3A_1043 = arith.constant 12 : i32
          %shift_right_logical3A_1044 = arith.shrui %squeeze3A, %shift_right_logical3A_1043 : i32
          %jit3A_1045 = arith.constant 50 : i32
          %div3A_1046 = arith.divsi %shift_right_logical3A_1044, %jit3A_1045 : i32
          %sign3A_1047 = arith.constant 0 : i32
          %sign3A_1048 = arith.cmpi sgt, %shift_right_logical3A_1044, %sign3A_1047 : i32
          %sign3A_1049 = arith.extui %sign3A_1048 : i1 to i32
          %sign3A_1050 = arith.constant 0 : i32
          %sign3A_1051 = arith.cmpi slt, %shift_right_logical3A_1044, %sign3A_1050 : i32
          %sign3A_1052 = arith.extui %sign3A_1051 : i1 to i32
          %sign3A_1053 = arith.subi %sign3A_1049, %sign3A_1052 : i32
          %sign3A_1054 = arith.constant 0 : i32
          %sign3A_1055 = arith.cmpi sgt, %jit3A_1045, %sign3A_1054 : i32
          %sign3A_1056 = arith.extui %sign3A_1055 : i1 to i32
          %sign3A_1057 = arith.constant 0 : i32
          %sign3A_1058 = arith.cmpi slt, %jit3A_1045, %sign3A_1057 : i32
          %sign3A_1059 = arith.extui %sign3A_1058 : i1 to i32
          %sign3A_1060 = arith.subi %sign3A_1056, %sign3A_1059 : i32
          %ne3A_1061 = arith.cmpi ne, %sign3A_1053, %sign3A_1060 : i32
          %rem3A_1062 = arith.remsi %shift_right_logical3A_1044, %jit3A_1045 : i32
          %ne3A_1063 = arith.constant 0 : i32
          %ne3A_1064 = arith.cmpi ne, %rem3A_1062, %ne3A_1063 : i32
          %and3A_1065 = arith.andi %ne3A_1061, %ne3A_1064 : i1
          %sub3A_1066 = arith.constant 1 : i32
          %sub3A_1067 = arith.subi %div3A_1046, %sub3A_1066 : i32
          %select_n3A_1068 = arith.select %and3A_1065, %sub3A_1067, %div3A_1046 : i32
          %add3A_1069 = arith.addi %mul3A_4, %select_n3A_1068 : i32
          %and3A_1070 = arith.constant -8 : i32
          %and3A_1071 = arith.andi %add3A_1069, %and3A_1070 : i32
          %multiple_of3A_1072 = tpu.assume_multiple %and3A_1071, 8 : i32
          %and3A_1073 = arith.constant 3968 : i32
          %and3A_1074 = arith.andi %squeeze3A, %and3A_1073 : i32
          %multiple_of3A_1075 = tpu.assume_multiple %and3A_1074, 128 : i32
          %dma_start3A = arith.constant 40 : i32
          %dma_start3A_1076 = arith.constant 0 : i32
          %dma_start3A_1077 = tpu.memref_slice %arg13[%dma_start3A, %dma_start3A_1076] : memref<128x128xf32, #tpu.memory_space<vmem>> -> memref<8x128xf32, #tpu.memory_space<vmem>>
          %dma_start3A_1078 = tpu.memref_slice %arg4[%multiple_of3A_1072, %multiple_of3A_1075] : memref<4096x4096xf32, #tpu.memory_space<hbm>> -> memref<8x128xf32, #tpu.memory_space<hbm>>
          %dma_start3A_1079 = arith.constant 40 : i32
          %dma_start3A_1080 = arith.constant 0 : i32
          %dma_start3A_1081 = tpu.memref_slice %arg13[%dma_start3A_1079, %dma_start3A_1080] : memref<128x128xf32, #tpu.memory_space<vmem>> -> memref<8x128xf32, #tpu.memory_space<vmem>>
          %dma_start3A_1082 = tpu.memref_slice %arg4[%multiple_of3A_1072, %multiple_of3A_1075] : memref<4096x4096xf32, #tpu.memory_space<hbm>> -> memref<8x128xf32, #tpu.memory_space<hbm>>
          tpu.enqueue_dma source(%dma_start3A_1082 : memref<8x128xf32, #tpu.memory_space<hbm>>) target(%dma_start3A_1081 : memref<8x128xf32, #tpu.memory_space<vmem>>) target_semaphore(%arg17 : memref<!tpu.dma_semaphore, #tpu.memory_space<semaphore_mem>>)
        } else {
        }
        %mul3A_816 = arith.constant 16 : i32
        %mul3A_817 = arith.muli %scan3A_731, %mul3A_816 : i32
        %add3A_818 = arith.constant 6 : i32
        %add3A_819 = arith.addi %mul3A_817, %add3A_818 : i32
        %lt3A_820 = arith.cmpi slt, %add3A_819, %scan3A_724 : i32
        %convert_element_type3A_821 = arith.extui %lt3A_820 : i1 to i32
        %cond3A_822 = arith.constant 0 : i32
        %cond3A_823 = arith.cmpi ne, %convert_element_type3A_821, %cond3A_822 : i32
        scf.if %cond3A_823 {
          %slice3A = vector.extract_strided_slice %get3A_739 {offsets = [6], sizes = [1], strides = [1]} : vector<16xi32> to vector<1xi32>
          %squeeze3A = vector.extract %slice3A[0] : i32 from vector<1xi32>
          %shift_right_logical3A_1043 = arith.constant 12 : i32
          %shift_right_logical3A_1044 = arith.shrui %squeeze3A, %shift_right_logical3A_1043 : i32
          %jit3A_1045 = arith.constant 50 : i32
          %div3A_1046 = arith.divsi %shift_right_logical3A_1044, %jit3A_1045 : i32
          %sign3A_1047 = arith.constant 0 : i32
          %sign3A_1048 = arith.cmpi sgt, %shift_right_logical3A_1044, %sign3A_1047 : i32
          %sign3A_1049 = arith.extui %sign3A_1048 : i1 to i32
          %sign3A_1050 = arith.constant 0 : i32
          %sign3A_1051 = arith.cmpi slt, %shift_right_logical3A_1044, %sign3A_1050 : i32
          %sign3A_1052 = arith.extui %sign3A_1051 : i1 to i32
          %sign3A_1053 = arith.subi %sign3A_1049, %sign3A_1052 : i32
          %sign3A_1054 = arith.constant 0 : i32
          %sign3A_1055 = arith.cmpi sgt, %jit3A_1045, %sign3A_1054 : i32
          %sign3A_1056 = arith.extui %sign3A_1055 : i1 to i32
          %sign3A_1057 = arith.constant 0 : i32
          %sign3A_1058 = arith.cmpi slt, %jit3A_1045, %sign3A_1057 : i32
          %sign3A_1059 = arith.extui %sign3A_1058 : i1 to i32
          %sign3A_1060 = arith.subi %sign3A_1056, %sign3A_1059 : i32
          %ne3A_1061 = arith.cmpi ne, %sign3A_1053, %sign3A_1060 : i32
          %rem3A_1062 = arith.remsi %shift_right_logical3A_1044, %jit3A_1045 : i32
          %ne3A_1063 = arith.constant 0 : i32
          %ne3A_1064 = arith.cmpi ne, %rem3A_1062, %ne3A_1063 : i32
          %and3A_1065 = arith.andi %ne3A_1061, %ne3A_1064 : i1
          %sub3A_1066 = arith.constant 1 : i32
          %sub3A_1067 = arith.subi %div3A_1046, %sub3A_1066 : i32
          %select_n3A_1068 = arith.select %and3A_1065, %sub3A_1067, %div3A_1046 : i32
          %add3A_1069 = arith.addi %mul3A_4, %select_n3A_1068 : i32
          %and3A_1070 = arith.constant -8 : i32
          %and3A_1071 = arith.andi %add3A_1069, %and3A_1070 : i32
          %multiple_of3A_1072 = tpu.assume_multiple %and3A_1071, 8 : i32
          %and3A_1073 = arith.constant 3968 : i32
          %and3A_1074 = arith.andi %squeeze3A, %and3A_1073 : i32
          %multiple_of3A_1075 = tpu.assume_multiple %and3A_1074, 128 : i32
          %dma_start3A = arith.constant 48 : i32
          %dma_start3A_1076 = arith.constant 0 : i32
          %dma_start3A_1077 = tpu.memref_slice %arg13[%dma_start3A, %dma_start3A_1076] : memref<128x128xf32, #tpu.memory_space<vmem>> -> memref<8x128xf32, #tpu.memory_space<vmem>>
          %dma_start3A_1078 = tpu.memref_slice %arg4[%multiple_of3A_1072, %multiple_of3A_1075] : memref<4096x4096xf32, #tpu.memory_space<hbm>> -> memref<8x128xf32, #tpu.memory_space<hbm>>
          %dma_start3A_1079 = arith.constant 48 : i32
          %dma_start3A_1080 = arith.constant 0 : i32
          %dma_start3A_1081 = tpu.memref_slice %arg13[%dma_start3A_1079, %dma_start3A_1080] : memref<128x128xf32, #tpu.memory_space<vmem>> -> memref<8x128xf32, #tpu.memory_space<vmem>>
          %dma_start3A_1082 = tpu.memref_slice %arg4[%multiple_of3A_1072, %multiple_of3A_1075] : memref<4096x4096xf32, #tpu.memory_space<hbm>> -> memref<8x128xf32, #tpu.memory_space<hbm>>
          tpu.enqueue_dma source(%dma_start3A_1082 : memref<8x128xf32, #tpu.memory_space<hbm>>) target(%dma_start3A_1081 : memref<8x128xf32, #tpu.memory_space<vmem>>) target_semaphore(%arg17 : memref<!tpu.dma_semaphore, #tpu.memory_space<semaphore_mem>>)
        } else {
        }
        %mul3A_824 = arith.constant 16 : i32
        %mul3A_825 = arith.muli %scan3A_731, %mul3A_824 : i32
        %add3A_826 = arith.constant 7 : i32
        %add3A_827 = arith.addi %mul3A_825, %add3A_826 : i32
        %lt3A_828 = arith.cmpi slt, %add3A_827, %scan3A_724 : i32
        %convert_element_type3A_829 = arith.extui %lt3A_828 : i1 to i32
        %cond3A_830 = arith.constant 0 : i32
        %cond3A_831 = arith.cmpi ne, %convert_element_type3A_829, %cond3A_830 : i32
        scf.if %cond3A_831 {
          %slice3A = vector.extract_strided_slice %get3A_739 {offsets = [7], sizes = [1], strides = [1]} : vector<16xi32> to vector<1xi32>
          %squeeze3A = vector.extract %slice3A[0] : i32 from vector<1xi32>
          %shift_right_logical3A_1043 = arith.constant 12 : i32
          %shift_right_logical3A_1044 = arith.shrui %squeeze3A, %shift_right_logical3A_1043 : i32
          %jit3A_1045 = arith.constant 50 : i32
          %div3A_1046 = arith.divsi %shift_right_logical3A_1044, %jit3A_1045 : i32
          %sign3A_1047 = arith.constant 0 : i32
          %sign3A_1048 = arith.cmpi sgt, %shift_right_logical3A_1044, %sign3A_1047 : i32
          %sign3A_1049 = arith.extui %sign3A_1048 : i1 to i32
          %sign3A_1050 = arith.constant 0 : i32
          %sign3A_1051 = arith.cmpi slt, %shift_right_logical3A_1044, %sign3A_1050 : i32
          %sign3A_1052 = arith.extui %sign3A_1051 : i1 to i32
          %sign3A_1053 = arith.subi %sign3A_1049, %sign3A_1052 : i32
          %sign3A_1054 = arith.constant 0 : i32
          %sign3A_1055 = arith.cmpi sgt, %jit3A_1045, %sign3A_1054 : i32
          %sign3A_1056 = arith.extui %sign3A_1055 : i1 to i32
          %sign3A_1057 = arith.constant 0 : i32
          %sign3A_1058 = arith.cmpi slt, %jit3A_1045, %sign3A_1057 : i32
          %sign3A_1059 = arith.extui %sign3A_1058 : i1 to i32
          %sign3A_1060 = arith.subi %sign3A_1056, %sign3A_1059 : i32
          %ne3A_1061 = arith.cmpi ne, %sign3A_1053, %sign3A_1060 : i32
          %rem3A_1062 = arith.remsi %shift_right_logical3A_1044, %jit3A_1045 : i32
          %ne3A_1063 = arith.constant 0 : i32
          %ne3A_1064 = arith.cmpi ne, %rem3A_1062, %ne3A_1063 : i32
          %and3A_1065 = arith.andi %ne3A_1061, %ne3A_1064 : i1
          %sub3A_1066 = arith.constant 1 : i32
          %sub3A_1067 = arith.subi %div3A_1046, %sub3A_1066 : i32
          %select_n3A_1068 = arith.select %and3A_1065, %sub3A_1067, %div3A_1046 : i32
          %add3A_1069 = arith.addi %mul3A_4, %select_n3A_1068 : i32
          %and3A_1070 = arith.constant -8 : i32
          %and3A_1071 = arith.andi %add3A_1069, %and3A_1070 : i32
          %multiple_of3A_1072 = tpu.assume_multiple %and3A_1071, 8 : i32
          %and3A_1073 = arith.constant 3968 : i32
          %and3A_1074 = arith.andi %squeeze3A, %and3A_1073 : i32
          %multiple_of3A_1075 = tpu.assume_multiple %and3A_1074, 128 : i32
          %dma_start3A = arith.constant 56 : i32
          %dma_start3A_1076 = arith.constant 0 : i32
          %dma_start3A_1077 = tpu.memref_slice %arg13[%dma_start3A, %dma_start3A_1076] : memref<128x128xf32, #tpu.memory_space<vmem>> -> memref<8x128xf32, #tpu.memory_space<vmem>>
          %dma_start3A_1078 = tpu.memref_slice %arg4[%multiple_of3A_1072, %multiple_of3A_1075] : memref<4096x4096xf32, #tpu.memory_space<hbm>> -> memref<8x128xf32, #tpu.memory_space<hbm>>
          %dma_start3A_1079 = arith.constant 56 : i32
          %dma_start3A_1080 = arith.constant 0 : i32
          %dma_start3A_1081 = tpu.memref_slice %arg13[%dma_start3A_1079, %dma_start3A_1080] : memref<128x128xf32, #tpu.memory_space<vmem>> -> memref<8x128xf32, #tpu.memory_space<vmem>>
          %dma_start3A_1082 = tpu.memref_slice %arg4[%multiple_of3A_1072, %multiple_of3A_1075] : memref<4096x4096xf32, #tpu.memory_space<hbm>> -> memref<8x128xf32, #tpu.memory_space<hbm>>
          tpu.enqueue_dma source(%dma_start3A_1082 : memref<8x128xf32, #tpu.memory_space<hbm>>) target(%dma_start3A_1081 : memref<8x128xf32, #tpu.memory_space<vmem>>) target_semaphore(%arg17 : memref<!tpu.dma_semaphore, #tpu.memory_space<semaphore_mem>>)
        } else {
        }
        %mul3A_832 = arith.constant 16 : i32
        %mul3A_833 = arith.muli %scan3A_731, %mul3A_832 : i32
        %add3A_834 = arith.constant 8 : i32
        %add3A_835 = arith.addi %mul3A_833, %add3A_834 : i32
        %lt3A_836 = arith.cmpi slt, %add3A_835, %scan3A_724 : i32
        %convert_element_type3A_837 = arith.extui %lt3A_836 : i1 to i32
        %cond3A_838 = arith.constant 0 : i32
        %cond3A_839 = arith.cmpi ne, %convert_element_type3A_837, %cond3A_838 : i32
        scf.if %cond3A_839 {
          %slice3A = vector.extract_strided_slice %get3A_739 {offsets = [8], sizes = [1], strides = [1]} : vector<16xi32> to vector<1xi32>
          %squeeze3A = vector.extract %slice3A[0] : i32 from vector<1xi32>
          %shift_right_logical3A_1043 = arith.constant 12 : i32
          %shift_right_logical3A_1044 = arith.shrui %squeeze3A, %shift_right_logical3A_1043 : i32
          %jit3A_1045 = arith.constant 50 : i32
          %div3A_1046 = arith.divsi %shift_right_logical3A_1044, %jit3A_1045 : i32
          %sign3A_1047 = arith.constant 0 : i32
          %sign3A_1048 = arith.cmpi sgt, %shift_right_logical3A_1044, %sign3A_1047 : i32
          %sign3A_1049 = arith.extui %sign3A_1048 : i1 to i32
          %sign3A_1050 = arith.constant 0 : i32
          %sign3A_1051 = arith.cmpi slt, %shift_right_logical3A_1044, %sign3A_1050 : i32
          %sign3A_1052 = arith.extui %sign3A_1051 : i1 to i32
          %sign3A_1053 = arith.subi %sign3A_1049, %sign3A_1052 : i32
          %sign3A_1054 = arith.constant 0 : i32
          %sign3A_1055 = arith.cmpi sgt, %jit3A_1045, %sign3A_1054 : i32
          %sign3A_1056 = arith.extui %sign3A_1055 : i1 to i32
          %sign3A_1057 = arith.constant 0 : i32
          %sign3A_1058 = arith.cmpi slt, %jit3A_1045, %sign3A_1057 : i32
          %sign3A_1059 = arith.extui %sign3A_1058 : i1 to i32
          %sign3A_1060 = arith.subi %sign3A_1056, %sign3A_1059 : i32
          %ne3A_1061 = arith.cmpi ne, %sign3A_1053, %sign3A_1060 : i32
          %rem3A_1062 = arith.remsi %shift_right_logical3A_1044, %jit3A_1045 : i32
          %ne3A_1063 = arith.constant 0 : i32
          %ne3A_1064 = arith.cmpi ne, %rem3A_1062, %ne3A_1063 : i32
          %and3A_1065 = arith.andi %ne3A_1061, %ne3A_1064 : i1
          %sub3A_1066 = arith.constant 1 : i32
          %sub3A_1067 = arith.subi %div3A_1046, %sub3A_1066 : i32
          %select_n3A_1068 = arith.select %and3A_1065, %sub3A_1067, %div3A_1046 : i32
          %add3A_1069 = arith.addi %mul3A_4, %select_n3A_1068 : i32
          %and3A_1070 = arith.constant -8 : i32
          %and3A_1071 = arith.andi %add3A_1069, %and3A_1070 : i32
          %multiple_of3A_1072 = tpu.assume_multiple %and3A_1071, 8 : i32
          %and3A_1073 = arith.constant 3968 : i32
          %and3A_1074 = arith.andi %squeeze3A, %and3A_1073 : i32
          %multiple_of3A_1075 = tpu.assume_multiple %and3A_1074, 128 : i32
          %dma_start3A = arith.constant 64 : i32
          %dma_start3A_1076 = arith.constant 0 : i32
          %dma_start3A_1077 = tpu.memref_slice %arg13[%dma_start3A, %dma_start3A_1076] : memref<128x128xf32, #tpu.memory_space<vmem>> -> memref<8x128xf32, #tpu.memory_space<vmem>>
          %dma_start3A_1078 = tpu.memref_slice %arg4[%multiple_of3A_1072, %multiple_of3A_1075] : memref<4096x4096xf32, #tpu.memory_space<hbm>> -> memref<8x128xf32, #tpu.memory_space<hbm>>
          %dma_start3A_1079 = arith.constant 64 : i32
          %dma_start3A_1080 = arith.constant 0 : i32
          %dma_start3A_1081 = tpu.memref_slice %arg13[%dma_start3A_1079, %dma_start3A_1080] : memref<128x128xf32, #tpu.memory_space<vmem>> -> memref<8x128xf32, #tpu.memory_space<vmem>>
          %dma_start3A_1082 = tpu.memref_slice %arg4[%multiple_of3A_1072, %multiple_of3A_1075] : memref<4096x4096xf32, #tpu.memory_space<hbm>> -> memref<8x128xf32, #tpu.memory_space<hbm>>
          tpu.enqueue_dma source(%dma_start3A_1082 : memref<8x128xf32, #tpu.memory_space<hbm>>) target(%dma_start3A_1081 : memref<8x128xf32, #tpu.memory_space<vmem>>) target_semaphore(%arg17 : memref<!tpu.dma_semaphore, #tpu.memory_space<semaphore_mem>>)
        } else {
        }
        %mul3A_840 = arith.constant 16 : i32
        %mul3A_841 = arith.muli %scan3A_731, %mul3A_840 : i32
        %add3A_842 = arith.constant 9 : i32
        %add3A_843 = arith.addi %mul3A_841, %add3A_842 : i32
        %lt3A_844 = arith.cmpi slt, %add3A_843, %scan3A_724 : i32
        %convert_element_type3A_845 = arith.extui %lt3A_844 : i1 to i32
        %cond3A_846 = arith.constant 0 : i32
        %cond3A_847 = arith.cmpi ne, %convert_element_type3A_845, %cond3A_846 : i32
        scf.if %cond3A_847 {
          %slice3A = vector.extract_strided_slice %get3A_739 {offsets = [9], sizes = [1], strides = [1]} : vector<16xi32> to vector<1xi32>
          %squeeze3A = vector.extract %slice3A[0] : i32 from vector<1xi32>
          %shift_right_logical3A_1043 = arith.constant 12 : i32
          %shift_right_logical3A_1044 = arith.shrui %squeeze3A, %shift_right_logical3A_1043 : i32
          %jit3A_1045 = arith.constant 50 : i32
          %div3A_1046 = arith.divsi %shift_right_logical3A_1044, %jit3A_1045 : i32
          %sign3A_1047 = arith.constant 0 : i32
          %sign3A_1048 = arith.cmpi sgt, %shift_right_logical3A_1044, %sign3A_1047 : i32
          %sign3A_1049 = arith.extui %sign3A_1048 : i1 to i32
          %sign3A_1050 = arith.constant 0 : i32
          %sign3A_1051 = arith.cmpi slt, %shift_right_logical3A_1044, %sign3A_1050 : i32
          %sign3A_1052 = arith.extui %sign3A_1051 : i1 to i32
          %sign3A_1053 = arith.subi %sign3A_1049, %sign3A_1052 : i32
          %sign3A_1054 = arith.constant 0 : i32
          %sign3A_1055 = arith.cmpi sgt, %jit3A_1045, %sign3A_1054 : i32
          %sign3A_1056 = arith.extui %sign3A_1055 : i1 to i32
          %sign3A_1057 = arith.constant 0 : i32
          %sign3A_1058 = arith.cmpi slt, %jit3A_1045, %sign3A_1057 : i32
          %sign3A_1059 = arith.extui %sign3A_1058 : i1 to i32
          %sign3A_1060 = arith.subi %sign3A_1056, %sign3A_1059 : i32
          %ne3A_1061 = arith.cmpi ne, %sign3A_1053, %sign3A_1060 : i32
          %rem3A_1062 = arith.remsi %shift_right_logical3A_1044, %jit3A_1045 : i32
          %ne3A_1063 = arith.constant 0 : i32
          %ne3A_1064 = arith.cmpi ne, %rem3A_1062, %ne3A_1063 : i32
          %and3A_1065 = arith.andi %ne3A_1061, %ne3A_1064 : i1
          %sub3A_1066 = arith.constant 1 : i32
          %sub3A_1067 = arith.subi %div3A_1046, %sub3A_1066 : i32
          %select_n3A_1068 = arith.select %and3A_1065, %sub3A_1067, %div3A_1046 : i32
          %add3A_1069 = arith.addi %mul3A_4, %select_n3A_1068 : i32
          %and3A_1070 = arith.constant -8 : i32
          %and3A_1071 = arith.andi %add3A_1069, %and3A_1070 : i32
          %multiple_of3A_1072 = tpu.assume_multiple %and3A_1071, 8 : i32
          %and3A_1073 = arith.constant 3968 : i32
          %and3A_1074 = arith.andi %squeeze3A, %and3A_1073 : i32
          %multiple_of3A_1075 = tpu.assume_multiple %and3A_1074, 128 : i32
          %dma_start3A = arith.constant 72 : i32
          %dma_start3A_1076 = arith.constant 0 : i32
          %dma_start3A_1077 = tpu.memref_slice %arg13[%dma_start3A, %dma_start3A_1076] : memref<128x128xf32, #tpu.memory_space<vmem>> -> memref<8x128xf32, #tpu.memory_space<vmem>>
          %dma_start3A_1078 = tpu.memref_slice %arg4[%multiple_of3A_1072, %multiple_of3A_1075] : memref<4096x4096xf32, #tpu.memory_space<hbm>> -> memref<8x128xf32, #tpu.memory_space<hbm>>
          %dma_start3A_1079 = arith.constant 72 : i32
          %dma_start3A_1080 = arith.constant 0 : i32
          %dma_start3A_1081 = tpu.memref_slice %arg13[%dma_start3A_1079, %dma_start3A_1080] : memref<128x128xf32, #tpu.memory_space<vmem>> -> memref<8x128xf32, #tpu.memory_space<vmem>>
          %dma_start3A_1082 = tpu.memref_slice %arg4[%multiple_of3A_1072, %multiple_of3A_1075] : memref<4096x4096xf32, #tpu.memory_space<hbm>> -> memref<8x128xf32, #tpu.memory_space<hbm>>
          tpu.enqueue_dma source(%dma_start3A_1082 : memref<8x128xf32, #tpu.memory_space<hbm>>) target(%dma_start3A_1081 : memref<8x128xf32, #tpu.memory_space<vmem>>) target_semaphore(%arg17 : memref<!tpu.dma_semaphore, #tpu.memory_space<semaphore_mem>>)
        } else {
        }
        %mul3A_848 = arith.constant 16 : i32
        %mul3A_849 = arith.muli %scan3A_731, %mul3A_848 : i32
        %add3A_850 = arith.constant 10 : i32
        %add3A_851 = arith.addi %mul3A_849, %add3A_850 : i32
        %lt3A_852 = arith.cmpi slt, %add3A_851, %scan3A_724 : i32
        %convert_element_type3A_853 = arith.extui %lt3A_852 : i1 to i32
        %cond3A_854 = arith.constant 0 : i32
        %cond3A_855 = arith.cmpi ne, %convert_element_type3A_853, %cond3A_854 : i32
        scf.if %cond3A_855 {
          %slice3A = vector.extract_strided_slice %get3A_739 {offsets = [10], sizes = [1], strides = [1]} : vector<16xi32> to vector<1xi32>
          %squeeze3A = vector.extract %slice3A[0] : i32 from vector<1xi32>
          %shift_right_logical3A_1043 = arith.constant 12 : i32
          %shift_right_logical3A_1044 = arith.shrui %squeeze3A, %shift_right_logical3A_1043 : i32
          %jit3A_1045 = arith.constant 50 : i32
          %div3A_1046 = arith.divsi %shift_right_logical3A_1044, %jit3A_1045 : i32
          %sign3A_1047 = arith.constant 0 : i32
          %sign3A_1048 = arith.cmpi sgt, %shift_right_logical3A_1044, %sign3A_1047 : i32
          %sign3A_1049 = arith.extui %sign3A_1048 : i1 to i32
          %sign3A_1050 = arith.constant 0 : i32
          %sign3A_1051 = arith.cmpi slt, %shift_right_logical3A_1044, %sign3A_1050 : i32
          %sign3A_1052 = arith.extui %sign3A_1051 : i1 to i32
          %sign3A_1053 = arith.subi %sign3A_1049, %sign3A_1052 : i32
          %sign3A_1054 = arith.constant 0 : i32
          %sign3A_1055 = arith.cmpi sgt, %jit3A_1045, %sign3A_1054 : i32
          %sign3A_1056 = arith.extui %sign3A_1055 : i1 to i32
          %sign3A_1057 = arith.constant 0 : i32
          %sign3A_1058 = arith.cmpi slt, %jit3A_1045, %sign3A_1057 : i32
          %sign3A_1059 = arith.extui %sign3A_1058 : i1 to i32
          %sign3A_1060 = arith.subi %sign3A_1056, %sign3A_1059 : i32
          %ne3A_1061 = arith.cmpi ne, %sign3A_1053, %sign3A_1060 : i32
          %rem3A_1062 = arith.remsi %shift_right_logical3A_1044, %jit3A_1045 : i32
          %ne3A_1063 = arith.constant 0 : i32
          %ne3A_1064 = arith.cmpi ne, %rem3A_1062, %ne3A_1063 : i32
          %and3A_1065 = arith.andi %ne3A_1061, %ne3A_1064 : i1
          %sub3A_1066 = arith.constant 1 : i32
          %sub3A_1067 = arith.subi %div3A_1046, %sub3A_1066 : i32
          %select_n3A_1068 = arith.select %and3A_1065, %sub3A_1067, %div3A_1046 : i32
          %add3A_1069 = arith.addi %mul3A_4, %select_n3A_1068 : i32
          %and3A_1070 = arith.constant -8 : i32
          %and3A_1071 = arith.andi %add3A_1069, %and3A_1070 : i32
          %multiple_of3A_1072 = tpu.assume_multiple %and3A_1071, 8 : i32
          %and3A_1073 = arith.constant 3968 : i32
          %and3A_1074 = arith.andi %squeeze3A, %and3A_1073 : i32
          %multiple_of3A_1075 = tpu.assume_multiple %and3A_1074, 128 : i32
          %dma_start3A = arith.constant 80 : i32
          %dma_start3A_1076 = arith.constant 0 : i32
          %dma_start3A_1077 = tpu.memref_slice %arg13[%dma_start3A, %dma_start3A_1076] : memref<128x128xf32, #tpu.memory_space<vmem>> -> memref<8x128xf32, #tpu.memory_space<vmem>>
          %dma_start3A_1078 = tpu.memref_slice %arg4[%multiple_of3A_1072, %multiple_of3A_1075] : memref<4096x4096xf32, #tpu.memory_space<hbm>> -> memref<8x128xf32, #tpu.memory_space<hbm>>
          %dma_start3A_1079 = arith.constant 80 : i32
          %dma_start3A_1080 = arith.constant 0 : i32
          %dma_start3A_1081 = tpu.memref_slice %arg13[%dma_start3A_1079, %dma_start3A_1080] : memref<128x128xf32, #tpu.memory_space<vmem>> -> memref<8x128xf32, #tpu.memory_space<vmem>>
          %dma_start3A_1082 = tpu.memref_slice %arg4[%multiple_of3A_1072, %multiple_of3A_1075] : memref<4096x4096xf32, #tpu.memory_space<hbm>> -> memref<8x128xf32, #tpu.memory_space<hbm>>
          tpu.enqueue_dma source(%dma_start3A_1082 : memref<8x128xf32, #tpu.memory_space<hbm>>) target(%dma_start3A_1081 : memref<8x128xf32, #tpu.memory_space<vmem>>) target_semaphore(%arg17 : memref<!tpu.dma_semaphore, #tpu.memory_space<semaphore_mem>>)
        } else {
        }
        %mul3A_856 = arith.constant 16 : i32
        %mul3A_857 = arith.muli %scan3A_731, %mul3A_856 : i32
        %add3A_858 = arith.constant 11 : i32
        %add3A_859 = arith.addi %mul3A_857, %add3A_858 : i32
        %lt3A_860 = arith.cmpi slt, %add3A_859, %scan3A_724 : i32
        %convert_element_type3A_861 = arith.extui %lt3A_860 : i1 to i32
        %cond3A_862 = arith.constant 0 : i32
        %cond3A_863 = arith.cmpi ne, %convert_element_type3A_861, %cond3A_862 : i32
        scf.if %cond3A_863 {
          %slice3A = vector.extract_strided_slice %get3A_739 {offsets = [11], sizes = [1], strides = [1]} : vector<16xi32> to vector<1xi32>
          %squeeze3A = vector.extract %slice3A[0] : i32 from vector<1xi32>
          %shift_right_logical3A_1043 = arith.constant 12 : i32
          %shift_right_logical3A_1044 = arith.shrui %squeeze3A, %shift_right_logical3A_1043 : i32
          %jit3A_1045 = arith.constant 50 : i32
          %div3A_1046 = arith.divsi %shift_right_logical3A_1044, %jit3A_1045 : i32
          %sign3A_1047 = arith.constant 0 : i32
          %sign3A_1048 = arith.cmpi sgt, %shift_right_logical3A_1044, %sign3A_1047 : i32
          %sign3A_1049 = arith.extui %sign3A_1048 : i1 to i32
          %sign3A_1050 = arith.constant 0 : i32
          %sign3A_1051 = arith.cmpi slt, %shift_right_logical3A_1044, %sign3A_1050 : i32
          %sign3A_1052 = arith.extui %sign3A_1051 : i1 to i32
          %sign3A_1053 = arith.subi %sign3A_1049, %sign3A_1052 : i32
          %sign3A_1054 = arith.constant 0 : i32
          %sign3A_1055 = arith.cmpi sgt, %jit3A_1045, %sign3A_1054 : i32
          %sign3A_1056 = arith.extui %sign3A_1055 : i1 to i32
          %sign3A_1057 = arith.constant 0 : i32
          %sign3A_1058 = arith.cmpi slt, %jit3A_1045, %sign3A_1057 : i32
          %sign3A_1059 = arith.extui %sign3A_1058 : i1 to i32
          %sign3A_1060 = arith.subi %sign3A_1056, %sign3A_1059 : i32
          %ne3A_1061 = arith.cmpi ne, %sign3A_1053, %sign3A_1060 : i32
          %rem3A_1062 = arith.remsi %shift_right_logical3A_1044, %jit3A_1045 : i32
          %ne3A_1063 = arith.constant 0 : i32
          %ne3A_1064 = arith.cmpi ne, %rem3A_1062, %ne3A_1063 : i32
          %and3A_1065 = arith.andi %ne3A_1061, %ne3A_1064 : i1
          %sub3A_1066 = arith.constant 1 : i32
          %sub3A_1067 = arith.subi %div3A_1046, %sub3A_1066 : i32
          %select_n3A_1068 = arith.select %and3A_1065, %sub3A_1067, %div3A_1046 : i32
          %add3A_1069 = arith.addi %mul3A_4, %select_n3A_1068 : i32
          %and3A_1070 = arith.constant -8 : i32
          %and3A_1071 = arith.andi %add3A_1069, %and3A_1070 : i32
          %multiple_of3A_1072 = tpu.assume_multiple %and3A_1071, 8 : i32
          %and3A_1073 = arith.constant 3968 : i32
          %and3A_1074 = arith.andi %squeeze3A, %and3A_1073 : i32
          %multiple_of3A_1075 = tpu.assume_multiple %and3A_1074, 128 : i32
          %dma_start3A = arith.constant 88 : i32
          %dma_start3A_1076 = arith.constant 0 : i32
          %dma_start3A_1077 = tpu.memref_slice %arg13[%dma_start3A, %dma_start3A_1076] : memref<128x128xf32, #tpu.memory_space<vmem>> -> memref<8x128xf32, #tpu.memory_space<vmem>>
          %dma_start3A_1078 = tpu.memref_slice %arg4[%multiple_of3A_1072, %multiple_of3A_1075] : memref<4096x4096xf32, #tpu.memory_space<hbm>> -> memref<8x128xf32, #tpu.memory_space<hbm>>
          %dma_start3A_1079 = arith.constant 88 : i32
          %dma_start3A_1080 = arith.constant 0 : i32
          %dma_start3A_1081 = tpu.memref_slice %arg13[%dma_start3A_1079, %dma_start3A_1080] : memref<128x128xf32, #tpu.memory_space<vmem>> -> memref<8x128xf32, #tpu.memory_space<vmem>>
          %dma_start3A_1082 = tpu.memref_slice %arg4[%multiple_of3A_1072, %multiple_of3A_1075] : memref<4096x4096xf32, #tpu.memory_space<hbm>> -> memref<8x128xf32, #tpu.memory_space<hbm>>
          tpu.enqueue_dma source(%dma_start3A_1082 : memref<8x128xf32, #tpu.memory_space<hbm>>) target(%dma_start3A_1081 : memref<8x128xf32, #tpu.memory_space<vmem>>) target_semaphore(%arg17 : memref<!tpu.dma_semaphore, #tpu.memory_space<semaphore_mem>>)
        } else {
        }
        %mul3A_864 = arith.constant 16 : i32
        %mul3A_865 = arith.muli %scan3A_731, %mul3A_864 : i32
        %add3A_866 = arith.constant 12 : i32
        %add3A_867 = arith.addi %mul3A_865, %add3A_866 : i32
        %lt3A_868 = arith.cmpi slt, %add3A_867, %scan3A_724 : i32
        %convert_element_type3A_869 = arith.extui %lt3A_868 : i1 to i32
        %cond3A_870 = arith.constant 0 : i32
        %cond3A_871 = arith.cmpi ne, %convert_element_type3A_869, %cond3A_870 : i32
        scf.if %cond3A_871 {
          %slice3A = vector.extract_strided_slice %get3A_739 {offsets = [12], sizes = [1], strides = [1]} : vector<16xi32> to vector<1xi32>
          %squeeze3A = vector.extract %slice3A[0] : i32 from vector<1xi32>
          %shift_right_logical3A_1043 = arith.constant 12 : i32
          %shift_right_logical3A_1044 = arith.shrui %squeeze3A, %shift_right_logical3A_1043 : i32
          %jit3A_1045 = arith.constant 50 : i32
          %div3A_1046 = arith.divsi %shift_right_logical3A_1044, %jit3A_1045 : i32
          %sign3A_1047 = arith.constant 0 : i32
          %sign3A_1048 = arith.cmpi sgt, %shift_right_logical3A_1044, %sign3A_1047 : i32
          %sign3A_1049 = arith.extui %sign3A_1048 : i1 to i32
          %sign3A_1050 = arith.constant 0 : i32
          %sign3A_1051 = arith.cmpi slt, %shift_right_logical3A_1044, %sign3A_1050 : i32
          %sign3A_1052 = arith.extui %sign3A_1051 : i1 to i32
          %sign3A_1053 = arith.subi %sign3A_1049, %sign3A_1052 : i32
          %sign3A_1054 = arith.constant 0 : i32
          %sign3A_1055 = arith.cmpi sgt, %jit3A_1045, %sign3A_1054 : i32
          %sign3A_1056 = arith.extui %sign3A_1055 : i1 to i32
          %sign3A_1057 = arith.constant 0 : i32
          %sign3A_1058 = arith.cmpi slt, %jit3A_1045, %sign3A_1057 : i32
          %sign3A_1059 = arith.extui %sign3A_1058 : i1 to i32
          %sign3A_1060 = arith.subi %sign3A_1056, %sign3A_1059 : i32
          %ne3A_1061 = arith.cmpi ne, %sign3A_1053, %sign3A_1060 : i32
          %rem3A_1062 = arith.remsi %shift_right_logical3A_1044, %jit3A_1045 : i32
          %ne3A_1063 = arith.constant 0 : i32
          %ne3A_1064 = arith.cmpi ne, %rem3A_1062, %ne3A_1063 : i32
          %and3A_1065 = arith.andi %ne3A_1061, %ne3A_1064 : i1
          %sub3A_1066 = arith.constant 1 : i32
          %sub3A_1067 = arith.subi %div3A_1046, %sub3A_1066 : i32
          %select_n3A_1068 = arith.select %and3A_1065, %sub3A_1067, %div3A_1046 : i32
          %add3A_1069 = arith.addi %mul3A_4, %select_n3A_1068 : i32
          %and3A_1070 = arith.constant -8 : i32
          %and3A_1071 = arith.andi %add3A_1069, %and3A_1070 : i32
          %multiple_of3A_1072 = tpu.assume_multiple %and3A_1071, 8 : i32
          %and3A_1073 = arith.constant 3968 : i32
          %and3A_1074 = arith.andi %squeeze3A, %and3A_1073 : i32
          %multiple_of3A_1075 = tpu.assume_multiple %and3A_1074, 128 : i32
          %dma_start3A = arith.constant 96 : i32
          %dma_start3A_1076 = arith.constant 0 : i32
          %dma_start3A_1077 = tpu.memref_slice %arg13[%dma_start3A, %dma_start3A_1076] : memref<128x128xf32, #tpu.memory_space<vmem>> -> memref<8x128xf32, #tpu.memory_space<vmem>>
          %dma_start3A_1078 = tpu.memref_slice %arg4[%multiple_of3A_1072, %multiple_of3A_1075] : memref<4096x4096xf32, #tpu.memory_space<hbm>> -> memref<8x128xf32, #tpu.memory_space<hbm>>
          %dma_start3A_1079 = arith.constant 96 : i32
          %dma_start3A_1080 = arith.constant 0 : i32
          %dma_start3A_1081 = tpu.memref_slice %arg13[%dma_start3A_1079, %dma_start3A_1080] : memref<128x128xf32, #tpu.memory_space<vmem>> -> memref<8x128xf32, #tpu.memory_space<vmem>>
          %dma_start3A_1082 = tpu.memref_slice %arg4[%multiple_of3A_1072, %multiple_of3A_1075] : memref<4096x4096xf32, #tpu.memory_space<hbm>> -> memref<8x128xf32, #tpu.memory_space<hbm>>
          tpu.enqueue_dma source(%dma_start3A_1082 : memref<8x128xf32, #tpu.memory_space<hbm>>) target(%dma_start3A_1081 : memref<8x128xf32, #tpu.memory_space<vmem>>) target_semaphore(%arg17 : memref<!tpu.dma_semaphore, #tpu.memory_space<semaphore_mem>>)
        } else {
        }
        %mul3A_872 = arith.constant 16 : i32
        %mul3A_873 = arith.muli %scan3A_731, %mul3A_872 : i32
        %add3A_874 = arith.constant 13 : i32
        %add3A_875 = arith.addi %mul3A_873, %add3A_874 : i32
        %lt3A_876 = arith.cmpi slt, %add3A_875, %scan3A_724 : i32
        %convert_element_type3A_877 = arith.extui %lt3A_876 : i1 to i32
        %cond3A_878 = arith.constant 0 : i32
        %cond3A_879 = arith.cmpi ne, %convert_element_type3A_877, %cond3A_878 : i32
        scf.if %cond3A_879 {
          %slice3A = vector.extract_strided_slice %get3A_739 {offsets = [13], sizes = [1], strides = [1]} : vector<16xi32> to vector<1xi32>
          %squeeze3A = vector.extract %slice3A[0] : i32 from vector<1xi32>
          %shift_right_logical3A_1043 = arith.constant 12 : i32
          %shift_right_logical3A_1044 = arith.shrui %squeeze3A, %shift_right_logical3A_1043 : i32
          %jit3A_1045 = arith.constant 50 : i32
          %div3A_1046 = arith.divsi %shift_right_logical3A_1044, %jit3A_1045 : i32
          %sign3A_1047 = arith.constant 0 : i32
          %sign3A_1048 = arith.cmpi sgt, %shift_right_logical3A_1044, %sign3A_1047 : i32
          %sign3A_1049 = arith.extui %sign3A_1048 : i1 to i32
          %sign3A_1050 = arith.constant 0 : i32
          %sign3A_1051 = arith.cmpi slt, %shift_right_logical3A_1044, %sign3A_1050 : i32
          %sign3A_1052 = arith.extui %sign3A_1051 : i1 to i32
          %sign3A_1053 = arith.subi %sign3A_1049, %sign3A_1052 : i32
          %sign3A_1054 = arith.constant 0 : i32
          %sign3A_1055 = arith.cmpi sgt, %jit3A_1045, %sign3A_1054 : i32
          %sign3A_1056 = arith.extui %sign3A_1055 : i1 to i32
          %sign3A_1057 = arith.constant 0 : i32
          %sign3A_1058 = arith.cmpi slt, %jit3A_1045, %sign3A_1057 : i32
          %sign3A_1059 = arith.extui %sign3A_1058 : i1 to i32
          %sign3A_1060 = arith.subi %sign3A_1056, %sign3A_1059 : i32
          %ne3A_1061 = arith.cmpi ne, %sign3A_1053, %sign3A_1060 : i32
          %rem3A_1062 = arith.remsi %shift_right_logical3A_1044, %jit3A_1045 : i32
          %ne3A_1063 = arith.constant 0 : i32
          %ne3A_1064 = arith.cmpi ne, %rem3A_1062, %ne3A_1063 : i32
          %and3A_1065 = arith.andi %ne3A_1061, %ne3A_1064 : i1
          %sub3A_1066 = arith.constant 1 : i32
          %sub3A_1067 = arith.subi %div3A_1046, %sub3A_1066 : i32
          %select_n3A_1068 = arith.select %and3A_1065, %sub3A_1067, %div3A_1046 : i32
          %add3A_1069 = arith.addi %mul3A_4, %select_n3A_1068 : i32
          %and3A_1070 = arith.constant -8 : i32
          %and3A_1071 = arith.andi %add3A_1069, %and3A_1070 : i32
          %multiple_of3A_1072 = tpu.assume_multiple %and3A_1071, 8 : i32
          %and3A_1073 = arith.constant 3968 : i32
          %and3A_1074 = arith.andi %squeeze3A, %and3A_1073 : i32
          %multiple_of3A_1075 = tpu.assume_multiple %and3A_1074, 128 : i32
          %dma_start3A = arith.constant 104 : i32
          %dma_start3A_1076 = arith.constant 0 : i32
          %dma_start3A_1077 = tpu.memref_slice %arg13[%dma_start3A, %dma_start3A_1076] : memref<128x128xf32, #tpu.memory_space<vmem>> -> memref<8x128xf32, #tpu.memory_space<vmem>>
          %dma_start3A_1078 = tpu.memref_slice %arg4[%multiple_of3A_1072, %multiple_of3A_1075] : memref<4096x4096xf32, #tpu.memory_space<hbm>> -> memref<8x128xf32, #tpu.memory_space<hbm>>
          %dma_start3A_1079 = arith.constant 104 : i32
          %dma_start3A_1080 = arith.constant 0 : i32
          %dma_start3A_1081 = tpu.memref_slice %arg13[%dma_start3A_1079, %dma_start3A_1080] : memref<128x128xf32, #tpu.memory_space<vmem>> -> memref<8x128xf32, #tpu.memory_space<vmem>>
          %dma_start3A_1082 = tpu.memref_slice %arg4[%multiple_of3A_1072, %multiple_of3A_1075] : memref<4096x4096xf32, #tpu.memory_space<hbm>> -> memref<8x128xf32, #tpu.memory_space<hbm>>
          tpu.enqueue_dma source(%dma_start3A_1082 : memref<8x128xf32, #tpu.memory_space<hbm>>) target(%dma_start3A_1081 : memref<8x128xf32, #tpu.memory_space<vmem>>) target_semaphore(%arg17 : memref<!tpu.dma_semaphore, #tpu.memory_space<semaphore_mem>>)
        } else {
        }
        %mul3A_880 = arith.constant 16 : i32
        %mul3A_881 = arith.muli %scan3A_731, %mul3A_880 : i32
        %add3A_882 = arith.constant 14 : i32
        %add3A_883 = arith.addi %mul3A_881, %add3A_882 : i32
        %lt3A_884 = arith.cmpi slt, %add3A_883, %scan3A_724 : i32
        %convert_element_type3A_885 = arith.extui %lt3A_884 : i1 to i32
        %cond3A_886 = arith.constant 0 : i32
        %cond3A_887 = arith.cmpi ne, %convert_element_type3A_885, %cond3A_886 : i32
        scf.if %cond3A_887 {
          %slice3A = vector.extract_strided_slice %get3A_739 {offsets = [14], sizes = [1], strides = [1]} : vector<16xi32> to vector<1xi32>
          %squeeze3A = vector.extract %slice3A[0] : i32 from vector<1xi32>
          %shift_right_logical3A_1043 = arith.constant 12 : i32
          %shift_right_logical3A_1044 = arith.shrui %squeeze3A, %shift_right_logical3A_1043 : i32
          %jit3A_1045 = arith.constant 50 : i32
          %div3A_1046 = arith.divsi %shift_right_logical3A_1044, %jit3A_1045 : i32
          %sign3A_1047 = arith.constant 0 : i32
          %sign3A_1048 = arith.cmpi sgt, %shift_right_logical3A_1044, %sign3A_1047 : i32
          %sign3A_1049 = arith.extui %sign3A_1048 : i1 to i32
          %sign3A_1050 = arith.constant 0 : i32
          %sign3A_1051 = arith.cmpi slt, %shift_right_logical3A_1044, %sign3A_1050 : i32
          %sign3A_1052 = arith.extui %sign3A_1051 : i1 to i32
          %sign3A_1053 = arith.subi %sign3A_1049, %sign3A_1052 : i32
          %sign3A_1054 = arith.constant 0 : i32
          %sign3A_1055 = arith.cmpi sgt, %jit3A_1045, %sign3A_1054 : i32
          %sign3A_1056 = arith.extui %sign3A_1055 : i1 to i32
          %sign3A_1057 = arith.constant 0 : i32
          %sign3A_1058 = arith.cmpi slt, %jit3A_1045, %sign3A_1057 : i32
          %sign3A_1059 = arith.extui %sign3A_1058 : i1 to i32
          %sign3A_1060 = arith.subi %sign3A_1056, %sign3A_1059 : i32
          %ne3A_1061 = arith.cmpi ne, %sign3A_1053, %sign3A_1060 : i32
          %rem3A_1062 = arith.remsi %shift_right_logical3A_1044, %jit3A_1045 : i32
          %ne3A_1063 = arith.constant 0 : i32
          %ne3A_1064 = arith.cmpi ne, %rem3A_1062, %ne3A_1063 : i32
          %and3A_1065 = arith.andi %ne3A_1061, %ne3A_1064 : i1
          %sub3A_1066 = arith.constant 1 : i32
          %sub3A_1067 = arith.subi %div3A_1046, %sub3A_1066 : i32
          %select_n3A_1068 = arith.select %and3A_1065, %sub3A_1067, %div3A_1046 : i32
          %add3A_1069 = arith.addi %mul3A_4, %select_n3A_1068 : i32
          %and3A_1070 = arith.constant -8 : i32
          %and3A_1071 = arith.andi %add3A_1069, %and3A_1070 : i32
          %multiple_of3A_1072 = tpu.assume_multiple %and3A_1071, 8 : i32
          %and3A_1073 = arith.constant 3968 : i32
          %and3A_1074 = arith.andi %squeeze3A, %and3A_1073 : i32
          %multiple_of3A_1075 = tpu.assume_multiple %and3A_1074, 128 : i32
          %dma_start3A = arith.constant 112 : i32
          %dma_start3A_1076 = arith.constant 0 : i32
          %dma_start3A_1077 = tpu.memref_slice %arg13[%dma_start3A, %dma_start3A_1076] : memref<128x128xf32, #tpu.memory_space<vmem>> -> memref<8x128xf32, #tpu.memory_space<vmem>>
          %dma_start3A_1078 = tpu.memref_slice %arg4[%multiple_of3A_1072, %multiple_of3A_1075] : memref<4096x4096xf32, #tpu.memory_space<hbm>> -> memref<8x128xf32, #tpu.memory_space<hbm>>
          %dma_start3A_1079 = arith.constant 112 : i32
          %dma_start3A_1080 = arith.constant 0 : i32
          %dma_start3A_1081 = tpu.memref_slice %arg13[%dma_start3A_1079, %dma_start3A_1080] : memref<128x128xf32, #tpu.memory_space<vmem>> -> memref<8x128xf32, #tpu.memory_space<vmem>>
          %dma_start3A_1082 = tpu.memref_slice %arg4[%multiple_of3A_1072, %multiple_of3A_1075] : memref<4096x4096xf32, #tpu.memory_space<hbm>> -> memref<8x128xf32, #tpu.memory_space<hbm>>
          tpu.enqueue_dma source(%dma_start3A_1082 : memref<8x128xf32, #tpu.memory_space<hbm>>) target(%dma_start3A_1081 : memref<8x128xf32, #tpu.memory_space<vmem>>) target_semaphore(%arg17 : memref<!tpu.dma_semaphore, #tpu.memory_space<semaphore_mem>>)
        } else {
        }
        %mul3A_888 = arith.constant 16 : i32
        %mul3A_889 = arith.muli %scan3A_731, %mul3A_888 : i32
        %add3A_890 = arith.constant 15 : i32
        %add3A_891 = arith.addi %mul3A_889, %add3A_890 : i32
        %lt3A_892 = arith.cmpi slt, %add3A_891, %scan3A_724 : i32
        %convert_element_type3A_893 = arith.extui %lt3A_892 : i1 to i32
        %cond3A_894 = arith.constant 0 : i32
        %cond3A_895 = arith.cmpi ne, %convert_element_type3A_893, %cond3A_894 : i32
        scf.if %cond3A_895 {
          %slice3A = vector.extract_strided_slice %get3A_739 {offsets = [15], sizes = [1], strides = [1]} : vector<16xi32> to vector<1xi32>
          %squeeze3A = vector.extract %slice3A[0] : i32 from vector<1xi32>
          %shift_right_logical3A_1043 = arith.constant 12 : i32
          %shift_right_logical3A_1044 = arith.shrui %squeeze3A, %shift_right_logical3A_1043 : i32
          %jit3A_1045 = arith.constant 50 : i32
          %div3A_1046 = arith.divsi %shift_right_logical3A_1044, %jit3A_1045 : i32
          %sign3A_1047 = arith.constant 0 : i32
          %sign3A_1048 = arith.cmpi sgt, %shift_right_logical3A_1044, %sign3A_1047 : i32
          %sign3A_1049 = arith.extui %sign3A_1048 : i1 to i32
          %sign3A_1050 = arith.constant 0 : i32
          %sign3A_1051 = arith.cmpi slt, %shift_right_logical3A_1044, %sign3A_1050 : i32
          %sign3A_1052 = arith.extui %sign3A_1051 : i1 to i32
          %sign3A_1053 = arith.subi %sign3A_1049, %sign3A_1052 : i32
          %sign3A_1054 = arith.constant 0 : i32
          %sign3A_1055 = arith.cmpi sgt, %jit3A_1045, %sign3A_1054 : i32
          %sign3A_1056 = arith.extui %sign3A_1055 : i1 to i32
          %sign3A_1057 = arith.constant 0 : i32
          %sign3A_1058 = arith.cmpi slt, %jit3A_1045, %sign3A_1057 : i32
          %sign3A_1059 = arith.extui %sign3A_1058 : i1 to i32
          %sign3A_1060 = arith.subi %sign3A_1056, %sign3A_1059 : i32
          %ne3A_1061 = arith.cmpi ne, %sign3A_1053, %sign3A_1060 : i32
          %rem3A_1062 = arith.remsi %shift_right_logical3A_1044, %jit3A_1045 : i32
          %ne3A_1063 = arith.constant 0 : i32
          %ne3A_1064 = arith.cmpi ne, %rem3A_1062, %ne3A_1063 : i32
          %and3A_1065 = arith.andi %ne3A_1061, %ne3A_1064 : i1
          %sub3A_1066 = arith.constant 1 : i32
          %sub3A_1067 = arith.subi %div3A_1046, %sub3A_1066 : i32
          %select_n3A_1068 = arith.select %and3A_1065, %sub3A_1067, %div3A_1046 : i32
          %add3A_1069 = arith.addi %mul3A_4, %select_n3A_1068 : i32
          %and3A_1070 = arith.constant -8 : i32
          %and3A_1071 = arith.andi %add3A_1069, %and3A_1070 : i32
          %multiple_of3A_1072 = tpu.assume_multiple %and3A_1071, 8 : i32
          %and3A_1073 = arith.constant 3968 : i32
          %and3A_1074 = arith.andi %squeeze3A, %and3A_1073 : i32
          %multiple_of3A_1075 = tpu.assume_multiple %and3A_1074, 128 : i32
          %dma_start3A = arith.constant 120 : i32
          %dma_start3A_1076 = arith.constant 0 : i32
          %dma_start3A_1077 = tpu.memref_slice %arg13[%dma_start3A, %dma_start3A_1076] : memref<128x128xf32, #tpu.memory_space<vmem>> -> memref<8x128xf32, #tpu.memory_space<vmem>>
          %dma_start3A_1078 = tpu.memref_slice %arg4[%multiple_of3A_1072, %multiple_of3A_1075] : memref<4096x4096xf32, #tpu.memory_space<hbm>> -> memref<8x128xf32, #tpu.memory_space<hbm>>
          %dma_start3A_1079 = arith.constant 120 : i32
          %dma_start3A_1080 = arith.constant 0 : i32
          %dma_start3A_1081 = tpu.memref_slice %arg13[%dma_start3A_1079, %dma_start3A_1080] : memref<128x128xf32, #tpu.memory_space<vmem>> -> memref<8x128xf32, #tpu.memory_space<vmem>>
          %dma_start3A_1082 = tpu.memref_slice %arg4[%multiple_of3A_1072, %multiple_of3A_1075] : memref<4096x4096xf32, #tpu.memory_space<hbm>> -> memref<8x128xf32, #tpu.memory_space<hbm>>
          tpu.enqueue_dma source(%dma_start3A_1082 : memref<8x128xf32, #tpu.memory_space<hbm>>) target(%dma_start3A_1081 : memref<8x128xf32, #tpu.memory_space<vmem>>) target_semaphore(%arg17 : memref<!tpu.dma_semaphore, #tpu.memory_space<semaphore_mem>>)
        } else {
        }
        %mul3A_896 = arith.constant 16 : i32
        %mul3A_897 = arith.muli %scan3A_731, %mul3A_896 : i32
        %add3A_898 = arith.constant 0 : i32
        %add3A_899 = arith.addi %mul3A_897, %add3A_898 : i32
        %lt3A_900 = arith.cmpi slt, %add3A_899, %scan3A_724 : i32
        %convert_element_type3A_901 = arith.extui %lt3A_900 : i1 to i32
        %cond3A_902 = arith.constant 0 : i32
        %cond3A_903 = arith.cmpi ne, %convert_element_type3A_901, %cond3A_902 : i32
        scf.if %cond3A_903 {
          %dma_wait3A_1043 = arith.constant 0 : i32
          %dma_wait3A_1044 = arith.constant 0 : i32
          %dma_wait3A_1045 = tpu.memref_slice %arg13[%dma_wait3A_1043, %dma_wait3A_1044] : memref<128x128xf32, #tpu.memory_space<vmem>> -> memref<8x128xf32, #tpu.memory_space<vmem>>
          %dma_wait3A_1046 = arith.constant 0 : i32
          %dma_wait3A_1047 = arith.constant 0 : i32
          %dma_wait3A_1048 = tpu.memref_slice %arg4[%dma_wait3A_1046, %dma_wait3A_1047] : memref<4096x4096xf32, #tpu.memory_space<hbm>> -> memref<8x128xf32, #tpu.memory_space<hbm>>
          %dma_wait3A_1049 = arith.constant 0 : i32
          %dma_wait3A_1050 = arith.constant 0 : i32
          %dma_wait3A_1051 = tpu.memref_slice %arg13[%dma_wait3A_1049, %dma_wait3A_1050] : memref<128x128xf32, #tpu.memory_space<vmem>> -> memref<8x128xf32, #tpu.memory_space<vmem>>
          %dma_wait3A_1052 = arith.constant 0 : i32
          %dma_wait3A_1053 = arith.constant 0 : i32
          %dma_wait3A_1054 = tpu.memref_slice %arg4[%dma_wait3A_1052, %dma_wait3A_1053] : memref<4096x4096xf32, #tpu.memory_space<hbm>> -> memref<8x128xf32, #tpu.memory_space<hbm>>
          tpu.wait_dma2 semaphore(%arg17 : memref<!tpu.dma_semaphore, #tpu.memory_space<semaphore_mem>>) src(%dma_wait3A_1054 : memref<8x128xf32, #tpu.memory_space<hbm>>) dst(%dma_wait3A_1051 : memref<8x128xf32, #tpu.memory_space<vmem>>)
        } else {
        }
        %mul3A_904 = arith.constant 16 : i32
        %mul3A_905 = arith.muli %scan3A_731, %mul3A_904 : i32
        %add3A_906 = arith.constant 1 : i32
        %add3A_907 = arith.addi %mul3A_905, %add3A_906 : i32
        %lt3A_908 = arith.cmpi slt, %add3A_907, %scan3A_724 : i32
        %convert_element_type3A_909 = arith.extui %lt3A_908 : i1 to i32
        %cond3A_910 = arith.constant 0 : i32
        %cond3A_911 = arith.cmpi ne, %convert_element_type3A_909, %cond3A_910 : i32
        scf.if %cond3A_911 {
          %dma_wait3A_1043 = arith.constant 8 : i32
          %dma_wait3A_1044 = arith.constant 0 : i32
          %dma_wait3A_1045 = tpu.memref_slice %arg13[%dma_wait3A_1043, %dma_wait3A_1044] : memref<128x128xf32, #tpu.memory_space<vmem>> -> memref<8x128xf32, #tpu.memory_space<vmem>>
          %dma_wait3A_1046 = arith.constant 0 : i32
          %dma_wait3A_1047 = arith.constant 0 : i32
          %dma_wait3A_1048 = tpu.memref_slice %arg4[%dma_wait3A_1046, %dma_wait3A_1047] : memref<4096x4096xf32, #tpu.memory_space<hbm>> -> memref<8x128xf32, #tpu.memory_space<hbm>>
          %dma_wait3A_1049 = arith.constant 8 : i32
          %dma_wait3A_1050 = arith.constant 0 : i32
          %dma_wait3A_1051 = tpu.memref_slice %arg13[%dma_wait3A_1049, %dma_wait3A_1050] : memref<128x128xf32, #tpu.memory_space<vmem>> -> memref<8x128xf32, #tpu.memory_space<vmem>>
          %dma_wait3A_1052 = arith.constant 0 : i32
          %dma_wait3A_1053 = arith.constant 0 : i32
          %dma_wait3A_1054 = tpu.memref_slice %arg4[%dma_wait3A_1052, %dma_wait3A_1053] : memref<4096x4096xf32, #tpu.memory_space<hbm>> -> memref<8x128xf32, #tpu.memory_space<hbm>>
          tpu.wait_dma2 semaphore(%arg17 : memref<!tpu.dma_semaphore, #tpu.memory_space<semaphore_mem>>) src(%dma_wait3A_1054 : memref<8x128xf32, #tpu.memory_space<hbm>>) dst(%dma_wait3A_1051 : memref<8x128xf32, #tpu.memory_space<vmem>>)
        } else {
        }
        %mul3A_912 = arith.constant 16 : i32
        %mul3A_913 = arith.muli %scan3A_731, %mul3A_912 : i32
        %add3A_914 = arith.constant 2 : i32
        %add3A_915 = arith.addi %mul3A_913, %add3A_914 : i32
        %lt3A_916 = arith.cmpi slt, %add3A_915, %scan3A_724 : i32
        %convert_element_type3A_917 = arith.extui %lt3A_916 : i1 to i32
        %cond3A_918 = arith.constant 0 : i32
        %cond3A_919 = arith.cmpi ne, %convert_element_type3A_917, %cond3A_918 : i32
        scf.if %cond3A_919 {
          %dma_wait3A_1043 = arith.constant 16 : i32
          %dma_wait3A_1044 = arith.constant 0 : i32
          %dma_wait3A_1045 = tpu.memref_slice %arg13[%dma_wait3A_1043, %dma_wait3A_1044] : memref<128x128xf32, #tpu.memory_space<vmem>> -> memref<8x128xf32, #tpu.memory_space<vmem>>
          %dma_wait3A_1046 = arith.constant 0 : i32
          %dma_wait3A_1047 = arith.constant 0 : i32
          %dma_wait3A_1048 = tpu.memref_slice %arg4[%dma_wait3A_1046, %dma_wait3A_1047] : memref<4096x4096xf32, #tpu.memory_space<hbm>> -> memref<8x128xf32, #tpu.memory_space<hbm>>
          %dma_wait3A_1049 = arith.constant 16 : i32
          %dma_wait3A_1050 = arith.constant 0 : i32
          %dma_wait3A_1051 = tpu.memref_slice %arg13[%dma_wait3A_1049, %dma_wait3A_1050] : memref<128x128xf32, #tpu.memory_space<vmem>> -> memref<8x128xf32, #tpu.memory_space<vmem>>
          %dma_wait3A_1052 = arith.constant 0 : i32
          %dma_wait3A_1053 = arith.constant 0 : i32
          %dma_wait3A_1054 = tpu.memref_slice %arg4[%dma_wait3A_1052, %dma_wait3A_1053] : memref<4096x4096xf32, #tpu.memory_space<hbm>> -> memref<8x128xf32, #tpu.memory_space<hbm>>
          tpu.wait_dma2 semaphore(%arg17 : memref<!tpu.dma_semaphore, #tpu.memory_space<semaphore_mem>>) src(%dma_wait3A_1054 : memref<8x128xf32, #tpu.memory_space<hbm>>) dst(%dma_wait3A_1051 : memref<8x128xf32, #tpu.memory_space<vmem>>)
        } else {
        }
        %mul3A_920 = arith.constant 16 : i32
        %mul3A_921 = arith.muli %scan3A_731, %mul3A_920 : i32
        %add3A_922 = arith.constant 3 : i32
        %add3A_923 = arith.addi %mul3A_921, %add3A_922 : i32
        %lt3A_924 = arith.cmpi slt, %add3A_923, %scan3A_724 : i32
        %convert_element_type3A_925 = arith.extui %lt3A_924 : i1 to i32
        %cond3A_926 = arith.constant 0 : i32
        %cond3A_927 = arith.cmpi ne, %convert_element_type3A_925, %cond3A_926 : i32
        scf.if %cond3A_927 {
          %dma_wait3A_1043 = arith.constant 24 : i32
          %dma_wait3A_1044 = arith.constant 0 : i32
          %dma_wait3A_1045 = tpu.memref_slice %arg13[%dma_wait3A_1043, %dma_wait3A_1044] : memref<128x128xf32, #tpu.memory_space<vmem>> -> memref<8x128xf32, #tpu.memory_space<vmem>>
          %dma_wait3A_1046 = arith.constant 0 : i32
          %dma_wait3A_1047 = arith.constant 0 : i32
          %dma_wait3A_1048 = tpu.memref_slice %arg4[%dma_wait3A_1046, %dma_wait3A_1047] : memref<4096x4096xf32, #tpu.memory_space<hbm>> -> memref<8x128xf32, #tpu.memory_space<hbm>>
          %dma_wait3A_1049 = arith.constant 24 : i32
          %dma_wait3A_1050 = arith.constant 0 : i32
          %dma_wait3A_1051 = tpu.memref_slice %arg13[%dma_wait3A_1049, %dma_wait3A_1050] : memref<128x128xf32, #tpu.memory_space<vmem>> -> memref<8x128xf32, #tpu.memory_space<vmem>>
          %dma_wait3A_1052 = arith.constant 0 : i32
          %dma_wait3A_1053 = arith.constant 0 : i32
          %dma_wait3A_1054 = tpu.memref_slice %arg4[%dma_wait3A_1052, %dma_wait3A_1053] : memref<4096x4096xf32, #tpu.memory_space<hbm>> -> memref<8x128xf32, #tpu.memory_space<hbm>>
          tpu.wait_dma2 semaphore(%arg17 : memref<!tpu.dma_semaphore, #tpu.memory_space<semaphore_mem>>) src(%dma_wait3A_1054 : memref<8x128xf32, #tpu.memory_space<hbm>>) dst(%dma_wait3A_1051 : memref<8x128xf32, #tpu.memory_space<vmem>>)
        } else {
        }
        %mul3A_928 = arith.constant 16 : i32
        %mul3A_929 = arith.muli %scan3A_731, %mul3A_928 : i32
        %add3A_930 = arith.constant 4 : i32
        %add3A_931 = arith.addi %mul3A_929, %add3A_930 : i32
        %lt3A_932 = arith.cmpi slt, %add3A_931, %scan3A_724 : i32
        %convert_element_type3A_933 = arith.extui %lt3A_932 : i1 to i32
        %cond3A_934 = arith.constant 0 : i32
        %cond3A_935 = arith.cmpi ne, %convert_element_type3A_933, %cond3A_934 : i32
        scf.if %cond3A_935 {
          %dma_wait3A_1043 = arith.constant 32 : i32
          %dma_wait3A_1044 = arith.constant 0 : i32
          %dma_wait3A_1045 = tpu.memref_slice %arg13[%dma_wait3A_1043, %dma_wait3A_1044] : memref<128x128xf32, #tpu.memory_space<vmem>> -> memref<8x128xf32, #tpu.memory_space<vmem>>
          %dma_wait3A_1046 = arith.constant 0 : i32
          %dma_wait3A_1047 = arith.constant 0 : i32
          %dma_wait3A_1048 = tpu.memref_slice %arg4[%dma_wait3A_1046, %dma_wait3A_1047] : memref<4096x4096xf32, #tpu.memory_space<hbm>> -> memref<8x128xf32, #tpu.memory_space<hbm>>
          %dma_wait3A_1049 = arith.constant 32 : i32
          %dma_wait3A_1050 = arith.constant 0 : i32
          %dma_wait3A_1051 = tpu.memref_slice %arg13[%dma_wait3A_1049, %dma_wait3A_1050] : memref<128x128xf32, #tpu.memory_space<vmem>> -> memref<8x128xf32, #tpu.memory_space<vmem>>
          %dma_wait3A_1052 = arith.constant 0 : i32
          %dma_wait3A_1053 = arith.constant 0 : i32
          %dma_wait3A_1054 = tpu.memref_slice %arg4[%dma_wait3A_1052, %dma_wait3A_1053] : memref<4096x4096xf32, #tpu.memory_space<hbm>> -> memref<8x128xf32, #tpu.memory_space<hbm>>
          tpu.wait_dma2 semaphore(%arg17 : memref<!tpu.dma_semaphore, #tpu.memory_space<semaphore_mem>>) src(%dma_wait3A_1054 : memref<8x128xf32, #tpu.memory_space<hbm>>) dst(%dma_wait3A_1051 : memref<8x128xf32, #tpu.memory_space<vmem>>)
        } else {
        }
        %mul3A_936 = arith.constant 16 : i32
        %mul3A_937 = arith.muli %scan3A_731, %mul3A_936 : i32
        %add3A_938 = arith.constant 5 : i32
        %add3A_939 = arith.addi %mul3A_937, %add3A_938 : i32
        %lt3A_940 = arith.cmpi slt, %add3A_939, %scan3A_724 : i32
        %convert_element_type3A_941 = arith.extui %lt3A_940 : i1 to i32
        %cond3A_942 = arith.constant 0 : i32
        %cond3A_943 = arith.cmpi ne, %convert_element_type3A_941, %cond3A_942 : i32
        scf.if %cond3A_943 {
          %dma_wait3A_1043 = arith.constant 40 : i32
          %dma_wait3A_1044 = arith.constant 0 : i32
          %dma_wait3A_1045 = tpu.memref_slice %arg13[%dma_wait3A_1043, %dma_wait3A_1044] : memref<128x128xf32, #tpu.memory_space<vmem>> -> memref<8x128xf32, #tpu.memory_space<vmem>>
          %dma_wait3A_1046 = arith.constant 0 : i32
          %dma_wait3A_1047 = arith.constant 0 : i32
          %dma_wait3A_1048 = tpu.memref_slice %arg4[%dma_wait3A_1046, %dma_wait3A_1047] : memref<4096x4096xf32, #tpu.memory_space<hbm>> -> memref<8x128xf32, #tpu.memory_space<hbm>>
          %dma_wait3A_1049 = arith.constant 40 : i32
          %dma_wait3A_1050 = arith.constant 0 : i32
          %dma_wait3A_1051 = tpu.memref_slice %arg13[%dma_wait3A_1049, %dma_wait3A_1050] : memref<128x128xf32, #tpu.memory_space<vmem>> -> memref<8x128xf32, #tpu.memory_space<vmem>>
          %dma_wait3A_1052 = arith.constant 0 : i32
          %dma_wait3A_1053 = arith.constant 0 : i32
          %dma_wait3A_1054 = tpu.memref_slice %arg4[%dma_wait3A_1052, %dma_wait3A_1053] : memref<4096x4096xf32, #tpu.memory_space<hbm>> -> memref<8x128xf32, #tpu.memory_space<hbm>>
          tpu.wait_dma2 semaphore(%arg17 : memref<!tpu.dma_semaphore, #tpu.memory_space<semaphore_mem>>) src(%dma_wait3A_1054 : memref<8x128xf32, #tpu.memory_space<hbm>>) dst(%dma_wait3A_1051 : memref<8x128xf32, #tpu.memory_space<vmem>>)
        } else {
        }
        %mul3A_944 = arith.constant 16 : i32
        %mul3A_945 = arith.muli %scan3A_731, %mul3A_944 : i32
        %add3A_946 = arith.constant 6 : i32
        %add3A_947 = arith.addi %mul3A_945, %add3A_946 : i32
        %lt3A_948 = arith.cmpi slt, %add3A_947, %scan3A_724 : i32
        %convert_element_type3A_949 = arith.extui %lt3A_948 : i1 to i32
        %cond3A_950 = arith.constant 0 : i32
        %cond3A_951 = arith.cmpi ne, %convert_element_type3A_949, %cond3A_950 : i32
        scf.if %cond3A_951 {
          %dma_wait3A_1043 = arith.constant 48 : i32
          %dma_wait3A_1044 = arith.constant 0 : i32
          %dma_wait3A_1045 = tpu.memref_slice %arg13[%dma_wait3A_1043, %dma_wait3A_1044] : memref<128x128xf32, #tpu.memory_space<vmem>> -> memref<8x128xf32, #tpu.memory_space<vmem>>
          %dma_wait3A_1046 = arith.constant 0 : i32
          %dma_wait3A_1047 = arith.constant 0 : i32
          %dma_wait3A_1048 = tpu.memref_slice %arg4[%dma_wait3A_1046, %dma_wait3A_1047] : memref<4096x4096xf32, #tpu.memory_space<hbm>> -> memref<8x128xf32, #tpu.memory_space<hbm>>
          %dma_wait3A_1049 = arith.constant 48 : i32
          %dma_wait3A_1050 = arith.constant 0 : i32
          %dma_wait3A_1051 = tpu.memref_slice %arg13[%dma_wait3A_1049, %dma_wait3A_1050] : memref<128x128xf32, #tpu.memory_space<vmem>> -> memref<8x128xf32, #tpu.memory_space<vmem>>
          %dma_wait3A_1052 = arith.constant 0 : i32
          %dma_wait3A_1053 = arith.constant 0 : i32
          %dma_wait3A_1054 = tpu.memref_slice %arg4[%dma_wait3A_1052, %dma_wait3A_1053] : memref<4096x4096xf32, #tpu.memory_space<hbm>> -> memref<8x128xf32, #tpu.memory_space<hbm>>
          tpu.wait_dma2 semaphore(%arg17 : memref<!tpu.dma_semaphore, #tpu.memory_space<semaphore_mem>>) src(%dma_wait3A_1054 : memref<8x128xf32, #tpu.memory_space<hbm>>) dst(%dma_wait3A_1051 : memref<8x128xf32, #tpu.memory_space<vmem>>)
        } else {
        }
        %mul3A_952 = arith.constant 16 : i32
        %mul3A_953 = arith.muli %scan3A_731, %mul3A_952 : i32
        %add3A_954 = arith.constant 7 : i32
        %add3A_955 = arith.addi %mul3A_953, %add3A_954 : i32
        %lt3A_956 = arith.cmpi slt, %add3A_955, %scan3A_724 : i32
        %convert_element_type3A_957 = arith.extui %lt3A_956 : i1 to i32
        %cond3A_958 = arith.constant 0 : i32
        %cond3A_959 = arith.cmpi ne, %convert_element_type3A_957, %cond3A_958 : i32
        scf.if %cond3A_959 {
          %dma_wait3A_1043 = arith.constant 56 : i32
          %dma_wait3A_1044 = arith.constant 0 : i32
          %dma_wait3A_1045 = tpu.memref_slice %arg13[%dma_wait3A_1043, %dma_wait3A_1044] : memref<128x128xf32, #tpu.memory_space<vmem>> -> memref<8x128xf32, #tpu.memory_space<vmem>>
          %dma_wait3A_1046 = arith.constant 0 : i32
          %dma_wait3A_1047 = arith.constant 0 : i32
          %dma_wait3A_1048 = tpu.memref_slice %arg4[%dma_wait3A_1046, %dma_wait3A_1047] : memref<4096x4096xf32, #tpu.memory_space<hbm>> -> memref<8x128xf32, #tpu.memory_space<hbm>>
          %dma_wait3A_1049 = arith.constant 56 : i32
          %dma_wait3A_1050 = arith.constant 0 : i32
          %dma_wait3A_1051 = tpu.memref_slice %arg13[%dma_wait3A_1049, %dma_wait3A_1050] : memref<128x128xf32, #tpu.memory_space<vmem>> -> memref<8x128xf32, #tpu.memory_space<vmem>>
          %dma_wait3A_1052 = arith.constant 0 : i32
          %dma_wait3A_1053 = arith.constant 0 : i32
          %dma_wait3A_1054 = tpu.memref_slice %arg4[%dma_wait3A_1052, %dma_wait3A_1053] : memref<4096x4096xf32, #tpu.memory_space<hbm>> -> memref<8x128xf32, #tpu.memory_space<hbm>>
          tpu.wait_dma2 semaphore(%arg17 : memref<!tpu.dma_semaphore, #tpu.memory_space<semaphore_mem>>) src(%dma_wait3A_1054 : memref<8x128xf32, #tpu.memory_space<hbm>>) dst(%dma_wait3A_1051 : memref<8x128xf32, #tpu.memory_space<vmem>>)
        } else {
        }
        %mul3A_960 = arith.constant 16 : i32
        %mul3A_961 = arith.muli %scan3A_731, %mul3A_960 : i32
        %add3A_962 = arith.constant 8 : i32
        %add3A_963 = arith.addi %mul3A_961, %add3A_962 : i32
        %lt3A_964 = arith.cmpi slt, %add3A_963, %scan3A_724 : i32
        %convert_element_type3A_965 = arith.extui %lt3A_964 : i1 to i32
        %cond3A_966 = arith.constant 0 : i32
        %cond3A_967 = arith.cmpi ne, %convert_element_type3A_965, %cond3A_966 : i32
        scf.if %cond3A_967 {
          %dma_wait3A_1043 = arith.constant 64 : i32
          %dma_wait3A_1044 = arith.constant 0 : i32
          %dma_wait3A_1045 = tpu.memref_slice %arg13[%dma_wait3A_1043, %dma_wait3A_1044] : memref<128x128xf32, #tpu.memory_space<vmem>> -> memref<8x128xf32, #tpu.memory_space<vmem>>
          %dma_wait3A_1046 = arith.constant 0 : i32
          %dma_wait3A_1047 = arith.constant 0 : i32
          %dma_wait3A_1048 = tpu.memref_slice %arg4[%dma_wait3A_1046, %dma_wait3A_1047] : memref<4096x4096xf32, #tpu.memory_space<hbm>> -> memref<8x128xf32, #tpu.memory_space<hbm>>
          %dma_wait3A_1049 = arith.constant 64 : i32
          %dma_wait3A_1050 = arith.constant 0 : i32
          %dma_wait3A_1051 = tpu.memref_slice %arg13[%dma_wait3A_1049, %dma_wait3A_1050] : memref<128x128xf32, #tpu.memory_space<vmem>> -> memref<8x128xf32, #tpu.memory_space<vmem>>
          %dma_wait3A_1052 = arith.constant 0 : i32
          %dma_wait3A_1053 = arith.constant 0 : i32
          %dma_wait3A_1054 = tpu.memref_slice %arg4[%dma_wait3A_1052, %dma_wait3A_1053] : memref<4096x4096xf32, #tpu.memory_space<hbm>> -> memref<8x128xf32, #tpu.memory_space<hbm>>
          tpu.wait_dma2 semaphore(%arg17 : memref<!tpu.dma_semaphore, #tpu.memory_space<semaphore_mem>>) src(%dma_wait3A_1054 : memref<8x128xf32, #tpu.memory_space<hbm>>) dst(%dma_wait3A_1051 : memref<8x128xf32, #tpu.memory_space<vmem>>)
        } else {
        }
        %mul3A_968 = arith.constant 16 : i32
        %mul3A_969 = arith.muli %scan3A_731, %mul3A_968 : i32
        %add3A_970 = arith.constant 9 : i32
        %add3A_971 = arith.addi %mul3A_969, %add3A_970 : i32
        %lt3A_972 = arith.cmpi slt, %add3A_971, %scan3A_724 : i32
        %convert_element_type3A_973 = arith.extui %lt3A_972 : i1 to i32
        %cond3A_974 = arith.constant 0 : i32
        %cond3A_975 = arith.cmpi ne, %convert_element_type3A_973, %cond3A_974 : i32
        scf.if %cond3A_975 {
          %dma_wait3A_1043 = arith.constant 72 : i32
          %dma_wait3A_1044 = arith.constant 0 : i32
          %dma_wait3A_1045 = tpu.memref_slice %arg13[%dma_wait3A_1043, %dma_wait3A_1044] : memref<128x128xf32, #tpu.memory_space<vmem>> -> memref<8x128xf32, #tpu.memory_space<vmem>>
          %dma_wait3A_1046 = arith.constant 0 : i32
          %dma_wait3A_1047 = arith.constant 0 : i32
          %dma_wait3A_1048 = tpu.memref_slice %arg4[%dma_wait3A_1046, %dma_wait3A_1047] : memref<4096x4096xf32, #tpu.memory_space<hbm>> -> memref<8x128xf32, #tpu.memory_space<hbm>>
          %dma_wait3A_1049 = arith.constant 72 : i32
          %dma_wait3A_1050 = arith.constant 0 : i32
          %dma_wait3A_1051 = tpu.memref_slice %arg13[%dma_wait3A_1049, %dma_wait3A_1050] : memref<128x128xf32, #tpu.memory_space<vmem>> -> memref<8x128xf32, #tpu.memory_space<vmem>>
          %dma_wait3A_1052 = arith.constant 0 : i32
          %dma_wait3A_1053 = arith.constant 0 : i32
          %dma_wait3A_1054 = tpu.memref_slice %arg4[%dma_wait3A_1052, %dma_wait3A_1053] : memref<4096x4096xf32, #tpu.memory_space<hbm>> -> memref<8x128xf32, #tpu.memory_space<hbm>>
          tpu.wait_dma2 semaphore(%arg17 : memref<!tpu.dma_semaphore, #tpu.memory_space<semaphore_mem>>) src(%dma_wait3A_1054 : memref<8x128xf32, #tpu.memory_space<hbm>>) dst(%dma_wait3A_1051 : memref<8x128xf32, #tpu.memory_space<vmem>>)
        } else {
        }
        %mul3A_976 = arith.constant 16 : i32
        %mul3A_977 = arith.muli %scan3A_731, %mul3A_976 : i32
        %add3A_978 = arith.constant 10 : i32
        %add3A_979 = arith.addi %mul3A_977, %add3A_978 : i32
        %lt3A_980 = arith.cmpi slt, %add3A_979, %scan3A_724 : i32
        %convert_element_type3A_981 = arith.extui %lt3A_980 : i1 to i32
        %cond3A_982 = arith.constant 0 : i32
        %cond3A_983 = arith.cmpi ne, %convert_element_type3A_981, %cond3A_982 : i32
        scf.if %cond3A_983 {
          %dma_wait3A_1043 = arith.constant 80 : i32
          %dma_wait3A_1044 = arith.constant 0 : i32
          %dma_wait3A_1045 = tpu.memref_slice %arg13[%dma_wait3A_1043, %dma_wait3A_1044] : memref<128x128xf32, #tpu.memory_space<vmem>> -> memref<8x128xf32, #tpu.memory_space<vmem>>
          %dma_wait3A_1046 = arith.constant 0 : i32
          %dma_wait3A_1047 = arith.constant 0 : i32
          %dma_wait3A_1048 = tpu.memref_slice %arg4[%dma_wait3A_1046, %dma_wait3A_1047] : memref<4096x4096xf32, #tpu.memory_space<hbm>> -> memref<8x128xf32, #tpu.memory_space<hbm>>
          %dma_wait3A_1049 = arith.constant 80 : i32
          %dma_wait3A_1050 = arith.constant 0 : i32
          %dma_wait3A_1051 = tpu.memref_slice %arg13[%dma_wait3A_1049, %dma_wait3A_1050] : memref<128x128xf32, #tpu.memory_space<vmem>> -> memref<8x128xf32, #tpu.memory_space<vmem>>
          %dma_wait3A_1052 = arith.constant 0 : i32
          %dma_wait3A_1053 = arith.constant 0 : i32
          %dma_wait3A_1054 = tpu.memref_slice %arg4[%dma_wait3A_1052, %dma_wait3A_1053] : memref<4096x4096xf32, #tpu.memory_space<hbm>> -> memref<8x128xf32, #tpu.memory_space<hbm>>
          tpu.wait_dma2 semaphore(%arg17 : memref<!tpu.dma_semaphore, #tpu.memory_space<semaphore_mem>>) src(%dma_wait3A_1054 : memref<8x128xf32, #tpu.memory_space<hbm>>) dst(%dma_wait3A_1051 : memref<8x128xf32, #tpu.memory_space<vmem>>)
        } else {
        }
        %mul3A_984 = arith.constant 16 : i32
        %mul3A_985 = arith.muli %scan3A_731, %mul3A_984 : i32
        %add3A_986 = arith.constant 11 : i32
        %add3A_987 = arith.addi %mul3A_985, %add3A_986 : i32
        %lt3A_988 = arith.cmpi slt, %add3A_987, %scan3A_724 : i32
        %convert_element_type3A_989 = arith.extui %lt3A_988 : i1 to i32
        %cond3A_990 = arith.constant 0 : i32
        %cond3A_991 = arith.cmpi ne, %convert_element_type3A_989, %cond3A_990 : i32
        scf.if %cond3A_991 {
          %dma_wait3A_1043 = arith.constant 88 : i32
          %dma_wait3A_1044 = arith.constant 0 : i32
          %dma_wait3A_1045 = tpu.memref_slice %arg13[%dma_wait3A_1043, %dma_wait3A_1044] : memref<128x128xf32, #tpu.memory_space<vmem>> -> memref<8x128xf32, #tpu.memory_space<vmem>>
          %dma_wait3A_1046 = arith.constant 0 : i32
          %dma_wait3A_1047 = arith.constant 0 : i32
          %dma_wait3A_1048 = tpu.memref_slice %arg4[%dma_wait3A_1046, %dma_wait3A_1047] : memref<4096x4096xf32, #tpu.memory_space<hbm>> -> memref<8x128xf32, #tpu.memory_space<hbm>>
          %dma_wait3A_1049 = arith.constant 88 : i32
          %dma_wait3A_1050 = arith.constant 0 : i32
          %dma_wait3A_1051 = tpu.memref_slice %arg13[%dma_wait3A_1049, %dma_wait3A_1050] : memref<128x128xf32, #tpu.memory_space<vmem>> -> memref<8x128xf32, #tpu.memory_space<vmem>>
          %dma_wait3A_1052 = arith.constant 0 : i32
          %dma_wait3A_1053 = arith.constant 0 : i32
          %dma_wait3A_1054 = tpu.memref_slice %arg4[%dma_wait3A_1052, %dma_wait3A_1053] : memref<4096x4096xf32, #tpu.memory_space<hbm>> -> memref<8x128xf32, #tpu.memory_space<hbm>>
          tpu.wait_dma2 semaphore(%arg17 : memref<!tpu.dma_semaphore, #tpu.memory_space<semaphore_mem>>) src(%dma_wait3A_1054 : memref<8x128xf32, #tpu.memory_space<hbm>>) dst(%dma_wait3A_1051 : memref<8x128xf32, #tpu.memory_space<vmem>>)
        } else {
        }
        %mul3A_992 = arith.constant 16 : i32
        %mul3A_993 = arith.muli %scan3A_731, %mul3A_992 : i32
        %add3A_994 = arith.constant 12 : i32
        %add3A_995 = arith.addi %mul3A_993, %add3A_994 : i32
        %lt3A_996 = arith.cmpi slt, %add3A_995, %scan3A_724 : i32
        %convert_element_type3A_997 = arith.extui %lt3A_996 : i1 to i32
        %cond3A_998 = arith.constant 0 : i32
        %cond3A_999 = arith.cmpi ne, %convert_element_type3A_997, %cond3A_998 : i32
        scf.if %cond3A_999 {
          %dma_wait3A_1043 = arith.constant 96 : i32
          %dma_wait3A_1044 = arith.constant 0 : i32
          %dma_wait3A_1045 = tpu.memref_slice %arg13[%dma_wait3A_1043, %dma_wait3A_1044] : memref<128x128xf32, #tpu.memory_space<vmem>> -> memref<8x128xf32, #tpu.memory_space<vmem>>
          %dma_wait3A_1046 = arith.constant 0 : i32
          %dma_wait3A_1047 = arith.constant 0 : i32
          %dma_wait3A_1048 = tpu.memref_slice %arg4[%dma_wait3A_1046, %dma_wait3A_1047] : memref<4096x4096xf32, #tpu.memory_space<hbm>> -> memref<8x128xf32, #tpu.memory_space<hbm>>
          %dma_wait3A_1049 = arith.constant 96 : i32
          %dma_wait3A_1050 = arith.constant 0 : i32
          %dma_wait3A_1051 = tpu.memref_slice %arg13[%dma_wait3A_1049, %dma_wait3A_1050] : memref<128x128xf32, #tpu.memory_space<vmem>> -> memref<8x128xf32, #tpu.memory_space<vmem>>
          %dma_wait3A_1052 = arith.constant 0 : i32
          %dma_wait3A_1053 = arith.constant 0 : i32
          %dma_wait3A_1054 = tpu.memref_slice %arg4[%dma_wait3A_1052, %dma_wait3A_1053] : memref<4096x4096xf32, #tpu.memory_space<hbm>> -> memref<8x128xf32, #tpu.memory_space<hbm>>
          tpu.wait_dma2 semaphore(%arg17 : memref<!tpu.dma_semaphore, #tpu.memory_space<semaphore_mem>>) src(%dma_wait3A_1054 : memref<8x128xf32, #tpu.memory_space<hbm>>) dst(%dma_wait3A_1051 : memref<8x128xf32, #tpu.memory_space<vmem>>)
        } else {
        }
        %mul3A_1000 = arith.constant 16 : i32
        %mul3A_1001 = arith.muli %scan3A_731, %mul3A_1000 : i32
        %add3A_1002 = arith.constant 13 : i32
        %add3A_1003 = arith.addi %mul3A_1001, %add3A_1002 : i32
        %lt3A_1004 = arith.cmpi slt, %add3A_1003, %scan3A_724 : i32
        %convert_element_type3A_1005 = arith.extui %lt3A_1004 : i1 to i32
        %cond3A_1006 = arith.constant 0 : i32
        %cond3A_1007 = arith.cmpi ne, %convert_element_type3A_1005, %cond3A_1006 : i32
        scf.if %cond3A_1007 {
          %dma_wait3A_1043 = arith.constant 104 : i32
          %dma_wait3A_1044 = arith.constant 0 : i32
          %dma_wait3A_1045 = tpu.memref_slice %arg13[%dma_wait3A_1043, %dma_wait3A_1044] : memref<128x128xf32, #tpu.memory_space<vmem>> -> memref<8x128xf32, #tpu.memory_space<vmem>>
          %dma_wait3A_1046 = arith.constant 0 : i32
          %dma_wait3A_1047 = arith.constant 0 : i32
          %dma_wait3A_1048 = tpu.memref_slice %arg4[%dma_wait3A_1046, %dma_wait3A_1047] : memref<4096x4096xf32, #tpu.memory_space<hbm>> -> memref<8x128xf32, #tpu.memory_space<hbm>>
          %dma_wait3A_1049 = arith.constant 104 : i32
          %dma_wait3A_1050 = arith.constant 0 : i32
          %dma_wait3A_1051 = tpu.memref_slice %arg13[%dma_wait3A_1049, %dma_wait3A_1050] : memref<128x128xf32, #tpu.memory_space<vmem>> -> memref<8x128xf32, #tpu.memory_space<vmem>>
          %dma_wait3A_1052 = arith.constant 0 : i32
          %dma_wait3A_1053 = arith.constant 0 : i32
          %dma_wait3A_1054 = tpu.memref_slice %arg4[%dma_wait3A_1052, %dma_wait3A_1053] : memref<4096x4096xf32, #tpu.memory_space<hbm>> -> memref<8x128xf32, #tpu.memory_space<hbm>>
          tpu.wait_dma2 semaphore(%arg17 : memref<!tpu.dma_semaphore, #tpu.memory_space<semaphore_mem>>) src(%dma_wait3A_1054 : memref<8x128xf32, #tpu.memory_space<hbm>>) dst(%dma_wait3A_1051 : memref<8x128xf32, #tpu.memory_space<vmem>>)
        } else {
        }
        %mul3A_1008 = arith.constant 16 : i32
        %mul3A_1009 = arith.muli %scan3A_731, %mul3A_1008 : i32
        %add3A_1010 = arith.constant 14 : i32
        %add3A_1011 = arith.addi %mul3A_1009, %add3A_1010 : i32
        %lt3A_1012 = arith.cmpi slt, %add3A_1011, %scan3A_724 : i32
        %convert_element_type3A_1013 = arith.extui %lt3A_1012 : i1 to i32
        %cond3A_1014 = arith.constant 0 : i32
        %cond3A_1015 = arith.cmpi ne, %convert_element_type3A_1013, %cond3A_1014 : i32
        scf.if %cond3A_1015 {
          %dma_wait3A_1043 = arith.constant 112 : i32
          %dma_wait3A_1044 = arith.constant 0 : i32
          %dma_wait3A_1045 = tpu.memref_slice %arg13[%dma_wait3A_1043, %dma_wait3A_1044] : memref<128x128xf32, #tpu.memory_space<vmem>> -> memref<8x128xf32, #tpu.memory_space<vmem>>
          %dma_wait3A_1046 = arith.constant 0 : i32
          %dma_wait3A_1047 = arith.constant 0 : i32
          %dma_wait3A_1048 = tpu.memref_slice %arg4[%dma_wait3A_1046, %dma_wait3A_1047] : memref<4096x4096xf32, #tpu.memory_space<hbm>> -> memref<8x128xf32, #tpu.memory_space<hbm>>
          %dma_wait3A_1049 = arith.constant 112 : i32
          %dma_wait3A_1050 = arith.constant 0 : i32
          %dma_wait3A_1051 = tpu.memref_slice %arg13[%dma_wait3A_1049, %dma_wait3A_1050] : memref<128x128xf32, #tpu.memory_space<vmem>> -> memref<8x128xf32, #tpu.memory_space<vmem>>
          %dma_wait3A_1052 = arith.constant 0 : i32
          %dma_wait3A_1053 = arith.constant 0 : i32
          %dma_wait3A_1054 = tpu.memref_slice %arg4[%dma_wait3A_1052, %dma_wait3A_1053] : memref<4096x4096xf32, #tpu.memory_space<hbm>> -> memref<8x128xf32, #tpu.memory_space<hbm>>
          tpu.wait_dma2 semaphore(%arg17 : memref<!tpu.dma_semaphore, #tpu.memory_space<semaphore_mem>>) src(%dma_wait3A_1054 : memref<8x128xf32, #tpu.memory_space<hbm>>) dst(%dma_wait3A_1051 : memref<8x128xf32, #tpu.memory_space<vmem>>)
        } else {
        }
        %mul3A_1016 = arith.constant 16 : i32
        %mul3A_1017 = arith.muli %scan3A_731, %mul3A_1016 : i32
        %add3A_1018 = arith.constant 15 : i32
        %add3A_1019 = arith.addi %mul3A_1017, %add3A_1018 : i32
        %lt3A_1020 = arith.cmpi slt, %add3A_1019, %scan3A_724 : i32
        %convert_element_type3A_1021 = arith.extui %lt3A_1020 : i1 to i32
        %cond3A_1022 = arith.constant 0 : i32
        %cond3A_1023 = arith.cmpi ne, %convert_element_type3A_1021, %cond3A_1022 : i32
        scf.if %cond3A_1023 {
          %dma_wait3A_1043 = arith.constant 120 : i32
          %dma_wait3A_1044 = arith.constant 0 : i32
          %dma_wait3A_1045 = tpu.memref_slice %arg13[%dma_wait3A_1043, %dma_wait3A_1044] : memref<128x128xf32, #tpu.memory_space<vmem>> -> memref<8x128xf32, #tpu.memory_space<vmem>>
          %dma_wait3A_1046 = arith.constant 0 : i32
          %dma_wait3A_1047 = arith.constant 0 : i32
          %dma_wait3A_1048 = tpu.memref_slice %arg4[%dma_wait3A_1046, %dma_wait3A_1047] : memref<4096x4096xf32, #tpu.memory_space<hbm>> -> memref<8x128xf32, #tpu.memory_space<hbm>>
          %dma_wait3A_1049 = arith.constant 120 : i32
          %dma_wait3A_1050 = arith.constant 0 : i32
          %dma_wait3A_1051 = tpu.memref_slice %arg13[%dma_wait3A_1049, %dma_wait3A_1050] : memref<128x128xf32, #tpu.memory_space<vmem>> -> memref<8x128xf32, #tpu.memory_space<vmem>>
          %dma_wait3A_1052 = arith.constant 0 : i32
          %dma_wait3A_1053 = arith.constant 0 : i32
          %dma_wait3A_1054 = tpu.memref_slice %arg4[%dma_wait3A_1052, %dma_wait3A_1053] : memref<4096x4096xf32, #tpu.memory_space<hbm>> -> memref<8x128xf32, #tpu.memory_space<hbm>>
          tpu.wait_dma2 semaphore(%arg17 : memref<!tpu.dma_semaphore, #tpu.memory_space<semaphore_mem>>) src(%dma_wait3A_1054 : memref<8x128xf32, #tpu.memory_space<hbm>>) dst(%dma_wait3A_1051 : memref<8x128xf32, #tpu.memory_space<vmem>>)
        } else {
        }
        %mul3A_1024 = arith.constant 16 : i32
        %mul3A_1025 = arith.muli %scan3A_731, %mul3A_1024 : i32
        %add3A_1026 = vector.broadcast %mul3A_1025 : i32 to vector<16xi32>
        %add3A_1027 = arith.addi %add3A_1026, %iota3A : vector<16xi32>
        %lt3A_1028 = vector.broadcast %scan3A_724 : i32 to vector<16xi32>
        %lt3A_1029 = arith.cmpi slt, %add3A_1027, %lt3A_1028 : vector<16xi32>
        %mul3A_1030 = arith.constant 8 : i32
        %mul3A_1031 = vector.broadcast %mul3A_1030 : i32 to vector<16xi32>
        %mul3A_1032 = arith.muli %iota3A, %mul3A_1031 : vector<16xi32>
        %and3A_1033 = arith.constant 7 : i32
        %and3A_1034 = vector.broadcast %and3A_1033 : i32 to vector<16xi32>
        %and3A_1035 = arith.andi %select_n3A, %and3A_1034 : vector<16xi32>
        %add3A_1036 = arith.addi %mul3A_1032, %and3A_1035 : vector<16xi32>
        %and3A_1037 = arith.constant 127 : i32
        %and3A_1038 = vector.broadcast %and3A_1037 : i32 to vector<16xi32>
        %and3A_1039 = arith.andi %and3A_767, %and3A_1038 : vector<16xi32>
        %gather3A = tpu.vector_load_idx %arg13[%add3A_1036, %and3A_1039] : memref<128x128xf32, #tpu.memory_space<vmem>>[vector<16xi32>, vector<16xi32>], vector<16xf32>,
        %shift_right_logical3A_1040 = arith.constant 12 : i32
        %shift_right_logical3A_1041 = vector.broadcast %shift_right_logical3A_1040 : i32 to vector<16xi32>
        %shift_right_logical3A_1042 = arith.shrui %get3A_739, %shift_right_logical3A_1041 : vector<16xi32>
        tpu.vector_store_idx %arg14[%shift_right_logical3A_1042], %gather3A masked %lt3A_1029 : memref<6400xf32, #tpu.memory_space<vmem>>[vector<16xi32>], vector<16xf32>, vector<16xi1>
      } else {
      }
    }
    %scan3A_730 = arith.constant 400 : i32
    "tpu.region"() ({
      %run_scoped3A = tpu.sem_alloc : memref<!tpu.dma_semaphore, #tpu.memory_space<semaphore_mem>>
      %dma_start3A = tpu.memref_slice %arg7[%multiple_of3A] : memref<204800xi32, #tpu.memory_space<hbm>> -> memref<6400xi32, #tpu.memory_space<hbm>>
      %dma_start3A_731 = tpu.memref_slice %arg7[%multiple_of3A] : memref<204800xi32, #tpu.memory_space<hbm>> -> memref<6400xi32, #tpu.memory_space<hbm>>
      tpu.enqueue_dma source(%arg11 : memref<6400xi32, #tpu.memory_space<vmem>>) target(%dma_start3A_731 : memref<6400xi32, #tpu.memory_space<hbm>>) target_semaphore(%run_scoped3A : memref<!tpu.dma_semaphore, #tpu.memory_space<semaphore_mem>>)
      %dma_wait3A_732 = tpu.memref_slice %arg7[%multiple_of3A] : memref<204800xi32, #tpu.memory_space<hbm>> -> memref<6400xi32, #tpu.memory_space<hbm>>
      %dma_wait3A_733 = tpu.memref_slice %arg7[%multiple_of3A] : memref<204800xi32, #tpu.memory_space<hbm>> -> memref<6400xi32, #tpu.memory_space<hbm>>
      tpu.wait_dma2 semaphore(%run_scoped3A : memref<!tpu.dma_semaphore, #tpu.memory_space<semaphore_mem>>) src(%arg11 : memref<6400xi32, #tpu.memory_space<vmem>>) dst(%dma_wait3A_733 : memref<6400xi32, #tpu.memory_space<hbm>>)
      tpu.yield
    }) : () -> ()
    "tpu.region"() ({
      %run_scoped3A = tpu.sem_alloc : memref<!tpu.dma_semaphore, #tpu.memory_space<semaphore_mem>>
      %dma_start3A = tpu.memref_slice %arg8[%multiple_of3A] : memref<204800xf32, #tpu.memory_space<hbm>> -> memref<6400xf32, #tpu.memory_space<hbm>>
      %dma_start3A_731 = tpu.memref_slice %arg8[%multiple_of3A] : memref<204800xf32, #tpu.memory_space<hbm>> -> memref<6400xf32, #tpu.memory_space<hbm>>
      tpu.enqueue_dma source(%arg14 : memref<6400xf32, #tpu.memory_space<vmem>>) target(%dma_start3A_731 : memref<6400xf32, #tpu.memory_space<hbm>>) target_semaphore(%run_scoped3A : memref<!tpu.dma_semaphore, #tpu.memory_space<semaphore_mem>>)
      %dma_wait3A_732 = tpu.memref_slice %arg8[%multiple_of3A] : memref<204800xf32, #tpu.memory_space<hbm>> -> memref<6400xf32, #tpu.memory_space<hbm>>
      %dma_wait3A_733 = tpu.memref_slice %arg8[%multiple_of3A] : memref<204800xf32, #tpu.memory_space<hbm>> -> memref<6400xf32, #tpu.memory_space<hbm>>
      tpu.wait_dma2 semaphore(%run_scoped3A : memref<!tpu.dma_semaphore, #tpu.memory_space<semaphore_mem>>) src(%arg14 : memref<6400xf32, #tpu.memory_space<vmem>>) dst(%dma_wait3A_733 : memref<6400xf32, #tpu.memory_space<hbm>>)
      tpu.yield
    }) : () -> ()
    return
  }
}

module attributes {stable_mosaic.version = 14 : i64} {
  func.func @_lse_body(%arg0: i32, %arg1: memref<512x4096xf32, #tpu.memory_space<vmem>>, %arg2: memref<1x1x512xf32, #tpu.memory_space<vmem>>, %arg3: memref<1x1x512xf32, #tpu.memory_space<vmem>>) attributes {dimension_semantics = [#tpu.dimension_semantics<arbitrary>], iteration_bounds = array<i64: 8>, scalar_prefetch = 0 : i64, scratch_operands = 0 : i64, tpu.core_type = #tpu.core_type<tc>, window_params = [{transform_indices = @transform_0, window_bounds = array<i64: 512, 4096>}, {transform_indices = @transform_1, window_bounds = array<i64: 1, 1, 512>}, {transform_indices = @transform_2, window_bounds = array<i64: 1, 1, 512>}]} {
    %get3A = arith.constant 0 : index
    %get3A_0 = arith.constant 0 : index
    %get3A_1 = vector.load %arg1[%get3A, %get3A_0] : memref<512x4096xf32, #tpu.memory_space<vmem>>, vector<512x4096xf32>
    %mul3A = arith.constant 5.000000e-01 : f32
    %mul3A_2 = vector.broadcast %mul3A : f32 to vector<512x4096xf32>
    %mul3A_3 = arith.mulf %get3A_1, %mul3A_2 : vector<512x4096xf32>
    %exp3A = math.exp %mul3A_3 : vector<512x4096xf32>
    %reduce_sum3A = arith.constant dense<0.000000e+00> : vector<512xf32>
    %reduce_sum3A_4 = vector.multi_reduction <add>, %exp3A, %reduce_sum3A [1] : vector<512x4096xf32> to vector<512xf32>
    %log3A = math.log %reduce_sum3A_4 : vector<512xf32>
    %swap3A = arith.constant 0 : index
    %swap3A_5 = arith.constant 0 : index
    %swap3A_6 = arith.constant 0 : index
    %swap3A_7 = vector.load %arg2[%swap3A, %swap3A_5, %swap3A_6] : memref<1x1x512xf32, #tpu.memory_space<vmem>>, vector<1x1x512xf32>
    %swap3A_8 = vector.shape_cast %swap3A_7 : vector<1x1x512xf32> to vector<512xf32>
    %swap3A_9 = vector.shape_cast %log3A : vector<512xf32> to vector<1x1x512xf32>
    tpu.vector_store %arg2[%swap3A, %swap3A_5, %swap3A_6], %swap3A_9 {strides = array<i32>} : memref<1x1x512xf32, #tpu.memory_space<vmem>>, vector<1x1x512xf32>,
    %mul3A_10 = arith.constant 512 : i32
    %mul3A_11 = arith.muli %arg0, %mul3A_10 : i32
    %get3A_12 = arith.constant 0 : index
    %get3A_13 = arith.index_cast %mul3A_11 : i32 to index
    %get3A_14 = vector.load %arg1[%get3A_12, %get3A_13] : memref<512x4096xf32, #tpu.memory_space<vmem>>, vector<512x512xf32>
    %iota3A = tpu.iota {dimensions = array<i32: 0>} : vector<512x512xi32>
    %iota3A_15 = tpu.iota {dimensions = array<i32: 1>} : vector<512x512xi32>
    %eq3A = arith.cmpi eq, %iota3A, %iota3A_15 : vector<512x512xi32>
    %jit3A = arith.constant 0.000000e+00 : f32
    %broadcast_in_dim3A = vector.broadcast %jit3A : f32 to vector<512x512xf32>
    %select_n3A = arith.select %eq3A, %get3A_14, %broadcast_in_dim3A : vector<512x512xi1>, vector<512x512xf32>
    %reduce_sum3A_16 = arith.constant dense<0.000000e+00> : vector<512xf32>
    %reduce_sum3A_17 = vector.multi_reduction <add>, %select_n3A, %reduce_sum3A_16 [1] : vector<512x512xf32> to vector<512xf32>
    %swap3A_18 = arith.constant 0 : index
    %swap3A_19 = arith.constant 0 : index
    %swap3A_20 = arith.constant 0 : index
    %swap3A_21 = vector.load %arg3[%swap3A_18, %swap3A_19, %swap3A_20] : memref<1x1x512xf32, #tpu.memory_space<vmem>>, vector<1x1x512xf32>
    %swap3A_22 = vector.shape_cast %swap3A_21 : vector<1x1x512xf32> to vector<512xf32>
    %swap3A_23 = vector.shape_cast %reduce_sum3A_17 : vector<512xf32> to vector<1x1x512xf32>
    tpu.vector_store %arg3[%swap3A_18, %swap3A_19, %swap3A_20], %swap3A_23 {strides = array<i32>} : memref<1x1x512xf32, #tpu.memory_space<vmem>>, vector<1x1x512xf32>,
    return
  }
  func.func @transform_0(%arg0: i32) -> (i32, i32) {
    %c0_i32 = arith.constant 0 : i32
    %c0_i32_0 = arith.constant 0 : i32
    return %arg0, %c0_i32 : i32, i32
  }
  func.func @transform_1(%arg0: i32) -> (i32, i32, i32) {
    %c0_i32 = arith.constant 0 : i32
    %c0_i32_0 = arith.constant 0 : i32
    %c0_i32_1 = arith.constant 0 : i32
    return %arg0, %c0_i32, %c0_i32_0 : i32, i32, i32
  }
  func.func @transform_2(%arg0: i32) -> (i32, i32, i32) {
    %c0_i32 = arith.constant 0 : i32
    %c0_i32_0 = arith.constant 0 : i32
    %c0_i32_1 = arith.constant 0 : i32
    return %arg0, %c0_i32, %c0_i32_0 : i32, i32, i32
  }
}

module attributes {stable_mosaic.version = 14 : i64} {
  func.func @_loss_body(%arg0: memref<4096x50xi32, #tpu.memory_space<vmem>>, %arg1: memref<4096x50xf32, #tpu.memory_space<vmem>>, %arg2: memref<4096x50xf32, #tpu.memory_space<vmem>>, %arg3: memref<4096x1xf32, #tpu.memory_space<vmem>>, %arg4: memref<4096x1xf32, #tpu.memory_space<vmem>>, %arg5: memref<1x1xf32, #tpu.memory_space<vmem>>) attributes {dimension_semantics = [], scalar_prefetch = 0 : i64, scratch_operands = 0 : i64, tpu.core_type = #tpu.core_type<tc>} {
    %get3A = arith.constant 0 : index
    %get3A_0 = arith.constant 0 : index
    %get3A_1 = vector.load %arg0[%get3A, %get3A_0] : memref<4096x50xi32, #tpu.memory_space<vmem>>, vector<4096x50xi32>
    %get3A_2 = arith.constant 0 : index
    %get3A_3 = arith.constant 0 : index
    %get3A_4 = vector.load %arg1[%get3A_2, %get3A_3] : memref<4096x50xf32, #tpu.memory_space<vmem>>, vector<4096x50xf32>
    %get3A_5 = arith.constant 0 : index
    %get3A_6 = arith.constant 0 : index
    %get3A_7 = vector.load %arg2[%get3A_5, %get3A_6] : memref<4096x50xf32, #tpu.memory_space<vmem>>, vector<4096x50xf32>
    %get3A_8 = arith.constant 0 : index
    %get3A_9 = arith.constant 0 : index
    %get3A_10 = vector.load %arg3[%get3A_8, %get3A_9] : memref<4096x1xf32, #tpu.memory_space<vmem>>, vector<4096x1xf32>
    %get3A_11 = arith.constant 0 : index
    %get3A_12 = arith.constant 0 : index
    %get3A_13 = vector.load %arg4[%get3A_11, %get3A_12] : memref<4096x1xf32, #tpu.memory_space<vmem>>, vector<4096x1xf32>
    %iota3A = tpu.iota {dimensions = array<i32: 0>} : vector<4096x50xi32>
    %ge3A = arith.constant 0 : i32
    %ge3A_14 = vector.broadcast %ge3A : i32 to vector<4096x50xi32>
    %ge3A_15 = arith.cmpi sge, %get3A_1, %ge3A_14 : vector<4096x50xi32>
    %ne3A = arith.cmpi ne, %get3A_1, %iota3A : vector<4096x50xi32>
    %and3A = arith.andi %ge3A_15, %ne3A : vector<4096x50xi1>
    %jit3A = arith.constant 0.000000e+00 : f32
    %broadcast_in_dim3A = vector.broadcast %jit3A : f32 to vector<4096x50xf32>
    %select_n3A = arith.select %and3A, %get3A_4, %broadcast_in_dim3A : vector<4096x50xi1>, vector<4096x50xf32>
    %reduce_sum3A = arith.constant dense<0.000000e+00> : vector<4096xf32>
    %reduce_sum3A_16 = vector.multi_reduction <add>, %select_n3A, %reduce_sum3A [1] : vector<4096x50xf32> to vector<4096xf32>
    %broadcast_in_dim3A_17 = vector.shape_cast %reduce_sum3A_16 : vector<4096xf32> to vector<4096x1xf32>
    %add3A = arith.constant 1.000000e+00 : f32
    %add3A_18 = vector.broadcast %add3A : f32 to vector<4096x1xf32>
    %add3A_19 = arith.addf %add3A_18, %broadcast_in_dim3A_17 : vector<4096x1xf32>
    %gt3A = arith.constant 0.000000e+00 : f32
    %gt3A_20 = vector.broadcast %gt3A : f32 to vector<4096x50xf32>
    %gt3A_21 = arith.cmpf ogt, %get3A_4, %gt3A_20 : vector<4096x50xf32>
    %and3A_22 = arith.andi %and3A, %gt3A_21 : vector<4096x50xi1>
    %jit3A_23 = arith.constant 1.000000e+00 : f32
    %broadcast_in_dim3A_24 = vector.broadcast %jit3A_23 : f32 to vector<4096x50xf32>
    %select_n3A_25 = arith.select %and3A_22, %get3A_4, %broadcast_in_dim3A_24 : vector<4096x50xi1>, vector<4096x50xf32>
    %div3A = vector.broadcast %add3A_19 : vector<4096x1xf32> to vector<4096x50xf32>
    %div3A_26 = arith.divf %select_n3A_25, %div3A : vector<4096x50xf32>
    %mul3A = arith.constant 5.000000e-01 : f32
    %mul3A_27 = vector.broadcast %mul3A : f32 to vector<4096x50xf32>
    %mul3A_28 = arith.mulf %get3A_7, %mul3A_27 : vector<4096x50xf32>
    %sub3A = vector.broadcast %get3A_10 : vector<4096x1xf32> to vector<4096x50xf32>
    %sub3A_29 = arith.subf %mul3A_28, %sub3A : vector<4096x50xf32>
    %div3A_30 = vector.broadcast %add3A_19 : vector<4096x1xf32> to vector<4096x50xf32>
    %div3A_31 = arith.divf %select_n3A, %div3A_30 : vector<4096x50xf32>
    %log3A = math.log %div3A_26 : vector<4096x50xf32>
    %sub3A_32 = arith.subf %log3A, %sub3A_29 : vector<4096x50xf32>
    %mul3A_33 = arith.mulf %div3A_31, %sub3A_32 : vector<4096x50xf32>
    %jit3A_34 = arith.constant 0.000000e+00 : f32
    %broadcast_in_dim3A_35 = vector.broadcast %jit3A_34 : f32 to vector<4096x50xf32>
    %select_n3A_36 = arith.select %and3A_22, %mul3A_33, %broadcast_in_dim3A_35 : vector<4096x50xi1>, vector<4096x50xf32>
    %div3A_37 = arith.constant 1.000000e+00 : f32
    %div3A_38 = vector.broadcast %div3A_37 : f32 to vector<4096x1xf32>
    %div3A_39 = arith.divf %div3A_38, %add3A_19 : vector<4096x1xf32>
    %log3A_40 = math.log %div3A_39 : vector<4096x1xf32>
    %mul3A_41 = arith.constant 5.000000e-01 : f32
    %mul3A_42 = vector.broadcast %mul3A_41 : f32 to vector<4096x1xf32>
    %mul3A_43 = arith.mulf %get3A_13, %mul3A_42 : vector<4096x1xf32>
    %sub3A_44 = arith.subf %mul3A_43, %get3A_10 : vector<4096x1xf32>
    %sub3A_45 = arith.subf %log3A_40, %sub3A_44 : vector<4096x1xf32>
    %mul3A_46 = arith.mulf %div3A_39, %sub3A_45 : vector<4096x1xf32>
    %reduce_sum3A_47 = vector.shape_cast %select_n3A_36 : vector<4096x50xf32> to vector<1x4096x50xf32>
    %reduce_sum3A_48 = arith.constant dense<0.000000e+00> : vector<1xf32>
    %reduce_sum3A_49 = vector.multi_reduction <add>, %reduce_sum3A_47, %reduce_sum3A_48 [1, 2] : vector<1x4096x50xf32> to vector<1xf32>
    %reduce_sum3A_50 = vector.shape_cast %reduce_sum3A_49 : vector<1xf32> to vector<1x1x1xf32>
    %reduce_sum3A_51 = vector.extract %reduce_sum3A_50[0, 0, 0] : f32 from vector<1x1x1xf32>
    %reduce_sum3A_52 = vector.shape_cast %mul3A_46 : vector<4096x1xf32> to vector<1x4096x1xf32>
    %reduce_sum3A_53 = arith.constant dense<0.000000e+00> : vector<1xf32>
    %reduce_sum3A_54 = vector.multi_reduction <add>, %reduce_sum3A_52, %reduce_sum3A_53 [1, 2] : vector<1x4096x1xf32> to vector<1xf32>
    %reduce_sum3A_55 = vector.shape_cast %reduce_sum3A_54 : vector<1xf32> to vector<1x1x1xf32>
    %reduce_sum3A_56 = vector.extract %reduce_sum3A_55[0, 0, 0] : f32 from vector<1x1x1xf32>
    %add3A_57 = arith.addf %reduce_sum3A_51, %reduce_sum3A_56 : f32
    %mul3A_58 = arith.constant 9.765625E-4 : f32
    %mul3A_59 = arith.mulf %add3A_57, %mul3A_58 : f32
    %broadcast_in_dim3A_60 = vector.broadcast %mul3A_59 : f32 to vector<1x1xf32>
    %swap3A = arith.constant 0 : index
    %swap3A_61 = arith.constant 0 : index
    %swap3A_62 = vector.load %arg5[%swap3A, %swap3A_61] : memref<1x1xf32, #tpu.memory_space<vmem>>, vector<1x1xf32>
    tpu.vector_store %arg5[%swap3A, %swap3A_61], %broadcast_in_dim3A_60 {strides = array<i32>} : memref<1x1xf32, #tpu.memory_space<vmem>>, vector<1x1xf32>,
    return
  }
}

</mosaic_0001>

<sc_bundles>
// kernel: kernel.5.cloned.1.call-start
scs
__scs_entry_jumppad:
0x0: {  	(pc) =	sbr.rel $0x88, $3  }
0x1: {  	(tag) =	ssettag $0x0;
	lr =	simm.s32 $0x1  }
0x2: {  	[smem:$0x3F9D] =	sst lr;
	_ =	strace $0xD0000000  }
0x3: {  	_ = 	snop  }
0x4: {  	_ = 	snop  }
0x5: {  	_ = 	snop  }
0x6: {  	_ = 	snop  }
0x7: {  	_ = 	snop  }
__scs_overlays_trampoline_lowered:
0x8: {  	[smem:$0x3FAC] =	sst s0  }
0x9: {  	[smem:$0x3FAD] =	sst s1  }
0xa: {  	[smem:$0x3FAE] =	sst s2  }
0xb: {  	[smem:$0x3FAF] =	sst s3  }
0xc: {  	[smem:$0x3FB0] =	sst s4  }
0xd: {  	[smem:$0x3FB1] =	sst s5  }
0xe: {  	[smem:$0x3FB2] =	sst s6  }
0xf: {  	[smem:$0x3FB3] =	sst s7  }
0x10: {  	[smem:$0x3FB4] =	sst s8  }
0x11: {  	[smem:$0x3FB5] =	sst s9;
	s0 =	simm.s32 @!p0 $0x0  }
0x12: {  	s1 =	sld [smem:$0x3F9B];
	s0 =	simm.s32 @p0 $0x1  }
0x13: {  	[smem:$0x3FB6] =	sst s0;
	s0 =	simm.s32 @!p1 $0x0  }
0x14: {  	s2 =	sld [smem:$0x3F9A];
	s0 =	simm.s32 @p1 $0x1  }
0x15: {  	[smem:$0x3FB7] =	sst s0;
	s0 =	simm.s32 @!p2 $0x0  }
0x16: {  	s3 =	sld [smem:$0x3FDB];
	s0 =	simm.s32 @p2 $0x1  }
0x17: {  	s4 =	simm.s32 $0x1BF5;
	[smem:$0x3FB9] =	sst s0  }
0x18: {  	s0 =	sld [smem:$0x3F9C];
	_ =	swait.ge [sflag:s4], $0x0  }
0x19: {  	s7 =	sld [smem:$0x3F9D]  }
0x1a: {  	s8 =	sadd.s32 $0xFFFFE003, lr  }
0x1b: {  	s9 =	sadd.s32 $0xFFFFFEF7, lr;
	s5 =	simm.s32 $0xFFFFFFFF;
	p2 =	slt.u32 s8, $0xFFFFF086  }
0x1c: {  	p1 =	slt.u32 s9, $0xF7A;
	s5 =	simm.s32 @!p2 $0x0  }
0x1d: {  	s5 =	simm.s32 @p1 $0x1;
	p0 =	seq.s32 s7, s2  }
0x1e: {  	s7 =	smul.u32 @!p0 $0xF7A, s2;
	p2 =	seq.s32 @!p0 s5, $0x0  }
0x1f: {  	s9 =	smul.u32 $0xF7A, s1;
	s8 =	simm.s32 @!p0 $0x1BF5;
	p2 =	por !p2, p0  }
0x20: {  	[sflag:s8] =	ssyncset.s32 @!p0 $0xFFFFF086;
	s6 =	sadd.s32 @!p0 s3, s7;
	s7 =	simm.s32 @!p0 $0x108  }
0x21: {  	s3 =	sadd.s32 s3, s9;
	s6 =	sadd.s32 @!p0 $0x88, s6;
	s7 =	simm.s32 @p2 $0x1082  }
0x22: {  	[simem:s7], [sflag:s8] =	dma.local @!p0 [hbm:s6], $0xF7A  }
0x23: {  	s9 =	sor.u32 $0xD0000000, s2;
	s6 =	simm.s32 $0x108;
	_ =	swait.ge @!p0 [sflag:s8], $0x0  }
0x24: {  	s3 =	sadd.s32 $0x88, s3;
	s6 =	simm.s32 @!p1 $0x1082;
	[sflag:s4] =	ssyncset.s32 $0xFFFFF086  }
0x25: {  	[simem:s6], [sflag:s4] =	dma.local [hbm:s3], $0xF7A  }
0x26: {  	[smem:$0x3F9D] =	sst s1;
	(tag) =	ssettag s2;
	_ =	strace s9  }
0x27: {  	s1 =	sld [smem:$0x3FAD]  }
0x28: {  	s2 =	sld [smem:$0x3FAE]  }
0x29: {  	s4 =	sld [smem:$0x3FB0]  }
0x2a: {  	p0 =	seq.s32 s5, $0x0;
	s5 =	sld [smem:$0x3FB1]  }
0x2b: {  	s6 =	sld [smem:$0x3FB2]  }
0x2c: {  	s7 =	sld [smem:$0x3FB3]  }
0x2d: {  	s3 =	simm.s32 $0x108;
	s8 =	sld [smem:$0x3FB4]  }
0x2e: {  	s3 =	simm.s32 @!p0 $0x1082;
	s9 =	sld [smem:$0x3FB5]  }
0x2f: {  	lr =	sadd.s32 s0, s3;
	s0 =	sld [smem:$0x3FAC]  }
0x30: {  	s3 =	sld [smem:$0x3FAF]  }
0x31: {  	[smem:$0x3FB8] =	sst s10  }
0x32: {  	s10 =	sld [smem:$0x3FB6];
	_ =	sdelay $0x3  }
0x33: {  	p0 =	seq.s32 s10, $0x1;
	s10 =	sld [smem:$0x3FB8];
	_ =	sdelay $0x3  }
0x34: {  	[smem:$0x3FB8] =	sst s10  }
0x35: {  	s10 =	sld [smem:$0x3FB7];
	_ =	sdelay $0x3  }
0x36: {  	p1 =	seq.s32 s10, $0x1;
	s10 =	sld [smem:$0x3FB8];
	_ =	sdelay $0x3  }
0x37: {  	[smem:$0x3FB8] =	sst s10  }
0x38: {  	s10 =	sld [smem:$0x3FB9]  }
0x39: {  	_ = 	snop;
	(pc) =	sbr.ind lr, $3  }
0x3a: {  	_ = 	snop  }
0x3b: {  	_ = 	snop  }
0x3c: {  	p2 =	seq.s32 s10, $0x1;
	s10 =	sld [smem:$0x3FB8]  }
0x3d: {  	_ =	shalt  }
0x3e: {  	_ =	shalt  }
0x3f: {  	_ =	shalt  }
0x40: {  	_ =	shalt  }
0x41: {  	_ =	shalt  }
0x42: {  	_ =	shalt  }
0x43: {  	_ =	shalt  }
0x44: {  	_ =	shalt  }
0x45: {  	_ =	shalt  }
0x46: {  	_ =	shalt  }
0x47: {  	_ =	shalt  }
0x48: {  	_ =	shalt  }
0x49: {  	_ =	shalt  }
0x4a: {  	_ =	shalt  }
0x4b: {  	_ =	shalt  }
0x4c: {  	_ =	shalt  }
0x4d: {  	_ =	shalt  }
0x4e: {  	_ =	shalt  }
0x4f: {  	_ =	shalt  }
0x50: {  	_ =	shalt  }
0x51: {  	_ =	shalt  }
0x52: {  	_ =	shalt  }
0x53: {  	_ =	shalt  }
0x54: {  	_ =	shalt  }
0x55: {  	_ =	shalt  }
0x56: {  	_ =	shalt  }
0x57: {  	_ =	shalt  }
0x58: {  	_ =	shalt  }
0x59: {  	_ =	shalt  }
0x5a: {  	_ =	shalt  }
0x5b: {  	_ =	shalt  }
0x5c: {  	_ =	shalt  }
0x5d: {  	_ =	shalt  }
0x5e: {  	_ =	shalt  }
0x5f: {  	_ =	shalt  }
0x60: {  	_ =	shalt  }
0x61: {  	_ =	shalt  }
0x62: {  	_ =	shalt  }
0x63: {  	_ =	shalt  }
0x64: {  	_ =	shalt  }
0x65: {  	_ =	shalt  }
0x66: {  	_ =	shalt  }
0x67: {  	_ =	shalt  }
0x68: {  	_ =	shalt  }
0x69: {  	_ =	shalt  }
0x6a: {  	_ =	shalt  }
0x6b: {  	_ =	shalt  }
0x6c: {  	_ =	shalt  }
0x6d: {  	_ =	shalt  }
0x6e: {  	_ =	shalt  }
0x6f: {  	_ =	shalt  }
0x70: {  	_ =	shalt  }
0x71: {  	_ =	shalt  }
0x72: {  	_ =	shalt  }
0x73: {  	_ =	shalt  }
0x74: {  	_ =	shalt  }
0x75: {  	_ =	shalt  }
0x76: {  	_ =	shalt  }
0x77: {  	_ =	shalt  }
0x78: {  	_ =	shalt  }
0x79: {  	_ =	shalt  }
0x7a: {  	_ =	shalt  }
0x7b: {  	_ =	shalt  }
0x7c: {  	_ =	shalt  }
0x7d: {  	_ =	shalt  }
0x7e: {  	_ =	shalt  }
0x7f: {  	_ =	shalt  }
0x80: {  	_ =	shalt  }
0x81: {  	_ =	shalt  }
0x82: {  	_ =	shalt  }
0x83: {  	_ =	shalt  }
0x84: {  	_ =	shalt  }
0x85: {  	_ =	shalt  }
0x86: {  	_ =	shalt  }
0x87: {  	_ =	shalt  }
.Lfunc_end0:
.L_simem_size_0:
called_computation_lowered:
.L_overlay_start_0:
0x88: {  	s2 =	sld [smem:$0x3FD9]  }
0x89: {  	s3 =	sld [smem:$0x3FFE];
	_ =	sdelay $0x1  }
0x8a: {  	s1 =	srdreg.scid  }
0x8b: {  	s0 =	sand.u32 $0x1, s1  }
0x8c: {  	s17 =	sshll.u32 s0, $0xA;
	s2 =	sadd.s32 s3, s2  }
0x8d: {  	s2 =	sadd.s32 s2, s17  }
0x8e: {  	[smem:$0x3FC4] =	sst s2  }
0x8f: {  	_ = 	snop  }
0x90: {  	s2 =	sld [smem:$0x3FC9]  }
0x91: {  	s18 =	sld [smem:$0x3FC8];
	(tm) =	ssettm $0x1  }
0x92: {  	s4 =	sld [smem:$0x3FFB];
	_ =	sdelay $0x3  }
0x93: {  	_ =	strace s4  }
0x94: {  	s4 =	sld [smem:$0x3FFC];
	_ =	sdelay $0x3  }
0x95: {  	_ =	strace s4  }
0x96: {  	s4 =	sld [smem:$0x3FFD];
	_ =	sdelay $0x3  }
0x97: {  	_ =	strace s4  }
0x98: {  	_ =	strace $0x8FFFFFFF  }
0x99: {  	s19 =	sld [smem:$0x3FDB];
	_ =	sdelay $0x1  }
0x9a: {  	s5 =	simm.s32 $_scs_section_size  }
0x9b: {  	s6 =	simm.s32 $_size__tile_overlayer_lowered;
	s7 =	simm.s32 $_tile_overlayer_lowered  }
0x9c: {  	s22 =	simm.s32 $0x1BFF;
	s21 =	sshll.u32 s7, $0x1;
	s4 =	sadd.s32 s5, s19  }
0x9d: {  	s8 =	simm.s32 $0x0;
	s20 =	sshll.u32 s6, $0x1;
	s6 =	sadd.s32 s21, s4  }
0x9e: {  	[timem:s8], [sflag:s22] =	dma.local [hbm:s6], s20  }
0x9f: {  	_ =	swait.ge [sflag:s22], s20  }
0xa0: {  	s5 =	ssub.s32 $0x0, s20;
	[sflag:s22] =	ssyncset.done $0x0  }
0xa1: {  	[sflag:s22] =	ssyncadd.s32 s5;
	_ =	sdelay $0x1  }
0xa2: {  	s23 =	simm.s32 $0x1B8B  }
0xa3: {  	_ =	swait.ge [sflag:s23], $0x1  }
0xa4: {  	[sflag:s23] =	ssyncset.done $0x0  }
0xa5: {  	s25 =	simm.s32 $0x1B8E;
	s24 =	sld [smem:$0x3FFE];
	[sflag:s23] =	ssyncadd.s32 $0xFFFFFFFF  }
0xa6: {  	s26 =	simm.s32 $execute0_lowered;
	[smem:$0x3FD2] =	sst s25  }
0xa7: {  	s6 =	sshll.u32 s26, $0x1;
	_ =	strace $0x80000046;
	[dreg:$0x1] =	wrdreg $0xFFFFFFFF  }
0xa8: {  	s28 =	simm.s32 $_size_execute0_lowered;
	s4 =	sadd.s32 s4, s6;
	[dreg:$0x0] =	wrdreg $0x0  }
0xa9: {  	s6 =	sshll.u32 s28, $0x1;
	[dreg:$0x2] =	wrdreg s4  }
0xaa: {  	[dreg:$0x3] =	wrdreg s6  }
0xab: {  	[dreg:$0x4] =	wrdreg $0xC0  }
0xac: {  	_ =	task [dreg:s8], $0x5FFFF  }
0xad: {  	[dreg:$0x1] =	wrdreg $0xFFFFFFFF  }
0xae: {  	[dreg:$0x0] =	wrdreg $0x60  }
0xaf: {  	[dreg:$0x2] =	wrdreg s18  }
0xb0: {  	[dreg:$0x3] =	wrdreg s24  }
0xb1: {  	[dreg:$0x4] =	wrdreg s2  }
0xb2: {  	[dreg:$0x5] =	wrdreg $0x9  }
0xb3: {  	_ =	task.clear_ibuf [dreg:s8], $0x6FFFF;
	_ =	strace $0x90000046  }
0xb4: {  	s29 =	simm.s32 $0x9;
	_ =	strace $0x80000048  }
0xb5: {  	_ =	swait.ge [sflag:s29], $0x1  }
0xb6: {  	[sflag:s29] =	ssyncadd.s32 $0xFFFFFFFF  }
0xb7: {  	_ =	strace $0x90000048  }
0xb8: {  	_ =	sfence  }
0xb9: {  	s30 =	sld [smem:$0x0];
	_ =	sdelay $0x2  }
0xba: {  	s31 =	sshll.u32 s1, $0xD;
	s1 =	sshrl.u32 s1, $0x2  }
0xbb: {  	s3 =	sand.u32 $0x4000, s31;
	s1 =	sadd.s32 s1, s30  }
0xbc: {  	s0 =	sor.u32 s3, s0;
	s1 =	sshll.u32 s1, $0x11  }
0xbd: {  	s0 =	sor.u32 s1, s0  }
0xbe: {  	s0 =	sadd.s32 $0x8F2B, s0  }
0xbf: {  	[sflag:s0] =	ssyncadd.remote.s32 $0x1  }
0xc0: {  	_ =	sfence.sel $0xFFFF  }
0xc1: {  	[dreg:$0x0] =	wrdreg $0xFFFFFFFF;
	(pc) =	sbr.abs _section_cstart, $3  }
0xc2: {  	[dreg:$0x1] =	wrdreg $0xFFFFFFFF  }
0xc3: {  	_ =	task.clear_ibuf [dreg:s8], $0x2FFFF;
	_ =	strace $0x9FFFFFFF  }
0xc4: {  	(tm) =	ssettm $0x7FFFFFFF  }
0xc5: {  	_ =	shalt  }
tec
execute0_lowered:
.L_overlay_start_1:
0x0: {  	(tag) =	ssettag $0x1  }
0x1: {  	s0 =	srdreg.scid;
	s1 =	rddreg [dreg:$0x1]  }
0x2: {  	s7 =	stileid.u32;
	s3 =	rddreg [dreg:$0x2];
	s4 =	simm.s32 $0x0  }
0x3: {  	s10 =	simm.s32 $0x7200;
	s13 =	simm.s32 $0x1000;
	s14 =	simm.s32 $0x3  }
0x4: {  	s15 =	simm.s32 $0xB480;
	s16 =	simm.s32 $0x80;
	s21 =	simm.s32 $0x1  }
0x5: {  	s22 =	simm.s32 $0x4200;
	s23 =	simm.s32 $0x5B80;
	s24 =	simm.s32 $0x2  }
0x6: {  	s25 =	simm.s32 $0x9B80;
	s26 =	simm.s32 $0x2900;
	s28 =	simm.s32 $0x0  }
0x7: {  	s0 =	sand.u32 $0x1, s0;
	s2 =	sshll.u32 s7, $0x1;
	[smem:$0x7FF] =	sst s4  }
0x8: {  	s30 =	sshll.u32 s7, $0x10;
	s31 =	sshll.u32 s7, $0xD;
	s2 =	sor.u32 s0, s2  }
0x9: {  	s6 =	ssub.s32 $0x2, s0;
	_ =	strace $0x80000047;
	s17 =	sor.u32 $0x8000, s30  }
0xa: {  	p0 =	seq.s32 s0, $0x0;
	s20 =	sadd.s32 $0x10000, s30;
	s5 =	smul.u32 $0x320, s2  }
.Ltmp0:
0xb: {  	s29 =	sshrl.u32 s6, $0x1;
	s12 =	sshrl.u32 s17, $0x3;
	(pc) =	sbr.rel .LBB2_1-.Ltmp0, $4  }
0xc: {  	s10 =	simm.s32 @!p0 $0x27200;
	v2 =	vmov s20;
	s20 =	simm.s32 $0x4180;
	s9 =	ssub.s32 s6, s29  }
0xd: {  	v4 =	vlaneseq.u32;
	s10 =	sadd.s32 s10, s1;
	s8 =	sadd.s32 s5, s1;
	s5 =	sshll.u32 s2, $0x7  }
0xe: {  	v3 =	vimm.s32 $0xFFFFFFFF;
	v6 =	vimm.s32 $0x0;
	v5 =	vmul.u32 $0x1000, v4;
	s9 =	smax.u32 s9, $0x1;
	s11 =	sadd.s32 s10, s31;
	s12 =	sadd.s32 s10, s12  }
0xf: {  	v7 =	vmul.u32 $0x400, v4;
	v0 =	vmov s30;
	v1 =	vmov s17;
	s6 =	sadd.s32 $0xE00, s8;
	s7 =	sadd.s32 $0x47200, s8;
	s8 =	sadd.s32 $0x4D600, s8  }
.LBB2_23:
0x10: {  	[hbm4b:s7+s4] =	stream.linear.scatter [tilespmem:s26], [sflag:$0x3], $0x1900, $0x38;
	[tilespmem:$0x13480] =	vst v63  }
0x11: {  	s28 =	sadd.s32 $0x1, s28;
	_ =	swait.ge [sflag:s14], $0x1900  }
0x12: {  	p0 =	sne.s32 s28, s9;
	[sflag:s14] =	ssyncset.done $0x0  }
.Ltmp1:
0x13: {  	[sflag:s14] =	ssyncadd.s32 $0xFFFFE700;
	(pc) =	sbr.rel @!p0 .LBB2_24-.Ltmp1, $4  }
0x14: {  	[hbm4b:s8+s4] =	stream.linear.scatter [tilespmem:s25], [sflag:$0x3], $0x1900, $0x38;
	[tilespmem:$0x13480] =	vst v63  }
0x15: {  	_ =	swait.ge [sflag:s14], $0x1900  }
0x16: {  	[sflag:s14] =	ssyncset.done $0x0  }
0x17: {  	[sflag:s14] =	ssyncadd.s32 $0xFFFFE700  }
.LBB2_1:
0x18: {  	[tilespmem:s13], [sflag:$0x3] =	stream.linear.gather [hbm4b:s6+s4], $0x1900, $0x38;
	[tilespmem:$0x13480] =	vst v63  }
0x19: {  	_ =	swait.ge [sflag:s14], $0x1900  }
0x1a: {  	[sflag:s14] =	ssyncset.done $0x0  }
0x1b: {  	[sflag:s14] =	ssyncadd.s32 $0xFFFFE700  }
0x1c: {  	s0 =	rddreg [dreg:$0x0]  }
0x1d: {  	[tilespmem:s4], [sflag:$0x3] =	stream.linear.gather [hbm4b:s0+s4], $0x1000, $0x38;
	[tilespmem:$0x13480] =	vst v63  }
0x1e: {  	_ =	swait.ge [sflag:s14], $0x1000  }
0x1f: {  	[sflag:s14] =	ssyncset.done $0x0  }
0x20: {  	s2 =	simm.s32 $0x0;
	s29 =	simm.s32 $0x200;
	[sflag:s14] =	ssyncadd.s32 $0xFFFFF000  }
.LBB2_2:
0x21: {  	p0 =	sne.s32 s29, $0x1FE00;
	[tilespmem:s2+$0xB4F0] =	vst v3  }
0x22: {  	[tilespmem:s2+$0xB480] =	vst v3  }
0x23: {  	[tilespmem:s2+$0xB490] =	vst v3  }
.Ltmp2:
0x24: {  	[tilespmem:s2+$0xB4A0] =	vst v3;
	(pc) =	sbr.rel @p0 .LBB2_2-.Ltmp2, $4  }
0x25: {  	[tilespmem:s2+$0xB4B0] =	vst v3  }
0x26: {  	[tilespmem:s2+$0xB4C0] =	vst v3  }
0x27: {  	[tilespmem:s2+$0xB4D0] =	vst v3  }
0x28: {  	[tilespmem:s2+$0xB4E0] =	vst v3;
	s2 =	sshra.s32 s29, $0x2;
	s29 =	sadd.s32 $0x200, s29  }
0x29: {  	[tilespmem:s2+$0xB4F0] =	vst v3  }
0x2a: {  	[tilespmem:s2+$0xB480] =	vst v3  }
0x2b: {  	[tilespmem:s2+$0xB490] =	vst v3  }
0x2c: {  	[tilespmem:s2+$0xB4A0] =	vst v3  }
0x2d: {  	[tilespmem:s2+$0xB4B0] =	vst v3  }
0x2e: {  	[tilespmem:s2+$0xB4C0] =	vst v3  }
0x2f: {  	[tilespmem:s2+$0xB4D0] =	vst v3  }
0x30: {  	[tilespmem:s2+$0xB4E0] =	vst v3;
	s2 =	simm.s32 $0x0  }
0x31: {  	s29 =	simm.s32 $0x10;
	s30 =	simm.s32 $0x0;
	v8 =	vld [tilespmem:s2+$0x0]  }
.LBB2_4:
0x32: {  	p0 =	sne.s32 s29, $0xFF0;
	_ =	sdelay $0x3  }
0x33: {  	vm0 =	vge.s32 v8, v0;
	vm1 =	vlt.s32 v8, v1;
	v9 =	vsub.s32 v8, v0  }
0x34: {  	v8 =	vand.u32 $0x7F, v8;
	vm0 =	vmand vm0, vm1;
	v9 =	vand.u32 $0xFFFFFF80, v9  }
0x35: {  	v8 =	vor.u32 v8, v9;
	_ =	sdelay $0x1  }
.Ltmp3:
0x36: {  	(pc) =	sbr.rel @p0 .LBB2_4-.Ltmp3, $4  }
0x37: {  	_ = 	snop  }
0x38: {  	v9 =	vor.u32 s2, v4;
	s2 =	smov.u32 s29  }
0x39: {  	s30 =	sadd.s32 $0x10, s30;
	[tilespmem:v8+s15+$0x0] =	vst.idx.msk vm0, v9  }
0x3a: {  	s29 =	sadd.s32 $0x10, s29;
	v8 =	vld [tilespmem:s30+$0x0]  }
0x3b: {  	_ =	sdelay $0x3  }
0x3c: {  	vm0 =	vge.s32 v8, v0;
	vm1 =	vlt.s32 v8, v1;
	v9 =	vsub.s32 v8, v0  }
0x3d: {  	v8 =	vand.u32 $0x7F, v8;
	vm0 =	vmand vm0, vm1;
	v9 =	vand.u32 $0xFFFFFF80, v9  }
0x3e: {  	v8 =	vor.u32 v8, v9;
	_ =	sdelay $0x3  }
0x3f: {  	v63 =	vor.u32 s2, v4  }
0x40: {  	s2 =	simm.s32 $0x0;
	[tilespmem:v8+s15+$0x0] =	vst.idx.msk vm0, v63  }
0x41: {  	[hbm4b:s11+s2] =	stream.linear.scatter [tilespmem:s15], [sflag:$0x3], $0x8000, $0x38;
	[tilespmem:$0x13480] =	vst v63  }
0x42: {  	_ =	swait.ge [sflag:s14], $0x8000  }
0x43: {  	[sflag:s14] =	ssyncset.done $0x0  }
0x44: {  	s29 =	simm.s32 $0x0;
	s30 =	simm.s32 $0x200;
	[sflag:s14] =	ssyncadd.s32 $0xFFFF8000  }
.LBB2_6:
0x45: {  	p0 =	sne.s32 s30, $0x1FE00;
	[tilespmem:s29+$0xB4F0] =	vst v3  }
0x46: {  	[tilespmem:s29+$0xB480] =	vst v3  }
0x47: {  	[tilespmem:s29+$0xB490] =	vst v3  }
.Ltmp4:
0x48: {  	[tilespmem:s29+$0xB4A0] =	vst v3;
	(pc) =	sbr.rel @p0 .LBB2_6-.Ltmp4, $4  }
0x49: {  	[tilespmem:s29+$0xB4B0] =	vst v3  }
0x4a: {  	[tilespmem:s29+$0xB4C0] =	vst v3  }
0x4b: {  	[tilespmem:s29+$0xB4D0] =	vst v3  }
0x4c: {  	[tilespmem:s29+$0xB4E0] =	vst v3;
	s29 =	sshra.s32 s30, $0x2;
	s30 =	sadd.s32 $0x200, s30  }
0x4d: {  	[tilespmem:s29+$0xB4F0] =	vst v3  }
0x4e: {  	[tilespmem:s29+$0xB480] =	vst v3  }
0x4f: {  	[tilespmem:s29+$0xB490] =	vst v3  }
0x50: {  	[tilespmem:s29+$0xB4A0] =	vst v3  }
0x51: {  	[tilespmem:s29+$0xB4B0] =	vst v3  }
0x52: {  	[tilespmem:s29+$0xB4C0] =	vst v3  }
0x53: {  	[tilespmem:s29+$0xB4D0] =	vst v3  }
0x54: {  	[tilespmem:s29+$0xB4E0] =	vst v3  }
0x55: {  	s29 =	simm.s32 $0x10;
	s30 =	simm.s32 $0x0;
	v8 =	vld [tilespmem:s2+$0x0]  }
.LBB2_8:
0x56: {  	p0 =	sne.s32 s29, $0xFF0;
	_ =	sdelay $0x3  }
0x57: {  	vm0 =	vge.s32 v8, v1;
	vm1 =	vlt.s32 v8, v2;
	v9 =	vsub.s32 v8, v1  }
0x58: {  	v8 =	vand.u32 $0x7F, v8;
	vm0 =	vmand vm0, vm1;
	v9 =	vand.u32 $0xFFFFFF80, v9  }
0x59: {  	v8 =	vor.u32 v8, v9;
	_ =	sdelay $0x1  }
.Ltmp5:
0x5a: {  	(pc) =	sbr.rel @p0 .LBB2_8-.Ltmp5, $4  }
0x5b: {  	_ = 	snop  }
0x5c: {  	v9 =	vor.u32 s2, v4;
	s2 =	smov.u32 s29  }
0x5d: {  	s30 =	sadd.s32 $0x10, s30;
	[tilespmem:v8+s15+$0x0] =	vst.idx.msk vm0, v9  }
0x5e: {  	s29 =	sadd.s32 $0x10, s29;
	v8 =	vld [tilespmem:s30+$0x0]  }
0x5f: {  	_ =	sdelay $0x3  }
0x60: {  	vm0 =	vge.s32 v8, v1;
	vm1 =	vlt.s32 v8, v2;
	v9 =	vsub.s32 v8, v1  }
0x61: {  	v8 =	vand.u32 $0x7F, v8;
	vm0 =	vmand vm0, vm1;
	v9 =	vand.u32 $0xFFFFFF80, v9  }
0x62: {  	v8 =	vor.u32 v8, v9;
	_ =	sdelay $0x3  }
0x63: {  	v9 =	vor.u32 s2, v4  }
0x64: {  	s2 =	simm.s32 $0x0;
	[tilespmem:v8+s15+$0x0] =	vst.idx.msk vm0, v9  }
0x65: {  	[hbm4b:s12+s2] =	stream.linear.scatter [tilespmem:s15], [sflag:$0x3], $0x8000, $0x38;
	[tilespmem:$0x13480] =	vst v63  }
0x66: {  	_ =	swait.ge [sflag:s14], $0x8000  }
0x67: {  	[sflag:s14] =	ssyncset.done $0x0  }
0x68: {  	[sflag:s14] =	ssyncadd.s32 $0xFFFF8000  }
0x69: {  	s0 =	simm.s32 $0x2900;
	[bflag:$0x0] =	sbarrier.arrive $0xFFFF  }
0x6a: {  	[tilespmem:s0], [sflag:$0x1] =	stream.indirect.gather [hbm4b:s10+s16], $0x1, s13, s16, $0xb8;
	[tilespmem:$0x13480] =	vst v63  }
0x6b: {  	s1 =	simm.s32 $0x1080;
	s17 =	simm.s32 $0x2980  }
0x6c: {  	[tilespmem:s17], [sflag:$0x1] =	stream.indirect.gather [hbm4b:s10+s16], $0x1, s1, s16, $0xb8;
	[tilespmem:$0x13480] =	vst v63  }
0x6d: {  	s18 =	simm.s32 $0x1100;
	s19 =	simm.s32 $0x2A00  }
0x6e: {  	[tilespmem:s19], [sflag:$0x1] =	stream.indirect.gather [hbm4b:s10+s16], $0x1, s18, s16, $0xb8;
	[tilespmem:$0x13480] =	vst v63  }
0x6f: {  	s18 =	simm.s32 $0x1180;
	s19 =	simm.s32 $0x2A80  }
0x70: {  	[tilespmem:s19], [sflag:$0x1] =	stream.indirect.gather [hbm4b:s10+s16], $0x1, s18, s16, $0xb8;
	[tilespmem:$0x13480] =	vst v63  }
0x71: {  	s18 =	simm.s32 $0x1200;
	s19 =	simm.s32 $0x2B00  }
0x72: {  	[tilespmem:s19], [sflag:$0x1] =	stream.indirect.gather [hbm4b:s10+s16], $0x1, s18, s16, $0xb8;
	[tilespmem:$0x13480] =	vst v63  }
0x73: {  	s18 =	simm.s32 $0x1280;
	s19 =	simm.s32 $0x2B80  }
0x74: {  	[tilespmem:s19], [sflag:$0x1] =	stream.indirect.gather [hbm4b:s10+s16], $0x1, s18, s16, $0xb8;
	[tilespmem:$0x13480] =	vst v63  }
0x75: {  	s18 =	simm.s32 $0x1300;
	s19 =	simm.s32 $0x2C00  }
0x76: {  	[tilespmem:s19], [sflag:$0x1] =	stream.indirect.gather [hbm4b:s10+s16], $0x1, s18, s16, $0xb8;
	[tilespmem:$0x13480] =	vst v63  }
0x77: {  	s18 =	simm.s32 $0x1380;
	s19 =	simm.s32 $0x2C80  }
0x78: {  	[tilespmem:s19], [sflag:$0x1] =	stream.indirect.gather [hbm4b:s10+s16], $0x1, s18, s16, $0xb8;
	[tilespmem:$0x13480] =	vst v63  }
0x79: {  	s18 =	simm.s32 $0x1400;
	s19 =	simm.s32 $0x2D00  }
0x7a: {  	[tilespmem:s19], [sflag:$0x1] =	stream.indirect.gather [hbm4b:s10+s16], $0x1, s18, s16, $0xb8;
	[tilespmem:$0x13480] =	vst v63  }
0x7b: {  	s18 =	simm.s32 $0x1480;
	s19 =	simm.s32 $0x2D80  }
0x7c: {  	[tilespmem:s19], [sflag:$0x1] =	stream.indirect.gather [hbm4b:s10+s16], $0x1, s18, s16, $0xb8;
	[tilespmem:$0x13480] =	vst v63  }
0x7d: {  	s18 =	simm.s32 $0x1500;
	s19 =	simm.s32 $0x2E00  }
0x7e: {  	[tilespmem:s19], [sflag:$0x1] =	stream.indirect.gather [hbm4b:s10+s16], $0x1, s18, s16, $0xb8;
	[tilespmem:$0x13480] =	vst v63  }
0x7f: {  	s18 =	simm.s32 $0x1580;
	s19 =	simm.s32 $0x2E80  }
0x80: {  	[tilespmem:s19], [sflag:$0x1] =	stream.indirect.gather [hbm4b:s10+s16], $0x1, s18, s16, $0xb8;
	[tilespmem:$0x13480] =	vst v63  }
0x81: {  	s18 =	simm.s32 $0x1600;
	s19 =	simm.s32 $0x2F00  }
0x82: {  	[tilespmem:s19], [sflag:$0x1] =	stream.indirect.gather [hbm4b:s10+s16], $0x1, s18, s16, $0xb8;
	[tilespmem:$0x13480] =	vst v63  }
0x83: {  	s18 =	simm.s32 $0x1680;
	s19 =	simm.s32 $0x2F80  }
0x84: {  	[tilespmem:s19], [sflag:$0x1] =	stream.indirect.gather [hbm4b:s10+s16], $0x1, s18, s16, $0xb8;
	[tilespmem:$0x13480] =	vst v63  }
0x85: {  	s18 =	simm.s32 $0x1700;
	s19 =	simm.s32 $0x3000  }
0x86: {  	[tilespmem:s19], [sflag:$0x1] =	stream.indirect.gather [hbm4b:s10+s16], $0x1, s18, s16, $0xb8;
	[tilespmem:$0x13480] =	vst v63  }
0x87: {  	s18 =	simm.s32 $0x1780;
	s19 =	simm.s32 $0x3080  }
0x88: {  	[tilespmem:s19], [sflag:$0x1] =	stream.indirect.gather [hbm4b:s10+s16], $0x1, s18, s16, $0xb8;
	[tilespmem:$0x13480] =	vst v63  }
0x89: {  	s18 =	simm.s32 $0x1800;
	s19 =	simm.s32 $0x3100  }
0x8a: {  	[tilespmem:s19], [sflag:$0x1] =	stream.indirect.gather [hbm4b:s10+s16], $0x1, s18, s16, $0xb8;
	[tilespmem:$0x13480] =	vst v63  }
0x8b: {  	s18 =	simm.s32 $0x1880;
	s19 =	simm.s32 $0x3180  }
0x8c: {  	[tilespmem:s19], [sflag:$0x1] =	stream.indirect.gather [hbm4b:s10+s16], $0x1, s18, s16, $0xb8;
	[tilespmem:$0x13480] =	vst v63  }
0x8d: {  	s18 =	simm.s32 $0x1900;
	s19 =	simm.s32 $0x3200  }
0x8e: {  	[tilespmem:s19], [sflag:$0x1] =	stream.indirect.gather [hbm4b:s10+s16], $0x1, s18, s16, $0xb8;
	[tilespmem:$0x13480] =	vst v63  }
0x8f: {  	s18 =	simm.s32 $0x1980;
	s19 =	simm.s32 $0x3280  }
0x90: {  	[tilespmem:s19], [sflag:$0x1] =	stream.indirect.gather [hbm4b:s10+s16], $0x1, s18, s16, $0xb8;
	[tilespmem:$0x13480] =	vst v63  }
0x91: {  	_ =	swait.ge [sflag:s21], $0x500  }
0x92: {  	[sflag:s21] =	ssyncset.done $0x0  }
0x93: {  	[sflag:s21] =	ssyncadd.s32 $0xFFFFFB00  }
0x94: {  	v8 =	vld [tilespmem:s0+$0x0];
	_ =	sdelay $0x4  }
0x95: {  	vm14 =	vgt.s32 v8, $0xFFFFFFFF  }
0x96: {  	v9 =	vmpcnt.ones.xlane vm14;
	_ =	sdelay $0x1  }
0x97: {  	(v2sf) =	vpush v9, $0x0;
	v9 =	vsel vm14, $0x1, v6  }
0x98: {  	(xrf0) =	vadd.scan.msk.s32 $0xffff, v9;
	_ =	sdelay $0x2  }
0x99: {  	v9 =	vmov s2  }
0x9a: {  	v9 =	vadd.s32 $0xFFFFFFFF, v9  }
0x9b: {  	v9 =	vbroadcast v9, $0x0  }
0x9c: {  	v10, _, _ =	vpop (xrf0)  }
0x9d: {  	v9 =	vadd.s32 v10, v9  }
0x9e: {  	v10 =	vmov s2  }
0x9f: {  	vm15 =	vgt.s32 v8, $0x0;
	v10 =	vshll.u32 v10, $0xC  }
0xa0: {  	v8 =	vnsel vm15, $0x0, v8;
	v10 =	vor.u32 v5, v10  }
0xa1: {  	v8 =	vor.u32 v10, v8  }
0xa2: {  	s30 =	simm.s32 $0x2910;
	[tilespmem:v9+s22+$0x0] =	vst.idx.msk vm14, v8  }
0xa3: {  	v8 =	vld [tilespmem:s30+$0x0];
	_ =	sdelay $0x1  }
0xa4: {  	s29 =	simm.s32 $0x10;
	s31 =	simm.s32 $0x20;
	s0 =	spop (v2sf)  }
.LBB2_10:
0xa5: {  	p0 =	sne.s32 s31, $0x4F0  }
0xa6: {  	s2 =	sadd.s32 s2, s0;
	s0 =	smov.u32 s31;
	s31 =	sadd.s32 $0x10, s31  }
0xa7: {  	vm0 =	vgt.s32 v8, $0xFFFFFFFF;
	vm1 =	vgt.s32 v8, $0x0;
	v9 =	vmov s2  }
0xa8: {  	v10 =	vsel vm0, $0x1, v6;
	v9 =	vadd.s32 $0xFFFFFFFF, v9;
	v11 =	vmpcnt.ones.xlane vm0  }
0xa9: {  	v8 =	vnsel vm1, $0x0, v8;
	(xrf0) =	vadd.scan.msk.s32 $0xffff, v10  }
0xaa: {  	(v2sf) =	vpush v11, $0x0;
	_ =	sdelay $0x3  }
0xab: {  	v9 =	vbroadcast v9, $0x0  }
0xac: {  	v10, _, _ =	vpop (xrf0)  }
0xad: {  	v9 =	vadd.s32 v10, v9  }
0xae: {  	v10 =	vmov s29;
	s29 =	smov.u32 s0  }
0xaf: {  	v10 =	vshll.u32 v10, $0xC  }
0xb0: {  	v10 =	vor.u32 v5, v10  }
0xb1: {  	v8 =	vor.u32 v10, v8  }
.Ltmp6:
0xb2: {  	s30 =	sadd.s32 $0x10, s30;
	[tilespmem:v9+s22+$0x0] =	vst.idx.msk vm0, v8;
	(pc) =	sbr.rel @p0 .LBB2_10-.Ltmp6, $2  }
0xb3: {  	v8 =	vld [tilespmem:s30+$0x0];
	_ =	sdelay $0x2  }
0xb4: {  	s0 =	spop (v2sf)  }
0xb5: {  	_ = 	snop  }
0xb6: {  	vm0 =	vgt.s32 v8, $0xFFFFFFFF  }
0xb7: {  	v9 =	vsel vm0, $0x1, v6  }
0xb8: {  	(xrf0) =	vadd.scan.msk.s32 $0xffff, v9;
	_ =	sdelay $0x1  }
0xb9: {  	s0 =	sadd.s32 s2, s0  }
0xba: {  	v9 =	vmov s0  }
0xbb: {  	v9 =	vadd.s32 $0xFFFFFFFF, v9  }
0xbc: {  	v9 =	vbroadcast v9, $0x0  }
0xbd: {  	v10, _, _ =	vpop (xrf0)  }
0xbe: {  	v9 =	vadd.s32 v10, v9  }
0xbf: {  	v10 =	vmov s29  }
0xc0: {  	vm1 =	vgt.s32 v8, $0x0;
	v10 =	vshll.u32 v10, $0xC  }
0xc1: {  	v8 =	vnsel vm1, $0x0, v8;
	v10 =	vor.u32 v5, v10  }
0xc2: {  	v8 =	vor.u32 v10, v8  }
0xc3: {  	s1 =	simm.s32 $0x1A00;
	s19 =	simm.s32 $0x3300;
	[tilespmem:v9+s22+$0x0] =	vst.idx.msk vm0, v8  }
0xc4: {  	v8 =	vmpcnt.ones.xlane vm0;
	[tilespmem:s19], [sflag:$0x1] =	stream.indirect.gather [hbm4b:s10+s16], $0x1, s1, s16, $0xb8;
	[tilespmem:$0x13480] =	vst v63  }
0xc5: {  	s30 =	simm.s32 $0x1A80;
	s31 =	simm.s32 $0x3380  }
0xc6: {  	(v2sf) =	vpush v8, $0x0;
	[tilespmem:s31], [sflag:$0x1] =	stream.indirect.gather [hbm4b:s10+s16], $0x1, s30, s16, $0xb8;
	[tilespmem:$0x13480] =	vst v63  }
0xc7: {  	s2 =	simm.s32 $0x1B00;
	s17 =	simm.s32 $0x3400  }
0xc8: {  	[tilespmem:s17], [sflag:$0x1] =	stream.indirect.gather [hbm4b:s10+s16], $0x1, s2, s16, $0xb8;
	[tilespmem:$0x13480] =	vst v63  }
0xc9: {  	s18 =	simm.s32 $0x1B80;
	s19 =	simm.s32 $0x3480  }
0xca: {  	[tilespmem:s19], [sflag:$0x1] =	stream.indirect.gather [hbm4b:s10+s16], $0x1, s18, s16, $0xb8;
	[tilespmem:$0x13480] =	vst v63  }
0xcb: {  	s30 =	simm.s32 $0x1C00;
	s31 =	simm.s32 $0x3500  }
0xcc: {  	[tilespmem:s31], [sflag:$0x1] =	stream.indirect.gather [hbm4b:s10+s16], $0x1, s30, s16, $0xb8;
	[tilespmem:$0x13480] =	vst v63  }
0xcd: {  	s2 =	simm.s32 $0x1C80;
	s17 =	simm.s32 $0x3580  }
0xce: {  	[tilespmem:s17], [sflag:$0x1] =	stream.indirect.gather [hbm4b:s10+s16], $0x1, s2, s16, $0xb8;
	[tilespmem:$0x13480] =	vst v63  }
0xcf: {  	s18 =	simm.s32 $0x1D00;
	s19 =	simm.s32 $0x3600  }
0xd0: {  	[tilespmem:s19], [sflag:$0x1] =	stream.indirect.gather [hbm4b:s10+s16], $0x1, s18, s16, $0xb8;
	[tilespmem:$0x13480] =	vst v63  }
0xd1: {  	s30 =	simm.s32 $0x1D80;
	s31 =	simm.s32 $0x3680  }
0xd2: {  	[tilespmem:s31], [sflag:$0x1] =	stream.indirect.gather [hbm4b:s10+s16], $0x1, s30, s16, $0xb8;
	[tilespmem:$0x13480] =	vst v63  }
0xd3: {  	s17 =	simm.s32 $0x1E00;
	s18 =	simm.s32 $0x3700  }
0xd4: {  	[tilespmem:s18], [sflag:$0x1] =	stream.indirect.gather [hbm4b:s10+s16], $0x1, s17, s16, $0xb8;
	[tilespmem:$0x13480] =	vst v63  }
0xd5: {  	s19 =	spop (v2sf);
	s18 =	simm.s32 $0x1E80;
	s17 =	simm.s32 $0x3780  }
0xd6: {  	[tilespmem:s17], [sflag:$0x1] =	stream.indirect.gather [hbm4b:s10+s16], $0x1, s18, s16, $0xb8;
	[tilespmem:$0x13480] =	vst v63  }
0xd7: {  	s29 =	simm.s32 $0x0;
	s30 =	simm.s32 $0x500;
	_ =	swait.ge [sflag:s21], $0x500  }
0xd8: {  	s29 =	sand.u32 $0x70, s29;
	s31 =	sand.u32 $0xF80, s30;
	[sflag:s21] =	ssyncset.done $0x0  }
0xd9: {  	s29 =	sor.u32 s29, s31;
	[sflag:s21] =	ssyncadd.s32 $0xFFFFFB00  }
0xda: {  	v8 =	vld [tilespmem:s29+$0x2900];
	_ =	sdelay $0x4  }
0xdb: {  	vm14 =	vgt.s32 v8, $0xFFFFFFFF  }
0xdc: {  	v9 =	vmpcnt.ones.xlane vm14;
	_ =	sdelay $0x1  }
0xdd: {  	(v2sf) =	vpush v9, $0x0;
	v9 =	vsel vm14, $0x1, v6  }
0xde: {  	(xrf0) =	vadd.scan.msk.s32 $0xffff, v9;
	_ =	sdelay $0x1  }
0xdf: {  	s2 =	sadd.s32 s0, s19  }
0xe0: {  	v9 =	vmov s2  }
0xe1: {  	v9 =	vadd.s32 $0xFFFFFFFF, v9  }
0xe2: {  	v9 =	vbroadcast v9, $0x0  }
0xe3: {  	v10, _, _ =	vpop (xrf0)  }
0xe4: {  	v9 =	vadd.s32 v10, v9  }
0xe5: {  	v10 =	vmov s30  }
0xe6: {  	vm15 =	vgt.s32 v8, $0x0;
	v10 =	vshll.u32 v10, $0xC  }
0xe7: {  	s19 =	simm.s32 $0x10;
	s29 =	simm.s32 $0x510;
	v8 =	vnsel vm15, $0x0, v8;
	v10 =	vor.u32 v5, v10  }
0xe8: {  	s0 =	sand.u32 $0x70, s19;
	s31 =	sand.u32 $0xF80, s29;
	v8 =	vor.u32 v10, v8  }
0xe9: {  	s0 =	sor.u32 s0, s31;
	[tilespmem:v9+s22+$0x0] =	vst.idx.msk vm14, v8  }
0xea: {  	v9 =	vld [tilespmem:s0+$0x2900]  }
0xeb: {  	v10 =	vmov s29  }
0xec: {  	s29 =	simm.s32 $0x20;
	v8 =	vshll.u32 v10, $0xC;
	s0 =	spop (v2sf)  }
.LBB2_12:
0xed: {  	p0 =	sne.s32 s29, $0x4F0  }
0xee: {  	s2 =	sadd.s32 s2, s0;
	s0 =	smov.u32 s29;
	s29 =	sadd.s32 $0x10, s29  }
0xef: {  	vm0 =	vgt.s32 v9, $0xFFFFFFFF;
	vm1 =	vgt.s32 v9, $0x0;
	v10 =	vmov s2  }
0xf0: {  	v11 =	vsel vm0, $0x1, v6;
	v10 =	vadd.s32 $0xFFFFFFFF, v10;
	v12 =	vmpcnt.ones.xlane vm0  }
0xf1: {  	v9 =	vnsel vm1, $0x0, v9;
	(xrf0) =	vadd.scan.msk.s32 $0xffff, v11  }
0xf2: {  	(v2sf) =	vpush v12, $0x0;
	_ =	sdelay $0x3  }
0xf3: {  	v10 =	vbroadcast v10, $0x0  }
0xf4: {  	v11, _, _ =	vpop (xrf0)  }
0xf5: {  	v10 =	vadd.s32 v11, v10;
	_ =	sdelay $0x2  }
0xf6: {  	v8 =	vor.u32 v5, v8;
	s30 =	sadd.s32 $0x500, s0  }
0xf7: {  	s0 =	sand.u32 $0x70, s0;
	s31 =	sand.u32 $0xF80, s30;
	v9 =	vor.u32 v8, v9;
	v11 =	vmov s30  }
.Ltmp7:
0xf8: {  	s0 =	sor.u32 s0, s31;
	v8 =	vshll.u32 v11, $0xC;
	[tilespmem:v10+s22+$0x0] =	vst.idx.msk vm0, v9;
	(pc) =	sbr.rel @p0 .LBB2_12-.Ltmp7, $2  }
0xf9: {  	v9 =	vld [tilespmem:s0+$0x2900];
	_ =	sdelay $0x2  }
0xfa: {  	s0 =	spop (v2sf)  }
0xfb: {  	_ = 	snop  }
0xfc: {  	vm0 =	vgt.s32 v9, $0xFFFFFFFF  }
0xfd: {  	v10 =	vsel vm0, $0x1, v6  }
0xfe: {  	(xrf0) =	vadd.scan.msk.s32 $0xffff, v10;
	_ =	sdelay $0x1  }
0xff: {  	s0 =	sadd.s32 s2, s0  }
0x100: {  	v10 =	vmov s0  }
0x101: {  	v10 =	vadd.s32 $0xFFFFFFFF, v10  }
0x102: {  	v10 =	vbroadcast v10, $0x0  }
0x103: {  	v11, _, _ =	vpop (xrf0)  }
0x104: {  	v10 =	vadd.s32 v11, v10;
	_ =	sdelay $0x1  }
0x105: {  	vm1 =	vgt.s32 v9, $0x0  }
0x106: {  	v8 =	vor.u32 v5, v8;
	v9 =	vnsel vm1, $0x0, v9  }
0x107: {  	v8 =	vor.u32 v8, v9  }
0x108: {  	s1 =	simm.s32 $0x1F00;
	s19 =	simm.s32 $0x3800;
	[tilespmem:v10+s22+$0x0] =	vst.idx.msk vm0, v8  }
0x109: {  	v8 =	vmpcnt.ones.xlane vm0;
	[tilespmem:s19], [sflag:$0x1] =	stream.indirect.gather [hbm4b:s10+s16], $0x1, s1, s16, $0xb8;
	[tilespmem:$0x13480] =	vst v63  }
0x10a: {  	s30 =	simm.s32 $0x1F80;
	s31 =	simm.s32 $0x3880  }
0x10b: {  	(v2sf) =	vpush v8, $0x0;
	[tilespmem:s31], [sflag:$0x1] =	stream.indirect.gather [hbm4b:s10+s16], $0x1, s30, s16, $0xb8;
	[tilespmem:$0x13480] =	vst v63  }
0x10c: {  	s2 =	simm.s32 $0x2000;
	s17 =	simm.s32 $0x3900  }
0x10d: {  	[tilespmem:s17], [sflag:$0x1] =	stream.indirect.gather [hbm4b:s10+s16], $0x1, s2, s16, $0xb8;
	[tilespmem:$0x13480] =	vst v63  }
0x10e: {  	s18 =	simm.s32 $0x2080;
	s19 =	simm.s32 $0x3980  }
0x10f: {  	[tilespmem:s19], [sflag:$0x1] =	stream.indirect.gather [hbm4b:s10+s16], $0x1, s18, s16, $0xb8;
	[tilespmem:$0x13480] =	vst v63  }
0x110: {  	s30 =	simm.s32 $0x2100;
	s31 =	simm.s32 $0x3A00  }
0x111: {  	[tilespmem:s31], [sflag:$0x1] =	stream.indirect.gather [hbm4b:s10+s16], $0x1, s30, s16, $0xb8;
	[tilespmem:$0x13480] =	vst v63  }
0x112: {  	s2 =	simm.s32 $0x2180;
	s17 =	simm.s32 $0x3A80  }
0x113: {  	[tilespmem:s17], [sflag:$0x1] =	stream.indirect.gather [hbm4b:s10+s16], $0x1, s2, s16, $0xb8;
	[tilespmem:$0x13480] =	vst v63  }
0x114: {  	s18 =	simm.s32 $0x2200;
	s19 =	simm.s32 $0x3B00  }
0x115: {  	[tilespmem:s19], [sflag:$0x1] =	stream.indirect.gather [hbm4b:s10+s16], $0x1, s18, s16, $0xb8;
	[tilespmem:$0x13480] =	vst v63  }
0x116: {  	s30 =	simm.s32 $0x2280;
	s31 =	simm.s32 $0x3B80  }
0x117: {  	[tilespmem:s31], [sflag:$0x1] =	stream.indirect.gather [hbm4b:s10+s16], $0x1, s30, s16, $0xb8;
	[tilespmem:$0x13480] =	vst v63  }
0x118: {  	s17 =	simm.s32 $0x2300;
	s18 =	simm.s32 $0x3C00  }
0x119: {  	[tilespmem:s18], [sflag:$0x1] =	stream.indirect.gather [hbm4b:s10+s16], $0x1, s17, s16, $0xb8;
	[tilespmem:$0x13480] =	vst v63  }
0x11a: {  	s19 =	spop (v2sf);
	s18 =	simm.s32 $0x2380;
	s17 =	simm.s32 $0x3C80  }
0x11b: {  	[tilespmem:s17], [sflag:$0x1] =	stream.indirect.gather [hbm4b:s10+s16], $0x1, s18, s16, $0xb8;
	[tilespmem:$0x13480] =	vst v63  }
0x11c: {  	s29 =	simm.s32 $0x0;
	s30 =	simm.s32 $0xA00;
	_ =	swait.ge [sflag:s21], $0x500  }
0x11d: {  	s29 =	sand.u32 $0x70, s29;
	s31 =	sand.u32 $0x1F80, s30;
	[sflag:s21] =	ssyncset.done $0x0  }
0x11e: {  	s29 =	sor.u32 s29, s31;
	[sflag:s21] =	ssyncadd.s32 $0xFFFFFB00  }
0x11f: {  	v8 =	vld [tilespmem:s29+$0x2900];
	_ =	sdelay $0x4  }
0x120: {  	vm14 =	vgt.s32 v8, $0xFFFFFFFF  }
0x121: {  	v9 =	vmpcnt.ones.xlane vm14;
	_ =	sdelay $0x1  }
0x122: {  	(v2sf) =	vpush v9, $0x0;
	v9 =	vsel vm14, $0x1, v6  }
0x123: {  	(xrf0) =	vadd.scan.msk.s32 $0xffff, v9;
	_ =	sdelay $0x1  }
0x124: {  	s2 =	sadd.s32 s0, s19  }
0x125: {  	v9 =	vmov s2  }
0x126: {  	v9 =	vadd.s32 $0xFFFFFFFF, v9  }
0x127: {  	v9 =	vbroadcast v9, $0x0  }
0x128: {  	v10, _, _ =	vpop (xrf0)  }
0x129: {  	v9 =	vadd.s32 v10, v9  }
0x12a: {  	v10 =	vmov s30  }
0x12b: {  	vm15 =	vgt.s32 v8, $0x0;
	v10 =	vshll.u32 v10, $0xC  }
0x12c: {  	s19 =	simm.s32 $0x10;
	s29 =	simm.s32 $0xA10;
	v8 =	vnsel vm15, $0x0, v8;
	v10 =	vor.u32 v5, v10  }
0x12d: {  	s0 =	sand.u32 $0x70, s19;
	s31 =	sand.u32 $0x1F80, s29;
	v8 =	vor.u32 v10, v8  }
0x12e: {  	s0 =	sor.u32 s0, s31;
	[tilespmem:v9+s22+$0x0] =	vst.idx.msk vm14, v8  }
0x12f: {  	v9 =	vld [tilespmem:s0+$0x2900]  }
0x130: {  	v10 =	vmov s29  }
0x131: {  	s29 =	simm.s32 $0x20;
	v8 =	vshll.u32 v10, $0xC;
	s0 =	spop (v2sf)  }
.LBB2_14:
0x132: {  	p0 =	sne.s32 s29, $0x4F0  }
0x133: {  	s2 =	sadd.s32 s2, s0;
	s0 =	smov.u32 s29;
	s29 =	sadd.s32 $0x10, s29  }
0x134: {  	vm0 =	vgt.s32 v9, $0xFFFFFFFF;
	vm1 =	vgt.s32 v9, $0x0;
	v10 =	vmov s2  }
0x135: {  	v11 =	vsel vm0, $0x1, v6;
	v10 =	vadd.s32 $0xFFFFFFFF, v10;
	v12 =	vmpcnt.ones.xlane vm0  }
0x136: {  	v9 =	vnsel vm1, $0x0, v9;
	(xrf0) =	vadd.scan.msk.s32 $0xffff, v11  }
0x137: {  	(v2sf) =	vpush v12, $0x0;
	_ =	sdelay $0x3  }
0x138: {  	v10 =	vbroadcast v10, $0x0  }
0x139: {  	v11, _, _ =	vpop (xrf0)  }
0x13a: {  	v10 =	vadd.s32 v11, v10;
	_ =	sdelay $0x2  }
0x13b: {  	v8 =	vor.u32 v5, v8;
	s30 =	sadd.s32 $0xA00, s0  }
0x13c: {  	s0 =	sand.u32 $0x70, s0;
	s31 =	sand.u32 $0x1F80, s30;
	v9 =	vor.u32 v8, v9;
	v11 =	vmov s30  }
.Ltmp8:
0x13d: {  	s0 =	sor.u32 s0, s31;
	v8 =	vshll.u32 v11, $0xC;
	[tilespmem:v10+s22+$0x0] =	vst.idx.msk vm0, v9;
	(pc) =	sbr.rel @p0 .LBB2_14-.Ltmp8, $2  }
0x13e: {  	v9 =	vld [tilespmem:s0+$0x2900];
	_ =	sdelay $0x2  }
0x13f: {  	s0 =	spop (v2sf)  }
0x140: {  	_ = 	snop  }
0x141: {  	vm0 =	vgt.s32 v9, $0xFFFFFFFF  }
0x142: {  	v10 =	vsel vm0, $0x1, v6  }
0x143: {  	(xrf0) =	vadd.scan.msk.s32 $0xffff, v10;
	_ =	sdelay $0x1  }
0x144: {  	s0 =	sadd.s32 s2, s0  }
0x145: {  	v10 =	vmov s0  }
0x146: {  	v10 =	vadd.s32 $0xFFFFFFFF, v10  }
0x147: {  	v10 =	vbroadcast v10, $0x0  }
0x148: {  	v11, _, _ =	vpop (xrf0)  }
0x149: {  	v10 =	vadd.s32 v11, v10;
	_ =	sdelay $0x1  }
0x14a: {  	vm1 =	vgt.s32 v9, $0x0  }
0x14b: {  	v8 =	vor.u32 v5, v8;
	v9 =	vnsel vm1, $0x0, v9  }
0x14c: {  	v8 =	vor.u32 v8, v9  }
0x14d: {  	s1 =	simm.s32 $0x2400;
	s18 =	simm.s32 $0x3D00;
	[tilespmem:v10+s22+$0x0] =	vst.idx.msk vm0, v8  }
0x14e: {  	v8 =	vmpcnt.ones.xlane vm0;
	[tilespmem:s18], [sflag:$0x1] =	stream.indirect.gather [hbm4b:s10+s16], $0x1, s1, s16, $0xb8;
	[tilespmem:$0x13480] =	vst v63  }
0x14f: {  	s19 =	simm.s32 $0x2480;
	s31 =	simm.s32 $0x3D80  }
0x150: {  	(v2sf) =	vpush v8, $0x0;
	[tilespmem:s31], [sflag:$0x1] =	stream.indirect.gather [hbm4b:s10+s16], $0x1, s19, s16, $0xb8;
	[tilespmem:$0x13480] =	vst v63  }
0x151: {  	s17 =	simm.s32 $0x2500;
	s18 =	simm.s32 $0x3E00  }
0x152: {  	[tilespmem:s18], [sflag:$0x1] =	stream.indirect.gather [hbm4b:s10+s16], $0x1, s17, s16, $0xb8;
	[tilespmem:$0x13480] =	vst v63  }
0x153: {  	s19 =	simm.s32 $0x2580;
	s31 =	simm.s32 $0x3E80  }
0x154: {  	[tilespmem:s31], [sflag:$0x1] =	stream.indirect.gather [hbm4b:s10+s16], $0x1, s19, s16, $0xb8;
	[tilespmem:$0x13480] =	vst v63  }
0x155: {  	s17 =	simm.s32 $0x2600;
	s18 =	simm.s32 $0x3F00  }
0x156: {  	[tilespmem:s18], [sflag:$0x1] =	stream.indirect.gather [hbm4b:s10+s16], $0x1, s17, s16, $0xb8;
	[tilespmem:$0x13480] =	vst v63  }
0x157: {  	s19 =	simm.s32 $0x2680;
	s31 =	simm.s32 $0x3F80  }
0x158: {  	[tilespmem:s31], [sflag:$0x1] =	stream.indirect.gather [hbm4b:s10+s16], $0x1, s19, s16, $0xb8;
	[tilespmem:$0x13480] =	vst v63  }
0x159: {  	s17 =	simm.s32 $0x2700;
	s18 =	simm.s32 $0x4000  }
0x15a: {  	[tilespmem:s18], [sflag:$0x1] =	stream.indirect.gather [hbm4b:s10+s16], $0x1, s17, s16, $0xb8;
	[tilespmem:$0x13480] =	vst v63  }
0x15b: {  	s19 =	simm.s32 $0x2780;
	s31 =	simm.s32 $0x4080  }
0x15c: {  	[tilespmem:s31], [sflag:$0x1] =	stream.indirect.gather [hbm4b:s10+s16], $0x1, s19, s16, $0xb8;
	[tilespmem:$0x13480] =	vst v63  }
0x15d: {  	s2 =	simm.s32 $0x2800;
	s17 =	simm.s32 $0x4100  }
0x15e: {  	[tilespmem:s17], [sflag:$0x1] =	stream.indirect.gather [hbm4b:s10+s16], $0x1, s2, s16, $0xb8;
	[tilespmem:$0x13480] =	vst v63  }
0x15f: {  	s19 =	simm.s32 $0x2880;
	s18 =	spop (v2sf)  }
0x160: {  	[tilespmem:s20], [sflag:$0x1] =	stream.indirect.gather [hbm4b:s10+s16], $0x1, s19, s16, $0xb8;
	[tilespmem:$0x13480] =	vst v63  }
0x161: {  	s29 =	simm.s32 $0x0;
	s30 =	simm.s32 $0xF00;
	_ =	swait.ge [sflag:s21], $0x500  }
0x162: {  	s29 =	sand.u32 $0x70, s29;
	s31 =	sand.u32 $0x1F80, s30;
	[sflag:s21] =	ssyncset.done $0x0  }
0x163: {  	s29 =	sor.u32 s29, s31;
	[sflag:s21] =	ssyncadd.s32 $0xFFFFFB00  }
0x164: {  	v8 =	vld [tilespmem:s29+$0x2900];
	_ =	sdelay $0x4  }
0x165: {  	vm14 =	vgt.s32 v8, $0xFFFFFFFF  }
0x166: {  	v9 =	vmpcnt.ones.xlane vm14;
	_ =	sdelay $0x1  }
0x167: {  	(v2sf) =	vpush v9, $0x0;
	v9 =	vsel vm14, $0x1, v6  }
0x168: {  	(xrf0) =	vadd.scan.msk.s32 $0xffff, v9;
	_ =	sdelay $0x1  }
0x169: {  	s2 =	sadd.s32 s0, s18  }
0x16a: {  	v9 =	vmov s2  }
0x16b: {  	v9 =	vadd.s32 $0xFFFFFFFF, v9  }
0x16c: {  	v9 =	vbroadcast v9, $0x0  }
0x16d: {  	v10, _, _ =	vpop (xrf0)  }
0x16e: {  	v9 =	vadd.s32 v10, v9  }
0x16f: {  	v10 =	vmov s30  }
0x170: {  	vm15 =	vgt.s32 v8, $0x0;
	v10 =	vshll.u32 v10, $0xC  }
0x171: {  	s31 =	simm.s32 $0x10;
	s29 =	simm.s32 $0xF10;
	v8 =	vnsel vm15, $0x0, v8;
	v10 =	vor.u32 v5, v10  }
0x172: {  	s0 =	sand.u32 $0x70, s31;
	s30 =	sand.u32 $0x1F80, s29;
	v8 =	vor.u32 v10, v8  }
0x173: {  	s0 =	sor.u32 s0, s30;
	[tilespmem:v9+s22+$0x0] =	vst.idx.msk vm14, v8  }
0x174: {  	v9 =	vld [tilespmem:s0+$0x2900]  }
0x175: {  	v10 =	vmov s29  }
0x176: {  	s29 =	simm.s32 $0x20;
	v8 =	vshll.u32 v10, $0xC;
	s30 =	spop (v2sf)  }
.LBB2_16:
0x177: {  	p0 =	sne.s32 s29, $0x4F0  }
0x178: {  	s2 =	sadd.s32 s2, s30;
	s0 =	smov.u32 s29;
	s29 =	sadd.s32 $0x10, s29  }
0x179: {  	vm0 =	vgt.s32 v9, $0xFFFFFFFF;
	vm1 =	vgt.s32 v9, $0x0;
	v10 =	vmov s2  }
0x17a: {  	v11 =	vsel vm0, $0x1, v6;
	v10 =	vadd.s32 $0xFFFFFFFF, v10;
	v12 =	vmpcnt.ones.xlane vm0  }
0x17b: {  	v9 =	vnsel vm1, $0x0, v9;
	(xrf0) =	vadd.scan.msk.s32 $0xffff, v11  }
0x17c: {  	(v2sf) =	vpush v12, $0x0;
	_ =	sdelay $0x3  }
0x17d: {  	v10 =	vbroadcast v10, $0x0  }
0x17e: {  	v11, _, _ =	vpop (xrf0)  }
0x17f: {  	v10 =	vadd.s32 v11, v10;
	_ =	sdelay $0x2  }
0x180: {  	v8 =	vor.u32 v5, v8;
	s30 =	sadd.s32 $0xF00, s0  }
0x181: {  	s0 =	sand.u32 $0x70, s0;
	s31 =	sand.u32 $0x1F80, s30;
	v9 =	vor.u32 v8, v9;
	v11 =	vmov s30  }
.Ltmp9:
0x182: {  	s0 =	sor.u32 s0, s31;
	v8 =	vshll.u32 v11, $0xC;
	[tilespmem:v10+s22+$0x0] =	vst.idx.msk vm0, v9;
	(pc) =	sbr.rel @p0 .LBB2_16-.Ltmp9, $2  }
0x183: {  	v9 =	vld [tilespmem:s0+$0x2900];
	_ =	sdelay $0x2  }
0x184: {  	s30 =	spop (v2sf)  }
0x185: {  	_ = 	snop  }
0x186: {  	vm0 =	vgt.s32 v9, $0xFFFFFFFF  }
0x187: {  	v10 =	vmpcnt.ones.xlane vm0;
	_ =	sdelay $0x1  }
0x188: {  	(v2sf) =	vpush v10, $0x0;
	_ =	sdelay $0x1  }
0x189: {  	v10 =	vsel vm0, $0x1, v6  }
0x18a: {  	(xrf0) =	vadd.scan.msk.s32 $0xffff, v10;
	_ =	sdelay $0x1  }
0x18b: {  	s0 =	sadd.s32 s2, s30  }
0x18c: {  	v10 =	vmov s0  }
0x18d: {  	v10 =	vadd.s32 $0xFFFFFFFF, v10  }
0x18e: {  	v10 =	vbroadcast v10, $0x0  }
0x18f: {  	v11, _, _ =	vpop (xrf0)  }
0x190: {  	v10 =	vadd.s32 v11, v10;
	_ =	sdelay $0x1  }
0x191: {  	vm1 =	vgt.s32 v9, $0x0  }
0x192: {  	v8 =	vor.u32 v5, v8;
	v9 =	vnsel vm1, $0x0, v9  }
0x193: {  	v8 =	vor.u32 v8, v9  }
0x194: {  	s29 =	simm.s32 $0x1400;
	[tilespmem:v10+s22+$0x0] =	vst.idx.msk vm0, v8;
	s18 =	spop (v2sf)  }
0x195: {  	s19 =	simm.s32 $0x0;
	s30 =	sand.u32 $0x1F80, s29;
	_ =	swait.ge [sflag:s21], $0x500  }
0x196: {  	s2 =	sadd.s32 s0, s18;
	s0 =	sand.u32 $0x70, s19;
	[sflag:s21] =	ssyncset.done $0x0  }
0x197: {  	s0 =	sor.u32 s0, s30;
	[sflag:s21] =	ssyncadd.s32 $0xFFFFFB00  }
0x198: {  	v8 =	vld [tilespmem:s0+$0x2900];
	_ =	sdelay $0x4  }
0x199: {  	vm14 =	vgt.s32 v8, $0xFFFFFFFF  }
0x19a: {  	v9 =	vmpcnt.ones.xlane vm14;
	_ =	sdelay $0x1  }
0x19b: {  	(v2sf) =	vpush v9, $0x0;
	v9 =	vsel vm14, $0x1, v6  }
0x19c: {  	(xrf0) =	vadd.scan.msk.s32 $0xffff, v9;
	_ =	sdelay $0x2  }
0x19d: {  	v9 =	vmov s2  }
0x19e: {  	v9 =	vadd.s32 $0xFFFFFFFF, v9  }
0x19f: {  	v9 =	vbroadcast v9, $0x0  }
0x1a0: {  	v10, _, _ =	vpop (xrf0)  }
0x1a1: {  	v9 =	vadd.s32 v10, v9  }
0x1a2: {  	v10 =	vmov s29  }
0x1a3: {  	vm15 =	vgt.s32 v8, $0x0;
	v10 =	vshll.u32 v10, $0xC  }
0x1a4: {  	s31 =	simm.s32 $0x10;
	v8 =	vnsel vm15, $0x0, v8;
	s29 =	simm.s32 $0x1410;
	v10 =	vor.u32 v5, v10  }
0x1a5: {  	s0 =	sand.u32 $0x70, s31;
	s30 =	sand.u32 $0x1F80, s29;
	v8 =	vor.u32 v10, v8  }
0x1a6: {  	s0 =	sor.u32 s0, s30;
	[tilespmem:v9+s22+$0x0] =	vst.idx.msk vm14, v8  }
0x1a7: {  	v9 =	vld [tilespmem:s0+$0x2900]  }
0x1a8: {  	v10 =	vmov s29  }
0x1a9: {  	s29 =	simm.s32 $0x20;
	v8 =	vshll.u32 v10, $0xC;
	s30 =	spop (v2sf)  }
.LBB2_18:
0x1aa: {  	p0 =	seq.s32 s29, $0x4F0  }
0x1ab: {  	s2 =	sadd.s32 s2, s30;
	s0 =	smov.u32 s29;
	s29 =	sadd.s32 $0x10, s29  }
0x1ac: {  	vm0 =	vgt.s32 v9, $0xFFFFFFFF;
	vm1 =	vgt.s32 v9, $0x0;
	v10 =	vmov s2  }
0x1ad: {  	v11 =	vsel vm0, $0x1, v6;
	v10 =	vadd.s32 $0xFFFFFFFF, v10;
	v12 =	vmpcnt.ones.xlane vm0  }
0x1ae: {  	v9 =	vnsel vm1, $0x0, v9;
	(xrf0) =	vadd.scan.msk.s32 $0xffff, v11  }
0x1af: {  	(v2sf) =	vpush v12, $0x0;
	_ =	sdelay $0x3  }
0x1b0: {  	v10 =	vbroadcast v10, $0x0  }
0x1b1: {  	v11, _, _ =	vpop (xrf0)  }
0x1b2: {  	v10 =	vadd.s32 v11, v10;
	_ =	sdelay $0x2  }
0x1b3: {  	v8 =	vor.u32 v5, v8;
	s30 =	sadd.s32 $0x1400, s0  }
0x1b4: {  	s0 =	sand.u32 $0x70, s0;
	s31 =	sand.u32 $0x1F80, s30;
	v9 =	vor.u32 v8, v9;
	v11 =	vmov s30  }
.Ltmp10:
0x1b5: {  	s0 =	sor.u32 s0, s31;
	v8 =	vshll.u32 v11, $0xC;
	[tilespmem:v10+s22+$0x0] =	vst.idx.msk vm0, v9;
	(pc) =	sbr.rel @!p0 .LBB2_18-.Ltmp10, $2  }
0x1b6: {  	v9 =	vld [tilespmem:s0+$0x2900];
	_ =	sdelay $0x2  }
0x1b7: {  	s30 =	spop (v2sf)  }
0x1b8: {  	_ = 	snop  }
0x1b9: {  	vm0 =	vgt.s32 v9, $0xFFFFFFFF  }
0x1ba: {  	v10 =	vmpcnt.ones.xlane vm0;
	_ =	sdelay $0x1  }
0x1bb: {  	(v2sf) =	vpush v10, $0x0;
	_ =	sdelay $0x3  }
0x1bc: {  	v10 =	vsel vm0, $0x1, v6  }
0x1bd: {  	(xrf0) =	vadd.scan.msk.s32 $0xffff, v10;
	_ =	sdelay $0x1  }
0x1be: {  	s0 =	sadd.s32 s2, s30  }
0x1bf: {  	v10 =	vmov s0  }
0x1c0: {  	v10 =	vadd.s32 $0xFFFFFFFF, v10  }
0x1c1: {  	v10 =	vbroadcast v10, $0x0  }
0x1c2: {  	v11, _, _ =	vpop (xrf0)  }
0x1c3: {  	v10 =	vadd.s32 v11, v10  }
.Ltmp11:
0x1c4: {  	_ = 	snop;
	(pc) =	sbr.rel .LBB2_20-.Ltmp11, $4  }
0x1c5: {  	vm1 =	vgt.s32 v9, $0x0  }
0x1c6: {  	v8 =	vor.u32 v5, v8;
	v9 =	vnsel vm1, $0x0, v9;
	s19 =	spop (v2sf)  }
0x1c7: {  	v8 =	vor.u32 v8, v9;
	s29 =	sadd.s32 s0, s19  }
0x1c8: {  	s30 =	simm.s32 $0xF;
	s31 =	simm.s32 $0x4200;
	[tilespmem:v10+s22+$0x0] =	vst.idx.msk vm0, v8;
	v8 =	vmov s29  }
.LBB2_22:
0x1c9: {  	s30 =	sadd.s32 $0x10, s30  }
0x1ca: {  	p0 =	sne.s32 s30, $0x190F  }
.Ltmp12:
0x1cb: {  	_ = 	snop;
	(pc) =	sbr.rel @!p0 .LBB2_23-.Ltmp12, $2  }
0x1cc: {  	_ =	sdelay $0x2  }
0x1cd: {  	s31 =	sadd.s32 $0x10, s31  }
.LBB2_20:
0x1ce: {  	s2 =	sadd.s32 $0xFFFFFFF1, s30  }
0x1cf: {  	p0 =	sge.s32 s2, s29  }
.Ltmp13:
0x1d0: {  	_ = 	snop;
	(pc) =	sbr.rel @p0 .LBB2_22-.Ltmp13, $1  }
0x1d1: {  	_ =	sdelay $0x3  }
0x1d2: {  	v9 =	vld [tilespmem:s31+$0x0];
	_ =	sdelay $0x4  }
0x1d3: {  	(v2sf) =	vpush v9, $0x0;
	_ =	sdelay $0x3  }
0x1d4: {  	s0 =	sadd.s32 $0xFFFFFFF2, s30  }
0x1d5: {  	p1 =	sge.u32 s0, s29  }
0x1d6: {  	(v2sf) =	vpush @!p1 v9, $0x1;
	_ =	sdelay $0x4  }
0x1d7: {  	s18 =	sadd.s32 $0xFFFFFFF3, s30  }
0x1d8: {  	p0 =	sge.u32 s18, s29  }
0x1d9: {  	(v2sf) =	vpush @!p0 v9, $0x2;
	_ =	sdelay $0x1  }
0x1da: {  	s19 =	spop (v2sf)  }
0x1db: {  	s0 =	simm.s32 @!p1 $0x0;
	s1 =	smulhi.u32 $0x51EB851F, s19  }
0x1dc: {  	s17 =	sadd.s32 $0xFFFFFFF4, s30;
	s0 =	simm.s32 @p1 $0x1  }
0x1dd: {  	[smem:$0x7F5] =	sst s0;
	s0 =	simm.s32 @!p0 $0x0;
	s1 =	sshrl.u32 s1, $0x10  }
0x1de: {  	p2 =	sge.u32 s17, s29;
	s0 =	simm.s32 @p0 $0x1;
	s1 =	sadd.s32 s5, s1  }
0x1df: {  	[smem:$0x7F6] =	sst s0;
	s0 =	sand.u32 $0xF80, s19;
	s1 =	sshll.u32 s1, $0x9  }
0x1e0: {  	s17 =	spop @!p1 (v2sf);
	s0 =	sadd.s32 s3, s0;
	s1 =	sand.u32 $0x1FFF000, s1  }
0x1e1: {  	(v2sf) =	vpush @!p2 v9, $0x3;
	s0 =	sadd.s32 s1, s0;
	s1 =	smulhi.u32 @!p1 $0x51EB851F, s17  }
0x1e2: {  	[tilespmem:s23], [sflag:$0x2] =	stream.linear.gather [hbm4b:s0+s4], $0x400, $0x38;
	[tilespmem:$0x13480] =	vst v63  }
0x1e3: {  	s0 =	sshrl.u32 @!p1 s1, $0x10  }
0x1e4: {  	s0 =	sadd.s32 @!p1 s5, s0  }
0x1e5: {  	s17 =	sand.u32 @!p1 $0xF80, s17;
	s0 =	sshll.u32 @!p1 s0, $0x9  }
0x1e6: {  	s18 =	sadd.s32 $0xFFFFFFF5, s30;
	s1 =	sadd.s32 @!p1 s3, s17;
	s0 =	sand.u32 @!p1 $0x1FFF000, s0  }
0x1e7: {  	p3 =	sge.u32 s18, s29;
	s0 =	sadd.s32 @!p1 s0, s1;
	s1 =	spop @!p0 (v2sf)  }
0x1e8: {  	s18 =	simm.s32 @!p1 $0x5F80;
	s17 =	simm.s32 @!p1 $0x0;
	s19 =	smulhi.u32 @!p0 $0x51EB851F, s1  }
0x1e9: {  	[tilespmem:s18], [sflag:$0x2] =	stream.linear.gather @!p1 [hbm4b:s0+s17], $0x400, $0x38;
	[tilespmem:$0x13480] =	vst v63  }
0x1ea: {  	(v2sf) =	vpush @!p3 v9, $0x4;
	s0 =	sshrl.u32 @!p0 s19, $0x10  }
0x1eb: {  	s0 =	sadd.s32 @!p0 s5, s0  }
0x1ec: {  	s1 =	sand.u32 @!p0 $0xF80, s1;
	s0 =	sshll.u32 @!p0 s0, $0x9  }
0x1ed: {  	s1 =	sadd.s32 @!p0 s3, s1;
	s0 =	sand.u32 @!p0 $0x1FFF000, s0  }
0x1ee: {  	s0 =	sadd.s32 @!p0 s0, s1;
	s1 =	simm.s32 @!p2 $0x0  }
0x1ef: {  	s17 =	simm.s32 @!p0 $0x0;
	s1 =	simm.s32 @p2 $0x1  }
0x1f0: {  	s19 =	sadd.s32 $0xFFFFFFF6, s30;
	[smem:$0x7F7] =	sst s1;
	s1 =	spop @!p2 (v2sf)  }
0x1f1: {  	s18 =	simm.s32 @!p0 $0x6380;
	p1 =	sge.u32 s19, s29;
	s19 =	smulhi.u32 @!p2 $0x51EB851F, s1  }
0x1f2: {  	[tilespmem:s18], [sflag:$0x2] =	stream.linear.gather @!p0 [hbm4b:s0+s17], $0x400, $0x38;
	[tilespmem:$0x13480] =	vst v63  }
0x1f3: {  	(v2sf) =	vpush @!p1 v9, $0x5;
	s0 =	sshrl.u32 @!p2 s19, $0x10  }
0x1f4: {  	s0 =	sadd.s32 @!p2 s5, s0  }
0x1f5: {  	s1 =	sand.u32 @!p2 $0xF80, s1;
	s0 =	sshll.u32 @!p2 s0, $0x9  }
0x1f6: {  	s1 =	sadd.s32 @!p2 s3, s1;
	s0 =	sand.u32 @!p2 $0x1FFF000, s0  }
0x1f7: {  	s0 =	sadd.s32 @!p2 s0, s1;
	s1 =	simm.s32 @!p3 $0x0  }
0x1f8: {  	s18 =	sadd.s32 $0xFFFFFFF7, s30;
	s1 =	simm.s32 @p3 $0x1  }
0x1f9: {  	s17 =	simm.s32 @!p2 $0x0;
	[smem:$0x7F8] =	sst s1;
	s1 =	spop @!p3 (v2sf)  }
0x1fa: {  	p0 =	sge.u32 s18, s29;
	s18 =	simm.s32 @!p2 $0x6780;
	s19 =	smulhi.u32 @!p3 $0x51EB851F, s1  }
0x1fb: {  	[tilespmem:s18], [sflag:$0x2] =	stream.linear.gather @!p2 [hbm4b:s0+s17], $0x400, $0x38;
	[tilespmem:$0x13480] =	vst v63  }
0x1fc: {  	(v2sf) =	vpush @!p0 v9, $0x6;
	s0 =	sshrl.u32 @!p3 s19, $0x10  }
0x1fd: {  	s0 =	sadd.s32 @!p3 s5, s0  }
0x1fe: {  	s1 =	sand.u32 @!p3 $0xF80, s1;
	s0 =	sshll.u32 @!p3 s0, $0x9  }
0x1ff: {  	s1 =	sadd.s32 @!p3 s3, s1;
	s0 =	sand.u32 @!p3 $0x1FFF000, s0  }
0x200: {  	s0 =	sadd.s32 @!p3 s0, s1;
	s1 =	simm.s32 @!p1 $0x0  }
0x201: {  	s17 =	simm.s32 @!p3 $0x0;
	s1 =	simm.s32 @p1 $0x1  }
0x202: {  	s19 =	sadd.s32 $0xFFFFFFF8, s30;
	[smem:$0x7F9] =	sst s1;
	s1 =	spop @!p1 (v2sf)  }
0x203: {  	s18 =	simm.s32 @!p3 $0x6B80;
	p2 =	sge.u32 s19, s29;
	s19 =	smulhi.u32 @!p1 $0x51EB851F, s1  }
0x204: {  	[tilespmem:s18], [sflag:$0x2] =	stream.linear.gather @!p3 [hbm4b:s0+s17], $0x400, $0x38;
	[tilespmem:$0x13480] =	vst v63  }
0x205: {  	(v2sf) =	vpush @!p2 v9, $0x7;
	s0 =	sshrl.u32 @!p1 s19, $0x10  }
0x206: {  	s0 =	sadd.s32 @!p1 s5, s0  }
0x207: {  	s1 =	sand.u32 @!p1 $0xF80, s1;
	s0 =	sshll.u32 @!p1 s0, $0x9  }
0x208: {  	s1 =	sadd.s32 @!p1 s3, s1;
	s0 =	sand.u32 @!p1 $0x1FFF000, s0  }
0x209: {  	s0 =	sadd.s32 @!p1 s0, s1;
	s1 =	simm.s32 @!p0 $0x0  }
0x20a: {  	s18 =	sadd.s32 $0xFFFFFFF9, s30;
	s1 =	simm.s32 @p0 $0x1  }
0x20b: {  	s17 =	simm.s32 @!p1 $0x0;
	[smem:$0x7FA] =	sst s1;
	s1 =	spop @!p0 (v2sf)  }
0x20c: {  	p3 =	sge.u32 s18, s29;
	s18 =	simm.s32 @!p1 $0x6F80;
	s19 =	smulhi.u32 @!p0 $0x51EB851F, s1  }
0x20d: {  	[tilespmem:s18], [sflag:$0x2] =	stream.linear.gather @!p1 [hbm4b:s0+s17], $0x400, $0x38;
	[tilespmem:$0x13480] =	vst v63  }
0x20e: {  	(v2sf) =	vpush @!p3 v9, $0x8;
	s0 =	sshrl.u32 @!p0 s19, $0x10  }
0x20f: {  	s0 =	sadd.s32 @!p0 s5, s0  }
0x210: {  	s1 =	sand.u32 @!p0 $0xF80, s1;
	s0 =	sshll.u32 @!p0 s0, $0x9  }
0x211: {  	s1 =	sadd.s32 @!p0 s3, s1;
	s0 =	sand.u32 @!p0 $0x1FFF000, s0  }
0x212: {  	s0 =	sadd.s32 @!p0 s0, s1;
	s1 =	simm.s32 @!p2 $0x0  }
0x213: {  	s17 =	simm.s32 @!p0 $0x0;
	s1 =	simm.s32 @p2 $0x1  }
0x214: {  	s19 =	sadd.s32 $0xFFFFFFFA, s30;
	[smem:$0x7FB] =	sst s1;
	s1 =	spop @!p2 (v2sf)  }
0x215: {  	s18 =	simm.s32 @!p0 $0x7380;
	p1 =	sge.u32 s19, s29;
	s19 =	smulhi.u32 @!p2 $0x51EB851F, s1  }
0x216: {  	[tilespmem:s18], [sflag:$0x2] =	stream.linear.gather @!p0 [hbm4b:s0+s17], $0x400, $0x38;
	[tilespmem:$0x13480] =	vst v63  }
0x217: {  	(v2sf) =	vpush @!p1 v9, $0x9;
	s0 =	sshrl.u32 @!p2 s19, $0x10  }
0x218: {  	s0 =	sadd.s32 @!p2 s5, s0  }
0x219: {  	s1 =	sand.u32 @!p2 $0xF80, s1;
	s0 =	sshll.u32 @!p2 s0, $0x9  }
0x21a: {  	s1 =	sadd.s32 @!p2 s3, s1;
	s0 =	sand.u32 @!p2 $0x1FFF000, s0  }
0x21b: {  	s0 =	sadd.s32 @!p2 s0, s1;
	s1 =	simm.s32 @!p3 $0x0  }
0x21c: {  	s18 =	sadd.s32 $0xFFFFFFFB, s30;
	s1 =	simm.s32 @p3 $0x1  }
0x21d: {  	p6 =	sge.u32 s18, s29;
	[smem:$0x7FC] =	sst s1;
	s1 =	spop @!p3 (v2sf)  }
0x21e: {  	s17 =	simm.s32 @!p2 $0x0;
	s18 =	simm.s32 @!p2 $0x7780;
	(v2sf) =	vpush @!p6 v9, $0xA;
	s19 =	smulhi.u32 @!p3 $0x51EB851F, s1  }
0x21f: {  	[tilespmem:s18], [sflag:$0x2] =	stream.linear.gather @!p2 [hbm4b:s0+s17], $0x400, $0x38;
	[tilespmem:$0x13480] =	vst v63  }
0x220: {  	s0 =	sshrl.u32 @!p3 s19, $0x10  }
0x221: {  	s0 =	sadd.s32 @!p3 s5, s0  }
0x222: {  	s1 =	sand.u32 @!p3 $0xF80, s1;
	s0 =	sshll.u32 @!p3 s0, $0x9  }
0x223: {  	s1 =	sadd.s32 @!p3 s3, s1;
	s19 =	sadd.s32 $0xFFFFFFFC, s30;
	s0 =	sand.u32 @!p3 $0x1FFF000, s0  }
0x224: {  	p5 =	sge.u32 s19, s29;
	s0 =	sadd.s32 @!p3 s0, s1;
	s1 =	simm.s32 @!p1 $0x0  }
0x225: {  	(v2sf) =	vpush @!p5 v9, $0xB;
	s1 =	simm.s32 @p1 $0x1  }
0x226: {  	[smem:$0x7FD] =	sst s1;
	s1 =	spop @!p1 (v2sf)  }
0x227: {  	s17 =	simm.s32 @!p3 $0x0;
	s18 =	simm.s32 @!p3 $0x7B80;
	s19 =	smulhi.u32 @!p1 $0x51EB851F, s1  }
0x228: {  	[tilespmem:s18], [sflag:$0x2] =	stream.linear.gather @!p3 [hbm4b:s0+s17], $0x400, $0x38;
	[tilespmem:$0x13480] =	vst v63  }
0x229: {  	s0 =	sshrl.u32 @!p1 s19, $0x10  }
0x22a: {  	s0 =	sadd.s32 @!p1 s5, s0  }
0x22b: {  	s18 =	sadd.s32 $0xFFFFFFFD, s30;
	s1 =	sand.u32 @!p1 $0xF80, s1;
	s0 =	sshll.u32 @!p1 s0, $0x9  }
0x22c: {  	p4 =	sge.u32 s18, s29;
	s1 =	sadd.s32 @!p1 s3, s1;
	s0 =	sand.u32 @!p1 $0x1FFF000, s0  }
0x22d: {  	(v2sf) =	vpush @!p4 v9, $0xC;
	s0 =	sadd.s32 @!p1 s0, s1;
	s1 =	spop @!p6 (v2sf)  }
0x22e: {  	s17 =	simm.s32 @!p1 $0x0;
	s18 =	simm.s32 @!p1 $0x7F80;
	s19 =	smulhi.u32 @!p6 $0x51EB851F, s1  }
0x22f: {  	[tilespmem:s18], [sflag:$0x2] =	stream.linear.gather @!p1 [hbm4b:s0+s17], $0x400, $0x38;
	[tilespmem:$0x13480] =	vst v63  }
0x230: {  	s0 =	sshrl.u32 @!p6 s19, $0x10  }
0x231: {  	s19 =	sadd.s32 $0xFFFFFFFE, s30;
	s0 =	sadd.s32 @!p6 s5, s0  }
0x232: {  	s1 =	sand.u32 @!p6 $0xF80, s1;
	p3 =	sge.u32 s19, s29;
	s0 =	sshll.u32 @!p6 s0, $0x9  }
0x233: {  	s1 =	sadd.s32 @!p6 s3, s1;
	(v2sf) =	vpush @!p3 v9, $0xD;
	s0 =	sand.u32 @!p6 $0x1FFF000, s0  }
0x234: {  	s0 =	sadd.s32 @!p6 s0, s1;
	s1 =	spop @!p5 (v2sf)  }
0x235: {  	s17 =	simm.s32 @!p6 $0x0;
	s18 =	simm.s32 @!p6 $0x8380;
	s19 =	smulhi.u32 @!p5 $0x51EB851F, s1  }
0x236: {  	[tilespmem:s18], [sflag:$0x2] =	stream.linear.gather @!p6 [hbm4b:s0+s17], $0x400, $0x38;
	[tilespmem:$0x13480] =	vst v63  }
0x237: {  	s18 =	sadd.s32 $0xFFFFFFFF, s30  }
0x238: {  	p2 =	sge.u32 s18, s29;
	s0 =	sshrl.u32 @!p5 s19, $0x10  }
0x239: {  	(v2sf) =	vpush @!p2 v9, $0xE;
	s0 =	sadd.s32 @!p5 s5, s0  }
0x23a: {  	s1 =	sand.u32 @!p5 $0xF80, s1;
	s0 =	sshll.u32 @!p5 s0, $0x9  }
0x23b: {  	s1 =	sadd.s32 @!p5 s3, s1;
	s0 =	sand.u32 @!p5 $0x1FFF000, s0  }
0x23c: {  	s0 =	sadd.s32 @!p5 s0, s1;
	s1 =	spop @!p4 (v2sf)  }
0x23d: {  	s17 =	simm.s32 @!p5 $0x0;
	s18 =	simm.s32 @!p5 $0x8780;
	s19 =	smulhi.u32 @!p4 $0x51EB851F, s1  }
0x23e: {  	[tilespmem:s18], [sflag:$0x2] =	stream.linear.gather @!p5 [hbm4b:s0+s17], $0x400, $0x38;
	[tilespmem:$0x13480] =	vst v63  }
0x23f: {  	p1 =	sge.u32 s30, s29;
	s0 =	sshrl.u32 @!p4 s19, $0x10  }
0x240: {  	(v2sf) =	vpush @!p1 v9, $0xF;
	s0 =	sadd.s32 @!p4 s5, s0  }
0x241: {  	s1 =	sand.u32 @!p4 $0xF80, s1;
	s18 =	simm.s32 @!p4 $0x8B80;
	s0 =	sshll.u32 @!p4 s0, $0x9  }
0x242: {  	s1 =	sadd.s32 @!p4 s3, s1;
	s0 =	sand.u32 @!p4 $0x1FFF000, s0;
	s17 =	spop @!p3 (v2sf)  }
0x243: {  	s0 =	sadd.s32 @!p4 s0, s1;
	s1 =	simm.s32 @!p4 $0x0;
	s19 =	smulhi.u32 @!p3 $0x51EB851F, s17  }
0x244: {  	[tilespmem:s18], [sflag:$0x2] =	stream.linear.gather @!p4 [hbm4b:s0+s1], $0x400, $0x38;
	[tilespmem:$0x13480] =	vst v63  }
0x245: {  	s0 =	sshrl.u32 @!p3 s19, $0x10  }
0x246: {  	s0 =	sadd.s32 @!p3 s5, s0  }
0x247: {  	s1 =	sand.u32 @!p3 $0xF80, s17;
	s18 =	simm.s32 @!p3 $0x8F80;
	s0 =	sshll.u32 @!p3 s0, $0x9  }
0x248: {  	s1 =	sadd.s32 @!p3 s3, s1;
	s17 =	spop @!p2 (v2sf);
	s0 =	sand.u32 @!p3 $0x1FFF000, s0  }
0x249: {  	s19 =	smulhi.u32 @!p2 $0x51EB851F, s17;
	s0 =	sadd.s32 @!p3 s0, s1;
	s1 =	simm.s32 @!p3 $0x0  }
0x24a: {  	[tilespmem:s18], [sflag:$0x2] =	stream.linear.gather @!p3 [hbm4b:s0+s1], $0x400, $0x38;
	[tilespmem:$0x13480] =	vst v63  }
0x24b: {  	s0 =	sshrl.u32 @!p2 s19, $0x10  }
0x24c: {  	s0 =	sadd.s32 @!p2 s5, s0  }
0x24d: {  	s1 =	sand.u32 @!p2 $0xF80, s17;
	s0 =	sshll.u32 @!p2 s0, $0x9  }
0x24e: {  	s1 =	sadd.s32 @!p2 s3, s1;
	s0 =	sand.u32 @!p2 $0x1FFF000, s0  }
0x24f: {  	s0 =	sadd.s32 @!p2 s0, s1;
	s1 =	spop @!p1 (v2sf)  }
0x250: {  	s17 =	simm.s32 @!p2 $0x0;
	s18 =	simm.s32 @!p2 $0x9380;
	s19 =	smulhi.u32 @!p1 $0x51EB851F, s1  }
0x251: {  	[tilespmem:s18], [sflag:$0x2] =	stream.linear.gather @!p2 [hbm4b:s0+s17], $0x400, $0x38;
	[tilespmem:$0x13480] =	vst v63  }
0x252: {  	s0 =	sshrl.u32 @!p1 s19, $0x10  }
0x253: {  	s0 =	sadd.s32 @!p1 s5, s0  }
0x254: {  	s1 =	sand.u32 @!p1 $0xF80, s1;
	s0 =	sshll.u32 @!p1 s0, $0x9  }
0x255: {  	s1 =	sadd.s32 @!p1 s3, s1;
	s0 =	sand.u32 @!p1 $0x1FFF000, s0  }
0x256: {  	s17 =	simm.s32 @!p1 $0x9780;
	s0 =	sadd.s32 @!p1 s0, s1;
	s1 =	simm.s32 @!p1 $0x0  }
0x257: {  	[tilespmem:s17], [sflag:$0x2] =	stream.linear.gather @!p1 [hbm4b:s0+s1], $0x400, $0x38;
	[tilespmem:$0x13480] =	vst v63  }
0x258: {  	_ =	swait.ge [sflag:s24], $0x400  }
0x259: {  	s19 =	sld [smem:$0x7F5];
	_ =	sdelay $0x2  }
0x25a: {  	[sflag:s24] =	ssyncset.done $0x0;
	p0 =	seq.s32 s19, $0x1  }
0x25b: {  	[sflag:s24] =	ssyncadd.s32 $0xFFFFFC00;
	s0 =	simm.s32 @!p0 $0x2  }
0x25c: {  	_ =	swait.ge @!p0 [sflag:s0], $0x400  }
0x25d: {  	s1 =	sld [smem:$0x7F6];
	_ =	sdelay $0x1  }
0x25e: {  	[sflag:s0] =	ssyncset.done @!p0 $0x0  }
0x25f: {  	[sflag:s0] =	ssyncadd.s32 @!p0 $0xFFFFFC00;
	p0 =	seq.s32 s1, $0x1  }
0x260: {  	s0 =	simm.s32 @!p0 $0x2  }
0x261: {  	_ =	swait.ge @!p0 [sflag:s0], $0x400  }
0x262: {  	s17 =	sld [smem:$0x7F7];
	_ =	sdelay $0x1  }
0x263: {  	[sflag:s0] =	ssyncset.done @!p0 $0x0  }
0x264: {  	[sflag:s0] =	ssyncadd.s32 @!p0 $0xFFFFFC00;
	p0 =	seq.s32 s17, $0x1  }
0x265: {  	s0 =	simm.s32 @!p0 $0x2  }
0x266: {  	_ =	swait.ge @!p0 [sflag:s0], $0x400  }
0x267: {  	s18 =	sld [smem:$0x7F8];
	_ =	sdelay $0x1  }
0x268: {  	[sflag:s0] =	ssyncset.done @!p0 $0x0  }
0x269: {  	[sflag:s0] =	ssyncadd.s32 @!p0 $0xFFFFFC00;
	p0 =	seq.s32 s18, $0x1  }
0x26a: {  	s0 =	simm.s32 @!p0 $0x2  }
0x26b: {  	_ =	swait.ge @!p0 [sflag:s0], $0x400  }
0x26c: {  	s19 =	sld [smem:$0x7F9];
	_ =	sdelay $0x1  }
0x26d: {  	[sflag:s0] =	ssyncset.done @!p0 $0x0  }
0x26e: {  	[sflag:s0] =	ssyncadd.s32 @!p0 $0xFFFFFC00;
	p0 =	seq.s32 s19, $0x1  }
0x26f: {  	s0 =	simm.s32 @!p0 $0x2  }
0x270: {  	_ =	swait.ge @!p0 [sflag:s0], $0x400  }
0x271: {  	s1 =	sld [smem:$0x7FA];
	_ =	sdelay $0x1  }
0x272: {  	[sflag:s0] =	ssyncset.done @!p0 $0x0  }
0x273: {  	[sflag:s0] =	ssyncadd.s32 @!p0 $0xFFFFFC00;
	p0 =	seq.s32 s1, $0x1  }
0x274: {  	s0 =	simm.s32 @!p0 $0x2  }
0x275: {  	_ =	swait.ge @!p0 [sflag:s0], $0x400  }
0x276: {  	s17 =	sld [smem:$0x7FB];
	_ =	sdelay $0x1  }
0x277: {  	[sflag:s0] =	ssyncset.done @!p0 $0x0  }
0x278: {  	[sflag:s0] =	ssyncadd.s32 @!p0 $0xFFFFFC00;
	p0 =	seq.s32 s17, $0x1  }
0x279: {  	s0 =	simm.s32 @!p0 $0x2  }
0x27a: {  	_ =	swait.ge @!p0 [sflag:s0], $0x400  }
0x27b: {  	s18 =	sld [smem:$0x7FC];
	_ =	sdelay $0x1  }
0x27c: {  	[sflag:s0] =	ssyncset.done @!p0 $0x0  }
0x27d: {  	[sflag:s0] =	ssyncadd.s32 @!p0 $0xFFFFFC00;
	p0 =	seq.s32 s18, $0x1  }
0x27e: {  	s0 =	simm.s32 @!p0 $0x2  }
0x27f: {  	_ =	swait.ge @!p0 [sflag:s0], $0x400  }
0x280: {  	s19 =	sld [smem:$0x7FD];
	_ =	sdelay $0x1  }
0x281: {  	[sflag:s0] =	ssyncset.done @!p0 $0x0  }
0x282: {  	[sflag:s0] =	ssyncadd.s32 @!p0 $0xFFFFFC00;
	p0 =	seq.s32 s19, $0x1  }
0x283: {  	s0 =	simm.s32 @!p0 $0x2  }
0x284: {  	_ =	swait.ge @!p0 [sflag:s0], $0x400  }
0x285: {  	[sflag:s0] =	ssyncset.done @!p0 $0x0  }
0x286: {  	[sflag:s0] =	ssyncadd.s32 @!p0 $0xFFFFFC00;
	s0 =	simm.s32 @!p6 $0x2  }
0x287: {  	_ =	swait.ge @!p6 [sflag:s0], $0x400  }
0x288: {  	[sflag:s0] =	ssyncset.done @!p6 $0x0  }
0x289: {  	[sflag:s0] =	ssyncadd.s32 @!p6 $0xFFFFFC00;
	s0 =	simm.s32 @!p5 $0x2  }
0x28a: {  	_ =	swait.ge @!p5 [sflag:s0], $0x400  }
0x28b: {  	[sflag:s0] =	ssyncset.done @!p5 $0x0  }
0x28c: {  	[sflag:s0] =	ssyncadd.s32 @!p5 $0xFFFFFC00;
	s0 =	simm.s32 @!p4 $0x2  }
0x28d: {  	_ =	swait.ge @!p4 [sflag:s0], $0x400  }
0x28e: {  	v10 =	vmulhi.u32 $0x51EB851F, v9;
	[sflag:s0] =	ssyncset.done @!p4 $0x0  }
0x28f: {  	[sflag:s0] =	ssyncadd.s32 @!p4 $0xFFFFFC00;
	s0 =	simm.s32 @!p3 $0x2  }
0x290: {  	v10 =	vshrl.u32 v10, $0x10;
	_ =	swait.ge @!p3 [sflag:s0], $0x400  }
0x291: {  	v10 =	vand.u32 $0x7, v10;
	[sflag:s0] =	ssyncset.done @!p3 $0x0  }
0x292: {  	v10 =	vshll.u32 v10, $0x7;
	[sflag:s0] =	ssyncadd.s32 @!p3 $0xFFFFFC00;
	s0 =	simm.s32 @!p2 $0x2  }
0x293: {  	v11 =	vand.u32 $0x7F, v9;
	v10 =	vor.u32 v7, v10;
	_ =	swait.ge @!p2 [sflag:s0], $0x400  }
0x294: {  	v10 =	vor.u32 v11, v10;
	[sflag:s0] =	ssyncset.done @!p2 $0x0  }
0x295: {  	[sflag:s0] =	ssyncadd.s32 @!p2 $0xFFFFFC00;
	s0 =	simm.s32 @!p1 $0x2  }
0x296: {  	_ =	swait.ge @!p1 [sflag:s0], $0x400  }
0x297: {  	v11 =	vor.u32 s2, v4;
	[sflag:s0] =	ssyncset.done @!p1 $0x0  }
0x298: {  	vm0 =	vlt.s32 v11, v8;
	[sflag:s0] =	ssyncadd.s32 @!p1 $0xFFFFFC00  }
0x299: {  	v9 =	vshrl.u32 v9, $0xC;
	v10 =	vld.idx.msk [tilespmem:v10+s23+$0x0], $0xffff  }
.Ltmp14:
0x29a: {  	_ = 	snop;
	(pc) =	sbr.rel .LBB2_22-.Ltmp14, $2  }
0x29b: {  	_ =	sdelay $0x2  }
0x29c: {  	[tilespmem:v9+s25+$0x0] =	vst.idx.msk vm0, v10  }
.LBB2_24:
0x29d: {  	_ =	sfence.sel $0x180000  }
0x29e: {  	[bflag:$0x0] =	sbarrier.arrive $0xFFFF  }
0x29f: {  	_ =	strace $0x90000047  }
0x2a0: {  	s0 =	stileid.u32;
	[bflag:$0x2] =	sbarrier.arrive $0xFFFF  }
0x2a1: {  	p0 =	sne.s32 s0, $0x0;
	s0 =	rddreg [dreg:$0x3]  }
0x2a2: {  	s0 =	sadd.s32 @!p0 $0x100000, s0  }
0x2a3: {  	[sflag:s0] =	ssyncadd.tile.s32 @!p0 $0x1;
	_ =	shalt  }
.Lfunc_end2:
_tile_overlayer_lowered:
.L_overlay_start_2:
0x2a4: {  	(tag) =	ssettag $0x2  }
0x2a5: {  	s0 =	rddreg [dreg:$0x0];
	s2 =	stileid.u32  }
0x2a6: {  	s1 =	rddreg [dreg:$0x1];
	p0 =	sne.s32 s2, $0x0  }
0x2a7: {  	s3 =	rddreg [dreg:$0x2];
	[bflag:$0x3] =	sbarrier.arrive $0xFFFF;
	s2 =	simm.s32 @!p0 $0x1C03  }
0x2a8: {  	[timem:s3], [sflag:s2] =	dma.local @!p0 [hbm:s0], s1  }
0x2a9: {  	s0 =	simm.s32 @!p0 $0x3  }
0x2aa: {  	_ =	swait.ge @!p0 [sflag:s0], s1  }
0x2ab: {  	s1 =	ssub.s32 @!p0 $0x0, s1;
	[sflag:s0] =	ssyncset.done @!p0 $0x0  }
0x2ac: {  	[sflag:s0] =	ssyncadd.s32 @!p0 s1  }
0x2ad: {  	[bflag:$0x3] =	sbarrier.arrive $0xFFFF  }
0x2ae: {  	_ =	shalt  }

</sc_bundles>
